<compile_context>
chip_gen: v7x
topology: tpu7x:2x2x1
jax: 0.10.2.dev20260603
libtpu: 0.0.44.dev20260713+nightly
codegen_flags: <defaults>
</compile_context>

<pallas_src>
import functools

import jax
import jax.numpy as jnp
from jax import lax
from jax.experimental import pallas as pl
from jax.experimental.pallas import tpu as pltpu
from jax.experimental.pallas import tpu_sc as plsc

_B = 1024
_IN = 512
_H = 128
_K = 2000
_KP = 2048
_TOPK = 5

_B_SC = 256
_B_TC = _B - _B_SC

_KG = 8
_BG = 4
_KS = _KP // _KG
_BC = 32
_UKT = 4
_L = 16




def _fc1_body(x_ref, w1t_ref, b1_ref, h_ref):
    h_ref[...] = jnp.tanh(
        jnp.dot(x_ref[...], w1t_ref[...], preferred_element_type=jnp.float32)
        + b1_ref[...]
    )


_fc1 = pl.pallas_call(
    _fc1_body,
    out_shape=jax.ShapeDtypeStruct((_B, _H), jnp.float32),
)




def _fc2_body(y_ref, w2t_ref, b2_ref, o_ref):
    o_ref[...] = (
        jnp.dot(y_ref[...], w2t_ref[...], preferred_element_type=jnp.float32)
        + b2_ref[...]
    )


def _fc2(y, w2t, b2r):
    return pl.pallas_call(
        _fc2_body,
        out_shape=jax.ShapeDtypeStruct((y.shape[0], 3), jnp.float32),
    )(y, w2t, b2r)




def _kenyon_sc_body(h_hbm, wkt_hbm, y_hbm, h_v, wk_v, out_v):
    bs = _B_SC // _BG
    wid = lax.axis_index("s") * 2 + lax.axis_index("c")
    kg = wid % _KG
    bg = wid // _KG
    k0 = kg * _KS
    b0 = bg * bs

    pltpu.sync_copy(wkt_hbm.at[:, pl.ds(k0, _KS)], wk_v)
    pltpu.sync_copy(h_hbm.at[pl.ds(b0, bs), :], h_v)

    neg = jnp.full((_L,), -jnp.inf, dtype=jnp.float32)

    def chunk_loop(c, carry):
        def b_loop(bi, carry):
            b = c * _BC + bi

            def ktg_loop(ktg, carry):
                def jc_loop(jc, ms):
                    hv = h_v[b, pl.ds(jc * _L, _L)]
                    ms = list(ms)
                    for tj in range(_L):
                        hs = hv[tj]
                        for u in range(_UKT):
                            w = wk_v[
                                jc * _L + tj,
                                pl.ds((ktg * _UKT + u) * _L, _L),
                            ]
                            v = hs * w
                            for t in range(_TOPK):
                                idx = u * _TOPK + t
                                nt = jnp.maximum(ms[idx], v)
                                if t < _TOPK - 1:
                                    v = jnp.minimum(ms[idx], v)
                                ms[idx] = nt
                    return tuple(ms)

                ms = lax.fori_loop(
                    0, _H // _L, jc_loop, (neg,) * (_TOPK * _UKT)
                )
                for u in range(_UKT):
                    s = ms[u * _TOPK]
                    for t in range(1, _TOPK):
                        s = s + ms[u * _TOPK + t]
                    out_v[bi, pl.ds((ktg * _UKT + u) * _L, _L)] = s
                return carry

            return lax.fori_loop(0, _KS // _L // _UKT, ktg_loop, carry)

        lax.fori_loop(0, _BC, b_loop, carry)
        pltpu.sync_copy(
            out_v, y_hbm.at[pl.ds(b0 + c * _BC, _BC), pl.ds(k0, _KS)]
        )
        return carry

    lax.fori_loop(0, _B_SC // _BG // _BC, chunk_loop, 0)


@functools.cache
def _build_kenyon_sc():
    sc_mesh = plsc.VectorSubcoreMesh(
        core_axis_name="c", subcore_axis_name="s", num_cores=2, num_subcores=16
    )
    return pl.kernel(
        _kenyon_sc_body,
        out_type=jax.ShapeDtypeStruct((_B_SC, _KP), jnp.float32),
        mesh=sc_mesh,
        scratch_types=[
            pltpu.VMEM((_B_SC // _BG, _H), jnp.float32),
            pltpu.VMEM((_H, _KS), jnp.float32),
            pltpu.VMEM((_BC, _KS), jnp.float32),
        ],
    )




_TB = 16


def _kenyon_tc_body(hrep_ref, wkt_ref, o_ref):
    neg = jnp.full((_TB, 128), -jnp.inf, dtype=jnp.bfloat16)
    for kt in range(_KP // 128):

        def jc_body(jc, ms):
            hchunk = hrep_ref[pl.ds(pl.multiple_of(jc * _TB * 8, _TB * 8), _TB * 8), :]
            wchunk = wkt_ref[
                pl.ds(pl.multiple_of(jc * 8, 8), 8), pl.ds(kt * 128, 128)
            ]
            m0, m1, m2, m3, m4 = ms
            for t in range(8):
                hb = hchunk[t * _TB:(t + 1) * _TB, :]
                v = hb * wchunk[t:t + 1, :]
                n0 = jnp.maximum(m0, v)
                v = jnp.minimum(m0, v)
                n1 = jnp.maximum(m1, v)
                v = jnp.minimum(m1, v)
                n2 = jnp.maximum(m2, v)
                v = jnp.minimum(m2, v)
                n3 = jnp.maximum(m3, v)
                v = jnp.minimum(m3, v)
                n4 = jnp.maximum(m4, v)
                m0, m1, m2, m3, m4 = n0, n1, n2, n3, n4
            return (m0, m1, m2, m3, m4)

        ms = lax.fori_loop(0, _H // 8, jc_body, (neg,) * _TOPK)
        o_ref[:, pl.ds(kt * 128, 128)] = (
            ((ms[0] + ms[1]) + (ms[2] + ms[3])) + ms[4]
        ).astype(jnp.float32)


_kenyon_tc = pl.pallas_call(
    _kenyon_tc_body,
    grid=(_B_TC // _TB,),
    in_specs=[
        pl.BlockSpec((_H * _TB, _H), lambda i: (i, 0)),
        pl.BlockSpec((_H, _KP), lambda i: (0, 0)),
    ],
    out_specs=pl.BlockSpec((_TB, _KP), lambda i: (i, 0)),
    out_shape=jax.ShapeDtypeStruct((_B_TC, _KP), jnp.float32),
)


def _lane_broadcast_h(h_tc):
    g = _B_TC // _TB
    hre = h_tc.astype(jnp.bfloat16).reshape(g, _TB, _H).transpose(0, 2, 1)
    hrep = jnp.broadcast_to(hre[:, :, :, None], (g, _H, _TB, _H))
    return hrep.reshape(g * _H * _TB, _H)




def kernel(x, W1, b1, Wk, W2, b2):
    h = _fc1(x, W1.T, b1.reshape(1, _H))
    wkt = jnp.pad(Wk, ((0, _KP - _K), (0, 0))).T
    y_sc = _build_kenyon_sc()(h[:_B_SC], wkt)
    y_tc = _kenyon_tc(
        _lane_broadcast_h(h[_B_SC:]), wkt.astype(jnp.bfloat16)
    )
    w2t = jnp.pad(W2, ((0, 0), (0, _KP - _K))).T
    b2r = b2.reshape(1, 3)
    return jnp.concatenate([_fc2(y_sc, w2t, b2r), _fc2(y_tc, w2t, b2r)], axis=0)

# --- scband reference (transcript-rebuilt; emitter-appended) ---
"""Pipeline reference for scband-encoder-65481071410990 (READ-ONLY COPY).

The authoritative reference and input builder live on the scoring server;
editing this copy changes nothing except your own understanding.
"""

import jax, jax.numpy as jnp
import numpy as np

B = 1024
INPUT_DIM = 512
HIDDEN_DIM = 128
KENYON_DIM = 2000
TOPK = 5


def setup_inputs(seed: int = 0) -> dict:
    key = jax.random.key(seed)
    ks = jax.random.split(key, 6)
    x = jax.random.normal(ks[0], (B, INPUT_DIM), dtype=jnp.float32)
    W1 = jax.random.normal(ks[1], (HIDDEN_DIM, INPUT_DIM), dtype=jnp.float32) / np.sqrt(INPUT_DIM)
    b1 = jax.random.normal(ks[2], (HIDDEN_DIM,), dtype=jnp.float32) * 0.01
    Wk = jax.random.normal(ks[3], (KENYON_DIM, HIDDEN_DIM), dtype=jnp.float32) / np.sqrt(HIDDEN_DIM)
    W2 = jax.random.normal(ks[4], (3, KENYON_DIM), dtype=jnp.float32) / np.sqrt(KENYON_DIM)
    b2 = jax.random.normal(ks[5], (3,), dtype=jnp.float32) * 0.01
    return {"x": x, "W1": W1, "b1": b1, "Wk": Wk, "W2": W2, "b2": b2}


def reference(x, W1, b1, Wk, W2, b2):
    # fc1 + tanh
    h = jnp.tanh(x @ W1.T + b1)  # [B, HIDDEN_DIM]

    # kenyon_fc: per-sample elementwise product with weight [KENYON_DIM, HIDDEN_DIM],
    # top-5 along the hidden dim, then sum of the top-5 values -> [KENYON_DIM]
    def per_sample(k):
        y = k[None, :] * Wk              # [KENYON_DIM, HIDDEN_DIM]
        top5, _ = jax.lax.top_k(y, TOPK)  # [KENYON_DIM, TOPK]
        return jnp.sum(top5, axis=1)      # [KENYON_DIM]

    y_batch = jax.lax.map(per_sample, h)  # [B, KENYON_DIM]

    # fc2
    return y_batch @ W2.T + b2  # [B, 3]

if __name__ == "__main__":
    import jax
    _d = setup_inputs()
    print(jax.jit(kernel)(*tuple(_d.values())))

</pallas_src>

<mosaic_0001>
#map = affine_map<(d0, d1) -> (0, 0)>
module attributes {stable_mosaic.version = 14 : i64} {
  func.func @_kenyon_sc_body(%arg0: i32, %arg1: i32, %arg2: memref<256x128xf32, #tpu.memory_space<hbm>>, %arg3: memref<128x2048xf32, #tpu.memory_space<hbm>>, %arg4: memref<256x2048xf32, #tpu.memory_space<hbm>>, %arg5: memref<64x128xf32, #tpu.memory_space<vmem>>, %arg6: memref<128x256xf32, #tpu.memory_space<vmem>>, %arg7: memref<32x256xf32, #tpu.memory_space<vmem>>) attributes {dimension_semantics = [#tpu.dimension_semantics<core_parallel>, #tpu.dimension_semantics<subcore_parallel>], iteration_bounds = array<i64: 2, 16>, scalar_prefetch = 0 : i64, scratch_operands = 3 : i64, tpu.core_type = #tpu.core_type<sc_vector_subcore>, window_params = [{transform_indices = #map}, {transform_indices = #map}, {transform_indices = #map}]} {
    %mul3A = arith.constant 2 : i32
    %mul3A_0 = arith.muli %arg1, %mul3A : i32
    %add3A = arith.addi %mul3A_0, %arg0 : i32
    %jit3A = arith.constant 8 : i32
    %eq3A = arith.constant 0 : i32
    %eq3A_1 = arith.cmpi eq, %jit3A, %eq3A : i32
    %jit3A_2 = arith.constant 1 : i32
    %select_n3A = arith.select %eq3A_1, %jit3A_2, %jit3A : i32
    %rem3A = arith.remsi %add3A, %select_n3A : i32
    %ne3A = arith.constant 0 : i32
    %ne3A_3 = arith.cmpi ne, %rem3A, %ne3A : i32
    %lt3A = arith.constant 0 : i32
    %lt3A_4 = arith.cmpi slt, %rem3A, %lt3A : i32
    %lt3A_5 = arith.constant 0 : i32
    %lt3A_6 = arith.cmpi slt, %select_n3A, %lt3A_5 : i32
    %ne3A_7 = arith.xori %lt3A_4, %lt3A_6 : i1
    %and3A = arith.andi %ne3A_7, %ne3A_3 : i1
    %add3A_8 = arith.addi %rem3A, %select_n3A : i32
    %select_n3A_9 = arith.select %and3A, %add3A_8, %rem3A : i32
    %jit3A_10 = arith.constant 8 : i32
    %div3A = arith.divsi %add3A, %jit3A_10 : i32
    %sign3A = arith.constant 0 : i32
    %sign3A_11 = arith.cmpi sgt, %add3A, %sign3A : i32
    %sign3A_12 = arith.extui %sign3A_11 : i1 to i32
    %sign3A_13 = arith.constant 0 : i32
    %sign3A_14 = arith.cmpi slt, %add3A, %sign3A_13 : i32
    %sign3A_15 = arith.extui %sign3A_14 : i1 to i32
    %sign3A_16 = arith.subi %sign3A_12, %sign3A_15 : i32
    %sign3A_17 = arith.constant 0 : i32
    %sign3A_18 = arith.cmpi sgt, %jit3A_10, %sign3A_17 : i32
    %sign3A_19 = arith.extui %sign3A_18 : i1 to i32
    %sign3A_20 = arith.constant 0 : i32
    %sign3A_21 = arith.cmpi slt, %jit3A_10, %sign3A_20 : i32
    %sign3A_22 = arith.extui %sign3A_21 : i1 to i32
    %sign3A_23 = arith.subi %sign3A_19, %sign3A_22 : i32
    %ne3A_24 = arith.cmpi ne, %sign3A_16, %sign3A_23 : i32
    %rem3A_25 = arith.remsi %add3A, %jit3A_10 : i32
    %ne3A_26 = arith.constant 0 : i32
    %ne3A_27 = arith.cmpi ne, %rem3A_25, %ne3A_26 : i32
    %and3A_28 = arith.andi %ne3A_24, %ne3A_27 : i1
    %sub3A = arith.constant 1 : i32
    %sub3A_29 = arith.subi %div3A, %sub3A : i32
    %select_n3A_30 = arith.select %and3A_28, %sub3A_29, %div3A : i32
    %mul3A_31 = arith.constant 256 : i32
    %mul3A_32 = arith.muli %select_n3A_9, %mul3A_31 : i32
    %mul3A_33 = arith.constant 64 : i32
    %mul3A_34 = arith.muli %select_n3A_30, %mul3A_33 : i32
    "tpu.region"() ({
      %run_scoped3A = tpu.sem_alloc : memref<!tpu.dma_semaphore, #tpu.memory_space<semaphore_mem>>
      %dma_start3A = arith.constant 0 : i32
      %dma_start3A_41 = tpu.memref_slice %arg3[%dma_start3A, %mul3A_32] : memref<128x2048xf32, #tpu.memory_space<hbm>> -> memref<128x256xf32, #tpu.memory_space<hbm>>
      %dma_start3A_42 = arith.constant 0 : i32
      %dma_start3A_43 = tpu.memref_slice %arg3[%dma_start3A_42, %mul3A_32] : memref<128x2048xf32, #tpu.memory_space<hbm>> -> memref<128x256xf32, #tpu.memory_space<hbm>>
      tpu.enqueue_dma source(%dma_start3A_43 : memref<128x256xf32, #tpu.memory_space<hbm>>) target(%arg6 : memref<128x256xf32, #tpu.memory_space<vmem>>) target_semaphore(%run_scoped3A : memref<!tpu.dma_semaphore, #tpu.memory_space<semaphore_mem>>)
      %dma_wait3A = arith.constant 0 : i32
      %dma_wait3A_44 = tpu.memref_slice %arg3[%dma_wait3A, %mul3A_32] : memref<128x2048xf32, #tpu.memory_space<hbm>> -> memref<128x256xf32, #tpu.memory_space<hbm>>
      %dma_wait3A_45 = arith.constant 0 : i32
      %dma_wait3A_46 = tpu.memref_slice %arg3[%dma_wait3A_45, %mul3A_32] : memref<128x2048xf32, #tpu.memory_space<hbm>> -> memref<128x256xf32, #tpu.memory_space<hbm>>
      tpu.wait_dma2 semaphore(%run_scoped3A : memref<!tpu.dma_semaphore, #tpu.memory_space<semaphore_mem>>) src(%dma_wait3A_46 : memref<128x256xf32, #tpu.memory_space<hbm>>) dst(%arg6 : memref<128x256xf32, #tpu.memory_space<vmem>>)
      tpu.yield
    }) : () -> ()
    "tpu.region"() ({
      %run_scoped3A = tpu.sem_alloc : memref<!tpu.dma_semaphore, #tpu.memory_space<semaphore_mem>>
      %dma_start3A = arith.constant 0 : i32
      %dma_start3A_41 = tpu.memref_slice %arg2[%mul3A_34, %dma_start3A] : memref<256x128xf32, #tpu.memory_space<hbm>> -> memref<64x128xf32, #tpu.memory_space<hbm>>
      %dma_start3A_42 = arith.constant 0 : i32
      %dma_start3A_43 = tpu.memref_slice %arg2[%mul3A_34, %dma_start3A_42] : memref<256x128xf32, #tpu.memory_space<hbm>> -> memref<64x128xf32, #tpu.memory_space<hbm>>
      tpu.enqueue_dma source(%dma_start3A_43 : memref<64x128xf32, #tpu.memory_space<hbm>>) target(%arg5 : memref<64x128xf32, #tpu.memory_space<vmem>>) target_semaphore(%run_scoped3A : memref<!tpu.dma_semaphore, #tpu.memory_space<semaphore_mem>>)
      %dma_wait3A = arith.constant 0 : i32
      %dma_wait3A_44 = tpu.memref_slice %arg2[%mul3A_34, %dma_wait3A] : memref<256x128xf32, #tpu.memory_space<hbm>> -> memref<64x128xf32, #tpu.memory_space<hbm>>
      %dma_wait3A_45 = arith.constant 0 : i32
      %dma_wait3A_46 = tpu.memref_slice %arg2[%mul3A_34, %dma_wait3A_45] : memref<256x128xf32, #tpu.memory_space<hbm>> -> memref<64x128xf32, #tpu.memory_space<hbm>>
      tpu.wait_dma2 semaphore(%run_scoped3A : memref<!tpu.dma_semaphore, #tpu.memory_space<semaphore_mem>>) src(%dma_wait3A_46 : memref<64x128xf32, #tpu.memory_space<hbm>>) dst(%arg5 : memref<64x128xf32, #tpu.memory_space<vmem>>)
      tpu.yield
    }) : () -> ()
    %broadcast_in_dim3A = arith.constant 0xFF800000 : f32
    %broadcast_in_dim3A_35 = vector.broadcast %broadcast_in_dim3A : f32 to vector<16xf32>
    %scan3A = arith.constant 0 : i32
    %scan3A_36 = arith.constant 0 : i32
    %scan3A_37 = arith.constant 2 : i32
    %scan3A_38 = arith.addi %scan3A_36, %scan3A_37 : i32
    %scan3A_39 = arith.constant 1 : i32
    scf.for %scan3A_41 = %scan3A_36 to %scan3A_38 step %scan3A_39  : i32 {
      %scan3A_42 = arith.constant 0 : i32
      %scan3A_43 = arith.constant 32 : i32
      %scan3A_44 = arith.addi %scan3A_42, %scan3A_43 : i32
      %scan3A_45 = arith.constant 1 : i32
      scf.for %scan3A_50 = %scan3A_42 to %scan3A_44 step %scan3A_45  : i32 {
        %mul3A_51 = arith.constant 32 : i32
        %mul3A_52 = arith.muli %scan3A_41, %mul3A_51 : i32
        %add3A_53 = arith.addi %mul3A_52, %scan3A_50 : i32
        %scan3A_54 = arith.constant 0 : i32
        %scan3A_55 = arith.constant 4 : i32
        %scan3A_56 = arith.addi %scan3A_54, %scan3A_55 : i32
        %scan3A_57 = arith.constant 1 : i32
        scf.for %scan3A_59 = %scan3A_54 to %scan3A_56 step %scan3A_57  : i32 {
          %scan3A_60 = arith.constant 0 : i32
          %scan3A_61 = arith.constant 8 : i32
          %scan3A_62 = arith.addi %scan3A_60, %scan3A_61 : i32
          %scan3A_63 = arith.constant 1 : i32
          %scan3A_64:20 = scf.for %scan3A_125 = %scan3A_60 to %scan3A_62 step %scan3A_63 iter_args(%scan3A_126 = %broadcast_in_dim3A_35, %scan3A_127 = %broadcast_in_dim3A_35, %scan3A_128 = %broadcast_in_dim3A_35, %scan3A_129 = %broadcast_in_dim3A_35, %scan3A_130 = %broadcast_in_dim3A_35, %scan3A_131 = %broadcast_in_dim3A_35, %scan3A_132 = %broadcast_in_dim3A_35, %scan3A_133 = %broadcast_in_dim3A_35, %scan3A_134 = %broadcast_in_dim3A_35, %scan3A_135 = %broadcast_in_dim3A_35, %scan3A_136 = %broadcast_in_dim3A_35, %scan3A_137 = %broadcast_in_dim3A_35, %scan3A_138 = %broadcast_in_dim3A_35, %scan3A_139 = %broadcast_in_dim3A_35, %scan3A_140 = %broadcast_in_dim3A_35, %scan3A_141 = %broadcast_in_dim3A_35, %scan3A_142 = %broadcast_in_dim3A_35, %scan3A_143 = %broadcast_in_dim3A_35, %scan3A_144 = %broadcast_in_dim3A_35, %scan3A_145 = %broadcast_in_dim3A_35) -> (vector<16xf32>, vector<16xf32>, vector<16xf32>, vector<16xf32>, vector<16xf32>, vector<16xf32>, vector<16xf32>, vector<16xf32>, vector<16xf32>, vector<16xf32>, vector<16xf32>, vector<16xf32>, vector<16xf32>, vector<16xf32>, vector<16xf32>, vector<16xf32>, vector<16xf32>, vector<16xf32>, vector<16xf32>, vector<16xf32>)  : i32 {
            %mul3A_146 = arith.constant 16 : i32
            %mul3A_147 = arith.muli %scan3A_125, %mul3A_146 : i32
            %get3A = arith.index_cast %add3A_53 : i32 to index
            %get3A_148 = arith.index_cast %mul3A_147 : i32 to index
            %get3A_149 = tpu.vector_load %arg5[%get3A, %get3A_148] {strides = array<i32>} : memref<64x128xf32, #tpu.memory_space<vmem>>, vector<1x16xf32>,
            %get3A_150 = vector.shape_cast %get3A_149 : vector<1x16xf32> to vector<16xf32>
            %slice3A = vector.extract_strided_slice %get3A_150 {offsets = [0], sizes = [1], strides = [1]} : vector<16xf32> to vector<1xf32>
            %squeeze3A = vector.extract %slice3A[0] : f32 from vector<1xf32>
            %mul3A_151 = arith.constant 16 : i32
            %mul3A_152 = arith.muli %scan3A_125, %mul3A_151 : i32
            %add3A_153 = arith.constant 0 : i32
            %add3A_154 = arith.addi %mul3A_152, %add3A_153 : i32
            %mul3A_155 = arith.constant 4 : i32
            %mul3A_156 = arith.muli %scan3A_59, %mul3A_155 : i32
            %add3A_157 = arith.constant 0 : i32
            %add3A_158 = arith.addi %mul3A_156, %add3A_157 : i32
            %mul3A_159 = arith.constant 16 : i32
            %mul3A_160 = arith.muli %add3A_158, %mul3A_159 : i32
            %get3A_161 = arith.index_cast %add3A_154 : i32 to index
            %get3A_162 = arith.index_cast %mul3A_160 : i32 to index
            %get3A_163 = tpu.vector_load %arg6[%get3A_161, %get3A_162] {strides = array<i32>} : memref<128x256xf32, #tpu.memory_space<vmem>>, vector<1x16xf32>,
            %get3A_164 = vector.shape_cast %get3A_163 : vector<1x16xf32> to vector<16xf32>
            %mul3A_165 = vector.broadcast %squeeze3A : f32 to vector<16xf32>
            %mul3A_166 = arith.mulf %mul3A_165, %get3A_164 : vector<16xf32>
            %max3A = arith.maximumf %scan3A_126, %mul3A_166 : vector<16xf32>
            %min3A = arith.minimumf %scan3A_126, %mul3A_166 : vector<16xf32>
            %max3A_167 = arith.maximumf %scan3A_127, %min3A : vector<16xf32>
            %min3A_168 = arith.minimumf %scan3A_127, %min3A : vector<16xf32>
            %max3A_169 = arith.maximumf %scan3A_128, %min3A_168 : vector<16xf32>
            %min3A_170 = arith.minimumf %scan3A_128, %min3A_168 : vector<16xf32>
            %max3A_171 = arith.maximumf %scan3A_129, %min3A_170 : vector<16xf32>
            %min3A_172 = arith.minimumf %scan3A_129, %min3A_170 : vector<16xf32>
            %max3A_173 = arith.maximumf %scan3A_130, %min3A_172 : vector<16xf32>
            %mul3A_174 = arith.constant 16 : i32
            %mul3A_175 = arith.muli %scan3A_125, %mul3A_174 : i32
            %add3A_176 = arith.constant 0 : i32
            %add3A_177 = arith.addi %mul3A_175, %add3A_176 : i32
            %mul3A_178 = arith.constant 4 : i32
            %mul3A_179 = arith.muli %scan3A_59, %mul3A_178 : i32
            %add3A_180 = arith.constant 1 : i32
            %add3A_181 = arith.addi %mul3A_179, %add3A_180 : i32
            %mul3A_182 = arith.constant 16 : i32
            %mul3A_183 = arith.muli %add3A_181, %mul3A_182 : i32
            %get3A_184 = arith.index_cast %add3A_177 : i32 to index
            %get3A_185 = arith.index_cast %mul3A_183 : i32 to index
            %get3A_186 = tpu.vector_load %arg6[%get3A_184, %get3A_185] {strides = array<i32>} : memref<128x256xf32, #tpu.memory_space<vmem>>, vector<1x16xf32>,
            %get3A_187 = vector.shape_cast %get3A_186 : vector<1x16xf32> to vector<16xf32>
            %mul3A_188 = vector.broadcast %squeeze3A : f32 to vector<16xf32>
            %mul3A_189 = arith.mulf %mul3A_188, %get3A_187 : vector<16xf32>
            %max3A_190 = arith.maximumf %scan3A_131, %mul3A_189 : vector<16xf32>
            %min3A_191 = arith.minimumf %scan3A_131, %mul3A_189 : vector<16xf32>
            %max3A_192 = arith.maximumf %scan3A_132, %min3A_191 : vector<16xf32>
            %min3A_193 = arith.minimumf %scan3A_132, %min3A_191 : vector<16xf32>
            %max3A_194 = arith.maximumf %scan3A_133, %min3A_193 : vector<16xf32>
            %min3A_195 = arith.minimumf %scan3A_133, %min3A_193 : vector<16xf32>
            %max3A_196 = arith.maximumf %scan3A_134, %min3A_195 : vector<16xf32>
            %min3A_197 = arith.minimumf %scan3A_134, %min3A_195 : vector<16xf32>
            %max3A_198 = arith.maximumf %scan3A_135, %min3A_197 : vector<16xf32>
            %mul3A_199 = arith.constant 16 : i32
            %mul3A_200 = arith.muli %scan3A_125, %mul3A_199 : i32
            %add3A_201 = arith.constant 0 : i32
            %add3A_202 = arith.addi %mul3A_200, %add3A_201 : i32
            %mul3A_203 = arith.constant 4 : i32
            %mul3A_204 = arith.muli %scan3A_59, %mul3A_203 : i32
            %add3A_205 = arith.constant 2 : i32
            %add3A_206 = arith.addi %mul3A_204, %add3A_205 : i32
            %mul3A_207 = arith.constant 16 : i32
            %mul3A_208 = arith.muli %add3A_206, %mul3A_207 : i32
            %get3A_209 = arith.index_cast %add3A_202 : i32 to index
            %get3A_210 = arith.index_cast %mul3A_208 : i32 to index
            %get3A_211 = tpu.vector_load %arg6[%get3A_209, %get3A_210] {strides = array<i32>} : memref<128x256xf32, #tpu.memory_space<vmem>>, vector<1x16xf32>,
            %get3A_212 = vector.shape_cast %get3A_211 : vector<1x16xf32> to vector<16xf32>
            %mul3A_213 = vector.broadcast %squeeze3A : f32 to vector<16xf32>
            %mul3A_214 = arith.mulf %mul3A_213, %get3A_212 : vector<16xf32>
            %max3A_215 = arith.maximumf %scan3A_136, %mul3A_214 : vector<16xf32>
            %min3A_216 = arith.minimumf %scan3A_136, %mul3A_214 : vector<16xf32>
            %max3A_217 = arith.maximumf %scan3A_137, %min3A_216 : vector<16xf32>
            %min3A_218 = arith.minimumf %scan3A_137, %min3A_216 : vector<16xf32>
            %max3A_219 = arith.maximumf %scan3A_138, %min3A_218 : vector<16xf32>
            %min3A_220 = arith.minimumf %scan3A_138, %min3A_218 : vector<16xf32>
            %max3A_221 = arith.maximumf %scan3A_139, %min3A_220 : vector<16xf32>
            %min3A_222 = arith.minimumf %scan3A_139, %min3A_220 : vector<16xf32>
            %max3A_223 = arith.maximumf %scan3A_140, %min3A_222 : vector<16xf32>
            %mul3A_224 = arith.constant 16 : i32
            %mul3A_225 = arith.muli %scan3A_125, %mul3A_224 : i32
            %add3A_226 = arith.constant 0 : i32
            %add3A_227 = arith.addi %mul3A_225, %add3A_226 : i32
            %mul3A_228 = arith.constant 4 : i32
            %mul3A_229 = arith.muli %scan3A_59, %mul3A_228 : i32
            %add3A_230 = arith.constant 3 : i32
            %add3A_231 = arith.addi %mul3A_229, %add3A_230 : i32
            %mul3A_232 = arith.constant 16 : i32
            %mul3A_233 = arith.muli %add3A_231, %mul3A_232 : i32
            %get3A_234 = arith.index_cast %add3A_227 : i32 to index
            %get3A_235 = arith.index_cast %mul3A_233 : i32 to index
            %get3A_236 = tpu.vector_load %arg6[%get3A_234, %get3A_235] {strides = array<i32>} : memref<128x256xf32, #tpu.memory_space<vmem>>, vector<1x16xf32>,
            %get3A_237 = vector.shape_cast %get3A_236 : vector<1x16xf32> to vector<16xf32>
            %mul3A_238 = vector.broadcast %squeeze3A : f32 to vector<16xf32>
            %mul3A_239 = arith.mulf %mul3A_238, %get3A_237 : vector<16xf32>
            %max3A_240 = arith.maximumf %scan3A_141, %mul3A_239 : vector<16xf32>
            %min3A_241 = arith.minimumf %scan3A_141, %mul3A_239 : vector<16xf32>
            %max3A_242 = arith.maximumf %scan3A_142, %min3A_241 : vector<16xf32>
            %min3A_243 = arith.minimumf %scan3A_142, %min3A_241 : vector<16xf32>
            %max3A_244 = arith.maximumf %scan3A_143, %min3A_243 : vector<16xf32>
            %min3A_245 = arith.minimumf %scan3A_143, %min3A_243 : vector<16xf32>
            %max3A_246 = arith.maximumf %scan3A_144, %min3A_245 : vector<16xf32>
            %min3A_247 = arith.minimumf %scan3A_144, %min3A_245 : vector<16xf32>
            %max3A_248 = arith.maximumf %scan3A_145, %min3A_247 : vector<16xf32>
            %slice3A_249 = vector.extract_strided_slice %get3A_150 {offsets = [1], sizes = [1], strides = [1]} : vector<16xf32> to vector<1xf32>
            %squeeze3A_250 = vector.extract %slice3A_249[0] : f32 from vector<1xf32>
            %mul3A_251 = arith.constant 16 : i32
            %mul3A_252 = arith.muli %scan3A_125, %mul3A_251 : i32
            %add3A_253 = arith.constant 1 : i32
            %add3A_254 = arith.addi %mul3A_252, %add3A_253 : i32
            %mul3A_255 = arith.constant 4 : i32
            %mul3A_256 = arith.muli %scan3A_59, %mul3A_255 : i32
            %add3A_257 = arith.constant 0 : i32
            %add3A_258 = arith.addi %mul3A_256, %add3A_257 : i32
            %mul3A_259 = arith.constant 16 : i32
            %mul3A_260 = arith.muli %add3A_258, %mul3A_259 : i32
            %get3A_261 = arith.index_cast %add3A_254 : i32 to index
            %get3A_262 = arith.index_cast %mul3A_260 : i32 to index
            %get3A_263 = tpu.vector_load %arg6[%get3A_261, %get3A_262] {strides = array<i32>} : memref<128x256xf32, #tpu.memory_space<vmem>>, vector<1x16xf32>,
            %get3A_264 = vector.shape_cast %get3A_263 : vector<1x16xf32> to vector<16xf32>
            %mul3A_265 = vector.broadcast %squeeze3A_250 : f32 to vector<16xf32>
            %mul3A_266 = arith.mulf %mul3A_265, %get3A_264 : vector<16xf32>
            %max3A_267 = arith.maximumf %max3A, %mul3A_266 : vector<16xf32>
            %min3A_268 = arith.minimumf %max3A, %mul3A_266 : vector<16xf32>
            %max3A_269 = arith.maximumf %max3A_167, %min3A_268 : vector<16xf32>
            %min3A_270 = arith.minimumf %max3A_167, %min3A_268 : vector<16xf32>
            %max3A_271 = arith.maximumf %max3A_169, %min3A_270 : vector<16xf32>
            %min3A_272 = arith.minimumf %max3A_169, %min3A_270 : vector<16xf32>
            %max3A_273 = arith.maximumf %max3A_171, %min3A_272 : vector<16xf32>
            %min3A_274 = arith.minimumf %max3A_171, %min3A_272 : vector<16xf32>
            %max3A_275 = arith.maximumf %max3A_173, %min3A_274 : vector<16xf32>
            %mul3A_276 = arith.constant 16 : i32
            %mul3A_277 = arith.muli %scan3A_125, %mul3A_276 : i32
            %add3A_278 = arith.constant 1 : i32
            %add3A_279 = arith.addi %mul3A_277, %add3A_278 : i32
            %mul3A_280 = arith.constant 4 : i32
            %mul3A_281 = arith.muli %scan3A_59, %mul3A_280 : i32
            %add3A_282 = arith.constant 1 : i32
            %add3A_283 = arith.addi %mul3A_281, %add3A_282 : i32
            %mul3A_284 = arith.constant 16 : i32
            %mul3A_285 = arith.muli %add3A_283, %mul3A_284 : i32
            %get3A_286 = arith.index_cast %add3A_279 : i32 to index
            %get3A_287 = arith.index_cast %mul3A_285 : i32 to index
            %get3A_288 = tpu.vector_load %arg6[%get3A_286, %get3A_287] {strides = array<i32>} : memref<128x256xf32, #tpu.memory_space<vmem>>, vector<1x16xf32>,
            %get3A_289 = vector.shape_cast %get3A_288 : vector<1x16xf32> to vector<16xf32>
            %mul3A_290 = vector.broadcast %squeeze3A_250 : f32 to vector<16xf32>
            %mul3A_291 = arith.mulf %mul3A_290, %get3A_289 : vector<16xf32>
            %max3A_292 = arith.maximumf %max3A_190, %mul3A_291 : vector<16xf32>
            %min3A_293 = arith.minimumf %max3A_190, %mul3A_291 : vector<16xf32>
            %max3A_294 = arith.maximumf %max3A_192, %min3A_293 : vector<16xf32>
            %min3A_295 = arith.minimumf %max3A_192, %min3A_293 : vector<16xf32>
            %max3A_296 = arith.maximumf %max3A_194, %min3A_295 : vector<16xf32>
            %min3A_297 = arith.minimumf %max3A_194, %min3A_295 : vector<16xf32>
            %max3A_298 = arith.maximumf %max3A_196, %min3A_297 : vector<16xf32>
            %min3A_299 = arith.minimumf %max3A_196, %min3A_297 : vector<16xf32>
            %max3A_300 = arith.maximumf %max3A_198, %min3A_299 : vector<16xf32>
            %mul3A_301 = arith.constant 16 : i32
            %mul3A_302 = arith.muli %scan3A_125, %mul3A_301 : i32
            %add3A_303 = arith.constant 1 : i32
            %add3A_304 = arith.addi %mul3A_302, %add3A_303 : i32
            %mul3A_305 = arith.constant 4 : i32
            %mul3A_306 = arith.muli %scan3A_59, %mul3A_305 : i32
            %add3A_307 = arith.constant 2 : i32
            %add3A_308 = arith.addi %mul3A_306, %add3A_307 : i32
            %mul3A_309 = arith.constant 16 : i32
            %mul3A_310 = arith.muli %add3A_308, %mul3A_309 : i32
            %get3A_311 = arith.index_cast %add3A_304 : i32 to index
            %get3A_312 = arith.index_cast %mul3A_310 : i32 to index
            %get3A_313 = tpu.vector_load %arg6[%get3A_311, %get3A_312] {strides = array<i32>} : memref<128x256xf32, #tpu.memory_space<vmem>>, vector<1x16xf32>,
            %get3A_314 = vector.shape_cast %get3A_313 : vector<1x16xf32> to vector<16xf32>
            %mul3A_315 = vector.broadcast %squeeze3A_250 : f32 to vector<16xf32>
            %mul3A_316 = arith.mulf %mul3A_315, %get3A_314 : vector<16xf32>
            %max3A_317 = arith.maximumf %max3A_215, %mul3A_316 : vector<16xf32>
            %min3A_318 = arith.minimumf %max3A_215, %mul3A_316 : vector<16xf32>
            %max3A_319 = arith.maximumf %max3A_217, %min3A_318 : vector<16xf32>
            %min3A_320 = arith.minimumf %max3A_217, %min3A_318 : vector<16xf32>
            %max3A_321 = arith.maximumf %max3A_219, %min3A_320 : vector<16xf32>
            %min3A_322 = arith.minimumf %max3A_219, %min3A_320 : vector<16xf32>
            %max3A_323 = arith.maximumf %max3A_221, %min3A_322 : vector<16xf32>
            %min3A_324 = arith.minimumf %max3A_221, %min3A_322 : vector<16xf32>
            %max3A_325 = arith.maximumf %max3A_223, %min3A_324 : vector<16xf32>
            %mul3A_326 = arith.constant 16 : i32
            %mul3A_327 = arith.muli %scan3A_125, %mul3A_326 : i32
            %add3A_328 = arith.constant 1 : i32
            %add3A_329 = arith.addi %mul3A_327, %add3A_328 : i32
            %mul3A_330 = arith.constant 4 : i32
            %mul3A_331 = arith.muli %scan3A_59, %mul3A_330 : i32
            %add3A_332 = arith.constant 3 : i32
            %add3A_333 = arith.addi %mul3A_331, %add3A_332 : i32
            %mul3A_334 = arith.constant 16 : i32
            %mul3A_335 = arith.muli %add3A_333, %mul3A_334 : i32
            %get3A_336 = arith.index_cast %add3A_329 : i32 to index
            %get3A_337 = arith.index_cast %mul3A_335 : i32 to index
            %get3A_338 = tpu.vector_load %arg6[%get3A_336, %get3A_337] {strides = array<i32>} : memref<128x256xf32, #tpu.memory_space<vmem>>, vector<1x16xf32>,
            %get3A_339 = vector.shape_cast %get3A_338 : vector<1x16xf32> to vector<16xf32>
            %mul3A_340 = vector.broadcast %squeeze3A_250 : f32 to vector<16xf32>
            %mul3A_341 = arith.mulf %mul3A_340, %get3A_339 : vector<16xf32>
            %max3A_342 = arith.maximumf %max3A_240, %mul3A_341 : vector<16xf32>
            %min3A_343 = arith.minimumf %max3A_240, %mul3A_341 : vector<16xf32>
            %max3A_344 = arith.maximumf %max3A_242, %min3A_343 : vector<16xf32>
            %min3A_345 = arith.minimumf %max3A_242, %min3A_343 : vector<16xf32>
            %max3A_346 = arith.maximumf %max3A_244, %min3A_345 : vector<16xf32>
            %min3A_347 = arith.minimumf %max3A_244, %min3A_345 : vector<16xf32>
            %max3A_348 = arith.maximumf %max3A_246, %min3A_347 : vector<16xf32>
            %min3A_349 = arith.minimumf %max3A_246, %min3A_347 : vector<16xf32>
            %max3A_350 = arith.maximumf %max3A_248, %min3A_349 : vector<16xf32>
            %slice3A_351 = vector.extract_strided_slice %get3A_150 {offsets = [2], sizes = [1], strides = [1]} : vector<16xf32> to vector<1xf32>
            %squeeze3A_352 = vector.extract %slice3A_351[0] : f32 from vector<1xf32>
            %mul3A_353 = arith.constant 16 : i32
            %mul3A_354 = arith.muli %scan3A_125, %mul3A_353 : i32
            %add3A_355 = arith.constant 2 : i32
            %add3A_356 = arith.addi %mul3A_354, %add3A_355 : i32
            %mul3A_357 = arith.constant 4 : i32
            %mul3A_358 = arith.muli %scan3A_59, %mul3A_357 : i32
            %add3A_359 = arith.constant 0 : i32
            %add3A_360 = arith.addi %mul3A_358, %add3A_359 : i32
            %mul3A_361 = arith.constant 16 : i32
            %mul3A_362 = arith.muli %add3A_360, %mul3A_361 : i32
            %get3A_363 = arith.index_cast %add3A_356 : i32 to index
            %get3A_364 = arith.index_cast %mul3A_362 : i32 to index
            %get3A_365 = tpu.vector_load %arg6[%get3A_363, %get3A_364] {strides = array<i32>} : memref<128x256xf32, #tpu.memory_space<vmem>>, vector<1x16xf32>,
            %get3A_366 = vector.shape_cast %get3A_365 : vector<1x16xf32> to vector<16xf32>
            %mul3A_367 = vector.broadcast %squeeze3A_352 : f32 to vector<16xf32>
            %mul3A_368 = arith.mulf %mul3A_367, %get3A_366 : vector<16xf32>
            %max3A_369 = arith.maximumf %max3A_267, %mul3A_368 : vector<16xf32>
            %min3A_370 = arith.minimumf %max3A_267, %mul3A_368 : vector<16xf32>
            %max3A_371 = arith.maximumf %max3A_269, %min3A_370 : vector<16xf32>
            %min3A_372 = arith.minimumf %max3A_269, %min3A_370 : vector<16xf32>
            %max3A_373 = arith.maximumf %max3A_271, %min3A_372 : vector<16xf32>
            %min3A_374 = arith.minimumf %max3A_271, %min3A_372 : vector<16xf32>
            %max3A_375 = arith.maximumf %max3A_273, %min3A_374 : vector<16xf32>
            %min3A_376 = arith.minimumf %max3A_273, %min3A_374 : vector<16xf32>
            %max3A_377 = arith.maximumf %max3A_275, %min3A_376 : vector<16xf32>
            %mul3A_378 = arith.constant 16 : i32
            %mul3A_379 = arith.muli %scan3A_125, %mul3A_378 : i32
            %add3A_380 = arith.constant 2 : i32
            %add3A_381 = arith.addi %mul3A_379, %add3A_380 : i32
            %mul3A_382 = arith.constant 4 : i32
            %mul3A_383 = arith.muli %scan3A_59, %mul3A_382 : i32
            %add3A_384 = arith.constant 1 : i32
            %add3A_385 = arith.addi %mul3A_383, %add3A_384 : i32
            %mul3A_386 = arith.constant 16 : i32
            %mul3A_387 = arith.muli %add3A_385, %mul3A_386 : i32
            %get3A_388 = arith.index_cast %add3A_381 : i32 to index
            %get3A_389 = arith.index_cast %mul3A_387 : i32 to index
            %get3A_390 = tpu.vector_load %arg6[%get3A_388, %get3A_389] {strides = array<i32>} : memref<128x256xf32, #tpu.memory_space<vmem>>, vector<1x16xf32>,
            %get3A_391 = vector.shape_cast %get3A_390 : vector<1x16xf32> to vector<16xf32>
            %mul3A_392 = vector.broadcast %squeeze3A_352 : f32 to vector<16xf32>
            %mul3A_393 = arith.mulf %mul3A_392, %get3A_391 : vector<16xf32>
            %max3A_394 = arith.maximumf %max3A_292, %mul3A_393 : vector<16xf32>
            %min3A_395 = arith.minimumf %max3A_292, %mul3A_393 : vector<16xf32>
            %max3A_396 = arith.maximumf %max3A_294, %min3A_395 : vector<16xf32>
            %min3A_397 = arith.minimumf %max3A_294, %min3A_395 : vector<16xf32>
            %max3A_398 = arith.maximumf %max3A_296, %min3A_397 : vector<16xf32>
            %min3A_399 = arith.minimumf %max3A_296, %min3A_397 : vector<16xf32>
            %max3A_400 = arith.maximumf %max3A_298, %min3A_399 : vector<16xf32>
            %min3A_401 = arith.minimumf %max3A_298, %min3A_399 : vector<16xf32>
            %max3A_402 = arith.maximumf %max3A_300, %min3A_401 : vector<16xf32>
            %mul3A_403 = arith.constant 16 : i32
            %mul3A_404 = arith.muli %scan3A_125, %mul3A_403 : i32
            %add3A_405 = arith.constant 2 : i32
            %add3A_406 = arith.addi %mul3A_404, %add3A_405 : i32
            %mul3A_407 = arith.constant 4 : i32
            %mul3A_408 = arith.muli %scan3A_59, %mul3A_407 : i32
            %add3A_409 = arith.constant 2 : i32
            %add3A_410 = arith.addi %mul3A_408, %add3A_409 : i32
            %mul3A_411 = arith.constant 16 : i32
            %mul3A_412 = arith.muli %add3A_410, %mul3A_411 : i32
            %get3A_413 = arith.index_cast %add3A_406 : i32 to index
            %get3A_414 = arith.index_cast %mul3A_412 : i32 to index
            %get3A_415 = tpu.vector_load %arg6[%get3A_413, %get3A_414] {strides = array<i32>} : memref<128x256xf32, #tpu.memory_space<vmem>>, vector<1x16xf32>,
            %get3A_416 = vector.shape_cast %get3A_415 : vector<1x16xf32> to vector<16xf32>
            %mul3A_417 = vector.broadcast %squeeze3A_352 : f32 to vector<16xf32>
            %mul3A_418 = arith.mulf %mul3A_417, %get3A_416 : vector<16xf32>
            %max3A_419 = arith.maximumf %max3A_317, %mul3A_418 : vector<16xf32>
            %min3A_420 = arith.minimumf %max3A_317, %mul3A_418 : vector<16xf32>
            %max3A_421 = arith.maximumf %max3A_319, %min3A_420 : vector<16xf32>
            %min3A_422 = arith.minimumf %max3A_319, %min3A_420 : vector<16xf32>
            %max3A_423 = arith.maximumf %max3A_321, %min3A_422 : vector<16xf32>
            %min3A_424 = arith.minimumf %max3A_321, %min3A_422 : vector<16xf32>
            %max3A_425 = arith.maximumf %max3A_323, %min3A_424 : vector<16xf32>
            %min3A_426 = arith.minimumf %max3A_323, %min3A_424 : vector<16xf32>
            %max3A_427 = arith.maximumf %max3A_325, %min3A_426 : vector<16xf32>
            %mul3A_428 = arith.constant 16 : i32
            %mul3A_429 = arith.muli %scan3A_125, %mul3A_428 : i32
            %add3A_430 = arith.constant 2 : i32
            %add3A_431 = arith.addi %mul3A_429, %add3A_430 : i32
            %mul3A_432 = arith.constant 4 : i32
            %mul3A_433 = arith.muli %scan3A_59, %mul3A_432 : i32
            %add3A_434 = arith.constant 3 : i32
            %add3A_435 = arith.addi %mul3A_433, %add3A_434 : i32
            %mul3A_436 = arith.constant 16 : i32
            %mul3A_437 = arith.muli %add3A_435, %mul3A_436 : i32
            %get3A_438 = arith.index_cast %add3A_431 : i32 to index
            %get3A_439 = arith.index_cast %mul3A_437 : i32 to index
            %get3A_440 = tpu.vector_load %arg6[%get3A_438, %get3A_439] {strides = array<i32>} : memref<128x256xf32, #tpu.memory_space<vmem>>, vector<1x16xf32>,
            %get3A_441 = vector.shape_cast %get3A_440 : vector<1x16xf32> to vector<16xf32>
            %mul3A_442 = vector.broadcast %squeeze3A_352 : f32 to vector<16xf32>
            %mul3A_443 = arith.mulf %mul3A_442, %get3A_441 : vector<16xf32>
            %max3A_444 = arith.maximumf %max3A_342, %mul3A_443 : vector<16xf32>
            %min3A_445 = arith.minimumf %max3A_342, %mul3A_443 : vector<16xf32>
            %max3A_446 = arith.maximumf %max3A_344, %min3A_445 : vector<16xf32>
            %min3A_447 = arith.minimumf %max3A_344, %min3A_445 : vector<16xf32>
            %max3A_448 = arith.maximumf %max3A_346, %min3A_447 : vector<16xf32>
            %min3A_449 = arith.minimumf %max3A_346, %min3A_447 : vector<16xf32>
            %max3A_450 = arith.maximumf %max3A_348, %min3A_449 : vector<16xf32>
            %min3A_451 = arith.minimumf %max3A_348, %min3A_449 : vector<16xf32>
            %max3A_452 = arith.maximumf %max3A_350, %min3A_451 : vector<16xf32>
            %slice3A_453 = vector.extract_strided_slice %get3A_150 {offsets = [3], sizes = [1], strides = [1]} : vector<16xf32> to vector<1xf32>
            %squeeze3A_454 = vector.extract %slice3A_453[0] : f32 from vector<1xf32>
            %mul3A_455 = arith.constant 16 : i32
            %mul3A_456 = arith.muli %scan3A_125, %mul3A_455 : i32
            %add3A_457 = arith.constant 3 : i32
            %add3A_458 = arith.addi %mul3A_456, %add3A_457 : i32
            %mul3A_459 = arith.constant 4 : i32
            %mul3A_460 = arith.muli %scan3A_59, %mul3A_459 : i32
            %add3A_461 = arith.constant 0 : i32
            %add3A_462 = arith.addi %mul3A_460, %add3A_461 : i32
            %mul3A_463 = arith.constant 16 : i32
            %mul3A_464 = arith.muli %add3A_462, %mul3A_463 : i32
            %get3A_465 = arith.index_cast %add3A_458 : i32 to index
            %get3A_466 = arith.index_cast %mul3A_464 : i32 to index
            %get3A_467 = tpu.vector_load %arg6[%get3A_465, %get3A_466] {strides = array<i32>} : memref<128x256xf32, #tpu.memory_space<vmem>>, vector<1x16xf32>,
            %get3A_468 = vector.shape_cast %get3A_467 : vector<1x16xf32> to vector<16xf32>
            %mul3A_469 = vector.broadcast %squeeze3A_454 : f32 to vector<16xf32>
            %mul3A_470 = arith.mulf %mul3A_469, %get3A_468 : vector<16xf32>
            %max3A_471 = arith.maximumf %max3A_369, %mul3A_470 : vector<16xf32>
            %min3A_472 = arith.minimumf %max3A_369, %mul3A_470 : vector<16xf32>
            %max3A_473 = arith.maximumf %max3A_371, %min3A_472 : vector<16xf32>
            %min3A_474 = arith.minimumf %max3A_371, %min3A_472 : vector<16xf32>
            %max3A_475 = arith.maximumf %max3A_373, %min3A_474 : vector<16xf32>
            %min3A_476 = arith.minimumf %max3A_373, %min3A_474 : vector<16xf32>
            %max3A_477 = arith.maximumf %max3A_375, %min3A_476 : vector<16xf32>
            %min3A_478 = arith.minimumf %max3A_375, %min3A_476 : vector<16xf32>
            %max3A_479 = arith.maximumf %max3A_377, %min3A_478 : vector<16xf32>
            %mul3A_480 = arith.constant 16 : i32
            %mul3A_481 = arith.muli %scan3A_125, %mul3A_480 : i32
            %add3A_482 = arith.constant 3 : i32
            %add3A_483 = arith.addi %mul3A_481, %add3A_482 : i32
            %mul3A_484 = arith.constant 4 : i32
            %mul3A_485 = arith.muli %scan3A_59, %mul3A_484 : i32
            %add3A_486 = arith.constant 1 : i32
            %add3A_487 = arith.addi %mul3A_485, %add3A_486 : i32
            %mul3A_488 = arith.constant 16 : i32
            %mul3A_489 = arith.muli %add3A_487, %mul3A_488 : i32
            %get3A_490 = arith.index_cast %add3A_483 : i32 to index
            %get3A_491 = arith.index_cast %mul3A_489 : i32 to index
            %get3A_492 = tpu.vector_load %arg6[%get3A_490, %get3A_491] {strides = array<i32>} : memref<128x256xf32, #tpu.memory_space<vmem>>, vector<1x16xf32>,
            %get3A_493 = vector.shape_cast %get3A_492 : vector<1x16xf32> to vector<16xf32>
            %mul3A_494 = vector.broadcast %squeeze3A_454 : f32 to vector<16xf32>
            %mul3A_495 = arith.mulf %mul3A_494, %get3A_493 : vector<16xf32>
            %max3A_496 = arith.maximumf %max3A_394, %mul3A_495 : vector<16xf32>
            %min3A_497 = arith.minimumf %max3A_394, %mul3A_495 : vector<16xf32>
            %max3A_498 = arith.maximumf %max3A_396, %min3A_497 : vector<16xf32>
            %min3A_499 = arith.minimumf %max3A_396, %min3A_497 : vector<16xf32>
            %max3A_500 = arith.maximumf %max3A_398, %min3A_499 : vector<16xf32>
            %min3A_501 = arith.minimumf %max3A_398, %min3A_499 : vector<16xf32>
            %max3A_502 = arith.maximumf %max3A_400, %min3A_501 : vector<16xf32>
            %min3A_503 = arith.minimumf %max3A_400, %min3A_501 : vector<16xf32>
            %max3A_504 = arith.maximumf %max3A_402, %min3A_503 : vector<16xf32>
            %mul3A_505 = arith.constant 16 : i32
            %mul3A_506 = arith.muli %scan3A_125, %mul3A_505 : i32
            %add3A_507 = arith.constant 3 : i32
            %add3A_508 = arith.addi %mul3A_506, %add3A_507 : i32
            %mul3A_509 = arith.constant 4 : i32
            %mul3A_510 = arith.muli %scan3A_59, %mul3A_509 : i32
            %add3A_511 = arith.constant 2 : i32
            %add3A_512 = arith.addi %mul3A_510, %add3A_511 : i32
            %mul3A_513 = arith.constant 16 : i32
            %mul3A_514 = arith.muli %add3A_512, %mul3A_513 : i32
            %get3A_515 = arith.index_cast %add3A_508 : i32 to index
            %get3A_516 = arith.index_cast %mul3A_514 : i32 to index
            %get3A_517 = tpu.vector_load %arg6[%get3A_515, %get3A_516] {strides = array<i32>} : memref<128x256xf32, #tpu.memory_space<vmem>>, vector<1x16xf32>,
            %get3A_518 = vector.shape_cast %get3A_517 : vector<1x16xf32> to vector<16xf32>
            %mul3A_519 = vector.broadcast %squeeze3A_454 : f32 to vector<16xf32>
            %mul3A_520 = arith.mulf %mul3A_519, %get3A_518 : vector<16xf32>
            %max3A_521 = arith.maximumf %max3A_419, %mul3A_520 : vector<16xf32>
            %min3A_522 = arith.minimumf %max3A_419, %mul3A_520 : vector<16xf32>
            %max3A_523 = arith.maximumf %max3A_421, %min3A_522 : vector<16xf32>
            %min3A_524 = arith.minimumf %max3A_421, %min3A_522 : vector<16xf32>
            %max3A_525 = arith.maximumf %max3A_423, %min3A_524 : vector<16xf32>
            %min3A_526 = arith.minimumf %max3A_423, %min3A_524 : vector<16xf32>
            %max3A_527 = arith.maximumf %max3A_425, %min3A_526 : vector<16xf32>
            %min3A_528 = arith.minimumf %max3A_425, %min3A_526 : vector<16xf32>
            %max3A_529 = arith.maximumf %max3A_427, %min3A_528 : vector<16xf32>
            %mul3A_530 = arith.constant 16 : i32
            %mul3A_531 = arith.muli %scan3A_125, %mul3A_530 : i32
            %add3A_532 = arith.constant 3 : i32
            %add3A_533 = arith.addi %mul3A_531, %add3A_532 : i32
            %mul3A_534 = arith.constant 4 : i32
            %mul3A_535 = arith.muli %scan3A_59, %mul3A_534 : i32
            %add3A_536 = arith.constant 3 : i32
            %add3A_537 = arith.addi %mul3A_535, %add3A_536 : i32
            %mul3A_538 = arith.constant 16 : i32
            %mul3A_539 = arith.muli %add3A_537, %mul3A_538 : i32
            %get3A_540 = arith.index_cast %add3A_533 : i32 to index
            %get3A_541 = arith.index_cast %mul3A_539 : i32 to index
            %get3A_542 = tpu.vector_load %arg6[%get3A_540, %get3A_541] {strides = array<i32>} : memref<128x256xf32, #tpu.memory_space<vmem>>, vector<1x16xf32>,
            %get3A_543 = vector.shape_cast %get3A_542 : vector<1x16xf32> to vector<16xf32>
            %mul3A_544 = vector.broadcast %squeeze3A_454 : f32 to vector<16xf32>
            %mul3A_545 = arith.mulf %mul3A_544, %get3A_543 : vector<16xf32>
            %max3A_546 = arith.maximumf %max3A_444, %mul3A_545 : vector<16xf32>
            %min3A_547 = arith.minimumf %max3A_444, %mul3A_545 : vector<16xf32>
            %max3A_548 = arith.maximumf %max3A_446, %min3A_547 : vector<16xf32>
            %min3A_549 = arith.minimumf %max3A_446, %min3A_547 : vector<16xf32>
            %max3A_550 = arith.maximumf %max3A_448, %min3A_549 : vector<16xf32>
            %min3A_551 = arith.minimumf %max3A_448, %min3A_549 : vector<16xf32>
            %max3A_552 = arith.maximumf %max3A_450, %min3A_551 : vector<16xf32>
            %min3A_553 = arith.minimumf %max3A_450, %min3A_551 : vector<16xf32>
            %max3A_554 = arith.maximumf %max3A_452, %min3A_553 : vector<16xf32>
            %slice3A_555 = vector.extract_strided_slice %get3A_150 {offsets = [4], sizes = [1], strides = [1]} : vector<16xf32> to vector<1xf32>
            %squeeze3A_556 = vector.extract %slice3A_555[0] : f32 from vector<1xf32>
            %mul3A_557 = arith.constant 16 : i32
            %mul3A_558 = arith.muli %scan3A_125, %mul3A_557 : i32
            %add3A_559 = arith.constant 4 : i32
            %add3A_560 = arith.addi %mul3A_558, %add3A_559 : i32
            %mul3A_561 = arith.constant 4 : i32
            %mul3A_562 = arith.muli %scan3A_59, %mul3A_561 : i32
            %add3A_563 = arith.constant 0 : i32
            %add3A_564 = arith.addi %mul3A_562, %add3A_563 : i32
            %mul3A_565 = arith.constant 16 : i32
            %mul3A_566 = arith.muli %add3A_564, %mul3A_565 : i32
            %get3A_567 = arith.index_cast %add3A_560 : i32 to index
            %get3A_568 = arith.index_cast %mul3A_566 : i32 to index
            %get3A_569 = tpu.vector_load %arg6[%get3A_567, %get3A_568] {strides = array<i32>} : memref<128x256xf32, #tpu.memory_space<vmem>>, vector<1x16xf32>,
            %get3A_570 = vector.shape_cast %get3A_569 : vector<1x16xf32> to vector<16xf32>
            %mul3A_571 = vector.broadcast %squeeze3A_556 : f32 to vector<16xf32>
            %mul3A_572 = arith.mulf %mul3A_571, %get3A_570 : vector<16xf32>
            %max3A_573 = arith.maximumf %max3A_471, %mul3A_572 : vector<16xf32>
            %min3A_574 = arith.minimumf %max3A_471, %mul3A_572 : vector<16xf32>
            %max3A_575 = arith.maximumf %max3A_473, %min3A_574 : vector<16xf32>
            %min3A_576 = arith.minimumf %max3A_473, %min3A_574 : vector<16xf32>
            %max3A_577 = arith.maximumf %max3A_475, %min3A_576 : vector<16xf32>
            %min3A_578 = arith.minimumf %max3A_475, %min3A_576 : vector<16xf32>
            %max3A_579 = arith.maximumf %max3A_477, %min3A_578 : vector<16xf32>
            %min3A_580 = arith.minimumf %max3A_477, %min3A_578 : vector<16xf32>
            %max3A_581 = arith.maximumf %max3A_479, %min3A_580 : vector<16xf32>
            %mul3A_582 = arith.constant 16 : i32
            %mul3A_583 = arith.muli %scan3A_125, %mul3A_582 : i32
            %add3A_584 = arith.constant 4 : i32
            %add3A_585 = arith.addi %mul3A_583, %add3A_584 : i32
            %mul3A_586 = arith.constant 4 : i32
            %mul3A_587 = arith.muli %scan3A_59, %mul3A_586 : i32
            %add3A_588 = arith.constant 1 : i32
            %add3A_589 = arith.addi %mul3A_587, %add3A_588 : i32
            %mul3A_590 = arith.constant 16 : i32
            %mul3A_591 = arith.muli %add3A_589, %mul3A_590 : i32
            %get3A_592 = arith.index_cast %add3A_585 : i32 to index
            %get3A_593 = arith.index_cast %mul3A_591 : i32 to index
            %get3A_594 = tpu.vector_load %arg6[%get3A_592, %get3A_593] {strides = array<i32>} : memref<128x256xf32, #tpu.memory_space<vmem>>, vector<1x16xf32>,
            %get3A_595 = vector.shape_cast %get3A_594 : vector<1x16xf32> to vector<16xf32>
            %mul3A_596 = vector.broadcast %squeeze3A_556 : f32 to vector<16xf32>
            %mul3A_597 = arith.mulf %mul3A_596, %get3A_595 : vector<16xf32>
            %max3A_598 = arith.maximumf %max3A_496, %mul3A_597 : vector<16xf32>
            %min3A_599 = arith.minimumf %max3A_496, %mul3A_597 : vector<16xf32>
            %max3A_600 = arith.maximumf %max3A_498, %min3A_599 : vector<16xf32>
            %min3A_601 = arith.minimumf %max3A_498, %min3A_599 : vector<16xf32>
            %max3A_602 = arith.maximumf %max3A_500, %min3A_601 : vector<16xf32>
            %min3A_603 = arith.minimumf %max3A_500, %min3A_601 : vector<16xf32>
            %max3A_604 = arith.maximumf %max3A_502, %min3A_603 : vector<16xf32>
            %min3A_605 = arith.minimumf %max3A_502, %min3A_603 : vector<16xf32>
            %max3A_606 = arith.maximumf %max3A_504, %min3A_605 : vector<16xf32>
            %mul3A_607 = arith.constant 16 : i32
            %mul3A_608 = arith.muli %scan3A_125, %mul3A_607 : i32
            %add3A_609 = arith.constant 4 : i32
            %add3A_610 = arith.addi %mul3A_608, %add3A_609 : i32
            %mul3A_611 = arith.constant 4 : i32
            %mul3A_612 = arith.muli %scan3A_59, %mul3A_611 : i32
            %add3A_613 = arith.constant 2 : i32
            %add3A_614 = arith.addi %mul3A_612, %add3A_613 : i32
            %mul3A_615 = arith.constant 16 : i32
            %mul3A_616 = arith.muli %add3A_614, %mul3A_615 : i32
            %get3A_617 = arith.index_cast %add3A_610 : i32 to index
            %get3A_618 = arith.index_cast %mul3A_616 : i32 to index
            %get3A_619 = tpu.vector_load %arg6[%get3A_617, %get3A_618] {strides = array<i32>} : memref<128x256xf32, #tpu.memory_space<vmem>>, vector<1x16xf32>,
            %get3A_620 = vector.shape_cast %get3A_619 : vector<1x16xf32> to vector<16xf32>
            %mul3A_621 = vector.broadcast %squeeze3A_556 : f32 to vector<16xf32>
            %mul3A_622 = arith.mulf %mul3A_621, %get3A_620 : vector<16xf32>
            %max3A_623 = arith.maximumf %max3A_521, %mul3A_622 : vector<16xf32>
            %min3A_624 = arith.minimumf %max3A_521, %mul3A_622 : vector<16xf32>
            %max3A_625 = arith.maximumf %max3A_523, %min3A_624 : vector<16xf32>
            %min3A_626 = arith.minimumf %max3A_523, %min3A_624 : vector<16xf32>
            %max3A_627 = arith.maximumf %max3A_525, %min3A_626 : vector<16xf32>
            %min3A_628 = arith.minimumf %max3A_525, %min3A_626 : vector<16xf32>
            %max3A_629 = arith.maximumf %max3A_527, %min3A_628 : vector<16xf32>
            %min3A_630 = arith.minimumf %max3A_527, %min3A_628 : vector<16xf32>
            %max3A_631 = arith.maximumf %max3A_529, %min3A_630 : vector<16xf32>
            %mul3A_632 = arith.constant 16 : i32
            %mul3A_633 = arith.muli %scan3A_125, %mul3A_632 : i32
            %add3A_634 = arith.constant 4 : i32
            %add3A_635 = arith.addi %mul3A_633, %add3A_634 : i32
            %mul3A_636 = arith.constant 4 : i32
            %mul3A_637 = arith.muli %scan3A_59, %mul3A_636 : i32
            %add3A_638 = arith.constant 3 : i32
            %add3A_639 = arith.addi %mul3A_637, %add3A_638 : i32
            %mul3A_640 = arith.constant 16 : i32
            %mul3A_641 = arith.muli %add3A_639, %mul3A_640 : i32
            %get3A_642 = arith.index_cast %add3A_635 : i32 to index
            %get3A_643 = arith.index_cast %mul3A_641 : i32 to index
            %get3A_644 = tpu.vector_load %arg6[%get3A_642, %get3A_643] {strides = array<i32>} : memref<128x256xf32, #tpu.memory_space<vmem>>, vector<1x16xf32>,
            %get3A_645 = vector.shape_cast %get3A_644 : vector<1x16xf32> to vector<16xf32>
            %mul3A_646 = vector.broadcast %squeeze3A_556 : f32 to vector<16xf32>
            %mul3A_647 = arith.mulf %mul3A_646, %get3A_645 : vector<16xf32>
            %max3A_648 = arith.maximumf %max3A_546, %mul3A_647 : vector<16xf32>
            %min3A_649 = arith.minimumf %max3A_546, %mul3A_647 : vector<16xf32>
            %max3A_650 = arith.maximumf %max3A_548, %min3A_649 : vector<16xf32>
            %min3A_651 = arith.minimumf %max3A_548, %min3A_649 : vector<16xf32>
            %max3A_652 = arith.maximumf %max3A_550, %min3A_651 : vector<16xf32>
            %min3A_653 = arith.minimumf %max3A_550, %min3A_651 : vector<16xf32>
            %max3A_654 = arith.maximumf %max3A_552, %min3A_653 : vector<16xf32>
            %min3A_655 = arith.minimumf %max3A_552, %min3A_653 : vector<16xf32>
            %max3A_656 = arith.maximumf %max3A_554, %min3A_655 : vector<16xf32>
            %slice3A_657 = vector.extract_strided_slice %get3A_150 {offsets = [5], sizes = [1], strides = [1]} : vector<16xf32> to vector<1xf32>
            %squeeze3A_658 = vector.extract %slice3A_657[0] : f32 from vector<1xf32>
            %mul3A_659 = arith.constant 16 : i32
            %mul3A_660 = arith.muli %scan3A_125, %mul3A_659 : i32
            %add3A_661 = arith.constant 5 : i32
            %add3A_662 = arith.addi %mul3A_660, %add3A_661 : i32
            %mul3A_663 = arith.constant 4 : i32
            %mul3A_664 = arith.muli %scan3A_59, %mul3A_663 : i32
            %add3A_665 = arith.constant 0 : i32
            %add3A_666 = arith.addi %mul3A_664, %add3A_665 : i32
            %mul3A_667 = arith.constant 16 : i32
            %mul3A_668 = arith.muli %add3A_666, %mul3A_667 : i32
            %get3A_669 = arith.index_cast %add3A_662 : i32 to index
            %get3A_670 = arith.index_cast %mul3A_668 : i32 to index
            %get3A_671 = tpu.vector_load %arg6[%get3A_669, %get3A_670] {strides = array<i32>} : memref<128x256xf32, #tpu.memory_space<vmem>>, vector<1x16xf32>,
            %get3A_672 = vector.shape_cast %get3A_671 : vector<1x16xf32> to vector<16xf32>
            %mul3A_673 = vector.broadcast %squeeze3A_658 : f32 to vector<16xf32>
            %mul3A_674 = arith.mulf %mul3A_673, %get3A_672 : vector<16xf32>
            %max3A_675 = arith.maximumf %max3A_573, %mul3A_674 : vector<16xf32>
            %min3A_676 = arith.minimumf %max3A_573, %mul3A_674 : vector<16xf32>
            %max3A_677 = arith.maximumf %max3A_575, %min3A_676 : vector<16xf32>
            %min3A_678 = arith.minimumf %max3A_575, %min3A_676 : vector<16xf32>
            %max3A_679 = arith.maximumf %max3A_577, %min3A_678 : vector<16xf32>
            %min3A_680 = arith.minimumf %max3A_577, %min3A_678 : vector<16xf32>
            %max3A_681 = arith.maximumf %max3A_579, %min3A_680 : vector<16xf32>
            %min3A_682 = arith.minimumf %max3A_579, %min3A_680 : vector<16xf32>
            %max3A_683 = arith.maximumf %max3A_581, %min3A_682 : vector<16xf32>
            %mul3A_684 = arith.constant 16 : i32
            %mul3A_685 = arith.muli %scan3A_125, %mul3A_684 : i32
            %add3A_686 = arith.constant 5 : i32
            %add3A_687 = arith.addi %mul3A_685, %add3A_686 : i32
            %mul3A_688 = arith.constant 4 : i32
            %mul3A_689 = arith.muli %scan3A_59, %mul3A_688 : i32
            %add3A_690 = arith.constant 1 : i32
            %add3A_691 = arith.addi %mul3A_689, %add3A_690 : i32
            %mul3A_692 = arith.constant 16 : i32
            %mul3A_693 = arith.muli %add3A_691, %mul3A_692 : i32
            %get3A_694 = arith.index_cast %add3A_687 : i32 to index
            %get3A_695 = arith.index_cast %mul3A_693 : i32 to index
            %get3A_696 = tpu.vector_load %arg6[%get3A_694, %get3A_695] {strides = array<i32>} : memref<128x256xf32, #tpu.memory_space<vmem>>, vector<1x16xf32>,
            %get3A_697 = vector.shape_cast %get3A_696 : vector<1x16xf32> to vector<16xf32>
            %mul3A_698 = vector.broadcast %squeeze3A_658 : f32 to vector<16xf32>
            %mul3A_699 = arith.mulf %mul3A_698, %get3A_697 : vector<16xf32>
            %max3A_700 = arith.maximumf %max3A_598, %mul3A_699 : vector<16xf32>
            %min3A_701 = arith.minimumf %max3A_598, %mul3A_699 : vector<16xf32>
            %max3A_702 = arith.maximumf %max3A_600, %min3A_701 : vector<16xf32>
            %min3A_703 = arith.minimumf %max3A_600, %min3A_701 : vector<16xf32>
            %max3A_704 = arith.maximumf %max3A_602, %min3A_703 : vector<16xf32>
            %min3A_705 = arith.minimumf %max3A_602, %min3A_703 : vector<16xf32>
            %max3A_706 = arith.maximumf %max3A_604, %min3A_705 : vector<16xf32>
            %min3A_707 = arith.minimumf %max3A_604, %min3A_705 : vector<16xf32>
            %max3A_708 = arith.maximumf %max3A_606, %min3A_707 : vector<16xf32>
            %mul3A_709 = arith.constant 16 : i32
            %mul3A_710 = arith.muli %scan3A_125, %mul3A_709 : i32
            %add3A_711 = arith.constant 5 : i32
            %add3A_712 = arith.addi %mul3A_710, %add3A_711 : i32
            %mul3A_713 = arith.constant 4 : i32
            %mul3A_714 = arith.muli %scan3A_59, %mul3A_713 : i32
            %add3A_715 = arith.constant 2 : i32
            %add3A_716 = arith.addi %mul3A_714, %add3A_715 : i32
            %mul3A_717 = arith.constant 16 : i32
            %mul3A_718 = arith.muli %add3A_716, %mul3A_717 : i32
            %get3A_719 = arith.index_cast %add3A_712 : i32 to index
            %get3A_720 = arith.index_cast %mul3A_718 : i32 to index
            %get3A_721 = tpu.vector_load %arg6[%get3A_719, %get3A_720] {strides = array<i32>} : memref<128x256xf32, #tpu.memory_space<vmem>>, vector<1x16xf32>,
            %get3A_722 = vector.shape_cast %get3A_721 : vector<1x16xf32> to vector<16xf32>
            %mul3A_723 = vector.broadcast %squeeze3A_658 : f32 to vector<16xf32>
            %mul3A_724 = arith.mulf %mul3A_723, %get3A_722 : vector<16xf32>
            %max3A_725 = arith.maximumf %max3A_623, %mul3A_724 : vector<16xf32>
            %min3A_726 = arith.minimumf %max3A_623, %mul3A_724 : vector<16xf32>
            %max3A_727 = arith.maximumf %max3A_625, %min3A_726 : vector<16xf32>
            %min3A_728 = arith.minimumf %max3A_625, %min3A_726 : vector<16xf32>
            %max3A_729 = arith.maximumf %max3A_627, %min3A_728 : vector<16xf32>
            %min3A_730 = arith.minimumf %max3A_627, %min3A_728 : vector<16xf32>
            %max3A_731 = arith.maximumf %max3A_629, %min3A_730 : vector<16xf32>
            %min3A_732 = arith.minimumf %max3A_629, %min3A_730 : vector<16xf32>
            %max3A_733 = arith.maximumf %max3A_631, %min3A_732 : vector<16xf32>
            %mul3A_734 = arith.constant 16 : i32
            %mul3A_735 = arith.muli %scan3A_125, %mul3A_734 : i32
            %add3A_736 = arith.constant 5 : i32
            %add3A_737 = arith.addi %mul3A_735, %add3A_736 : i32
            %mul3A_738 = arith.constant 4 : i32
            %mul3A_739 = arith.muli %scan3A_59, %mul3A_738 : i32
            %add3A_740 = arith.constant 3 : i32
            %add3A_741 = arith.addi %mul3A_739, %add3A_740 : i32
            %mul3A_742 = arith.constant 16 : i32
            %mul3A_743 = arith.muli %add3A_741, %mul3A_742 : i32
            %get3A_744 = arith.index_cast %add3A_737 : i32 to index
            %get3A_745 = arith.index_cast %mul3A_743 : i32 to index
            %get3A_746 = tpu.vector_load %arg6[%get3A_744, %get3A_745] {strides = array<i32>} : memref<128x256xf32, #tpu.memory_space<vmem>>, vector<1x16xf32>,
            %get3A_747 = vector.shape_cast %get3A_746 : vector<1x16xf32> to vector<16xf32>
            %mul3A_748 = vector.broadcast %squeeze3A_658 : f32 to vector<16xf32>
            %mul3A_749 = arith.mulf %mul3A_748, %get3A_747 : vector<16xf32>
            %max3A_750 = arith.maximumf %max3A_648, %mul3A_749 : vector<16xf32>
            %min3A_751 = arith.minimumf %max3A_648, %mul3A_749 : vector<16xf32>
            %max3A_752 = arith.maximumf %max3A_650, %min3A_751 : vector<16xf32>
            %min3A_753 = arith.minimumf %max3A_650, %min3A_751 : vector<16xf32>
            %max3A_754 = arith.maximumf %max3A_652, %min3A_753 : vector<16xf32>
            %min3A_755 = arith.minimumf %max3A_652, %min3A_753 : vector<16xf32>
            %max3A_756 = arith.maximumf %max3A_654, %min3A_755 : vector<16xf32>
            %min3A_757 = arith.minimumf %max3A_654, %min3A_755 : vector<16xf32>
            %max3A_758 = arith.maximumf %max3A_656, %min3A_757 : vector<16xf32>
            %slice3A_759 = vector.extract_strided_slice %get3A_150 {offsets = [6], sizes = [1], strides = [1]} : vector<16xf32> to vector<1xf32>
            %squeeze3A_760 = vector.extract %slice3A_759[0] : f32 from vector<1xf32>
            %mul3A_761 = arith.constant 16 : i32
            %mul3A_762 = arith.muli %scan3A_125, %mul3A_761 : i32
            %add3A_763 = arith.constant 6 : i32
            %add3A_764 = arith.addi %mul3A_762, %add3A_763 : i32
            %mul3A_765 = arith.constant 4 : i32
            %mul3A_766 = arith.muli %scan3A_59, %mul3A_765 : i32
            %add3A_767 = arith.constant 0 : i32
            %add3A_768 = arith.addi %mul3A_766, %add3A_767 : i32
            %mul3A_769 = arith.constant 16 : i32
            %mul3A_770 = arith.muli %add3A_768, %mul3A_769 : i32
            %get3A_771 = arith.index_cast %add3A_764 : i32 to index
            %get3A_772 = arith.index_cast %mul3A_770 : i32 to index
            %get3A_773 = tpu.vector_load %arg6[%get3A_771, %get3A_772] {strides = array<i32>} : memref<128x256xf32, #tpu.memory_space<vmem>>, vector<1x16xf32>,
            %get3A_774 = vector.shape_cast %get3A_773 : vector<1x16xf32> to vector<16xf32>
            %mul3A_775 = vector.broadcast %squeeze3A_760 : f32 to vector<16xf32>
            %mul3A_776 = arith.mulf %mul3A_775, %get3A_774 : vector<16xf32>
            %max3A_777 = arith.maximumf %max3A_675, %mul3A_776 : vector<16xf32>
            %min3A_778 = arith.minimumf %max3A_675, %mul3A_776 : vector<16xf32>
            %max3A_779 = arith.maximumf %max3A_677, %min3A_778 : vector<16xf32>
            %min3A_780 = arith.minimumf %max3A_677, %min3A_778 : vector<16xf32>
            %max3A_781 = arith.maximumf %max3A_679, %min3A_780 : vector<16xf32>
            %min3A_782 = arith.minimumf %max3A_679, %min3A_780 : vector<16xf32>
            %max3A_783 = arith.maximumf %max3A_681, %min3A_782 : vector<16xf32>
            %min3A_784 = arith.minimumf %max3A_681, %min3A_782 : vector<16xf32>
            %max3A_785 = arith.maximumf %max3A_683, %min3A_784 : vector<16xf32>
            %mul3A_786 = arith.constant 16 : i32
            %mul3A_787 = arith.muli %scan3A_125, %mul3A_786 : i32
            %add3A_788 = arith.constant 6 : i32
            %add3A_789 = arith.addi %mul3A_787, %add3A_788 : i32
            %mul3A_790 = arith.constant 4 : i32
            %mul3A_791 = arith.muli %scan3A_59, %mul3A_790 : i32
            %add3A_792 = arith.constant 1 : i32
            %add3A_793 = arith.addi %mul3A_791, %add3A_792 : i32
            %mul3A_794 = arith.constant 16 : i32
            %mul3A_795 = arith.muli %add3A_793, %mul3A_794 : i32
            %get3A_796 = arith.index_cast %add3A_789 : i32 to index
            %get3A_797 = arith.index_cast %mul3A_795 : i32 to index
            %get3A_798 = tpu.vector_load %arg6[%get3A_796, %get3A_797] {strides = array<i32>} : memref<128x256xf32, #tpu.memory_space<vmem>>, vector<1x16xf32>,
            %get3A_799 = vector.shape_cast %get3A_798 : vector<1x16xf32> to vector<16xf32>
            %mul3A_800 = vector.broadcast %squeeze3A_760 : f32 to vector<16xf32>
            %mul3A_801 = arith.mulf %mul3A_800, %get3A_799 : vector<16xf32>
            %max3A_802 = arith.maximumf %max3A_700, %mul3A_801 : vector<16xf32>
            %min3A_803 = arith.minimumf %max3A_700, %mul3A_801 : vector<16xf32>
            %max3A_804 = arith.maximumf %max3A_702, %min3A_803 : vector<16xf32>
            %min3A_805 = arith.minimumf %max3A_702, %min3A_803 : vector<16xf32>
            %max3A_806 = arith.maximumf %max3A_704, %min3A_805 : vector<16xf32>
            %min3A_807 = arith.minimumf %max3A_704, %min3A_805 : vector<16xf32>
            %max3A_808 = arith.maximumf %max3A_706, %min3A_807 : vector<16xf32>
            %min3A_809 = arith.minimumf %max3A_706, %min3A_807 : vector<16xf32>
            %max3A_810 = arith.maximumf %max3A_708, %min3A_809 : vector<16xf32>
            %mul3A_811 = arith.constant 16 : i32
            %mul3A_812 = arith.muli %scan3A_125, %mul3A_811 : i32
            %add3A_813 = arith.constant 6 : i32
            %add3A_814 = arith.addi %mul3A_812, %add3A_813 : i32
            %mul3A_815 = arith.constant 4 : i32
            %mul3A_816 = arith.muli %scan3A_59, %mul3A_815 : i32
            %add3A_817 = arith.constant 2 : i32
            %add3A_818 = arith.addi %mul3A_816, %add3A_817 : i32
            %mul3A_819 = arith.constant 16 : i32
            %mul3A_820 = arith.muli %add3A_818, %mul3A_819 : i32
            %get3A_821 = arith.index_cast %add3A_814 : i32 to index
            %get3A_822 = arith.index_cast %mul3A_820 : i32 to index
            %get3A_823 = tpu.vector_load %arg6[%get3A_821, %get3A_822] {strides = array<i32>} : memref<128x256xf32, #tpu.memory_space<vmem>>, vector<1x16xf32>,
            %get3A_824 = vector.shape_cast %get3A_823 : vector<1x16xf32> to vector<16xf32>
            %mul3A_825 = vector.broadcast %squeeze3A_760 : f32 to vector<16xf32>
            %mul3A_826 = arith.mulf %mul3A_825, %get3A_824 : vector<16xf32>
            %max3A_827 = arith.maximumf %max3A_725, %mul3A_826 : vector<16xf32>
            %min3A_828 = arith.minimumf %max3A_725, %mul3A_826 : vector<16xf32>
            %max3A_829 = arith.maximumf %max3A_727, %min3A_828 : vector<16xf32>
            %min3A_830 = arith.minimumf %max3A_727, %min3A_828 : vector<16xf32>
            %max3A_831 = arith.maximumf %max3A_729, %min3A_830 : vector<16xf32>
            %min3A_832 = arith.minimumf %max3A_729, %min3A_830 : vector<16xf32>
            %max3A_833 = arith.maximumf %max3A_731, %min3A_832 : vector<16xf32>
            %min3A_834 = arith.minimumf %max3A_731, %min3A_832 : vector<16xf32>
            %max3A_835 = arith.maximumf %max3A_733, %min3A_834 : vector<16xf32>
            %mul3A_836 = arith.constant 16 : i32
            %mul3A_837 = arith.muli %scan3A_125, %mul3A_836 : i32
            %add3A_838 = arith.constant 6 : i32
            %add3A_839 = arith.addi %mul3A_837, %add3A_838 : i32
            %mul3A_840 = arith.constant 4 : i32
            %mul3A_841 = arith.muli %scan3A_59, %mul3A_840 : i32
            %add3A_842 = arith.constant 3 : i32
            %add3A_843 = arith.addi %mul3A_841, %add3A_842 : i32
            %mul3A_844 = arith.constant 16 : i32
            %mul3A_845 = arith.muli %add3A_843, %mul3A_844 : i32
            %get3A_846 = arith.index_cast %add3A_839 : i32 to index
            %get3A_847 = arith.index_cast %mul3A_845 : i32 to index
            %get3A_848 = tpu.vector_load %arg6[%get3A_846, %get3A_847] {strides = array<i32>} : memref<128x256xf32, #tpu.memory_space<vmem>>, vector<1x16xf32>,
            %get3A_849 = vector.shape_cast %get3A_848 : vector<1x16xf32> to vector<16xf32>
            %mul3A_850 = vector.broadcast %squeeze3A_760 : f32 to vector<16xf32>
            %mul3A_851 = arith.mulf %mul3A_850, %get3A_849 : vector<16xf32>
            %max3A_852 = arith.maximumf %max3A_750, %mul3A_851 : vector<16xf32>
            %min3A_853 = arith.minimumf %max3A_750, %mul3A_851 : vector<16xf32>
            %max3A_854 = arith.maximumf %max3A_752, %min3A_853 : vector<16xf32>
            %min3A_855 = arith.minimumf %max3A_752, %min3A_853 : vector<16xf32>
            %max3A_856 = arith.maximumf %max3A_754, %min3A_855 : vector<16xf32>
            %min3A_857 = arith.minimumf %max3A_754, %min3A_855 : vector<16xf32>
            %max3A_858 = arith.maximumf %max3A_756, %min3A_857 : vector<16xf32>
            %min3A_859 = arith.minimumf %max3A_756, %min3A_857 : vector<16xf32>
            %max3A_860 = arith.maximumf %max3A_758, %min3A_859 : vector<16xf32>
            %slice3A_861 = vector.extract_strided_slice %get3A_150 {offsets = [7], sizes = [1], strides = [1]} : vector<16xf32> to vector<1xf32>
            %squeeze3A_862 = vector.extract %slice3A_861[0] : f32 from vector<1xf32>
            %mul3A_863 = arith.constant 16 : i32
            %mul3A_864 = arith.muli %scan3A_125, %mul3A_863 : i32
            %add3A_865 = arith.constant 7 : i32
            %add3A_866 = arith.addi %mul3A_864, %add3A_865 : i32
            %mul3A_867 = arith.constant 4 : i32
            %mul3A_868 = arith.muli %scan3A_59, %mul3A_867 : i32
            %add3A_869 = arith.constant 0 : i32
            %add3A_870 = arith.addi %mul3A_868, %add3A_869 : i32
            %mul3A_871 = arith.constant 16 : i32
            %mul3A_872 = arith.muli %add3A_870, %mul3A_871 : i32
            %get3A_873 = arith.index_cast %add3A_866 : i32 to index
            %get3A_874 = arith.index_cast %mul3A_872 : i32 to index
            %get3A_875 = tpu.vector_load %arg6[%get3A_873, %get3A_874] {strides = array<i32>} : memref<128x256xf32, #tpu.memory_space<vmem>>, vector<1x16xf32>,
            %get3A_876 = vector.shape_cast %get3A_875 : vector<1x16xf32> to vector<16xf32>
            %mul3A_877 = vector.broadcast %squeeze3A_862 : f32 to vector<16xf32>
            %mul3A_878 = arith.mulf %mul3A_877, %get3A_876 : vector<16xf32>
            %max3A_879 = arith.maximumf %max3A_777, %mul3A_878 : vector<16xf32>
            %min3A_880 = arith.minimumf %max3A_777, %mul3A_878 : vector<16xf32>
            %max3A_881 = arith.maximumf %max3A_779, %min3A_880 : vector<16xf32>
            %min3A_882 = arith.minimumf %max3A_779, %min3A_880 : vector<16xf32>
            %max3A_883 = arith.maximumf %max3A_781, %min3A_882 : vector<16xf32>
            %min3A_884 = arith.minimumf %max3A_781, %min3A_882 : vector<16xf32>
            %max3A_885 = arith.maximumf %max3A_783, %min3A_884 : vector<16xf32>
            %min3A_886 = arith.minimumf %max3A_783, %min3A_884 : vector<16xf32>
            %max3A_887 = arith.maximumf %max3A_785, %min3A_886 : vector<16xf32>
            %mul3A_888 = arith.constant 16 : i32
            %mul3A_889 = arith.muli %scan3A_125, %mul3A_888 : i32
            %add3A_890 = arith.constant 7 : i32
            %add3A_891 = arith.addi %mul3A_889, %add3A_890 : i32
            %mul3A_892 = arith.constant 4 : i32
            %mul3A_893 = arith.muli %scan3A_59, %mul3A_892 : i32
            %add3A_894 = arith.constant 1 : i32
            %add3A_895 = arith.addi %mul3A_893, %add3A_894 : i32
            %mul3A_896 = arith.constant 16 : i32
            %mul3A_897 = arith.muli %add3A_895, %mul3A_896 : i32
            %get3A_898 = arith.index_cast %add3A_891 : i32 to index
            %get3A_899 = arith.index_cast %mul3A_897 : i32 to index
            %get3A_900 = tpu.vector_load %arg6[%get3A_898, %get3A_899] {strides = array<i32>} : memref<128x256xf32, #tpu.memory_space<vmem>>, vector<1x16xf32>,
            %get3A_901 = vector.shape_cast %get3A_900 : vector<1x16xf32> to vector<16xf32>
            %mul3A_902 = vector.broadcast %squeeze3A_862 : f32 to vector<16xf32>
            %mul3A_903 = arith.mulf %mul3A_902, %get3A_901 : vector<16xf32>
            %max3A_904 = arith.maximumf %max3A_802, %mul3A_903 : vector<16xf32>
            %min3A_905 = arith.minimumf %max3A_802, %mul3A_903 : vector<16xf32>
            %max3A_906 = arith.maximumf %max3A_804, %min3A_905 : vector<16xf32>
            %min3A_907 = arith.minimumf %max3A_804, %min3A_905 : vector<16xf32>
            %max3A_908 = arith.maximumf %max3A_806, %min3A_907 : vector<16xf32>
            %min3A_909 = arith.minimumf %max3A_806, %min3A_907 : vector<16xf32>
            %max3A_910 = arith.maximumf %max3A_808, %min3A_909 : vector<16xf32>
            %min3A_911 = arith.minimumf %max3A_808, %min3A_909 : vector<16xf32>
            %max3A_912 = arith.maximumf %max3A_810, %min3A_911 : vector<16xf32>
            %mul3A_913 = arith.constant 16 : i32
            %mul3A_914 = arith.muli %scan3A_125, %mul3A_913 : i32
            %add3A_915 = arith.constant 7 : i32
            %add3A_916 = arith.addi %mul3A_914, %add3A_915 : i32
            %mul3A_917 = arith.constant 4 : i32
            %mul3A_918 = arith.muli %scan3A_59, %mul3A_917 : i32
            %add3A_919 = arith.constant 2 : i32
            %add3A_920 = arith.addi %mul3A_918, %add3A_919 : i32
            %mul3A_921 = arith.constant 16 : i32
            %mul3A_922 = arith.muli %add3A_920, %mul3A_921 : i32
            %get3A_923 = arith.index_cast %add3A_916 : i32 to index
            %get3A_924 = arith.index_cast %mul3A_922 : i32 to index
            %get3A_925 = tpu.vector_load %arg6[%get3A_923, %get3A_924] {strides = array<i32>} : memref<128x256xf32, #tpu.memory_space<vmem>>, vector<1x16xf32>,
            %get3A_926 = vector.shape_cast %get3A_925 : vector<1x16xf32> to vector<16xf32>
            %mul3A_927 = vector.broadcast %squeeze3A_862 : f32 to vector<16xf32>
            %mul3A_928 = arith.mulf %mul3A_927, %get3A_926 : vector<16xf32>
            %max3A_929 = arith.maximumf %max3A_827, %mul3A_928 : vector<16xf32>
            %min3A_930 = arith.minimumf %max3A_827, %mul3A_928 : vector<16xf32>
            %max3A_931 = arith.maximumf %max3A_829, %min3A_930 : vector<16xf32>
            %min3A_932 = arith.minimumf %max3A_829, %min3A_930 : vector<16xf32>
            %max3A_933 = arith.maximumf %max3A_831, %min3A_932 : vector<16xf32>
            %min3A_934 = arith.minimumf %max3A_831, %min3A_932 : vector<16xf32>
            %max3A_935 = arith.maximumf %max3A_833, %min3A_934 : vector<16xf32>
            %min3A_936 = arith.minimumf %max3A_833, %min3A_934 : vector<16xf32>
            %max3A_937 = arith.maximumf %max3A_835, %min3A_936 : vector<16xf32>
            %mul3A_938 = arith.constant 16 : i32
            %mul3A_939 = arith.muli %scan3A_125, %mul3A_938 : i32
            %add3A_940 = arith.constant 7 : i32
            %add3A_941 = arith.addi %mul3A_939, %add3A_940 : i32
            %mul3A_942 = arith.constant 4 : i32
            %mul3A_943 = arith.muli %scan3A_59, %mul3A_942 : i32
            %add3A_944 = arith.constant 3 : i32
            %add3A_945 = arith.addi %mul3A_943, %add3A_944 : i32
            %mul3A_946 = arith.constant 16 : i32
            %mul3A_947 = arith.muli %add3A_945, %mul3A_946 : i32
            %get3A_948 = arith.index_cast %add3A_941 : i32 to index
            %get3A_949 = arith.index_cast %mul3A_947 : i32 to index
            %get3A_950 = tpu.vector_load %arg6[%get3A_948, %get3A_949] {strides = array<i32>} : memref<128x256xf32, #tpu.memory_space<vmem>>, vector<1x16xf32>,
            %get3A_951 = vector.shape_cast %get3A_950 : vector<1x16xf32> to vector<16xf32>
            %mul3A_952 = vector.broadcast %squeeze3A_862 : f32 to vector<16xf32>
            %mul3A_953 = arith.mulf %mul3A_952, %get3A_951 : vector<16xf32>
            %max3A_954 = arith.maximumf %max3A_852, %mul3A_953 : vector<16xf32>
            %min3A_955 = arith.minimumf %max3A_852, %mul3A_953 : vector<16xf32>
            %max3A_956 = arith.maximumf %max3A_854, %min3A_955 : vector<16xf32>
            %min3A_957 = arith.minimumf %max3A_854, %min3A_955 : vector<16xf32>
            %max3A_958 = arith.maximumf %max3A_856, %min3A_957 : vector<16xf32>
            %min3A_959 = arith.minimumf %max3A_856, %min3A_957 : vector<16xf32>
            %max3A_960 = arith.maximumf %max3A_858, %min3A_959 : vector<16xf32>
            %min3A_961 = arith.minimumf %max3A_858, %min3A_959 : vector<16xf32>
            %max3A_962 = arith.maximumf %max3A_860, %min3A_961 : vector<16xf32>
            %slice3A_963 = vector.extract_strided_slice %get3A_150 {offsets = [8], sizes = [1], strides = [1]} : vector<16xf32> to vector<1xf32>
            %squeeze3A_964 = vector.extract %slice3A_963[0] : f32 from vector<1xf32>
            %mul3A_965 = arith.constant 16 : i32
            %mul3A_966 = arith.muli %scan3A_125, %mul3A_965 : i32
            %add3A_967 = arith.constant 8 : i32
            %add3A_968 = arith.addi %mul3A_966, %add3A_967 : i32
            %mul3A_969 = arith.constant 4 : i32
            %mul3A_970 = arith.muli %scan3A_59, %mul3A_969 : i32
            %add3A_971 = arith.constant 0 : i32
            %add3A_972 = arith.addi %mul3A_970, %add3A_971 : i32
            %mul3A_973 = arith.constant 16 : i32
            %mul3A_974 = arith.muli %add3A_972, %mul3A_973 : i32
            %get3A_975 = arith.index_cast %add3A_968 : i32 to index
            %get3A_976 = arith.index_cast %mul3A_974 : i32 to index
            %get3A_977 = tpu.vector_load %arg6[%get3A_975, %get3A_976] {strides = array<i32>} : memref<128x256xf32, #tpu.memory_space<vmem>>, vector<1x16xf32>,
            %get3A_978 = vector.shape_cast %get3A_977 : vector<1x16xf32> to vector<16xf32>
            %mul3A_979 = vector.broadcast %squeeze3A_964 : f32 to vector<16xf32>
            %mul3A_980 = arith.mulf %mul3A_979, %get3A_978 : vector<16xf32>
            %max3A_981 = arith.maximumf %max3A_879, %mul3A_980 : vector<16xf32>
            %min3A_982 = arith.minimumf %max3A_879, %mul3A_980 : vector<16xf32>
            %max3A_983 = arith.maximumf %max3A_881, %min3A_982 : vector<16xf32>
            %min3A_984 = arith.minimumf %max3A_881, %min3A_982 : vector<16xf32>
            %max3A_985 = arith.maximumf %max3A_883, %min3A_984 : vector<16xf32>
            %min3A_986 = arith.minimumf %max3A_883, %min3A_984 : vector<16xf32>
            %max3A_987 = arith.maximumf %max3A_885, %min3A_986 : vector<16xf32>
            %min3A_988 = arith.minimumf %max3A_885, %min3A_986 : vector<16xf32>
            %max3A_989 = arith.maximumf %max3A_887, %min3A_988 : vector<16xf32>
            %mul3A_990 = arith.constant 16 : i32
            %mul3A_991 = arith.muli %scan3A_125, %mul3A_990 : i32
            %add3A_992 = arith.constant 8 : i32
            %add3A_993 = arith.addi %mul3A_991, %add3A_992 : i32
            %mul3A_994 = arith.constant 4 : i32
            %mul3A_995 = arith.muli %scan3A_59, %mul3A_994 : i32
            %add3A_996 = arith.constant 1 : i32
            %add3A_997 = arith.addi %mul3A_995, %add3A_996 : i32
            %mul3A_998 = arith.constant 16 : i32
            %mul3A_999 = arith.muli %add3A_997, %mul3A_998 : i32
            %get3A_1000 = arith.index_cast %add3A_993 : i32 to index
            %get3A_1001 = arith.index_cast %mul3A_999 : i32 to index
            %get3A_1002 = tpu.vector_load %arg6[%get3A_1000, %get3A_1001] {strides = array<i32>} : memref<128x256xf32, #tpu.memory_space<vmem>>, vector<1x16xf32>,
            %get3A_1003 = vector.shape_cast %get3A_1002 : vector<1x16xf32> to vector<16xf32>
            %mul3A_1004 = vector.broadcast %squeeze3A_964 : f32 to vector<16xf32>
            %mul3A_1005 = arith.mulf %mul3A_1004, %get3A_1003 : vector<16xf32>
            %max3A_1006 = arith.maximumf %max3A_904, %mul3A_1005 : vector<16xf32>
            %min3A_1007 = arith.minimumf %max3A_904, %mul3A_1005 : vector<16xf32>
            %max3A_1008 = arith.maximumf %max3A_906, %min3A_1007 : vector<16xf32>
            %min3A_1009 = arith.minimumf %max3A_906, %min3A_1007 : vector<16xf32>
            %max3A_1010 = arith.maximumf %max3A_908, %min3A_1009 : vector<16xf32>
            %min3A_1011 = arith.minimumf %max3A_908, %min3A_1009 : vector<16xf32>
            %max3A_1012 = arith.maximumf %max3A_910, %min3A_1011 : vector<16xf32>
            %min3A_1013 = arith.minimumf %max3A_910, %min3A_1011 : vector<16xf32>
            %max3A_1014 = arith.maximumf %max3A_912, %min3A_1013 : vector<16xf32>
            %mul3A_1015 = arith.constant 16 : i32
            %mul3A_1016 = arith.muli %scan3A_125, %mul3A_1015 : i32
            %add3A_1017 = arith.constant 8 : i32
            %add3A_1018 = arith.addi %mul3A_1016, %add3A_1017 : i32
            %mul3A_1019 = arith.constant 4 : i32
            %mul3A_1020 = arith.muli %scan3A_59, %mul3A_1019 : i32
            %add3A_1021 = arith.constant 2 : i32
            %add3A_1022 = arith.addi %mul3A_1020, %add3A_1021 : i32
            %mul3A_1023 = arith.constant 16 : i32
            %mul3A_1024 = arith.muli %add3A_1022, %mul3A_1023 : i32
            %get3A_1025 = arith.index_cast %add3A_1018 : i32 to index
            %get3A_1026 = arith.index_cast %mul3A_1024 : i32 to index
            %get3A_1027 = tpu.vector_load %arg6[%get3A_1025, %get3A_1026] {strides = array<i32>} : memref<128x256xf32, #tpu.memory_space<vmem>>, vector<1x16xf32>,
            %get3A_1028 = vector.shape_cast %get3A_1027 : vector<1x16xf32> to vector<16xf32>
            %mul3A_1029 = vector.broadcast %squeeze3A_964 : f32 to vector<16xf32>
            %mul3A_1030 = arith.mulf %mul3A_1029, %get3A_1028 : vector<16xf32>
            %max3A_1031 = arith.maximumf %max3A_929, %mul3A_1030 : vector<16xf32>
            %min3A_1032 = arith.minimumf %max3A_929, %mul3A_1030 : vector<16xf32>
            %max3A_1033 = arith.maximumf %max3A_931, %min3A_1032 : vector<16xf32>
            %min3A_1034 = arith.minimumf %max3A_931, %min3A_1032 : vector<16xf32>
            %max3A_1035 = arith.maximumf %max3A_933, %min3A_1034 : vector<16xf32>
            %min3A_1036 = arith.minimumf %max3A_933, %min3A_1034 : vector<16xf32>
            %max3A_1037 = arith.maximumf %max3A_935, %min3A_1036 : vector<16xf32>
            %min3A_1038 = arith.minimumf %max3A_935, %min3A_1036 : vector<16xf32>
            %max3A_1039 = arith.maximumf %max3A_937, %min3A_1038 : vector<16xf32>
            %mul3A_1040 = arith.constant 16 : i32
            %mul3A_1041 = arith.muli %scan3A_125, %mul3A_1040 : i32
            %add3A_1042 = arith.constant 8 : i32
            %add3A_1043 = arith.addi %mul3A_1041, %add3A_1042 : i32
            %mul3A_1044 = arith.constant 4 : i32
            %mul3A_1045 = arith.muli %scan3A_59, %mul3A_1044 : i32
            %add3A_1046 = arith.constant 3 : i32
            %add3A_1047 = arith.addi %mul3A_1045, %add3A_1046 : i32
            %mul3A_1048 = arith.constant 16 : i32
            %mul3A_1049 = arith.muli %add3A_1047, %mul3A_1048 : i32
            %get3A_1050 = arith.index_cast %add3A_1043 : i32 to index
            %get3A_1051 = arith.index_cast %mul3A_1049 : i32 to index
            %get3A_1052 = tpu.vector_load %arg6[%get3A_1050, %get3A_1051] {strides = array<i32>} : memref<128x256xf32, #tpu.memory_space<vmem>>, vector<1x16xf32>,
            %get3A_1053 = vector.shape_cast %get3A_1052 : vector<1x16xf32> to vector<16xf32>
            %mul3A_1054 = vector.broadcast %squeeze3A_964 : f32 to vector<16xf32>
            %mul3A_1055 = arith.mulf %mul3A_1054, %get3A_1053 : vector<16xf32>
            %max3A_1056 = arith.maximumf %max3A_954, %mul3A_1055 : vector<16xf32>
            %min3A_1057 = arith.minimumf %max3A_954, %mul3A_1055 : vector<16xf32>
            %max3A_1058 = arith.maximumf %max3A_956, %min3A_1057 : vector<16xf32>
            %min3A_1059 = arith.minimumf %max3A_956, %min3A_1057 : vector<16xf32>
            %max3A_1060 = arith.maximumf %max3A_958, %min3A_1059 : vector<16xf32>
            %min3A_1061 = arith.minimumf %max3A_958, %min3A_1059 : vector<16xf32>
            %max3A_1062 = arith.maximumf %max3A_960, %min3A_1061 : vector<16xf32>
            %min3A_1063 = arith.minimumf %max3A_960, %min3A_1061 : vector<16xf32>
            %max3A_1064 = arith.maximumf %max3A_962, %min3A_1063 : vector<16xf32>
            %slice3A_1065 = vector.extract_strided_slice %get3A_150 {offsets = [9], sizes = [1], strides = [1]} : vector<16xf32> to vector<1xf32>
            %squeeze3A_1066 = vector.extract %slice3A_1065[0] : f32 from vector<1xf32>
            %mul3A_1067 = arith.constant 16 : i32
            %mul3A_1068 = arith.muli %scan3A_125, %mul3A_1067 : i32
            %add3A_1069 = arith.constant 9 : i32
            %add3A_1070 = arith.addi %mul3A_1068, %add3A_1069 : i32
            %mul3A_1071 = arith.constant 4 : i32
            %mul3A_1072 = arith.muli %scan3A_59, %mul3A_1071 : i32
            %add3A_1073 = arith.constant 0 : i32
            %add3A_1074 = arith.addi %mul3A_1072, %add3A_1073 : i32
            %mul3A_1075 = arith.constant 16 : i32
            %mul3A_1076 = arith.muli %add3A_1074, %mul3A_1075 : i32
            %get3A_1077 = arith.index_cast %add3A_1070 : i32 to index
            %get3A_1078 = arith.index_cast %mul3A_1076 : i32 to index
            %get3A_1079 = tpu.vector_load %arg6[%get3A_1077, %get3A_1078] {strides = array<i32>} : memref<128x256xf32, #tpu.memory_space<vmem>>, vector<1x16xf32>,
            %get3A_1080 = vector.shape_cast %get3A_1079 : vector<1x16xf32> to vector<16xf32>
            %mul3A_1081 = vector.broadcast %squeeze3A_1066 : f32 to vector<16xf32>
            %mul3A_1082 = arith.mulf %mul3A_1081, %get3A_1080 : vector<16xf32>
            %max3A_1083 = arith.maximumf %max3A_981, %mul3A_1082 : vector<16xf32>
            %min3A_1084 = arith.minimumf %max3A_981, %mul3A_1082 : vector<16xf32>
            %max3A_1085 = arith.maximumf %max3A_983, %min3A_1084 : vector<16xf32>
            %min3A_1086 = arith.minimumf %max3A_983, %min3A_1084 : vector<16xf32>
            %max3A_1087 = arith.maximumf %max3A_985, %min3A_1086 : vector<16xf32>
            %min3A_1088 = arith.minimumf %max3A_985, %min3A_1086 : vector<16xf32>
            %max3A_1089 = arith.maximumf %max3A_987, %min3A_1088 : vector<16xf32>
            %min3A_1090 = arith.minimumf %max3A_987, %min3A_1088 : vector<16xf32>
            %max3A_1091 = arith.maximumf %max3A_989, %min3A_1090 : vector<16xf32>
            %mul3A_1092 = arith.constant 16 : i32
            %mul3A_1093 = arith.muli %scan3A_125, %mul3A_1092 : i32
            %add3A_1094 = arith.constant 9 : i32
            %add3A_1095 = arith.addi %mul3A_1093, %add3A_1094 : i32
            %mul3A_1096 = arith.constant 4 : i32
            %mul3A_1097 = arith.muli %scan3A_59, %mul3A_1096 : i32
            %add3A_1098 = arith.constant 1 : i32
            %add3A_1099 = arith.addi %mul3A_1097, %add3A_1098 : i32
            %mul3A_1100 = arith.constant 16 : i32
            %mul3A_1101 = arith.muli %add3A_1099, %mul3A_1100 : i32
            %get3A_1102 = arith.index_cast %add3A_1095 : i32 to index
            %get3A_1103 = arith.index_cast %mul3A_1101 : i32 to index
            %get3A_1104 = tpu.vector_load %arg6[%get3A_1102, %get3A_1103] {strides = array<i32>} : memref<128x256xf32, #tpu.memory_space<vmem>>, vector<1x16xf32>,
            %get3A_1105 = vector.shape_cast %get3A_1104 : vector<1x16xf32> to vector<16xf32>
            %mul3A_1106 = vector.broadcast %squeeze3A_1066 : f32 to vector<16xf32>
            %mul3A_1107 = arith.mulf %mul3A_1106, %get3A_1105 : vector<16xf32>
            %max3A_1108 = arith.maximumf %max3A_1006, %mul3A_1107 : vector<16xf32>
            %min3A_1109 = arith.minimumf %max3A_1006, %mul3A_1107 : vector<16xf32>
            %max3A_1110 = arith.maximumf %max3A_1008, %min3A_1109 : vector<16xf32>
            %min3A_1111 = arith.minimumf %max3A_1008, %min3A_1109 : vector<16xf32>
            %max3A_1112 = arith.maximumf %max3A_1010, %min3A_1111 : vector<16xf32>
            %min3A_1113 = arith.minimumf %max3A_1010, %min3A_1111 : vector<16xf32>
            %max3A_1114 = arith.maximumf %max3A_1012, %min3A_1113 : vector<16xf32>
            %min3A_1115 = arith.minimumf %max3A_1012, %min3A_1113 : vector<16xf32>
            %max3A_1116 = arith.maximumf %max3A_1014, %min3A_1115 : vector<16xf32>
            %mul3A_1117 = arith.constant 16 : i32
            %mul3A_1118 = arith.muli %scan3A_125, %mul3A_1117 : i32
            %add3A_1119 = arith.constant 9 : i32
            %add3A_1120 = arith.addi %mul3A_1118, %add3A_1119 : i32
            %mul3A_1121 = arith.constant 4 : i32
            %mul3A_1122 = arith.muli %scan3A_59, %mul3A_1121 : i32
            %add3A_1123 = arith.constant 2 : i32
            %add3A_1124 = arith.addi %mul3A_1122, %add3A_1123 : i32
            %mul3A_1125 = arith.constant 16 : i32
            %mul3A_1126 = arith.muli %add3A_1124, %mul3A_1125 : i32
            %get3A_1127 = arith.index_cast %add3A_1120 : i32 to index
            %get3A_1128 = arith.index_cast %mul3A_1126 : i32 to index
            %get3A_1129 = tpu.vector_load %arg6[%get3A_1127, %get3A_1128] {strides = array<i32>} : memref<128x256xf32, #tpu.memory_space<vmem>>, vector<1x16xf32>,
            %get3A_1130 = vector.shape_cast %get3A_1129 : vector<1x16xf32> to vector<16xf32>
            %mul3A_1131 = vector.broadcast %squeeze3A_1066 : f32 to vector<16xf32>
            %mul3A_1132 = arith.mulf %mul3A_1131, %get3A_1130 : vector<16xf32>
            %max3A_1133 = arith.maximumf %max3A_1031, %mul3A_1132 : vector<16xf32>
            %min3A_1134 = arith.minimumf %max3A_1031, %mul3A_1132 : vector<16xf32>
            %max3A_1135 = arith.maximumf %max3A_1033, %min3A_1134 : vector<16xf32>
            %min3A_1136 = arith.minimumf %max3A_1033, %min3A_1134 : vector<16xf32>
            %max3A_1137 = arith.maximumf %max3A_1035, %min3A_1136 : vector<16xf32>
            %min3A_1138 = arith.minimumf %max3A_1035, %min3A_1136 : vector<16xf32>
            %max3A_1139 = arith.maximumf %max3A_1037, %min3A_1138 : vector<16xf32>
            %min3A_1140 = arith.minimumf %max3A_1037, %min3A_1138 : vector<16xf32>
            %max3A_1141 = arith.maximumf %max3A_1039, %min3A_1140 : vector<16xf32>
            %mul3A_1142 = arith.constant 16 : i32
            %mul3A_1143 = arith.muli %scan3A_125, %mul3A_1142 : i32
            %add3A_1144 = arith.constant 9 : i32
            %add3A_1145 = arith.addi %mul3A_1143, %add3A_1144 : i32
            %mul3A_1146 = arith.constant 4 : i32
            %mul3A_1147 = arith.muli %scan3A_59, %mul3A_1146 : i32
            %add3A_1148 = arith.constant 3 : i32
            %add3A_1149 = arith.addi %mul3A_1147, %add3A_1148 : i32
            %mul3A_1150 = arith.constant 16 : i32
            %mul3A_1151 = arith.muli %add3A_1149, %mul3A_1150 : i32
            %get3A_1152 = arith.index_cast %add3A_1145 : i32 to index
            %get3A_1153 = arith.index_cast %mul3A_1151 : i32 to index
            %get3A_1154 = tpu.vector_load %arg6[%get3A_1152, %get3A_1153] {strides = array<i32>} : memref<128x256xf32, #tpu.memory_space<vmem>>, vector<1x16xf32>,
            %get3A_1155 = vector.shape_cast %get3A_1154 : vector<1x16xf32> to vector<16xf32>
            %mul3A_1156 = vector.broadcast %squeeze3A_1066 : f32 to vector<16xf32>
            %mul3A_1157 = arith.mulf %mul3A_1156, %get3A_1155 : vector<16xf32>
            %max3A_1158 = arith.maximumf %max3A_1056, %mul3A_1157 : vector<16xf32>
            %min3A_1159 = arith.minimumf %max3A_1056, %mul3A_1157 : vector<16xf32>
            %max3A_1160 = arith.maximumf %max3A_1058, %min3A_1159 : vector<16xf32>
            %min3A_1161 = arith.minimumf %max3A_1058, %min3A_1159 : vector<16xf32>
            %max3A_1162 = arith.maximumf %max3A_1060, %min3A_1161 : vector<16xf32>
            %min3A_1163 = arith.minimumf %max3A_1060, %min3A_1161 : vector<16xf32>
            %max3A_1164 = arith.maximumf %max3A_1062, %min3A_1163 : vector<16xf32>
            %min3A_1165 = arith.minimumf %max3A_1062, %min3A_1163 : vector<16xf32>
            %max3A_1166 = arith.maximumf %max3A_1064, %min3A_1165 : vector<16xf32>
            %slice3A_1167 = vector.extract_strided_slice %get3A_150 {offsets = [10], sizes = [1], strides = [1]} : vector<16xf32> to vector<1xf32>
            %squeeze3A_1168 = vector.extract %slice3A_1167[0] : f32 from vector<1xf32>
            %mul3A_1169 = arith.constant 16 : i32
            %mul3A_1170 = arith.muli %scan3A_125, %mul3A_1169 : i32
            %add3A_1171 = arith.constant 10 : i32
            %add3A_1172 = arith.addi %mul3A_1170, %add3A_1171 : i32
            %mul3A_1173 = arith.constant 4 : i32
            %mul3A_1174 = arith.muli %scan3A_59, %mul3A_1173 : i32
            %add3A_1175 = arith.constant 0 : i32
            %add3A_1176 = arith.addi %mul3A_1174, %add3A_1175 : i32
            %mul3A_1177 = arith.constant 16 : i32
            %mul3A_1178 = arith.muli %add3A_1176, %mul3A_1177 : i32
            %get3A_1179 = arith.index_cast %add3A_1172 : i32 to index
            %get3A_1180 = arith.index_cast %mul3A_1178 : i32 to index
            %get3A_1181 = tpu.vector_load %arg6[%get3A_1179, %get3A_1180] {strides = array<i32>} : memref<128x256xf32, #tpu.memory_space<vmem>>, vector<1x16xf32>,
            %get3A_1182 = vector.shape_cast %get3A_1181 : vector<1x16xf32> to vector<16xf32>
            %mul3A_1183 = vector.broadcast %squeeze3A_1168 : f32 to vector<16xf32>
            %mul3A_1184 = arith.mulf %mul3A_1183, %get3A_1182 : vector<16xf32>
            %max3A_1185 = arith.maximumf %max3A_1083, %mul3A_1184 : vector<16xf32>
            %min3A_1186 = arith.minimumf %max3A_1083, %mul3A_1184 : vector<16xf32>
            %max3A_1187 = arith.maximumf %max3A_1085, %min3A_1186 : vector<16xf32>
            %min3A_1188 = arith.minimumf %max3A_1085, %min3A_1186 : vector<16xf32>
            %max3A_1189 = arith.maximumf %max3A_1087, %min3A_1188 : vector<16xf32>
            %min3A_1190 = arith.minimumf %max3A_1087, %min3A_1188 : vector<16xf32>
            %max3A_1191 = arith.maximumf %max3A_1089, %min3A_1190 : vector<16xf32>
            %min3A_1192 = arith.minimumf %max3A_1089, %min3A_1190 : vector<16xf32>
            %max3A_1193 = arith.maximumf %max3A_1091, %min3A_1192 : vector<16xf32>
            %mul3A_1194 = arith.constant 16 : i32
            %mul3A_1195 = arith.muli %scan3A_125, %mul3A_1194 : i32
            %add3A_1196 = arith.constant 10 : i32
            %add3A_1197 = arith.addi %mul3A_1195, %add3A_1196 : i32
            %mul3A_1198 = arith.constant 4 : i32
            %mul3A_1199 = arith.muli %scan3A_59, %mul3A_1198 : i32
            %add3A_1200 = arith.constant 1 : i32
            %add3A_1201 = arith.addi %mul3A_1199, %add3A_1200 : i32
            %mul3A_1202 = arith.constant 16 : i32
            %mul3A_1203 = arith.muli %add3A_1201, %mul3A_1202 : i32
            %get3A_1204 = arith.index_cast %add3A_1197 : i32 to index
            %get3A_1205 = arith.index_cast %mul3A_1203 : i32 to index
            %get3A_1206 = tpu.vector_load %arg6[%get3A_1204, %get3A_1205] {strides = array<i32>} : memref<128x256xf32, #tpu.memory_space<vmem>>, vector<1x16xf32>,
            %get3A_1207 = vector.shape_cast %get3A_1206 : vector<1x16xf32> to vector<16xf32>
            %mul3A_1208 = vector.broadcast %squeeze3A_1168 : f32 to vector<16xf32>
            %mul3A_1209 = arith.mulf %mul3A_1208, %get3A_1207 : vector<16xf32>
            %max3A_1210 = arith.maximumf %max3A_1108, %mul3A_1209 : vector<16xf32>
            %min3A_1211 = arith.minimumf %max3A_1108, %mul3A_1209 : vector<16xf32>
            %max3A_1212 = arith.maximumf %max3A_1110, %min3A_1211 : vector<16xf32>
            %min3A_1213 = arith.minimumf %max3A_1110, %min3A_1211 : vector<16xf32>
            %max3A_1214 = arith.maximumf %max3A_1112, %min3A_1213 : vector<16xf32>
            %min3A_1215 = arith.minimumf %max3A_1112, %min3A_1213 : vector<16xf32>
            %max3A_1216 = arith.maximumf %max3A_1114, %min3A_1215 : vector<16xf32>
            %min3A_1217 = arith.minimumf %max3A_1114, %min3A_1215 : vector<16xf32>
            %max3A_1218 = arith.maximumf %max3A_1116, %min3A_1217 : vector<16xf32>
            %mul3A_1219 = arith.constant 16 : i32
            %mul3A_1220 = arith.muli %scan3A_125, %mul3A_1219 : i32
            %add3A_1221 = arith.constant 10 : i32
            %add3A_1222 = arith.addi %mul3A_1220, %add3A_1221 : i32
            %mul3A_1223 = arith.constant 4 : i32
            %mul3A_1224 = arith.muli %scan3A_59, %mul3A_1223 : i32
            %add3A_1225 = arith.constant 2 : i32
            %add3A_1226 = arith.addi %mul3A_1224, %add3A_1225 : i32
            %mul3A_1227 = arith.constant 16 : i32
            %mul3A_1228 = arith.muli %add3A_1226, %mul3A_1227 : i32
            %get3A_1229 = arith.index_cast %add3A_1222 : i32 to index
            %get3A_1230 = arith.index_cast %mul3A_1228 : i32 to index
            %get3A_1231 = tpu.vector_load %arg6[%get3A_1229, %get3A_1230] {strides = array<i32>} : memref<128x256xf32, #tpu.memory_space<vmem>>, vector<1x16xf32>,
            %get3A_1232 = vector.shape_cast %get3A_1231 : vector<1x16xf32> to vector<16xf32>
            %mul3A_1233 = vector.broadcast %squeeze3A_1168 : f32 to vector<16xf32>
            %mul3A_1234 = arith.mulf %mul3A_1233, %get3A_1232 : vector<16xf32>
            %max3A_1235 = arith.maximumf %max3A_1133, %mul3A_1234 : vector<16xf32>
            %min3A_1236 = arith.minimumf %max3A_1133, %mul3A_1234 : vector<16xf32>
            %max3A_1237 = arith.maximumf %max3A_1135, %min3A_1236 : vector<16xf32>
            %min3A_1238 = arith.minimumf %max3A_1135, %min3A_1236 : vector<16xf32>
            %max3A_1239 = arith.maximumf %max3A_1137, %min3A_1238 : vector<16xf32>
            %min3A_1240 = arith.minimumf %max3A_1137, %min3A_1238 : vector<16xf32>
            %max3A_1241 = arith.maximumf %max3A_1139, %min3A_1240 : vector<16xf32>
            %min3A_1242 = arith.minimumf %max3A_1139, %min3A_1240 : vector<16xf32>
            %max3A_1243 = arith.maximumf %max3A_1141, %min3A_1242 : vector<16xf32>
            %mul3A_1244 = arith.constant 16 : i32
            %mul3A_1245 = arith.muli %scan3A_125, %mul3A_1244 : i32
            %add3A_1246 = arith.constant 10 : i32
            %add3A_1247 = arith.addi %mul3A_1245, %add3A_1246 : i32
            %mul3A_1248 = arith.constant 4 : i32
            %mul3A_1249 = arith.muli %scan3A_59, %mul3A_1248 : i32
            %add3A_1250 = arith.constant 3 : i32
            %add3A_1251 = arith.addi %mul3A_1249, %add3A_1250 : i32
            %mul3A_1252 = arith.constant 16 : i32
            %mul3A_1253 = arith.muli %add3A_1251, %mul3A_1252 : i32
            %get3A_1254 = arith.index_cast %add3A_1247 : i32 to index
            %get3A_1255 = arith.index_cast %mul3A_1253 : i32 to index
            %get3A_1256 = tpu.vector_load %arg6[%get3A_1254, %get3A_1255] {strides = array<i32>} : memref<128x256xf32, #tpu.memory_space<vmem>>, vector<1x16xf32>,
            %get3A_1257 = vector.shape_cast %get3A_1256 : vector<1x16xf32> to vector<16xf32>
            %mul3A_1258 = vector.broadcast %squeeze3A_1168 : f32 to vector<16xf32>
            %mul3A_1259 = arith.mulf %mul3A_1258, %get3A_1257 : vector<16xf32>
            %max3A_1260 = arith.maximumf %max3A_1158, %mul3A_1259 : vector<16xf32>
            %min3A_1261 = arith.minimumf %max3A_1158, %mul3A_1259 : vector<16xf32>
            %max3A_1262 = arith.maximumf %max3A_1160, %min3A_1261 : vector<16xf32>
            %min3A_1263 = arith.minimumf %max3A_1160, %min3A_1261 : vector<16xf32>
            %max3A_1264 = arith.maximumf %max3A_1162, %min3A_1263 : vector<16xf32>
            %min3A_1265 = arith.minimumf %max3A_1162, %min3A_1263 : vector<16xf32>
            %max3A_1266 = arith.maximumf %max3A_1164, %min3A_1265 : vector<16xf32>
            %min3A_1267 = arith.minimumf %max3A_1164, %min3A_1265 : vector<16xf32>
            %max3A_1268 = arith.maximumf %max3A_1166, %min3A_1267 : vector<16xf32>
            %slice3A_1269 = vector.extract_strided_slice %get3A_150 {offsets = [11], sizes = [1], strides = [1]} : vector<16xf32> to vector<1xf32>
            %squeeze3A_1270 = vector.extract %slice3A_1269[0] : f32 from vector<1xf32>
            %mul3A_1271 = arith.constant 16 : i32
            %mul3A_1272 = arith.muli %scan3A_125, %mul3A_1271 : i32
            %add3A_1273 = arith.constant 11 : i32
            %add3A_1274 = arith.addi %mul3A_1272, %add3A_1273 : i32
            %mul3A_1275 = arith.constant 4 : i32
            %mul3A_1276 = arith.muli %scan3A_59, %mul3A_1275 : i32
            %add3A_1277 = arith.constant 0 : i32
            %add3A_1278 = arith.addi %mul3A_1276, %add3A_1277 : i32
            %mul3A_1279 = arith.constant 16 : i32
            %mul3A_1280 = arith.muli %add3A_1278, %mul3A_1279 : i32
            %get3A_1281 = arith.index_cast %add3A_1274 : i32 to index
            %get3A_1282 = arith.index_cast %mul3A_1280 : i32 to index
            %get3A_1283 = tpu.vector_load %arg6[%get3A_1281, %get3A_1282] {strides = array<i32>} : memref<128x256xf32, #tpu.memory_space<vmem>>, vector<1x16xf32>,
            %get3A_1284 = vector.shape_cast %get3A_1283 : vector<1x16xf32> to vector<16xf32>
            %mul3A_1285 = vector.broadcast %squeeze3A_1270 : f32 to vector<16xf32>
            %mul3A_1286 = arith.mulf %mul3A_1285, %get3A_1284 : vector<16xf32>
            %max3A_1287 = arith.maximumf %max3A_1185, %mul3A_1286 : vector<16xf32>
            %min3A_1288 = arith.minimumf %max3A_1185, %mul3A_1286 : vector<16xf32>
            %max3A_1289 = arith.maximumf %max3A_1187, %min3A_1288 : vector<16xf32>
            %min3A_1290 = arith.minimumf %max3A_1187, %min3A_1288 : vector<16xf32>
            %max3A_1291 = arith.maximumf %max3A_1189, %min3A_1290 : vector<16xf32>
            %min3A_1292 = arith.minimumf %max3A_1189, %min3A_1290 : vector<16xf32>
            %max3A_1293 = arith.maximumf %max3A_1191, %min3A_1292 : vector<16xf32>
            %min3A_1294 = arith.minimumf %max3A_1191, %min3A_1292 : vector<16xf32>
            %max3A_1295 = arith.maximumf %max3A_1193, %min3A_1294 : vector<16xf32>
            %mul3A_1296 = arith.constant 16 : i32
            %mul3A_1297 = arith.muli %scan3A_125, %mul3A_1296 : i32
            %add3A_1298 = arith.constant 11 : i32
            %add3A_1299 = arith.addi %mul3A_1297, %add3A_1298 : i32
            %mul3A_1300 = arith.constant 4 : i32
            %mul3A_1301 = arith.muli %scan3A_59, %mul3A_1300 : i32
            %add3A_1302 = arith.constant 1 : i32
            %add3A_1303 = arith.addi %mul3A_1301, %add3A_1302 : i32
            %mul3A_1304 = arith.constant 16 : i32
            %mul3A_1305 = arith.muli %add3A_1303, %mul3A_1304 : i32
            %get3A_1306 = arith.index_cast %add3A_1299 : i32 to index
            %get3A_1307 = arith.index_cast %mul3A_1305 : i32 to index
            %get3A_1308 = tpu.vector_load %arg6[%get3A_1306, %get3A_1307] {strides = array<i32>} : memref<128x256xf32, #tpu.memory_space<vmem>>, vector<1x16xf32>,
            %get3A_1309 = vector.shape_cast %get3A_1308 : vector<1x16xf32> to vector<16xf32>
            %mul3A_1310 = vector.broadcast %squeeze3A_1270 : f32 to vector<16xf32>
            %mul3A_1311 = arith.mulf %mul3A_1310, %get3A_1309 : vector<16xf32>
            %max3A_1312 = arith.maximumf %max3A_1210, %mul3A_1311 : vector<16xf32>
            %min3A_1313 = arith.minimumf %max3A_1210, %mul3A_1311 : vector<16xf32>
            %max3A_1314 = arith.maximumf %max3A_1212, %min3A_1313 : vector<16xf32>
            %min3A_1315 = arith.minimumf %max3A_1212, %min3A_1313 : vector<16xf32>
            %max3A_1316 = arith.maximumf %max3A_1214, %min3A_1315 : vector<16xf32>
            %min3A_1317 = arith.minimumf %max3A_1214, %min3A_1315 : vector<16xf32>
            %max3A_1318 = arith.maximumf %max3A_1216, %min3A_1317 : vector<16xf32>
            %min3A_1319 = arith.minimumf %max3A_1216, %min3A_1317 : vector<16xf32>
            %max3A_1320 = arith.maximumf %max3A_1218, %min3A_1319 : vector<16xf32>
            %mul3A_1321 = arith.constant 16 : i32
            %mul3A_1322 = arith.muli %scan3A_125, %mul3A_1321 : i32
            %add3A_1323 = arith.constant 11 : i32
            %add3A_1324 = arith.addi %mul3A_1322, %add3A_1323 : i32
            %mul3A_1325 = arith.constant 4 : i32
            %mul3A_1326 = arith.muli %scan3A_59, %mul3A_1325 : i32
            %add3A_1327 = arith.constant 2 : i32
            %add3A_1328 = arith.addi %mul3A_1326, %add3A_1327 : i32
            %mul3A_1329 = arith.constant 16 : i32
            %mul3A_1330 = arith.muli %add3A_1328, %mul3A_1329 : i32
            %get3A_1331 = arith.index_cast %add3A_1324 : i32 to index
            %get3A_1332 = arith.index_cast %mul3A_1330 : i32 to index
            %get3A_1333 = tpu.vector_load %arg6[%get3A_1331, %get3A_1332] {strides = array<i32>} : memref<128x256xf32, #tpu.memory_space<vmem>>, vector<1x16xf32>,
            %get3A_1334 = vector.shape_cast %get3A_1333 : vector<1x16xf32> to vector<16xf32>
            %mul3A_1335 = vector.broadcast %squeeze3A_1270 : f32 to vector<16xf32>
            %mul3A_1336 = arith.mulf %mul3A_1335, %get3A_1334 : vector<16xf32>
            %max3A_1337 = arith.maximumf %max3A_1235, %mul3A_1336 : vector<16xf32>
            %min3A_1338 = arith.minimumf %max3A_1235, %mul3A_1336 : vector<16xf32>
            %max3A_1339 = arith.maximumf %max3A_1237, %min3A_1338 : vector<16xf32>
            %min3A_1340 = arith.minimumf %max3A_1237, %min3A_1338 : vector<16xf32>
            %max3A_1341 = arith.maximumf %max3A_1239, %min3A_1340 : vector<16xf32>
            %min3A_1342 = arith.minimumf %max3A_1239, %min3A_1340 : vector<16xf32>
            %max3A_1343 = arith.maximumf %max3A_1241, %min3A_1342 : vector<16xf32>
            %min3A_1344 = arith.minimumf %max3A_1241, %min3A_1342 : vector<16xf32>
            %max3A_1345 = arith.maximumf %max3A_1243, %min3A_1344 : vector<16xf32>
            %mul3A_1346 = arith.constant 16 : i32
            %mul3A_1347 = arith.muli %scan3A_125, %mul3A_1346 : i32
            %add3A_1348 = arith.constant 11 : i32
            %add3A_1349 = arith.addi %mul3A_1347, %add3A_1348 : i32
            %mul3A_1350 = arith.constant 4 : i32
            %mul3A_1351 = arith.muli %scan3A_59, %mul3A_1350 : i32
            %add3A_1352 = arith.constant 3 : i32
            %add3A_1353 = arith.addi %mul3A_1351, %add3A_1352 : i32
            %mul3A_1354 = arith.constant 16 : i32
            %mul3A_1355 = arith.muli %add3A_1353, %mul3A_1354 : i32
            %get3A_1356 = arith.index_cast %add3A_1349 : i32 to index
            %get3A_1357 = arith.index_cast %mul3A_1355 : i32 to index
            %get3A_1358 = tpu.vector_load %arg6[%get3A_1356, %get3A_1357] {strides = array<i32>} : memref<128x256xf32, #tpu.memory_space<vmem>>, vector<1x16xf32>,
            %get3A_1359 = vector.shape_cast %get3A_1358 : vector<1x16xf32> to vector<16xf32>
            %mul3A_1360 = vector.broadcast %squeeze3A_1270 : f32 to vector<16xf32>
            %mul3A_1361 = arith.mulf %mul3A_1360, %get3A_1359 : vector<16xf32>
            %max3A_1362 = arith.maximumf %max3A_1260, %mul3A_1361 : vector<16xf32>
            %min3A_1363 = arith.minimumf %max3A_1260, %mul3A_1361 : vector<16xf32>
            %max3A_1364 = arith.maximumf %max3A_1262, %min3A_1363 : vector<16xf32>
            %min3A_1365 = arith.minimumf %max3A_1262, %min3A_1363 : vector<16xf32>
            %max3A_1366 = arith.maximumf %max3A_1264, %min3A_1365 : vector<16xf32>
            %min3A_1367 = arith.minimumf %max3A_1264, %min3A_1365 : vector<16xf32>
            %max3A_1368 = arith.maximumf %max3A_1266, %min3A_1367 : vector<16xf32>
            %min3A_1369 = arith.minimumf %max3A_1266, %min3A_1367 : vector<16xf32>
            %max3A_1370 = arith.maximumf %max3A_1268, %min3A_1369 : vector<16xf32>
            %slice3A_1371 = vector.extract_strided_slice %get3A_150 {offsets = [12], sizes = [1], strides = [1]} : vector<16xf32> to vector<1xf32>
            %squeeze3A_1372 = vector.extract %slice3A_1371[0] : f32 from vector<1xf32>
            %mul3A_1373 = arith.constant 16 : i32
            %mul3A_1374 = arith.muli %scan3A_125, %mul3A_1373 : i32
            %add3A_1375 = arith.constant 12 : i32
            %add3A_1376 = arith.addi %mul3A_1374, %add3A_1375 : i32
            %mul3A_1377 = arith.constant 4 : i32
            %mul3A_1378 = arith.muli %scan3A_59, %mul3A_1377 : i32
            %add3A_1379 = arith.constant 0 : i32
            %add3A_1380 = arith.addi %mul3A_1378, %add3A_1379 : i32
            %mul3A_1381 = arith.constant 16 : i32
            %mul3A_1382 = arith.muli %add3A_1380, %mul3A_1381 : i32
            %get3A_1383 = arith.index_cast %add3A_1376 : i32 to index
            %get3A_1384 = arith.index_cast %mul3A_1382 : i32 to index
            %get3A_1385 = tpu.vector_load %arg6[%get3A_1383, %get3A_1384] {strides = array<i32>} : memref<128x256xf32, #tpu.memory_space<vmem>>, vector<1x16xf32>,
            %get3A_1386 = vector.shape_cast %get3A_1385 : vector<1x16xf32> to vector<16xf32>
            %mul3A_1387 = vector.broadcast %squeeze3A_1372 : f32 to vector<16xf32>
            %mul3A_1388 = arith.mulf %mul3A_1387, %get3A_1386 : vector<16xf32>
            %max3A_1389 = arith.maximumf %max3A_1287, %mul3A_1388 : vector<16xf32>
            %min3A_1390 = arith.minimumf %max3A_1287, %mul3A_1388 : vector<16xf32>
            %max3A_1391 = arith.maximumf %max3A_1289, %min3A_1390 : vector<16xf32>
            %min3A_1392 = arith.minimumf %max3A_1289, %min3A_1390 : vector<16xf32>
            %max3A_1393 = arith.maximumf %max3A_1291, %min3A_1392 : vector<16xf32>
            %min3A_1394 = arith.minimumf %max3A_1291, %min3A_1392 : vector<16xf32>
            %max3A_1395 = arith.maximumf %max3A_1293, %min3A_1394 : vector<16xf32>
            %min3A_1396 = arith.minimumf %max3A_1293, %min3A_1394 : vector<16xf32>
            %max3A_1397 = arith.maximumf %max3A_1295, %min3A_1396 : vector<16xf32>
            %mul3A_1398 = arith.constant 16 : i32
            %mul3A_1399 = arith.muli %scan3A_125, %mul3A_1398 : i32
            %add3A_1400 = arith.constant 12 : i32
            %add3A_1401 = arith.addi %mul3A_1399, %add3A_1400 : i32
            %mul3A_1402 = arith.constant 4 : i32
            %mul3A_1403 = arith.muli %scan3A_59, %mul3A_1402 : i32
            %add3A_1404 = arith.constant 1 : i32
            %add3A_1405 = arith.addi %mul3A_1403, %add3A_1404 : i32
            %mul3A_1406 = arith.constant 16 : i32
            %mul3A_1407 = arith.muli %add3A_1405, %mul3A_1406 : i32
            %get3A_1408 = arith.index_cast %add3A_1401 : i32 to index
            %get3A_1409 = arith.index_cast %mul3A_1407 : i32 to index
            %get3A_1410 = tpu.vector_load %arg6[%get3A_1408, %get3A_1409] {strides = array<i32>} : memref<128x256xf32, #tpu.memory_space<vmem>>, vector<1x16xf32>,
            %get3A_1411 = vector.shape_cast %get3A_1410 : vector<1x16xf32> to vector<16xf32>
            %mul3A_1412 = vector.broadcast %squeeze3A_1372 : f32 to vector<16xf32>
            %mul3A_1413 = arith.mulf %mul3A_1412, %get3A_1411 : vector<16xf32>
            %max3A_1414 = arith.maximumf %max3A_1312, %mul3A_1413 : vector<16xf32>
            %min3A_1415 = arith.minimumf %max3A_1312, %mul3A_1413 : vector<16xf32>
            %max3A_1416 = arith.maximumf %max3A_1314, %min3A_1415 : vector<16xf32>
            %min3A_1417 = arith.minimumf %max3A_1314, %min3A_1415 : vector<16xf32>
            %max3A_1418 = arith.maximumf %max3A_1316, %min3A_1417 : vector<16xf32>
            %min3A_1419 = arith.minimumf %max3A_1316, %min3A_1417 : vector<16xf32>
            %max3A_1420 = arith.maximumf %max3A_1318, %min3A_1419 : vector<16xf32>
            %min3A_1421 = arith.minimumf %max3A_1318, %min3A_1419 : vector<16xf32>
            %max3A_1422 = arith.maximumf %max3A_1320, %min3A_1421 : vector<16xf32>
            %mul3A_1423 = arith.constant 16 : i32
            %mul3A_1424 = arith.muli %scan3A_125, %mul3A_1423 : i32
            %add3A_1425 = arith.constant 12 : i32
            %add3A_1426 = arith.addi %mul3A_1424, %add3A_1425 : i32
            %mul3A_1427 = arith.constant 4 : i32
            %mul3A_1428 = arith.muli %scan3A_59, %mul3A_1427 : i32
            %add3A_1429 = arith.constant 2 : i32
            %add3A_1430 = arith.addi %mul3A_1428, %add3A_1429 : i32
            %mul3A_1431 = arith.constant 16 : i32
            %mul3A_1432 = arith.muli %add3A_1430, %mul3A_1431 : i32
            %get3A_1433 = arith.index_cast %add3A_1426 : i32 to index
            %get3A_1434 = arith.index_cast %mul3A_1432 : i32 to index
            %get3A_1435 = tpu.vector_load %arg6[%get3A_1433, %get3A_1434] {strides = array<i32>} : memref<128x256xf32, #tpu.memory_space<vmem>>, vector<1x16xf32>,
            %get3A_1436 = vector.shape_cast %get3A_1435 : vector<1x16xf32> to vector<16xf32>
            %mul3A_1437 = vector.broadcast %squeeze3A_1372 : f32 to vector<16xf32>
            %mul3A_1438 = arith.mulf %mul3A_1437, %get3A_1436 : vector<16xf32>
            %max3A_1439 = arith.maximumf %max3A_1337, %mul3A_1438 : vector<16xf32>
            %min3A_1440 = arith.minimumf %max3A_1337, %mul3A_1438 : vector<16xf32>
            %max3A_1441 = arith.maximumf %max3A_1339, %min3A_1440 : vector<16xf32>
            %min3A_1442 = arith.minimumf %max3A_1339, %min3A_1440 : vector<16xf32>
            %max3A_1443 = arith.maximumf %max3A_1341, %min3A_1442 : vector<16xf32>
            %min3A_1444 = arith.minimumf %max3A_1341, %min3A_1442 : vector<16xf32>
            %max3A_1445 = arith.maximumf %max3A_1343, %min3A_1444 : vector<16xf32>
            %min3A_1446 = arith.minimumf %max3A_1343, %min3A_1444 : vector<16xf32>
            %max3A_1447 = arith.maximumf %max3A_1345, %min3A_1446 : vector<16xf32>
            %mul3A_1448 = arith.constant 16 : i32
            %mul3A_1449 = arith.muli %scan3A_125, %mul3A_1448 : i32
            %add3A_1450 = arith.constant 12 : i32
            %add3A_1451 = arith.addi %mul3A_1449, %add3A_1450 : i32
            %mul3A_1452 = arith.constant 4 : i32
            %mul3A_1453 = arith.muli %scan3A_59, %mul3A_1452 : i32
            %add3A_1454 = arith.constant 3 : i32
            %add3A_1455 = arith.addi %mul3A_1453, %add3A_1454 : i32
            %mul3A_1456 = arith.constant 16 : i32
            %mul3A_1457 = arith.muli %add3A_1455, %mul3A_1456 : i32
            %get3A_1458 = arith.index_cast %add3A_1451 : i32 to index
            %get3A_1459 = arith.index_cast %mul3A_1457 : i32 to index
            %get3A_1460 = tpu.vector_load %arg6[%get3A_1458, %get3A_1459] {strides = array<i32>} : memref<128x256xf32, #tpu.memory_space<vmem>>, vector<1x16xf32>,
            %get3A_1461 = vector.shape_cast %get3A_1460 : vector<1x16xf32> to vector<16xf32>
            %mul3A_1462 = vector.broadcast %squeeze3A_1372 : f32 to vector<16xf32>
            %mul3A_1463 = arith.mulf %mul3A_1462, %get3A_1461 : vector<16xf32>
            %max3A_1464 = arith.maximumf %max3A_1362, %mul3A_1463 : vector<16xf32>
            %min3A_1465 = arith.minimumf %max3A_1362, %mul3A_1463 : vector<16xf32>
            %max3A_1466 = arith.maximumf %max3A_1364, %min3A_1465 : vector<16xf32>
            %min3A_1467 = arith.minimumf %max3A_1364, %min3A_1465 : vector<16xf32>
            %max3A_1468 = arith.maximumf %max3A_1366, %min3A_1467 : vector<16xf32>
            %min3A_1469 = arith.minimumf %max3A_1366, %min3A_1467 : vector<16xf32>
            %max3A_1470 = arith.maximumf %max3A_1368, %min3A_1469 : vector<16xf32>
            %min3A_1471 = arith.minimumf %max3A_1368, %min3A_1469 : vector<16xf32>
            %max3A_1472 = arith.maximumf %max3A_1370, %min3A_1471 : vector<16xf32>
            %slice3A_1473 = vector.extract_strided_slice %get3A_150 {offsets = [13], sizes = [1], strides = [1]} : vector<16xf32> to vector<1xf32>
            %squeeze3A_1474 = vector.extract %slice3A_1473[0] : f32 from vector<1xf32>
            %mul3A_1475 = arith.constant 16 : i32
            %mul3A_1476 = arith.muli %scan3A_125, %mul3A_1475 : i32
            %add3A_1477 = arith.constant 13 : i32
            %add3A_1478 = arith.addi %mul3A_1476, %add3A_1477 : i32
            %mul3A_1479 = arith.constant 4 : i32
            %mul3A_1480 = arith.muli %scan3A_59, %mul3A_1479 : i32
            %add3A_1481 = arith.constant 0 : i32
            %add3A_1482 = arith.addi %mul3A_1480, %add3A_1481 : i32
            %mul3A_1483 = arith.constant 16 : i32
            %mul3A_1484 = arith.muli %add3A_1482, %mul3A_1483 : i32
            %get3A_1485 = arith.index_cast %add3A_1478 : i32 to index
            %get3A_1486 = arith.index_cast %mul3A_1484 : i32 to index
            %get3A_1487 = tpu.vector_load %arg6[%get3A_1485, %get3A_1486] {strides = array<i32>} : memref<128x256xf32, #tpu.memory_space<vmem>>, vector<1x16xf32>,
            %get3A_1488 = vector.shape_cast %get3A_1487 : vector<1x16xf32> to vector<16xf32>
            %mul3A_1489 = vector.broadcast %squeeze3A_1474 : f32 to vector<16xf32>
            %mul3A_1490 = arith.mulf %mul3A_1489, %get3A_1488 : vector<16xf32>
            %max3A_1491 = arith.maximumf %max3A_1389, %mul3A_1490 : vector<16xf32>
            %min3A_1492 = arith.minimumf %max3A_1389, %mul3A_1490 : vector<16xf32>
            %max3A_1493 = arith.maximumf %max3A_1391, %min3A_1492 : vector<16xf32>
            %min3A_1494 = arith.minimumf %max3A_1391, %min3A_1492 : vector<16xf32>
            %max3A_1495 = arith.maximumf %max3A_1393, %min3A_1494 : vector<16xf32>
            %min3A_1496 = arith.minimumf %max3A_1393, %min3A_1494 : vector<16xf32>
            %max3A_1497 = arith.maximumf %max3A_1395, %min3A_1496 : vector<16xf32>
            %min3A_1498 = arith.minimumf %max3A_1395, %min3A_1496 : vector<16xf32>
            %max3A_1499 = arith.maximumf %max3A_1397, %min3A_1498 : vector<16xf32>
            %mul3A_1500 = arith.constant 16 : i32
            %mul3A_1501 = arith.muli %scan3A_125, %mul3A_1500 : i32
            %add3A_1502 = arith.constant 13 : i32
            %add3A_1503 = arith.addi %mul3A_1501, %add3A_1502 : i32
            %mul3A_1504 = arith.constant 4 : i32
            %mul3A_1505 = arith.muli %scan3A_59, %mul3A_1504 : i32
            %add3A_1506 = arith.constant 1 : i32
            %add3A_1507 = arith.addi %mul3A_1505, %add3A_1506 : i32
            %mul3A_1508 = arith.constant 16 : i32
            %mul3A_1509 = arith.muli %add3A_1507, %mul3A_1508 : i32
            %get3A_1510 = arith.index_cast %add3A_1503 : i32 to index
            %get3A_1511 = arith.index_cast %mul3A_1509 : i32 to index
            %get3A_1512 = tpu.vector_load %arg6[%get3A_1510, %get3A_1511] {strides = array<i32>} : memref<128x256xf32, #tpu.memory_space<vmem>>, vector<1x16xf32>,
            %get3A_1513 = vector.shape_cast %get3A_1512 : vector<1x16xf32> to vector<16xf32>
            %mul3A_1514 = vector.broadcast %squeeze3A_1474 : f32 to vector<16xf32>
            %mul3A_1515 = arith.mulf %mul3A_1514, %get3A_1513 : vector<16xf32>
            %max3A_1516 = arith.maximumf %max3A_1414, %mul3A_1515 : vector<16xf32>
            %min3A_1517 = arith.minimumf %max3A_1414, %mul3A_1515 : vector<16xf32>
            %max3A_1518 = arith.maximumf %max3A_1416, %min3A_1517 : vector<16xf32>
            %min3A_1519 = arith.minimumf %max3A_1416, %min3A_1517 : vector<16xf32>
            %max3A_1520 = arith.maximumf %max3A_1418, %min3A_1519 : vector<16xf32>
            %min3A_1521 = arith.minimumf %max3A_1418, %min3A_1519 : vector<16xf32>
            %max3A_1522 = arith.maximumf %max3A_1420, %min3A_1521 : vector<16xf32>
            %min3A_1523 = arith.minimumf %max3A_1420, %min3A_1521 : vector<16xf32>
            %max3A_1524 = arith.maximumf %max3A_1422, %min3A_1523 : vector<16xf32>
            %mul3A_1525 = arith.constant 16 : i32
            %mul3A_1526 = arith.muli %scan3A_125, %mul3A_1525 : i32
            %add3A_1527 = arith.constant 13 : i32
            %add3A_1528 = arith.addi %mul3A_1526, %add3A_1527 : i32
            %mul3A_1529 = arith.constant 4 : i32
            %mul3A_1530 = arith.muli %scan3A_59, %mul3A_1529 : i32
            %add3A_1531 = arith.constant 2 : i32
            %add3A_1532 = arith.addi %mul3A_1530, %add3A_1531 : i32
            %mul3A_1533 = arith.constant 16 : i32
            %mul3A_1534 = arith.muli %add3A_1532, %mul3A_1533 : i32
            %get3A_1535 = arith.index_cast %add3A_1528 : i32 to index
            %get3A_1536 = arith.index_cast %mul3A_1534 : i32 to index
            %get3A_1537 = tpu.vector_load %arg6[%get3A_1535, %get3A_1536] {strides = array<i32>} : memref<128x256xf32, #tpu.memory_space<vmem>>, vector<1x16xf32>,
            %get3A_1538 = vector.shape_cast %get3A_1537 : vector<1x16xf32> to vector<16xf32>
            %mul3A_1539 = vector.broadcast %squeeze3A_1474 : f32 to vector<16xf32>
            %mul3A_1540 = arith.mulf %mul3A_1539, %get3A_1538 : vector<16xf32>
            %max3A_1541 = arith.maximumf %max3A_1439, %mul3A_1540 : vector<16xf32>
            %min3A_1542 = arith.minimumf %max3A_1439, %mul3A_1540 : vector<16xf32>
            %max3A_1543 = arith.maximumf %max3A_1441, %min3A_1542 : vector<16xf32>
            %min3A_1544 = arith.minimumf %max3A_1441, %min3A_1542 : vector<16xf32>
            %max3A_1545 = arith.maximumf %max3A_1443, %min3A_1544 : vector<16xf32>
            %min3A_1546 = arith.minimumf %max3A_1443, %min3A_1544 : vector<16xf32>
            %max3A_1547 = arith.maximumf %max3A_1445, %min3A_1546 : vector<16xf32>
            %min3A_1548 = arith.minimumf %max3A_1445, %min3A_1546 : vector<16xf32>
            %max3A_1549 = arith.maximumf %max3A_1447, %min3A_1548 : vector<16xf32>
            %mul3A_1550 = arith.constant 16 : i32
            %mul3A_1551 = arith.muli %scan3A_125, %mul3A_1550 : i32
            %add3A_1552 = arith.constant 13 : i32
            %add3A_1553 = arith.addi %mul3A_1551, %add3A_1552 : i32
            %mul3A_1554 = arith.constant 4 : i32
            %mul3A_1555 = arith.muli %scan3A_59, %mul3A_1554 : i32
            %add3A_1556 = arith.constant 3 : i32
            %add3A_1557 = arith.addi %mul3A_1555, %add3A_1556 : i32
            %mul3A_1558 = arith.constant 16 : i32
            %mul3A_1559 = arith.muli %add3A_1557, %mul3A_1558 : i32
            %get3A_1560 = arith.index_cast %add3A_1553 : i32 to index
            %get3A_1561 = arith.index_cast %mul3A_1559 : i32 to index
            %get3A_1562 = tpu.vector_load %arg6[%get3A_1560, %get3A_1561] {strides = array<i32>} : memref<128x256xf32, #tpu.memory_space<vmem>>, vector<1x16xf32>,
            %get3A_1563 = vector.shape_cast %get3A_1562 : vector<1x16xf32> to vector<16xf32>
            %mul3A_1564 = vector.broadcast %squeeze3A_1474 : f32 to vector<16xf32>
            %mul3A_1565 = arith.mulf %mul3A_1564, %get3A_1563 : vector<16xf32>
            %max3A_1566 = arith.maximumf %max3A_1464, %mul3A_1565 : vector<16xf32>
            %min3A_1567 = arith.minimumf %max3A_1464, %mul3A_1565 : vector<16xf32>
            %max3A_1568 = arith.maximumf %max3A_1466, %min3A_1567 : vector<16xf32>
            %min3A_1569 = arith.minimumf %max3A_1466, %min3A_1567 : vector<16xf32>
            %max3A_1570 = arith.maximumf %max3A_1468, %min3A_1569 : vector<16xf32>
            %min3A_1571 = arith.minimumf %max3A_1468, %min3A_1569 : vector<16xf32>
            %max3A_1572 = arith.maximumf %max3A_1470, %min3A_1571 : vector<16xf32>
            %min3A_1573 = arith.minimumf %max3A_1470, %min3A_1571 : vector<16xf32>
            %max3A_1574 = arith.maximumf %max3A_1472, %min3A_1573 : vector<16xf32>
            %slice3A_1575 = vector.extract_strided_slice %get3A_150 {offsets = [14], sizes = [1], strides = [1]} : vector<16xf32> to vector<1xf32>
            %squeeze3A_1576 = vector.extract %slice3A_1575[0] : f32 from vector<1xf32>
            %mul3A_1577 = arith.constant 16 : i32
            %mul3A_1578 = arith.muli %scan3A_125, %mul3A_1577 : i32
            %add3A_1579 = arith.constant 14 : i32
            %add3A_1580 = arith.addi %mul3A_1578, %add3A_1579 : i32
            %mul3A_1581 = arith.constant 4 : i32
            %mul3A_1582 = arith.muli %scan3A_59, %mul3A_1581 : i32
            %add3A_1583 = arith.constant 0 : i32
            %add3A_1584 = arith.addi %mul3A_1582, %add3A_1583 : i32
            %mul3A_1585 = arith.constant 16 : i32
            %mul3A_1586 = arith.muli %add3A_1584, %mul3A_1585 : i32
            %get3A_1587 = arith.index_cast %add3A_1580 : i32 to index
            %get3A_1588 = arith.index_cast %mul3A_1586 : i32 to index
            %get3A_1589 = tpu.vector_load %arg6[%get3A_1587, %get3A_1588] {strides = array<i32>} : memref<128x256xf32, #tpu.memory_space<vmem>>, vector<1x16xf32>,
            %get3A_1590 = vector.shape_cast %get3A_1589 : vector<1x16xf32> to vector<16xf32>
            %mul3A_1591 = vector.broadcast %squeeze3A_1576 : f32 to vector<16xf32>
            %mul3A_1592 = arith.mulf %mul3A_1591, %get3A_1590 : vector<16xf32>
            %max3A_1593 = arith.maximumf %max3A_1491, %mul3A_1592 : vector<16xf32>
            %min3A_1594 = arith.minimumf %max3A_1491, %mul3A_1592 : vector<16xf32>
            %max3A_1595 = arith.maximumf %max3A_1493, %min3A_1594 : vector<16xf32>
            %min3A_1596 = arith.minimumf %max3A_1493, %min3A_1594 : vector<16xf32>
            %max3A_1597 = arith.maximumf %max3A_1495, %min3A_1596 : vector<16xf32>
            %min3A_1598 = arith.minimumf %max3A_1495, %min3A_1596 : vector<16xf32>
            %max3A_1599 = arith.maximumf %max3A_1497, %min3A_1598 : vector<16xf32>
            %min3A_1600 = arith.minimumf %max3A_1497, %min3A_1598 : vector<16xf32>
            %max3A_1601 = arith.maximumf %max3A_1499, %min3A_1600 : vector<16xf32>
            %mul3A_1602 = arith.constant 16 : i32
            %mul3A_1603 = arith.muli %scan3A_125, %mul3A_1602 : i32
            %add3A_1604 = arith.constant 14 : i32
            %add3A_1605 = arith.addi %mul3A_1603, %add3A_1604 : i32
            %mul3A_1606 = arith.constant 4 : i32
            %mul3A_1607 = arith.muli %scan3A_59, %mul3A_1606 : i32
            %add3A_1608 = arith.constant 1 : i32
            %add3A_1609 = arith.addi %mul3A_1607, %add3A_1608 : i32
            %mul3A_1610 = arith.constant 16 : i32
            %mul3A_1611 = arith.muli %add3A_1609, %mul3A_1610 : i32
            %get3A_1612 = arith.index_cast %add3A_1605 : i32 to index
            %get3A_1613 = arith.index_cast %mul3A_1611 : i32 to index
            %get3A_1614 = tpu.vector_load %arg6[%get3A_1612, %get3A_1613] {strides = array<i32>} : memref<128x256xf32, #tpu.memory_space<vmem>>, vector<1x16xf32>,
            %get3A_1615 = vector.shape_cast %get3A_1614 : vector<1x16xf32> to vector<16xf32>
            %mul3A_1616 = vector.broadcast %squeeze3A_1576 : f32 to vector<16xf32>
            %mul3A_1617 = arith.mulf %mul3A_1616, %get3A_1615 : vector<16xf32>
            %max3A_1618 = arith.maximumf %max3A_1516, %mul3A_1617 : vector<16xf32>
            %min3A_1619 = arith.minimumf %max3A_1516, %mul3A_1617 : vector<16xf32>
            %max3A_1620 = arith.maximumf %max3A_1518, %min3A_1619 : vector<16xf32>
            %min3A_1621 = arith.minimumf %max3A_1518, %min3A_1619 : vector<16xf32>
            %max3A_1622 = arith.maximumf %max3A_1520, %min3A_1621 : vector<16xf32>
            %min3A_1623 = arith.minimumf %max3A_1520, %min3A_1621 : vector<16xf32>
            %max3A_1624 = arith.maximumf %max3A_1522, %min3A_1623 : vector<16xf32>
            %min3A_1625 = arith.minimumf %max3A_1522, %min3A_1623 : vector<16xf32>
            %max3A_1626 = arith.maximumf %max3A_1524, %min3A_1625 : vector<16xf32>
            %mul3A_1627 = arith.constant 16 : i32
            %mul3A_1628 = arith.muli %scan3A_125, %mul3A_1627 : i32
            %add3A_1629 = arith.constant 14 : i32
            %add3A_1630 = arith.addi %mul3A_1628, %add3A_1629 : i32
            %mul3A_1631 = arith.constant 4 : i32
            %mul3A_1632 = arith.muli %scan3A_59, %mul3A_1631 : i32
            %add3A_1633 = arith.constant 2 : i32
            %add3A_1634 = arith.addi %mul3A_1632, %add3A_1633 : i32
            %mul3A_1635 = arith.constant 16 : i32
            %mul3A_1636 = arith.muli %add3A_1634, %mul3A_1635 : i32
            %get3A_1637 = arith.index_cast %add3A_1630 : i32 to index
            %get3A_1638 = arith.index_cast %mul3A_1636 : i32 to index
            %get3A_1639 = tpu.vector_load %arg6[%get3A_1637, %get3A_1638] {strides = array<i32>} : memref<128x256xf32, #tpu.memory_space<vmem>>, vector<1x16xf32>,
            %get3A_1640 = vector.shape_cast %get3A_1639 : vector<1x16xf32> to vector<16xf32>
            %mul3A_1641 = vector.broadcast %squeeze3A_1576 : f32 to vector<16xf32>
            %mul3A_1642 = arith.mulf %mul3A_1641, %get3A_1640 : vector<16xf32>
            %max3A_1643 = arith.maximumf %max3A_1541, %mul3A_1642 : vector<16xf32>
            %min3A_1644 = arith.minimumf %max3A_1541, %mul3A_1642 : vector<16xf32>
            %max3A_1645 = arith.maximumf %max3A_1543, %min3A_1644 : vector<16xf32>
            %min3A_1646 = arith.minimumf %max3A_1543, %min3A_1644 : vector<16xf32>
            %max3A_1647 = arith.maximumf %max3A_1545, %min3A_1646 : vector<16xf32>
            %min3A_1648 = arith.minimumf %max3A_1545, %min3A_1646 : vector<16xf32>
            %max3A_1649 = arith.maximumf %max3A_1547, %min3A_1648 : vector<16xf32>
            %min3A_1650 = arith.minimumf %max3A_1547, %min3A_1648 : vector<16xf32>
            %max3A_1651 = arith.maximumf %max3A_1549, %min3A_1650 : vector<16xf32>
            %mul3A_1652 = arith.constant 16 : i32
            %mul3A_1653 = arith.muli %scan3A_125, %mul3A_1652 : i32
            %add3A_1654 = arith.constant 14 : i32
            %add3A_1655 = arith.addi %mul3A_1653, %add3A_1654 : i32
            %mul3A_1656 = arith.constant 4 : i32
            %mul3A_1657 = arith.muli %scan3A_59, %mul3A_1656 : i32
            %add3A_1658 = arith.constant 3 : i32
            %add3A_1659 = arith.addi %mul3A_1657, %add3A_1658 : i32
            %mul3A_1660 = arith.constant 16 : i32
            %mul3A_1661 = arith.muli %add3A_1659, %mul3A_1660 : i32
            %get3A_1662 = arith.index_cast %add3A_1655 : i32 to index
            %get3A_1663 = arith.index_cast %mul3A_1661 : i32 to index
            %get3A_1664 = tpu.vector_load %arg6[%get3A_1662, %get3A_1663] {strides = array<i32>} : memref<128x256xf32, #tpu.memory_space<vmem>>, vector<1x16xf32>,
            %get3A_1665 = vector.shape_cast %get3A_1664 : vector<1x16xf32> to vector<16xf32>
            %mul3A_1666 = vector.broadcast %squeeze3A_1576 : f32 to vector<16xf32>
            %mul3A_1667 = arith.mulf %mul3A_1666, %get3A_1665 : vector<16xf32>
            %max3A_1668 = arith.maximumf %max3A_1566, %mul3A_1667 : vector<16xf32>
            %min3A_1669 = arith.minimumf %max3A_1566, %mul3A_1667 : vector<16xf32>
            %max3A_1670 = arith.maximumf %max3A_1568, %min3A_1669 : vector<16xf32>
            %min3A_1671 = arith.minimumf %max3A_1568, %min3A_1669 : vector<16xf32>
            %max3A_1672 = arith.maximumf %max3A_1570, %min3A_1671 : vector<16xf32>
            %min3A_1673 = arith.minimumf %max3A_1570, %min3A_1671 : vector<16xf32>
            %max3A_1674 = arith.maximumf %max3A_1572, %min3A_1673 : vector<16xf32>
            %min3A_1675 = arith.minimumf %max3A_1572, %min3A_1673 : vector<16xf32>
            %max3A_1676 = arith.maximumf %max3A_1574, %min3A_1675 : vector<16xf32>
            %slice3A_1677 = vector.extract_strided_slice %get3A_150 {offsets = [15], sizes = [1], strides = [1]} : vector<16xf32> to vector<1xf32>
            %squeeze3A_1678 = vector.extract %slice3A_1677[0] : f32 from vector<1xf32>
            %mul3A_1679 = arith.constant 16 : i32
            %mul3A_1680 = arith.muli %scan3A_125, %mul3A_1679 : i32
            %add3A_1681 = arith.constant 15 : i32
            %add3A_1682 = arith.addi %mul3A_1680, %add3A_1681 : i32
            %mul3A_1683 = arith.constant 4 : i32
            %mul3A_1684 = arith.muli %scan3A_59, %mul3A_1683 : i32
            %add3A_1685 = arith.constant 0 : i32
            %add3A_1686 = arith.addi %mul3A_1684, %add3A_1685 : i32
            %mul3A_1687 = arith.constant 16 : i32
            %mul3A_1688 = arith.muli %add3A_1686, %mul3A_1687 : i32
            %get3A_1689 = arith.index_cast %add3A_1682 : i32 to index
            %get3A_1690 = arith.index_cast %mul3A_1688 : i32 to index
            %get3A_1691 = tpu.vector_load %arg6[%get3A_1689, %get3A_1690] {strides = array<i32>} : memref<128x256xf32, #tpu.memory_space<vmem>>, vector<1x16xf32>,
            %get3A_1692 = vector.shape_cast %get3A_1691 : vector<1x16xf32> to vector<16xf32>
            %mul3A_1693 = vector.broadcast %squeeze3A_1678 : f32 to vector<16xf32>
            %mul3A_1694 = arith.mulf %mul3A_1693, %get3A_1692 : vector<16xf32>
            %max3A_1695 = arith.maximumf %max3A_1593, %mul3A_1694 : vector<16xf32>
            %min3A_1696 = arith.minimumf %max3A_1593, %mul3A_1694 : vector<16xf32>
            %max3A_1697 = arith.maximumf %max3A_1595, %min3A_1696 : vector<16xf32>
            %min3A_1698 = arith.minimumf %max3A_1595, %min3A_1696 : vector<16xf32>
            %max3A_1699 = arith.maximumf %max3A_1597, %min3A_1698 : vector<16xf32>
            %min3A_1700 = arith.minimumf %max3A_1597, %min3A_1698 : vector<16xf32>
            %max3A_1701 = arith.maximumf %max3A_1599, %min3A_1700 : vector<16xf32>
            %min3A_1702 = arith.minimumf %max3A_1599, %min3A_1700 : vector<16xf32>
            %max3A_1703 = arith.maximumf %max3A_1601, %min3A_1702 : vector<16xf32>
            %mul3A_1704 = arith.constant 16 : i32
            %mul3A_1705 = arith.muli %scan3A_125, %mul3A_1704 : i32
            %add3A_1706 = arith.constant 15 : i32
            %add3A_1707 = arith.addi %mul3A_1705, %add3A_1706 : i32
            %mul3A_1708 = arith.constant 4 : i32
            %mul3A_1709 = arith.muli %scan3A_59, %mul3A_1708 : i32
            %add3A_1710 = arith.constant 1 : i32
            %add3A_1711 = arith.addi %mul3A_1709, %add3A_1710 : i32
            %mul3A_1712 = arith.constant 16 : i32
            %mul3A_1713 = arith.muli %add3A_1711, %mul3A_1712 : i32
            %get3A_1714 = arith.index_cast %add3A_1707 : i32 to index
            %get3A_1715 = arith.index_cast %mul3A_1713 : i32 to index
            %get3A_1716 = tpu.vector_load %arg6[%get3A_1714, %get3A_1715] {strides = array<i32>} : memref<128x256xf32, #tpu.memory_space<vmem>>, vector<1x16xf32>,
            %get3A_1717 = vector.shape_cast %get3A_1716 : vector<1x16xf32> to vector<16xf32>
            %mul3A_1718 = vector.broadcast %squeeze3A_1678 : f32 to vector<16xf32>
            %mul3A_1719 = arith.mulf %mul3A_1718, %get3A_1717 : vector<16xf32>
            %max3A_1720 = arith.maximumf %max3A_1618, %mul3A_1719 : vector<16xf32>
            %min3A_1721 = arith.minimumf %max3A_1618, %mul3A_1719 : vector<16xf32>
            %max3A_1722 = arith.maximumf %max3A_1620, %min3A_1721 : vector<16xf32>
            %min3A_1723 = arith.minimumf %max3A_1620, %min3A_1721 : vector<16xf32>
            %max3A_1724 = arith.maximumf %max3A_1622, %min3A_1723 : vector<16xf32>
            %min3A_1725 = arith.minimumf %max3A_1622, %min3A_1723 : vector<16xf32>
            %max3A_1726 = arith.maximumf %max3A_1624, %min3A_1725 : vector<16xf32>
            %min3A_1727 = arith.minimumf %max3A_1624, %min3A_1725 : vector<16xf32>
            %max3A_1728 = arith.maximumf %max3A_1626, %min3A_1727 : vector<16xf32>
            %mul3A_1729 = arith.constant 16 : i32
            %mul3A_1730 = arith.muli %scan3A_125, %mul3A_1729 : i32
            %add3A_1731 = arith.constant 15 : i32
            %add3A_1732 = arith.addi %mul3A_1730, %add3A_1731 : i32
            %mul3A_1733 = arith.constant 4 : i32
            %mul3A_1734 = arith.muli %scan3A_59, %mul3A_1733 : i32
            %add3A_1735 = arith.constant 2 : i32
            %add3A_1736 = arith.addi %mul3A_1734, %add3A_1735 : i32
            %mul3A_1737 = arith.constant 16 : i32
            %mul3A_1738 = arith.muli %add3A_1736, %mul3A_1737 : i32
            %get3A_1739 = arith.index_cast %add3A_1732 : i32 to index
            %get3A_1740 = arith.index_cast %mul3A_1738 : i32 to index
            %get3A_1741 = tpu.vector_load %arg6[%get3A_1739, %get3A_1740] {strides = array<i32>} : memref<128x256xf32, #tpu.memory_space<vmem>>, vector<1x16xf32>,
            %get3A_1742 = vector.shape_cast %get3A_1741 : vector<1x16xf32> to vector<16xf32>
            %mul3A_1743 = vector.broadcast %squeeze3A_1678 : f32 to vector<16xf32>
            %mul3A_1744 = arith.mulf %mul3A_1743, %get3A_1742 : vector<16xf32>
            %max3A_1745 = arith.maximumf %max3A_1643, %mul3A_1744 : vector<16xf32>
            %min3A_1746 = arith.minimumf %max3A_1643, %mul3A_1744 : vector<16xf32>
            %max3A_1747 = arith.maximumf %max3A_1645, %min3A_1746 : vector<16xf32>
            %min3A_1748 = arith.minimumf %max3A_1645, %min3A_1746 : vector<16xf32>
            %max3A_1749 = arith.maximumf %max3A_1647, %min3A_1748 : vector<16xf32>
            %min3A_1750 = arith.minimumf %max3A_1647, %min3A_1748 : vector<16xf32>
            %max3A_1751 = arith.maximumf %max3A_1649, %min3A_1750 : vector<16xf32>
            %min3A_1752 = arith.minimumf %max3A_1649, %min3A_1750 : vector<16xf32>
            %max3A_1753 = arith.maximumf %max3A_1651, %min3A_1752 : vector<16xf32>
            %mul3A_1754 = arith.constant 16 : i32
            %mul3A_1755 = arith.muli %scan3A_125, %mul3A_1754 : i32
            %add3A_1756 = arith.constant 15 : i32
            %add3A_1757 = arith.addi %mul3A_1755, %add3A_1756 : i32
            %mul3A_1758 = arith.constant 4 : i32
            %mul3A_1759 = arith.muli %scan3A_59, %mul3A_1758 : i32
            %add3A_1760 = arith.constant 3 : i32
            %add3A_1761 = arith.addi %mul3A_1759, %add3A_1760 : i32
            %mul3A_1762 = arith.constant 16 : i32
            %mul3A_1763 = arith.muli %add3A_1761, %mul3A_1762 : i32
            %get3A_1764 = arith.index_cast %add3A_1757 : i32 to index
            %get3A_1765 = arith.index_cast %mul3A_1763 : i32 to index
            %get3A_1766 = tpu.vector_load %arg6[%get3A_1764, %get3A_1765] {strides = array<i32>} : memref<128x256xf32, #tpu.memory_space<vmem>>, vector<1x16xf32>,
            %get3A_1767 = vector.shape_cast %get3A_1766 : vector<1x16xf32> to vector<16xf32>
            %mul3A_1768 = vector.broadcast %squeeze3A_1678 : f32 to vector<16xf32>
            %mul3A_1769 = arith.mulf %mul3A_1768, %get3A_1767 : vector<16xf32>
            %max3A_1770 = arith.maximumf %max3A_1668, %mul3A_1769 : vector<16xf32>
            %min3A_1771 = arith.minimumf %max3A_1668, %mul3A_1769 : vector<16xf32>
            %max3A_1772 = arith.maximumf %max3A_1670, %min3A_1771 : vector<16xf32>
            %min3A_1773 = arith.minimumf %max3A_1670, %min3A_1771 : vector<16xf32>
            %max3A_1774 = arith.maximumf %max3A_1672, %min3A_1773 : vector<16xf32>
            %min3A_1775 = arith.minimumf %max3A_1672, %min3A_1773 : vector<16xf32>
            %max3A_1776 = arith.maximumf %max3A_1674, %min3A_1775 : vector<16xf32>
            %min3A_1777 = arith.minimumf %max3A_1674, %min3A_1775 : vector<16xf32>
            %max3A_1778 = arith.maximumf %max3A_1676, %min3A_1777 : vector<16xf32>
            scf.yield %max3A_1695, %max3A_1697, %max3A_1699, %max3A_1701, %max3A_1703, %max3A_1720, %max3A_1722, %max3A_1724, %max3A_1726, %max3A_1728, %max3A_1745, %max3A_1747, %max3A_1749, %max3A_1751, %max3A_1753, %max3A_1770, %max3A_1772, %max3A_1774, %max3A_1776, %max3A_1778 : vector<16xf32>, vector<16xf32>, vector<16xf32>, vector<16xf32>, vector<16xf32>, vector<16xf32>, vector<16xf32>, vector<16xf32>, vector<16xf32>, vector<16xf32>, vector<16xf32>, vector<16xf32>, vector<16xf32>, vector<16xf32>, vector<16xf32>, vector<16xf32>, vector<16xf32>, vector<16xf32>, vector<16xf32>, vector<16xf32>
          }
          %scan3A_65 = arith.constant 8 : i32
          %add3A_66 = arith.addf %scan3A_64#0, %scan3A_64#1 : vector<16xf32>
          %add3A_67 = arith.addf %add3A_66, %scan3A_64#2 : vector<16xf32>
          %add3A_68 = arith.addf %add3A_67, %scan3A_64#3 : vector<16xf32>
          %add3A_69 = arith.addf %add3A_68, %scan3A_64#4 : vector<16xf32>
          %mul3A_70 = arith.constant 4 : i32
          %mul3A_71 = arith.muli %scan3A_59, %mul3A_70 : i32
          %add3A_72 = arith.constant 0 : i32
          %add3A_73 = arith.addi %mul3A_71, %add3A_72 : i32
          %mul3A_74 = arith.constant 16 : i32
          %mul3A_75 = arith.muli %add3A_73, %mul3A_74 : i32
          %swap3A = arith.index_cast %scan3A_50 : i32 to index
          %swap3A_76 = arith.index_cast %mul3A_75 : i32 to index
          %swap3A_77 = tpu.vector_load %arg7[%swap3A, %swap3A_76] {strides = array<i32>} : memref<32x256xf32, #tpu.memory_space<vmem>>, vector<1x16xf32>,
          %swap3A_78 = vector.shape_cast %swap3A_77 : vector<1x16xf32> to vector<16xf32>
          %swap3A_79 = vector.shape_cast %add3A_69 : vector<16xf32> to vector<1x16xf32>
          tpu.vector_store %arg7[%swap3A, %swap3A_76], %swap3A_79 {strides = array<i32>} : memref<32x256xf32, #tpu.memory_space<vmem>>, vector<1x16xf32>,
          %add3A_80 = arith.addf %scan3A_64#5, %scan3A_64#6 : vector<16xf32>
          %add3A_81 = arith.addf %add3A_80, %scan3A_64#7 : vector<16xf32>
          %add3A_82 = arith.addf %add3A_81, %scan3A_64#8 : vector<16xf32>
          %add3A_83 = arith.addf %add3A_82, %scan3A_64#9 : vector<16xf32>
          %mul3A_84 = arith.constant 4 : i32
          %mul3A_85 = arith.muli %scan3A_59, %mul3A_84 : i32
          %add3A_86 = arith.constant 1 : i32
          %add3A_87 = arith.addi %mul3A_85, %add3A_86 : i32
          %mul3A_88 = arith.constant 16 : i32
          %mul3A_89 = arith.muli %add3A_87, %mul3A_88 : i32
          %swap3A_90 = arith.index_cast %scan3A_50 : i32 to index
          %swap3A_91 = arith.index_cast %mul3A_89 : i32 to index
          %swap3A_92 = tpu.vector_load %arg7[%swap3A_90, %swap3A_91] {strides = array<i32>} : memref<32x256xf32, #tpu.memory_space<vmem>>, vector<1x16xf32>,
          %swap3A_93 = vector.shape_cast %swap3A_92 : vector<1x16xf32> to vector<16xf32>
          %swap3A_94 = vector.shape_cast %add3A_83 : vector<16xf32> to vector<1x16xf32>
          tpu.vector_store %arg7[%swap3A_90, %swap3A_91], %swap3A_94 {strides = array<i32>} : memref<32x256xf32, #tpu.memory_space<vmem>>, vector<1x16xf32>,
          %add3A_95 = arith.addf %scan3A_64#10, %scan3A_64#11 : vector<16xf32>
          %add3A_96 = arith.addf %add3A_95, %scan3A_64#12 : vector<16xf32>
          %add3A_97 = arith.addf %add3A_96, %scan3A_64#13 : vector<16xf32>
          %add3A_98 = arith.addf %add3A_97, %scan3A_64#14 : vector<16xf32>
          %mul3A_99 = arith.constant 4 : i32
          %mul3A_100 = arith.muli %scan3A_59, %mul3A_99 : i32
          %add3A_101 = arith.constant 2 : i32
          %add3A_102 = arith.addi %mul3A_100, %add3A_101 : i32
          %mul3A_103 = arith.constant 16 : i32
          %mul3A_104 = arith.muli %add3A_102, %mul3A_103 : i32
          %swap3A_105 = arith.index_cast %scan3A_50 : i32 to index
          %swap3A_106 = arith.index_cast %mul3A_104 : i32 to index
          %swap3A_107 = tpu.vector_load %arg7[%swap3A_105, %swap3A_106] {strides = array<i32>} : memref<32x256xf32, #tpu.memory_space<vmem>>, vector<1x16xf32>,
          %swap3A_108 = vector.shape_cast %swap3A_107 : vector<1x16xf32> to vector<16xf32>
          %swap3A_109 = vector.shape_cast %add3A_98 : vector<16xf32> to vector<1x16xf32>
          tpu.vector_store %arg7[%swap3A_105, %swap3A_106], %swap3A_109 {strides = array<i32>} : memref<32x256xf32, #tpu.memory_space<vmem>>, vector<1x16xf32>,
          %add3A_110 = arith.addf %scan3A_64#15, %scan3A_64#16 : vector<16xf32>
          %add3A_111 = arith.addf %add3A_110, %scan3A_64#17 : vector<16xf32>
          %add3A_112 = arith.addf %add3A_111, %scan3A_64#18 : vector<16xf32>
          %add3A_113 = arith.addf %add3A_112, %scan3A_64#19 : vector<16xf32>
          %mul3A_114 = arith.constant 4 : i32
          %mul3A_115 = arith.muli %scan3A_59, %mul3A_114 : i32
          %add3A_116 = arith.constant 3 : i32
          %add3A_117 = arith.addi %mul3A_115, %add3A_116 : i32
          %mul3A_118 = arith.constant 16 : i32
          %mul3A_119 = arith.muli %add3A_117, %mul3A_118 : i32
          %swap3A_120 = arith.index_cast %scan3A_50 : i32 to index
          %swap3A_121 = arith.index_cast %mul3A_119 : i32 to index
          %swap3A_122 = tpu.vector_load %arg7[%swap3A_120, %swap3A_121] {strides = array<i32>} : memref<32x256xf32, #tpu.memory_space<vmem>>, vector<1x16xf32>,
          %swap3A_123 = vector.shape_cast %swap3A_122 : vector<1x16xf32> to vector<16xf32>
          %swap3A_124 = vector.shape_cast %add3A_113 : vector<16xf32> to vector<1x16xf32>
          tpu.vector_store %arg7[%swap3A_120, %swap3A_121], %swap3A_124 {strides = array<i32>} : memref<32x256xf32, #tpu.memory_space<vmem>>, vector<1x16xf32>,
        }
        %scan3A_58 = arith.constant 4 : i32
      }
      %scan3A_46 = arith.constant 32 : i32
      %mul3A_47 = arith.constant 32 : i32
      %mul3A_48 = arith.muli %scan3A_41, %mul3A_47 : i32
      %add3A_49 = arith.addi %mul3A_34, %mul3A_48 : i32
      "tpu.region"() ({
        %run_scoped3A = tpu.sem_alloc : memref<!tpu.dma_semaphore, #tpu.memory_space<semaphore_mem>>
        %dma_start3A = tpu.memref_slice %arg4[%add3A_49, %mul3A_32] : memref<256x2048xf32, #tpu.memory_space<hbm>> -> memref<32x256xf32, #tpu.memory_space<hbm>>
        %dma_start3A_50 = tpu.memref_slice %arg4[%add3A_49, %mul3A_32] : memref<256x2048xf32, #tpu.memory_space<hbm>> -> memref<32x256xf32, #tpu.memory_space<hbm>>
        tpu.enqueue_dma source(%arg7 : memref<32x256xf32, #tpu.memory_space<vmem>>) target(%dma_start3A_50 : memref<32x256xf32, #tpu.memory_space<hbm>>) target_semaphore(%run_scoped3A : memref<!tpu.dma_semaphore, #tpu.memory_space<semaphore_mem>>)
        %dma_wait3A = tpu.memref_slice %arg4[%add3A_49, %mul3A_32] : memref<256x2048xf32, #tpu.memory_space<hbm>> -> memref<32x256xf32, #tpu.memory_space<hbm>>
        %dma_wait3A_51 = tpu.memref_slice %arg4[%add3A_49, %mul3A_32] : memref<256x2048xf32, #tpu.memory_space<hbm>> -> memref<32x256xf32, #tpu.memory_space<hbm>>
        tpu.wait_dma2 semaphore(%run_scoped3A : memref<!tpu.dma_semaphore, #tpu.memory_space<semaphore_mem>>) src(%arg7 : memref<32x256xf32, #tpu.memory_space<vmem>>) dst(%dma_wait3A_51 : memref<32x256xf32, #tpu.memory_space<hbm>>)
        tpu.yield
      }) : () -> ()
    }
    %scan3A_40 = arith.constant 2 : i32
    return
  }
}

module attributes {stable_mosaic.version = 14 : i64} {
  func.func @_fc1_body(%arg0: memref<1024x512xf32, #tpu.memory_space<vmem>>, %arg1: memref<512x128xf32, #tpu.memory_space<vmem>>, %arg2: memref<1x128xf32, #tpu.memory_space<vmem>>, %arg3: memref<1024x128xf32, #tpu.memory_space<vmem>>) attributes {dimension_semantics = [], scalar_prefetch = 0 : i64, scratch_operands = 0 : i64, tpu.core_type = #tpu.core_type<tc>} {
    %get3A = arith.constant 0 : index
    %get3A_0 = arith.constant 0 : index
    %get3A_1 = vector.load %arg0[%get3A, %get3A_0] : memref<1024x512xf32, #tpu.memory_space<vmem>>, vector<1024x512xf32>
    %get3A_2 = arith.constant 0 : index
    %get3A_3 = arith.constant 0 : index
    %get3A_4 = vector.load %arg1[%get3A_2, %get3A_3] : memref<512x128xf32, #tpu.memory_space<vmem>>, vector<512x128xf32>
    %dot_general3A = arith.constant dense<0.000000e+00> : vector<1024x128xf32>
    %dot_general3A_5 = tpu.matmul %get3A_1, %get3A_4, %dot_general3A {dimension_numbers = #tpu.dot_dimension_numbers<[1], [0], [0], [1], [0, 0, 1, 1], [], []>, transpose_lhs_hint = false} : vector<1024x512xf32>, vector<512x128xf32>, vector<1024x128xf32> -> vector<1024x128xf32>
    %get3A_6 = arith.constant 0 : index
    %get3A_7 = arith.constant 0 : index
    %get3A_8 = vector.load %arg2[%get3A_6, %get3A_7] : memref<1x128xf32, #tpu.memory_space<vmem>>, vector<1x128xf32>
    %add3A = vector.broadcast %get3A_8 : vector<1x128xf32> to vector<1024x128xf32>
    %add3A_9 = arith.addf %dot_general3A_5, %add3A : vector<1024x128xf32>
    %tanh3A = math.tanh %add3A_9 : vector<1024x128xf32>
    %swap3A = arith.constant 0 : index
    %swap3A_10 = arith.constant 0 : index
    %swap3A_11 = vector.load %arg3[%swap3A, %swap3A_10] : memref<1024x128xf32, #tpu.memory_space<vmem>>, vector<1024x128xf32>
    tpu.vector_store %arg3[%swap3A, %swap3A_10], %tanh3A {strides = array<i32>} : memref<1024x128xf32, #tpu.memory_space<vmem>>, vector<1024x128xf32>,
    return
  }
}

module attributes {stable_mosaic.version = 14 : i64} {
  func.func @_kenyon_tc_body(%arg0: i32, %arg1: memref<2048x128xbf16, #tpu.memory_space<vmem>>, %arg2: memref<128x2048xbf16, #tpu.memory_space<vmem>>, %arg3: memref<16x2048xf32, #tpu.memory_space<vmem>>) attributes {dimension_semantics = [#tpu.dimension_semantics<arbitrary>], iteration_bounds = array<i64: 48>, scalar_prefetch = 0 : i64, scratch_operands = 0 : i64, tpu.core_type = #tpu.core_type<tc>, window_params = [{transform_indices = @transform_0, window_bounds = array<i64: 2048, 128>}, {pipeline_mode = #tpu.pipeline_mode<synchronous>, transform_indices = @transform_1, window_bounds = array<i64: 128, 2048>}, {transform_indices = @transform_2, window_bounds = array<i64: 16, 2048>}]} {
    %broadcast_in_dim3A = arith.constant 0xFF80 : bf16
    %broadcast_in_dim3A_0 = vector.broadcast %broadcast_in_dim3A : bf16 to vector<16x128xbf16>
    %scan3A = arith.constant 0 : i32
    %scan3A_1 = arith.constant 16 : i32
    %scan3A_2 = arith.addi %scan3A, %scan3A_1 : i32
    %scan3A_3 = arith.constant 1 : i32
    %scan3A_4:5 = scf.for %scan3A_221 = %scan3A to %scan3A_2 step %scan3A_3 iter_args(%scan3A_222 = %broadcast_in_dim3A_0, %scan3A_223 = %broadcast_in_dim3A_0, %scan3A_224 = %broadcast_in_dim3A_0, %scan3A_225 = %broadcast_in_dim3A_0, %scan3A_226 = %broadcast_in_dim3A_0) -> (vector<16x128xbf16>, vector<16x128xbf16>, vector<16x128xbf16>, vector<16x128xbf16>, vector<16x128xbf16>)  : i32 {
      %mul3A = arith.constant 16 : i32
      %mul3A_227 = arith.muli %scan3A_221, %mul3A : i32
      %mul3A_228 = arith.constant 8 : i32
      %mul3A_229 = arith.muli %mul3A_227, %mul3A_228 : i32
      %multiple_of3A = tpu.assume_multiple %mul3A_229, 128 : i32
      %get3A = arith.index_cast %multiple_of3A : i32 to index
      %get3A_230 = arith.constant 0 : index
      %get3A_231 = vector.load %arg1[%get3A, %get3A_230] : memref<2048x128xbf16, #tpu.memory_space<vmem>>, vector<128x128xbf16>
      %mul3A_232 = arith.constant 8 : i32
      %mul3A_233 = arith.muli %scan3A_221, %mul3A_232 : i32
      %multiple_of3A_234 = tpu.assume_multiple %mul3A_233, 8 : i32
      %get3A_235 = arith.index_cast %multiple_of3A_234 : i32 to index
      %get3A_236 = arith.constant 0 : index
      %get3A_237 = vector.load %arg2[%get3A_235, %get3A_236] : memref<128x2048xbf16, #tpu.memory_space<vmem>>, vector<8x128xbf16>
      %slice3A = vector.extract_strided_slice %get3A_231 {offsets = [0, 0], sizes = [16, 128], strides = [1, 1]} : vector<128x128xbf16> to vector<16x128xbf16>
      %slice3A_238 = vector.extract_strided_slice %get3A_237 {offsets = [0, 0], sizes = [1, 128], strides = [1, 1]} : vector<8x128xbf16> to vector<1x128xbf16>
      %mul3A_239 = vector.broadcast %slice3A_238 : vector<1x128xbf16> to vector<16x128xbf16>
      %mul3A_240 = arith.mulf %slice3A, %mul3A_239 : vector<16x128xbf16>
      %max3A = arith.maximumf %scan3A_222, %mul3A_240 : vector<16x128xbf16>
      %min3A = arith.minimumf %scan3A_222, %mul3A_240 : vector<16x128xbf16>
      %max3A_241 = arith.maximumf %scan3A_223, %min3A : vector<16x128xbf16>
      %min3A_242 = arith.minimumf %scan3A_223, %min3A : vector<16x128xbf16>
      %max3A_243 = arith.maximumf %scan3A_224, %min3A_242 : vector<16x128xbf16>
      %min3A_244 = arith.minimumf %scan3A_224, %min3A_242 : vector<16x128xbf16>
      %max3A_245 = arith.maximumf %scan3A_225, %min3A_244 : vector<16x128xbf16>
      %min3A_246 = arith.minimumf %scan3A_225, %min3A_244 : vector<16x128xbf16>
      %max3A_247 = arith.maximumf %scan3A_226, %min3A_246 : vector<16x128xbf16>
      %slice3A_248 = vector.extract_strided_slice %get3A_231 {offsets = [16, 0], sizes = [16, 128], strides = [1, 1]} : vector<128x128xbf16> to vector<16x128xbf16>
      %slice3A_249 = vector.extract_strided_slice %get3A_237 {offsets = [1, 0], sizes = [1, 128], strides = [1, 1]} : vector<8x128xbf16> to vector<1x128xbf16>
      %mul3A_250 = vector.broadcast %slice3A_249 : vector<1x128xbf16> to vector<16x128xbf16>
      %mul3A_251 = arith.mulf %slice3A_248, %mul3A_250 : vector<16x128xbf16>
      %max3A_252 = arith.maximumf %max3A, %mul3A_251 : vector<16x128xbf16>
      %min3A_253 = arith.minimumf %max3A, %mul3A_251 : vector<16x128xbf16>
      %max3A_254 = arith.maximumf %max3A_241, %min3A_253 : vector<16x128xbf16>
      %min3A_255 = arith.minimumf %max3A_241, %min3A_253 : vector<16x128xbf16>
      %max3A_256 = arith.maximumf %max3A_243, %min3A_255 : vector<16x128xbf16>
      %min3A_257 = arith.minimumf %max3A_243, %min3A_255 : vector<16x128xbf16>
      %max3A_258 = arith.maximumf %max3A_245, %min3A_257 : vector<16x128xbf16>
      %min3A_259 = arith.minimumf %max3A_245, %min3A_257 : vector<16x128xbf16>
      %max3A_260 = arith.maximumf %max3A_247, %min3A_259 : vector<16x128xbf16>
      %slice3A_261 = vector.extract_strided_slice %get3A_231 {offsets = [32, 0], sizes = [16, 128], strides = [1, 1]} : vector<128x128xbf16> to vector<16x128xbf16>
      %slice3A_262 = vector.extract_strided_slice %get3A_237 {offsets = [2, 0], sizes = [1, 128], strides = [1, 1]} : vector<8x128xbf16> to vector<1x128xbf16>
      %mul3A_263 = vector.broadcast %slice3A_262 : vector<1x128xbf16> to vector<16x128xbf16>
      %mul3A_264 = arith.mulf %slice3A_261, %mul3A_263 : vector<16x128xbf16>
      %max3A_265 = arith.maximumf %max3A_252, %mul3A_264 : vector<16x128xbf16>
      %min3A_266 = arith.minimumf %max3A_252, %mul3A_264 : vector<16x128xbf16>
      %max3A_267 = arith.maximumf %max3A_254, %min3A_266 : vector<16x128xbf16>
      %min3A_268 = arith.minimumf %max3A_254, %min3A_266 : vector<16x128xbf16>
      %max3A_269 = arith.maximumf %max3A_256, %min3A_268 : vector<16x128xbf16>
      %min3A_270 = arith.minimumf %max3A_256, %min3A_268 : vector<16x128xbf16>
      %max3A_271 = arith.maximumf %max3A_258, %min3A_270 : vector<16x128xbf16>
      %min3A_272 = arith.minimumf %max3A_258, %min3A_270 : vector<16x128xbf16>
      %max3A_273 = arith.maximumf %max3A_260, %min3A_272 : vector<16x128xbf16>
      %slice3A_274 = vector.extract_strided_slice %get3A_231 {offsets = [48, 0], sizes = [16, 128], strides = [1, 1]} : vector<128x128xbf16> to vector<16x128xbf16>
      %slice3A_275 = vector.extract_strided_slice %get3A_237 {offsets = [3, 0], sizes = [1, 128], strides = [1, 1]} : vector<8x128xbf16> to vector<1x128xbf16>
      %mul3A_276 = vector.broadcast %slice3A_275 : vector<1x128xbf16> to vector<16x128xbf16>
      %mul3A_277 = arith.mulf %slice3A_274, %mul3A_276 : vector<16x128xbf16>
      %max3A_278 = arith.maximumf %max3A_265, %mul3A_277 : vector<16x128xbf16>
      %min3A_279 = arith.minimumf %max3A_265, %mul3A_277 : vector<16x128xbf16>
      %max3A_280 = arith.maximumf %max3A_267, %min3A_279 : vector<16x128xbf16>
      %min3A_281 = arith.minimumf %max3A_267, %min3A_279 : vector<16x128xbf16>
      %max3A_282 = arith.maximumf %max3A_269, %min3A_281 : vector<16x128xbf16>
      %min3A_283 = arith.minimumf %max3A_269, %min3A_281 : vector<16x128xbf16>
      %max3A_284 = arith.maximumf %max3A_271, %min3A_283 : vector<16x128xbf16>
      %min3A_285 = arith.minimumf %max3A_271, %min3A_283 : vector<16x128xbf16>
      %max3A_286 = arith.maximumf %max3A_273, %min3A_285 : vector<16x128xbf16>
      %slice3A_287 = vector.extract_strided_slice %get3A_231 {offsets = [64, 0], sizes = [16, 128], strides = [1, 1]} : vector<128x128xbf16> to vector<16x128xbf16>
      %slice3A_288 = vector.extract_strided_slice %get3A_237 {offsets = [4, 0], sizes = [1, 128], strides = [1, 1]} : vector<8x128xbf16> to vector<1x128xbf16>
      %mul3A_289 = vector.broadcast %slice3A_288 : vector<1x128xbf16> to vector<16x128xbf16>
      %mul3A_290 = arith.mulf %slice3A_287, %mul3A_289 : vector<16x128xbf16>
      %max3A_291 = arith.maximumf %max3A_278, %mul3A_290 : vector<16x128xbf16>
      %min3A_292 = arith.minimumf %max3A_278, %mul3A_290 : vector<16x128xbf16>
      %max3A_293 = arith.maximumf %max3A_280, %min3A_292 : vector<16x128xbf16>
      %min3A_294 = arith.minimumf %max3A_280, %min3A_292 : vector<16x128xbf16>
      %max3A_295 = arith.maximumf %max3A_282, %min3A_294 : vector<16x128xbf16>
      %min3A_296 = arith.minimumf %max3A_282, %min3A_294 : vector<16x128xbf16>
      %max3A_297 = arith.maximumf %max3A_284, %min3A_296 : vector<16x128xbf16>
      %min3A_298 = arith.minimumf %max3A_284, %min3A_296 : vector<16x128xbf16>
      %max3A_299 = arith.maximumf %max3A_286, %min3A_298 : vector<16x128xbf16>
      %slice3A_300 = vector.extract_strided_slice %get3A_231 {offsets = [80, 0], sizes = [16, 128], strides = [1, 1]} : vector<128x128xbf16> to vector<16x128xbf16>
      %slice3A_301 = vector.extract_strided_slice %get3A_237 {offsets = [5, 0], sizes = [1, 128], strides = [1, 1]} : vector<8x128xbf16> to vector<1x128xbf16>
      %mul3A_302 = vector.broadcast %slice3A_301 : vector<1x128xbf16> to vector<16x128xbf16>
      %mul3A_303 = arith.mulf %slice3A_300, %mul3A_302 : vector<16x128xbf16>
      %max3A_304 = arith.maximumf %max3A_291, %mul3A_303 : vector<16x128xbf16>
      %min3A_305 = arith.minimumf %max3A_291, %mul3A_303 : vector<16x128xbf16>
      %max3A_306 = arith.maximumf %max3A_293, %min3A_305 : vector<16x128xbf16>
      %min3A_307 = arith.minimumf %max3A_293, %min3A_305 : vector<16x128xbf16>
      %max3A_308 = arith.maximumf %max3A_295, %min3A_307 : vector<16x128xbf16>
      %min3A_309 = arith.minimumf %max3A_295, %min3A_307 : vector<16x128xbf16>
      %max3A_310 = arith.maximumf %max3A_297, %min3A_309 : vector<16x128xbf16>
      %min3A_311 = arith.minimumf %max3A_297, %min3A_309 : vector<16x128xbf16>
      %max3A_312 = arith.maximumf %max3A_299, %min3A_311 : vector<16x128xbf16>
      %slice3A_313 = vector.extract_strided_slice %get3A_231 {offsets = [96, 0], sizes = [16, 128], strides = [1, 1]} : vector<128x128xbf16> to vector<16x128xbf16>
      %slice3A_314 = vector.extract_strided_slice %get3A_237 {offsets = [6, 0], sizes = [1, 128], strides = [1, 1]} : vector<8x128xbf16> to vector<1x128xbf16>
      %mul3A_315 = vector.broadcast %slice3A_314 : vector<1x128xbf16> to vector<16x128xbf16>
      %mul3A_316 = arith.mulf %slice3A_313, %mul3A_315 : vector<16x128xbf16>
      %max3A_317 = arith.maximumf %max3A_304, %mul3A_316 : vector<16x128xbf16>
      %min3A_318 = arith.minimumf %max3A_304, %mul3A_316 : vector<16x128xbf16>
      %max3A_319 = arith.maximumf %max3A_306, %min3A_318 : vector<16x128xbf16>
      %min3A_320 = arith.minimumf %max3A_306, %min3A_318 : vector<16x128xbf16>
      %max3A_321 = arith.maximumf %max3A_308, %min3A_320 : vector<16x128xbf16>
      %min3A_322 = arith.minimumf %max3A_308, %min3A_320 : vector<16x128xbf16>
      %max3A_323 = arith.maximumf %max3A_310, %min3A_322 : vector<16x128xbf16>
      %min3A_324 = arith.minimumf %max3A_310, %min3A_322 : vector<16x128xbf16>
      %max3A_325 = arith.maximumf %max3A_312, %min3A_324 : vector<16x128xbf16>
      %slice3A_326 = vector.extract_strided_slice %get3A_231 {offsets = [112, 0], sizes = [16, 128], strides = [1, 1]} : vector<128x128xbf16> to vector<16x128xbf16>
      %slice3A_327 = vector.extract_strided_slice %get3A_237 {offsets = [7, 0], sizes = [1, 128], strides = [1, 1]} : vector<8x128xbf16> to vector<1x128xbf16>
      %mul3A_328 = vector.broadcast %slice3A_327 : vector<1x128xbf16> to vector<16x128xbf16>
      %mul3A_329 = arith.mulf %slice3A_326, %mul3A_328 : vector<16x128xbf16>
      %max3A_330 = arith.maximumf %max3A_317, %mul3A_329 : vector<16x128xbf16>
      %min3A_331 = arith.minimumf %max3A_317, %mul3A_329 : vector<16x128xbf16>
      %max3A_332 = arith.maximumf %max3A_319, %min3A_331 : vector<16x128xbf16>
      %min3A_333 = arith.minimumf %max3A_319, %min3A_331 : vector<16x128xbf16>
      %max3A_334 = arith.maximumf %max3A_321, %min3A_333 : vector<16x128xbf16>
      %min3A_335 = arith.minimumf %max3A_321, %min3A_333 : vector<16x128xbf16>
      %max3A_336 = arith.maximumf %max3A_323, %min3A_335 : vector<16x128xbf16>
      %min3A_337 = arith.minimumf %max3A_323, %min3A_335 : vector<16x128xbf16>
      %max3A_338 = arith.maximumf %max3A_325, %min3A_337 : vector<16x128xbf16>
      scf.yield %max3A_330, %max3A_332, %max3A_334, %max3A_336, %max3A_338 : vector<16x128xbf16>, vector<16x128xbf16>, vector<16x128xbf16>, vector<16x128xbf16>, vector<16x128xbf16>
    }
    %scan3A_5 = arith.constant 16 : i32
    %add3A = arith.addf %scan3A_4#0, %scan3A_4#1 : vector<16x128xbf16>
    %add3A_6 = arith.addf %scan3A_4#2, %scan3A_4#3 : vector<16x128xbf16>
    %add3A_7 = arith.addf %add3A, %add3A_6 : vector<16x128xbf16>
    %add3A_8 = arith.addf %add3A_7, %scan3A_4#4 : vector<16x128xbf16>
    %convert_element_type3A = arith.extf %add3A_8 : vector<16x128xbf16> to vector<16x128xf32>
    %swap3A = arith.constant 0 : index
    %swap3A_9 = arith.constant 0 : index
    %swap3A_10 = vector.load %arg3[%swap3A, %swap3A_9] : memref<16x2048xf32, #tpu.memory_space<vmem>>, vector<16x128xf32>
    tpu.vector_store %arg3[%swap3A, %swap3A_9], %convert_element_type3A {strides = array<i32>} : memref<16x2048xf32, #tpu.memory_space<vmem>>, vector<16x128xf32>,
    %scan3A_11 = arith.constant 0 : i32
    %scan3A_12 = arith.constant 16 : i32
    %scan3A_13 = arith.addi %scan3A_11, %scan3A_12 : i32
    %scan3A_14 = arith.constant 1 : i32
    %scan3A_15:5 = scf.for %scan3A_221 = %scan3A_11 to %scan3A_13 step %scan3A_14 iter_args(%scan3A_222 = %broadcast_in_dim3A_0, %scan3A_223 = %broadcast_in_dim3A_0, %scan3A_224 = %broadcast_in_dim3A_0, %scan3A_225 = %broadcast_in_dim3A_0, %scan3A_226 = %broadcast_in_dim3A_0) -> (vector<16x128xbf16>, vector<16x128xbf16>, vector<16x128xbf16>, vector<16x128xbf16>, vector<16x128xbf16>)  : i32 {
      %mul3A = arith.constant 16 : i32
      %mul3A_227 = arith.muli %scan3A_221, %mul3A : i32
      %mul3A_228 = arith.constant 8 : i32
      %mul3A_229 = arith.muli %mul3A_227, %mul3A_228 : i32
      %multiple_of3A = tpu.assume_multiple %mul3A_229, 128 : i32
      %get3A = arith.index_cast %multiple_of3A : i32 to index
      %get3A_230 = arith.constant 0 : index
      %get3A_231 = vector.load %arg1[%get3A, %get3A_230] : memref<2048x128xbf16, #tpu.memory_space<vmem>>, vector<128x128xbf16>
      %mul3A_232 = arith.constant 8 : i32
      %mul3A_233 = arith.muli %scan3A_221, %mul3A_232 : i32
      %multiple_of3A_234 = tpu.assume_multiple %mul3A_233, 8 : i32
      %get3A_235 = arith.index_cast %multiple_of3A_234 : i32 to index
      %get3A_236 = arith.constant 128 : index
      %get3A_237 = vector.load %arg2[%get3A_235, %get3A_236] : memref<128x2048xbf16, #tpu.memory_space<vmem>>, vector<8x128xbf16>
      %slice3A = vector.extract_strided_slice %get3A_231 {offsets = [0, 0], sizes = [16, 128], strides = [1, 1]} : vector<128x128xbf16> to vector<16x128xbf16>
      %slice3A_238 = vector.extract_strided_slice %get3A_237 {offsets = [0, 0], sizes = [1, 128], strides = [1, 1]} : vector<8x128xbf16> to vector<1x128xbf16>
      %mul3A_239 = vector.broadcast %slice3A_238 : vector<1x128xbf16> to vector<16x128xbf16>
      %mul3A_240 = arith.mulf %slice3A, %mul3A_239 : vector<16x128xbf16>
      %max3A = arith.maximumf %scan3A_222, %mul3A_240 : vector<16x128xbf16>
      %min3A = arith.minimumf %scan3A_222, %mul3A_240 : vector<16x128xbf16>
      %max3A_241 = arith.maximumf %scan3A_223, %min3A : vector<16x128xbf16>
      %min3A_242 = arith.minimumf %scan3A_223, %min3A : vector<16x128xbf16>
      %max3A_243 = arith.maximumf %scan3A_224, %min3A_242 : vector<16x128xbf16>
      %min3A_244 = arith.minimumf %scan3A_224, %min3A_242 : vector<16x128xbf16>
      %max3A_245 = arith.maximumf %scan3A_225, %min3A_244 : vector<16x128xbf16>
      %min3A_246 = arith.minimumf %scan3A_225, %min3A_244 : vector<16x128xbf16>
      %max3A_247 = arith.maximumf %scan3A_226, %min3A_246 : vector<16x128xbf16>
      %slice3A_248 = vector.extract_strided_slice %get3A_231 {offsets = [16, 0], sizes = [16, 128], strides = [1, 1]} : vector<128x128xbf16> to vector<16x128xbf16>
      %slice3A_249 = vector.extract_strided_slice %get3A_237 {offsets = [1, 0], sizes = [1, 128], strides = [1, 1]} : vector<8x128xbf16> to vector<1x128xbf16>
      %mul3A_250 = vector.broadcast %slice3A_249 : vector<1x128xbf16> to vector<16x128xbf16>
      %mul3A_251 = arith.mulf %slice3A_248, %mul3A_250 : vector<16x128xbf16>
      %max3A_252 = arith.maximumf %max3A, %mul3A_251 : vector<16x128xbf16>
      %min3A_253 = arith.minimumf %max3A, %mul3A_251 : vector<16x128xbf16>
      %max3A_254 = arith.maximumf %max3A_241, %min3A_253 : vector<16x128xbf16>
      %min3A_255 = arith.minimumf %max3A_241, %min3A_253 : vector<16x128xbf16>
      %max3A_256 = arith.maximumf %max3A_243, %min3A_255 : vector<16x128xbf16>
      %min3A_257 = arith.minimumf %max3A_243, %min3A_255 : vector<16x128xbf16>
      %max3A_258 = arith.maximumf %max3A_245, %min3A_257 : vector<16x128xbf16>
      %min3A_259 = arith.minimumf %max3A_245, %min3A_257 : vector<16x128xbf16>
      %max3A_260 = arith.maximumf %max3A_247, %min3A_259 : vector<16x128xbf16>
      %slice3A_261 = vector.extract_strided_slice %get3A_231 {offsets = [32, 0], sizes = [16, 128], strides = [1, 1]} : vector<128x128xbf16> to vector<16x128xbf16>
      %slice3A_262 = vector.extract_strided_slice %get3A_237 {offsets = [2, 0], sizes = [1, 128], strides = [1, 1]} : vector<8x128xbf16> to vector<1x128xbf16>
      %mul3A_263 = vector.broadcast %slice3A_262 : vector<1x128xbf16> to vector<16x128xbf16>
      %mul3A_264 = arith.mulf %slice3A_261, %mul3A_263 : vector<16x128xbf16>
      %max3A_265 = arith.maximumf %max3A_252, %mul3A_264 : vector<16x128xbf16>
      %min3A_266 = arith.minimumf %max3A_252, %mul3A_264 : vector<16x128xbf16>
      %max3A_267 = arith.maximumf %max3A_254, %min3A_266 : vector<16x128xbf16>
      %min3A_268 = arith.minimumf %max3A_254, %min3A_266 : vector<16x128xbf16>
      %max3A_269 = arith.maximumf %max3A_256, %min3A_268 : vector<16x128xbf16>
      %min3A_270 = arith.minimumf %max3A_256, %min3A_268 : vector<16x128xbf16>
      %max3A_271 = arith.maximumf %max3A_258, %min3A_270 : vector<16x128xbf16>
      %min3A_272 = arith.minimumf %max3A_258, %min3A_270 : vector<16x128xbf16>
      %max3A_273 = arith.maximumf %max3A_260, %min3A_272 : vector<16x128xbf16>
      %slice3A_274 = vector.extract_strided_slice %get3A_231 {offsets = [48, 0], sizes = [16, 128], strides = [1, 1]} : vector<128x128xbf16> to vector<16x128xbf16>
      %slice3A_275 = vector.extract_strided_slice %get3A_237 {offsets = [3, 0], sizes = [1, 128], strides = [1, 1]} : vector<8x128xbf16> to vector<1x128xbf16>
      %mul3A_276 = vector.broadcast %slice3A_275 : vector<1x128xbf16> to vector<16x128xbf16>
      %mul3A_277 = arith.mulf %slice3A_274, %mul3A_276 : vector<16x128xbf16>
      %max3A_278 = arith.maximumf %max3A_265, %mul3A_277 : vector<16x128xbf16>
      %min3A_279 = arith.minimumf %max3A_265, %mul3A_277 : vector<16x128xbf16>
      %max3A_280 = arith.maximumf %max3A_267, %min3A_279 : vector<16x128xbf16>
      %min3A_281 = arith.minimumf %max3A_267, %min3A_279 : vector<16x128xbf16>
      %max3A_282 = arith.maximumf %max3A_269, %min3A_281 : vector<16x128xbf16>
      %min3A_283 = arith.minimumf %max3A_269, %min3A_281 : vector<16x128xbf16>
      %max3A_284 = arith.maximumf %max3A_271, %min3A_283 : vector<16x128xbf16>
      %min3A_285 = arith.minimumf %max3A_271, %min3A_283 : vector<16x128xbf16>
      %max3A_286 = arith.maximumf %max3A_273, %min3A_285 : vector<16x128xbf16>
      %slice3A_287 = vector.extract_strided_slice %get3A_231 {offsets = [64, 0], sizes = [16, 128], strides = [1, 1]} : vector<128x128xbf16> to vector<16x128xbf16>
      %slice3A_288 = vector.extract_strided_slice %get3A_237 {offsets = [4, 0], sizes = [1, 128], strides = [1, 1]} : vector<8x128xbf16> to vector<1x128xbf16>
      %mul3A_289 = vector.broadcast %slice3A_288 : vector<1x128xbf16> to vector<16x128xbf16>
      %mul3A_290 = arith.mulf %slice3A_287, %mul3A_289 : vector<16x128xbf16>
      %max3A_291 = arith.maximumf %max3A_278, %mul3A_290 : vector<16x128xbf16>
      %min3A_292 = arith.minimumf %max3A_278, %mul3A_290 : vector<16x128xbf16>
      %max3A_293 = arith.maximumf %max3A_280, %min3A_292 : vector<16x128xbf16>
      %min3A_294 = arith.minimumf %max3A_280, %min3A_292 : vector<16x128xbf16>
      %max3A_295 = arith.maximumf %max3A_282, %min3A_294 : vector<16x128xbf16>
      %min3A_296 = arith.minimumf %max3A_282, %min3A_294 : vector<16x128xbf16>
      %max3A_297 = arith.maximumf %max3A_284, %min3A_296 : vector<16x128xbf16>
      %min3A_298 = arith.minimumf %max3A_284, %min3A_296 : vector<16x128xbf16>
      %max3A_299 = arith.maximumf %max3A_286, %min3A_298 : vector<16x128xbf16>
      %slice3A_300 = vector.extract_strided_slice %get3A_231 {offsets = [80, 0], sizes = [16, 128], strides = [1, 1]} : vector<128x128xbf16> to vector<16x128xbf16>
      %slice3A_301 = vector.extract_strided_slice %get3A_237 {offsets = [5, 0], sizes = [1, 128], strides = [1, 1]} : vector<8x128xbf16> to vector<1x128xbf16>
      %mul3A_302 = vector.broadcast %slice3A_301 : vector<1x128xbf16> to vector<16x128xbf16>
      %mul3A_303 = arith.mulf %slice3A_300, %mul3A_302 : vector<16x128xbf16>
      %max3A_304 = arith.maximumf %max3A_291, %mul3A_303 : vector<16x128xbf16>
      %min3A_305 = arith.minimumf %max3A_291, %mul3A_303 : vector<16x128xbf16>
      %max3A_306 = arith.maximumf %max3A_293, %min3A_305 : vector<16x128xbf16>
      %min3A_307 = arith.minimumf %max3A_293, %min3A_305 : vector<16x128xbf16>
      %max3A_308 = arith.maximumf %max3A_295, %min3A_307 : vector<16x128xbf16>
      %min3A_309 = arith.minimumf %max3A_295, %min3A_307 : vector<16x128xbf16>
      %max3A_310 = arith.maximumf %max3A_297, %min3A_309 : vector<16x128xbf16>
      %min3A_311 = arith.minimumf %max3A_297, %min3A_309 : vector<16x128xbf16>
      %max3A_312 = arith.maximumf %max3A_299, %min3A_311 : vector<16x128xbf16>
      %slice3A_313 = vector.extract_strided_slice %get3A_231 {offsets = [96, 0], sizes = [16, 128], strides = [1, 1]} : vector<128x128xbf16> to vector<16x128xbf16>
      %slice3A_314 = vector.extract_strided_slice %get3A_237 {offsets = [6, 0], sizes = [1, 128], strides = [1, 1]} : vector<8x128xbf16> to vector<1x128xbf16>
      %mul3A_315 = vector.broadcast %slice3A_314 : vector<1x128xbf16> to vector<16x128xbf16>
      %mul3A_316 = arith.mulf %slice3A_313, %mul3A_315 : vector<16x128xbf16>
      %max3A_317 = arith.maximumf %max3A_304, %mul3A_316 : vector<16x128xbf16>
      %min3A_318 = arith.minimumf %max3A_304, %mul3A_316 : vector<16x128xbf16>
      %max3A_319 = arith.maximumf %max3A_306, %min3A_318 : vector<16x128xbf16>
      %min3A_320 = arith.minimumf %max3A_306, %min3A_318 : vector<16x128xbf16>
      %max3A_321 = arith.maximumf %max3A_308, %min3A_320 : vector<16x128xbf16>
      %min3A_322 = arith.minimumf %max3A_308, %min3A_320 : vector<16x128xbf16>
      %max3A_323 = arith.maximumf %max3A_310, %min3A_322 : vector<16x128xbf16>
      %min3A_324 = arith.minimumf %max3A_310, %min3A_322 : vector<16x128xbf16>
      %max3A_325 = arith.maximumf %max3A_312, %min3A_324 : vector<16x128xbf16>
      %slice3A_326 = vector.extract_strided_slice %get3A_231 {offsets = [112, 0], sizes = [16, 128], strides = [1, 1]} : vector<128x128xbf16> to vector<16x128xbf16>
      %slice3A_327 = vector.extract_strided_slice %get3A_237 {offsets = [7, 0], sizes = [1, 128], strides = [1, 1]} : vector<8x128xbf16> to vector<1x128xbf16>
      %mul3A_328 = vector.broadcast %slice3A_327 : vector<1x128xbf16> to vector<16x128xbf16>
      %mul3A_329 = arith.mulf %slice3A_326, %mul3A_328 : vector<16x128xbf16>
      %max3A_330 = arith.maximumf %max3A_317, %mul3A_329 : vector<16x128xbf16>
      %min3A_331 = arith.minimumf %max3A_317, %mul3A_329 : vector<16x128xbf16>
      %max3A_332 = arith.maximumf %max3A_319, %min3A_331 : vector<16x128xbf16>
      %min3A_333 = arith.minimumf %max3A_319, %min3A_331 : vector<16x128xbf16>
      %max3A_334 = arith.maximumf %max3A_321, %min3A_333 : vector<16x128xbf16>
      %min3A_335 = arith.minimumf %max3A_321, %min3A_333 : vector<16x128xbf16>
      %max3A_336 = arith.maximumf %max3A_323, %min3A_335 : vector<16x128xbf16>
      %min3A_337 = arith.minimumf %max3A_323, %min3A_335 : vector<16x128xbf16>
      %max3A_338 = arith.maximumf %max3A_325, %min3A_337 : vector<16x128xbf16>
      scf.yield %max3A_330, %max3A_332, %max3A_334, %max3A_336, %max3A_338 : vector<16x128xbf16>, vector<16x128xbf16>, vector<16x128xbf16>, vector<16x128xbf16>, vector<16x128xbf16>
    }
    %scan3A_16 = arith.constant 16 : i32
    %add3A_17 = arith.addf %scan3A_15#0, %scan3A_15#1 : vector<16x128xbf16>
    %add3A_18 = arith.addf %scan3A_15#2, %scan3A_15#3 : vector<16x128xbf16>
    %add3A_19 = arith.addf %add3A_17, %add3A_18 : vector<16x128xbf16>
    %add3A_20 = arith.addf %add3A_19, %scan3A_15#4 : vector<16x128xbf16>
    %convert_element_type3A_21 = arith.extf %add3A_20 : vector<16x128xbf16> to vector<16x128xf32>
    %swap3A_22 = arith.constant 0 : index
    %swap3A_23 = arith.constant 128 : index
    %swap3A_24 = vector.load %arg3[%swap3A_22, %swap3A_23] : memref<16x2048xf32, #tpu.memory_space<vmem>>, vector<16x128xf32>
    tpu.vector_store %arg3[%swap3A_22, %swap3A_23], %convert_element_type3A_21 {strides = array<i32>} : memref<16x2048xf32, #tpu.memory_space<vmem>>, vector<16x128xf32>,
    %scan3A_25 = arith.constant 0 : i32
    %scan3A_26 = arith.constant 16 : i32
    %scan3A_27 = arith.addi %scan3A_25, %scan3A_26 : i32
    %scan3A_28 = arith.constant 1 : i32
    %scan3A_29:5 = scf.for %scan3A_221 = %scan3A_25 to %scan3A_27 step %scan3A_28 iter_args(%scan3A_222 = %broadcast_in_dim3A_0, %scan3A_223 = %broadcast_in_dim3A_0, %scan3A_224 = %broadcast_in_dim3A_0, %scan3A_225 = %broadcast_in_dim3A_0, %scan3A_226 = %broadcast_in_dim3A_0) -> (vector<16x128xbf16>, vector<16x128xbf16>, vector<16x128xbf16>, vector<16x128xbf16>, vector<16x128xbf16>)  : i32 {
      %mul3A = arith.constant 16 : i32
      %mul3A_227 = arith.muli %scan3A_221, %mul3A : i32
      %mul3A_228 = arith.constant 8 : i32
      %mul3A_229 = arith.muli %mul3A_227, %mul3A_228 : i32
      %multiple_of3A = tpu.assume_multiple %mul3A_229, 128 : i32
      %get3A = arith.index_cast %multiple_of3A : i32 to index
      %get3A_230 = arith.constant 0 : index
      %get3A_231 = vector.load %arg1[%get3A, %get3A_230] : memref<2048x128xbf16, #tpu.memory_space<vmem>>, vector<128x128xbf16>
      %mul3A_232 = arith.constant 8 : i32
      %mul3A_233 = arith.muli %scan3A_221, %mul3A_232 : i32
      %multiple_of3A_234 = tpu.assume_multiple %mul3A_233, 8 : i32
      %get3A_235 = arith.index_cast %multiple_of3A_234 : i32 to index
      %get3A_236 = arith.constant 256 : index
      %get3A_237 = vector.load %arg2[%get3A_235, %get3A_236] : memref<128x2048xbf16, #tpu.memory_space<vmem>>, vector<8x128xbf16>
      %slice3A = vector.extract_strided_slice %get3A_231 {offsets = [0, 0], sizes = [16, 128], strides = [1, 1]} : vector<128x128xbf16> to vector<16x128xbf16>
      %slice3A_238 = vector.extract_strided_slice %get3A_237 {offsets = [0, 0], sizes = [1, 128], strides = [1, 1]} : vector<8x128xbf16> to vector<1x128xbf16>
      %mul3A_239 = vector.broadcast %slice3A_238 : vector<1x128xbf16> to vector<16x128xbf16>
      %mul3A_240 = arith.mulf %slice3A, %mul3A_239 : vector<16x128xbf16>
      %max3A = arith.maximumf %scan3A_222, %mul3A_240 : vector<16x128xbf16>
      %min3A = arith.minimumf %scan3A_222, %mul3A_240 : vector<16x128xbf16>
      %max3A_241 = arith.maximumf %scan3A_223, %min3A : vector<16x128xbf16>
      %min3A_242 = arith.minimumf %scan3A_223, %min3A : vector<16x128xbf16>
      %max3A_243 = arith.maximumf %scan3A_224, %min3A_242 : vector<16x128xbf16>
      %min3A_244 = arith.minimumf %scan3A_224, %min3A_242 : vector<16x128xbf16>
      %max3A_245 = arith.maximumf %scan3A_225, %min3A_244 : vector<16x128xbf16>
      %min3A_246 = arith.minimumf %scan3A_225, %min3A_244 : vector<16x128xbf16>
      %max3A_247 = arith.maximumf %scan3A_226, %min3A_246 : vector<16x128xbf16>
      %slice3A_248 = vector.extract_strided_slice %get3A_231 {offsets = [16, 0], sizes = [16, 128], strides = [1, 1]} : vector<128x128xbf16> to vector<16x128xbf16>
      %slice3A_249 = vector.extract_strided_slice %get3A_237 {offsets = [1, 0], sizes = [1, 128], strides = [1, 1]} : vector<8x128xbf16> to vector<1x128xbf16>
      %mul3A_250 = vector.broadcast %slice3A_249 : vector<1x128xbf16> to vector<16x128xbf16>
      %mul3A_251 = arith.mulf %slice3A_248, %mul3A_250 : vector<16x128xbf16>
      %max3A_252 = arith.maximumf %max3A, %mul3A_251 : vector<16x128xbf16>
      %min3A_253 = arith.minimumf %max3A, %mul3A_251 : vector<16x128xbf16>
      %max3A_254 = arith.maximumf %max3A_241, %min3A_253 : vector<16x128xbf16>
      %min3A_255 = arith.minimumf %max3A_241, %min3A_253 : vector<16x128xbf16>
      %max3A_256 = arith.maximumf %max3A_243, %min3A_255 : vector<16x128xbf16>
      %min3A_257 = arith.minimumf %max3A_243, %min3A_255 : vector<16x128xbf16>
      %max3A_258 = arith.maximumf %max3A_245, %min3A_257 : vector<16x128xbf16>
      %min3A_259 = arith.minimumf %max3A_245, %min3A_257 : vector<16x128xbf16>
      %max3A_260 = arith.maximumf %max3A_247, %min3A_259 : vector<16x128xbf16>
      %slice3A_261 = vector.extract_strided_slice %get3A_231 {offsets = [32, 0], sizes = [16, 128], strides = [1, 1]} : vector<128x128xbf16> to vector<16x128xbf16>
      %slice3A_262 = vector.extract_strided_slice %get3A_237 {offsets = [2, 0], sizes = [1, 128], strides = [1, 1]} : vector<8x128xbf16> to vector<1x128xbf16>
      %mul3A_263 = vector.broadcast %slice3A_262 : vector<1x128xbf16> to vector<16x128xbf16>
      %mul3A_264 = arith.mulf %slice3A_261, %mul3A_263 : vector<16x128xbf16>
      %max3A_265 = arith.maximumf %max3A_252, %mul3A_264 : vector<16x128xbf16>
      %min3A_266 = arith.minimumf %max3A_252, %mul3A_264 : vector<16x128xbf16>
      %max3A_267 = arith.maximumf %max3A_254, %min3A_266 : vector<16x128xbf16>
      %min3A_268 = arith.minimumf %max3A_254, %min3A_266 : vector<16x128xbf16>
      %max3A_269 = arith.maximumf %max3A_256, %min3A_268 : vector<16x128xbf16>
      %min3A_270 = arith.minimumf %max3A_256, %min3A_268 : vector<16x128xbf16>
      %max3A_271 = arith.maximumf %max3A_258, %min3A_270 : vector<16x128xbf16>
      %min3A_272 = arith.minimumf %max3A_258, %min3A_270 : vector<16x128xbf16>
      %max3A_273 = arith.maximumf %max3A_260, %min3A_272 : vector<16x128xbf16>
      %slice3A_274 = vector.extract_strided_slice %get3A_231 {offsets = [48, 0], sizes = [16, 128], strides = [1, 1]} : vector<128x128xbf16> to vector<16x128xbf16>
      %slice3A_275 = vector.extract_strided_slice %get3A_237 {offsets = [3, 0], sizes = [1, 128], strides = [1, 1]} : vector<8x128xbf16> to vector<1x128xbf16>
      %mul3A_276 = vector.broadcast %slice3A_275 : vector<1x128xbf16> to vector<16x128xbf16>
      %mul3A_277 = arith.mulf %slice3A_274, %mul3A_276 : vector<16x128xbf16>
      %max3A_278 = arith.maximumf %max3A_265, %mul3A_277 : vector<16x128xbf16>
      %min3A_279 = arith.minimumf %max3A_265, %mul3A_277 : vector<16x128xbf16>
      %max3A_280 = arith.maximumf %max3A_267, %min3A_279 : vector<16x128xbf16>
      %min3A_281 = arith.minimumf %max3A_267, %min3A_279 : vector<16x128xbf16>
      %max3A_282 = arith.maximumf %max3A_269, %min3A_281 : vector<16x128xbf16>
      %min3A_283 = arith.minimumf %max3A_269, %min3A_281 : vector<16x128xbf16>
      %max3A_284 = arith.maximumf %max3A_271, %min3A_283 : vector<16x128xbf16>
      %min3A_285 = arith.minimumf %max3A_271, %min3A_283 : vector<16x128xbf16>
      %max3A_286 = arith.maximumf %max3A_273, %min3A_285 : vector<16x128xbf16>
      %slice3A_287 = vector.extract_strided_slice %get3A_231 {offsets = [64, 0], sizes = [16, 128], strides = [1, 1]} : vector<128x128xbf16> to vector<16x128xbf16>
      %slice3A_288 = vector.extract_strided_slice %get3A_237 {offsets = [4, 0], sizes = [1, 128], strides = [1, 1]} : vector<8x128xbf16> to vector<1x128xbf16>
      %mul3A_289 = vector.broadcast %slice3A_288 : vector<1x128xbf16> to vector<16x128xbf16>
      %mul3A_290 = arith.mulf %slice3A_287, %mul3A_289 : vector<16x128xbf16>
      %max3A_291 = arith.maximumf %max3A_278, %mul3A_290 : vector<16x128xbf16>
      %min3A_292 = arith.minimumf %max3A_278, %mul3A_290 : vector<16x128xbf16>
      %max3A_293 = arith.maximumf %max3A_280, %min3A_292 : vector<16x128xbf16>
      %min3A_294 = arith.minimumf %max3A_280, %min3A_292 : vector<16x128xbf16>
      %max3A_295 = arith.maximumf %max3A_282, %min3A_294 : vector<16x128xbf16>
      %min3A_296 = arith.minimumf %max3A_282, %min3A_294 : vector<16x128xbf16>
      %max3A_297 = arith.maximumf %max3A_284, %min3A_296 : vector<16x128xbf16>
      %min3A_298 = arith.minimumf %max3A_284, %min3A_296 : vector<16x128xbf16>
      %max3A_299 = arith.maximumf %max3A_286, %min3A_298 : vector<16x128xbf16>
      %slice3A_300 = vector.extract_strided_slice %get3A_231 {offsets = [80, 0], sizes = [16, 128], strides = [1, 1]} : vector<128x128xbf16> to vector<16x128xbf16>
      %slice3A_301 = vector.extract_strided_slice %get3A_237 {offsets = [5, 0], sizes = [1, 128], strides = [1, 1]} : vector<8x128xbf16> to vector<1x128xbf16>
      %mul3A_302 = vector.broadcast %slice3A_301 : vector<1x128xbf16> to vector<16x128xbf16>
      %mul3A_303 = arith.mulf %slice3A_300, %mul3A_302 : vector<16x128xbf16>
      %max3A_304 = arith.maximumf %max3A_291, %mul3A_303 : vector<16x128xbf16>
      %min3A_305 = arith.minimumf %max3A_291, %mul3A_303 : vector<16x128xbf16>
      %max3A_306 = arith.maximumf %max3A_293, %min3A_305 : vector<16x128xbf16>
      %min3A_307 = arith.minimumf %max3A_293, %min3A_305 : vector<16x128xbf16>
      %max3A_308 = arith.maximumf %max3A_295, %min3A_307 : vector<16x128xbf16>
      %min3A_309 = arith.minimumf %max3A_295, %min3A_307 : vector<16x128xbf16>
      %max3A_310 = arith.maximumf %max3A_297, %min3A_309 : vector<16x128xbf16>
      %min3A_311 = arith.minimumf %max3A_297, %min3A_309 : vector<16x128xbf16>
      %max3A_312 = arith.maximumf %max3A_299, %min3A_311 : vector<16x128xbf16>
      %slice3A_313 = vector.extract_strided_slice %get3A_231 {offsets = [96, 0], sizes = [16, 128], strides = [1, 1]} : vector<128x128xbf16> to vector<16x128xbf16>
      %slice3A_314 = vector.extract_strided_slice %get3A_237 {offsets = [6, 0], sizes = [1, 128], strides = [1, 1]} : vector<8x128xbf16> to vector<1x128xbf16>
      %mul3A_315 = vector.broadcast %slice3A_314 : vector<1x128xbf16> to vector<16x128xbf16>
      %mul3A_316 = arith.mulf %slice3A_313, %mul3A_315 : vector<16x128xbf16>
      %max3A_317 = arith.maximumf %max3A_304, %mul3A_316 : vector<16x128xbf16>
      %min3A_318 = arith.minimumf %max3A_304, %mul3A_316 : vector<16x128xbf16>
      %max3A_319 = arith.maximumf %max3A_306, %min3A_318 : vector<16x128xbf16>
      %min3A_320 = arith.minimumf %max3A_306, %min3A_318 : vector<16x128xbf16>
      %max3A_321 = arith.maximumf %max3A_308, %min3A_320 : vector<16x128xbf16>
      %min3A_322 = arith.minimumf %max3A_308, %min3A_320 : vector<16x128xbf16>
      %max3A_323 = arith.maximumf %max3A_310, %min3A_322 : vector<16x128xbf16>
      %min3A_324 = arith.minimumf %max3A_310, %min3A_322 : vector<16x128xbf16>
      %max3A_325 = arith.maximumf %max3A_312, %min3A_324 : vector<16x128xbf16>
      %slice3A_326 = vector.extract_strided_slice %get3A_231 {offsets = [112, 0], sizes = [16, 128], strides = [1, 1]} : vector<128x128xbf16> to vector<16x128xbf16>
      %slice3A_327 = vector.extract_strided_slice %get3A_237 {offsets = [7, 0], sizes = [1, 128], strides = [1, 1]} : vector<8x128xbf16> to vector<1x128xbf16>
      %mul3A_328 = vector.broadcast %slice3A_327 : vector<1x128xbf16> to vector<16x128xbf16>
      %mul3A_329 = arith.mulf %slice3A_326, %mul3A_328 : vector<16x128xbf16>
      %max3A_330 = arith.maximumf %max3A_317, %mul3A_329 : vector<16x128xbf16>
      %min3A_331 = arith.minimumf %max3A_317, %mul3A_329 : vector<16x128xbf16>
      %max3A_332 = arith.maximumf %max3A_319, %min3A_331 : vector<16x128xbf16>
      %min3A_333 = arith.minimumf %max3A_319, %min3A_331 : vector<16x128xbf16>
      %max3A_334 = arith.maximumf %max3A_321, %min3A_333 : vector<16x128xbf16>
      %min3A_335 = arith.minimumf %max3A_321, %min3A_333 : vector<16x128xbf16>
      %max3A_336 = arith.maximumf %max3A_323, %min3A_335 : vector<16x128xbf16>
      %min3A_337 = arith.minimumf %max3A_323, %min3A_335 : vector<16x128xbf16>
      %max3A_338 = arith.maximumf %max3A_325, %min3A_337 : vector<16x128xbf16>
      scf.yield %max3A_330, %max3A_332, %max3A_334, %max3A_336, %max3A_338 : vector<16x128xbf16>, vector<16x128xbf16>, vector<16x128xbf16>, vector<16x128xbf16>, vector<16x128xbf16>
    }
    %scan3A_30 = arith.constant 16 : i32
    %add3A_31 = arith.addf %scan3A_29#0, %scan3A_29#1 : vector<16x128xbf16>
    %add3A_32 = arith.addf %scan3A_29#2, %scan3A_29#3 : vector<16x128xbf16>
    %add3A_33 = arith.addf %add3A_31, %add3A_32 : vector<16x128xbf16>
    %add3A_34 = arith.addf %add3A_33, %scan3A_29#4 : vector<16x128xbf16>
    %convert_element_type3A_35 = arith.extf %add3A_34 : vector<16x128xbf16> to vector<16x128xf32>
    %swap3A_36 = arith.constant 0 : index
    %swap3A_37 = arith.constant 256 : index
    %swap3A_38 = vector.load %arg3[%swap3A_36, %swap3A_37] : memref<16x2048xf32, #tpu.memory_space<vmem>>, vector<16x128xf32>
    tpu.vector_store %arg3[%swap3A_36, %swap3A_37], %convert_element_type3A_35 {strides = array<i32>} : memref<16x2048xf32, #tpu.memory_space<vmem>>, vector<16x128xf32>,
    %scan3A_39 = arith.constant 0 : i32
    %scan3A_40 = arith.constant 16 : i32
    %scan3A_41 = arith.addi %scan3A_39, %scan3A_40 : i32
    %scan3A_42 = arith.constant 1 : i32
    %scan3A_43:5 = scf.for %scan3A_221 = %scan3A_39 to %scan3A_41 step %scan3A_42 iter_args(%scan3A_222 = %broadcast_in_dim3A_0, %scan3A_223 = %broadcast_in_dim3A_0, %scan3A_224 = %broadcast_in_dim3A_0, %scan3A_225 = %broadcast_in_dim3A_0, %scan3A_226 = %broadcast_in_dim3A_0) -> (vector<16x128xbf16>, vector<16x128xbf16>, vector<16x128xbf16>, vector<16x128xbf16>, vector<16x128xbf16>)  : i32 {
      %mul3A = arith.constant 16 : i32
      %mul3A_227 = arith.muli %scan3A_221, %mul3A : i32
      %mul3A_228 = arith.constant 8 : i32
      %mul3A_229 = arith.muli %mul3A_227, %mul3A_228 : i32
      %multiple_of3A = tpu.assume_multiple %mul3A_229, 128 : i32
      %get3A = arith.index_cast %multiple_of3A : i32 to index
      %get3A_230 = arith.constant 0 : index
      %get3A_231 = vector.load %arg1[%get3A, %get3A_230] : memref<2048x128xbf16, #tpu.memory_space<vmem>>, vector<128x128xbf16>
      %mul3A_232 = arith.constant 8 : i32
      %mul3A_233 = arith.muli %scan3A_221, %mul3A_232 : i32
      %multiple_of3A_234 = tpu.assume_multiple %mul3A_233, 8 : i32
      %get3A_235 = arith.index_cast %multiple_of3A_234 : i32 to index
      %get3A_236 = arith.constant 384 : index
      %get3A_237 = vector.load %arg2[%get3A_235, %get3A_236] : memref<128x2048xbf16, #tpu.memory_space<vmem>>, vector<8x128xbf16>
      %slice3A = vector.extract_strided_slice %get3A_231 {offsets = [0, 0], sizes = [16, 128], strides = [1, 1]} : vector<128x128xbf16> to vector<16x128xbf16>
      %slice3A_238 = vector.extract_strided_slice %get3A_237 {offsets = [0, 0], sizes = [1, 128], strides = [1, 1]} : vector<8x128xbf16> to vector<1x128xbf16>
      %mul3A_239 = vector.broadcast %slice3A_238 : vector<1x128xbf16> to vector<16x128xbf16>
      %mul3A_240 = arith.mulf %slice3A, %mul3A_239 : vector<16x128xbf16>
      %max3A = arith.maximumf %scan3A_222, %mul3A_240 : vector<16x128xbf16>
      %min3A = arith.minimumf %scan3A_222, %mul3A_240 : vector<16x128xbf16>
      %max3A_241 = arith.maximumf %scan3A_223, %min3A : vector<16x128xbf16>
      %min3A_242 = arith.minimumf %scan3A_223, %min3A : vector<16x128xbf16>
      %max3A_243 = arith.maximumf %scan3A_224, %min3A_242 : vector<16x128xbf16>
      %min3A_244 = arith.minimumf %scan3A_224, %min3A_242 : vector<16x128xbf16>
      %max3A_245 = arith.maximumf %scan3A_225, %min3A_244 : vector<16x128xbf16>
      %min3A_246 = arith.minimumf %scan3A_225, %min3A_244 : vector<16x128xbf16>
      %max3A_247 = arith.maximumf %scan3A_226, %min3A_246 : vector<16x128xbf16>
      %slice3A_248 = vector.extract_strided_slice %get3A_231 {offsets = [16, 0], sizes = [16, 128], strides = [1, 1]} : vector<128x128xbf16> to vector<16x128xbf16>
      %slice3A_249 = vector.extract_strided_slice %get3A_237 {offsets = [1, 0], sizes = [1, 128], strides = [1, 1]} : vector<8x128xbf16> to vector<1x128xbf16>
      %mul3A_250 = vector.broadcast %slice3A_249 : vector<1x128xbf16> to vector<16x128xbf16>
      %mul3A_251 = arith.mulf %slice3A_248, %mul3A_250 : vector<16x128xbf16>
      %max3A_252 = arith.maximumf %max3A, %mul3A_251 : vector<16x128xbf16>
      %min3A_253 = arith.minimumf %max3A, %mul3A_251 : vector<16x128xbf16>
      %max3A_254 = arith.maximumf %max3A_241, %min3A_253 : vector<16x128xbf16>
      %min3A_255 = arith.minimumf %max3A_241, %min3A_253 : vector<16x128xbf16>
      %max3A_256 = arith.maximumf %max3A_243, %min3A_255 : vector<16x128xbf16>
      %min3A_257 = arith.minimumf %max3A_243, %min3A_255 : vector<16x128xbf16>
      %max3A_258 = arith.maximumf %max3A_245, %min3A_257 : vector<16x128xbf16>
      %min3A_259 = arith.minimumf %max3A_245, %min3A_257 : vector<16x128xbf16>
      %max3A_260 = arith.maximumf %max3A_247, %min3A_259 : vector<16x128xbf16>
      %slice3A_261 = vector.extract_strided_slice %get3A_231 {offsets = [32, 0], sizes = [16, 128], strides = [1, 1]} : vector<128x128xbf16> to vector<16x128xbf16>
      %slice3A_262 = vector.extract_strided_slice %get3A_237 {offsets = [2, 0], sizes = [1, 128], strides = [1, 1]} : vector<8x128xbf16> to vector<1x128xbf16>
      %mul3A_263 = vector.broadcast %slice3A_262 : vector<1x128xbf16> to vector<16x128xbf16>
      %mul3A_264 = arith.mulf %slice3A_261, %mul3A_263 : vector<16x128xbf16>
      %max3A_265 = arith.maximumf %max3A_252, %mul3A_264 : vector<16x128xbf16>
      %min3A_266 = arith.minimumf %max3A_252, %mul3A_264 : vector<16x128xbf16>
      %max3A_267 = arith.maximumf %max3A_254, %min3A_266 : vector<16x128xbf16>
      %min3A_268 = arith.minimumf %max3A_254, %min3A_266 : vector<16x128xbf16>
      %max3A_269 = arith.maximumf %max3A_256, %min3A_268 : vector<16x128xbf16>
      %min3A_270 = arith.minimumf %max3A_256, %min3A_268 : vector<16x128xbf16>
      %max3A_271 = arith.maximumf %max3A_258, %min3A_270 : vector<16x128xbf16>
      %min3A_272 = arith.minimumf %max3A_258, %min3A_270 : vector<16x128xbf16>
      %max3A_273 = arith.maximumf %max3A_260, %min3A_272 : vector<16x128xbf16>
      %slice3A_274 = vector.extract_strided_slice %get3A_231 {offsets = [48, 0], sizes = [16, 128], strides = [1, 1]} : vector<128x128xbf16> to vector<16x128xbf16>
      %slice3A_275 = vector.extract_strided_slice %get3A_237 {offsets = [3, 0], sizes = [1, 128], strides = [1, 1]} : vector<8x128xbf16> to vector<1x128xbf16>
      %mul3A_276 = vector.broadcast %slice3A_275 : vector<1x128xbf16> to vector<16x128xbf16>
      %mul3A_277 = arith.mulf %slice3A_274, %mul3A_276 : vector<16x128xbf16>
      %max3A_278 = arith.maximumf %max3A_265, %mul3A_277 : vector<16x128xbf16>
      %min3A_279 = arith.minimumf %max3A_265, %mul3A_277 : vector<16x128xbf16>
      %max3A_280 = arith.maximumf %max3A_267, %min3A_279 : vector<16x128xbf16>
      %min3A_281 = arith.minimumf %max3A_267, %min3A_279 : vector<16x128xbf16>
      %max3A_282 = arith.maximumf %max3A_269, %min3A_281 : vector<16x128xbf16>
      %min3A_283 = arith.minimumf %max3A_269, %min3A_281 : vector<16x128xbf16>
      %max3A_284 = arith.maximumf %max3A_271, %min3A_283 : vector<16x128xbf16>
      %min3A_285 = arith.minimumf %max3A_271, %min3A_283 : vector<16x128xbf16>
      %max3A_286 = arith.maximumf %max3A_273, %min3A_285 : vector<16x128xbf16>
      %slice3A_287 = vector.extract_strided_slice %get3A_231 {offsets = [64, 0], sizes = [16, 128], strides = [1, 1]} : vector<128x128xbf16> to vector<16x128xbf16>
      %slice3A_288 = vector.extract_strided_slice %get3A_237 {offsets = [4, 0], sizes = [1, 128], strides = [1, 1]} : vector<8x128xbf16> to vector<1x128xbf16>
      %mul3A_289 = vector.broadcast %slice3A_288 : vector<1x128xbf16> to vector<16x128xbf16>
      %mul3A_290 = arith.mulf %slice3A_287, %mul3A_289 : vector<16x128xbf16>
      %max3A_291 = arith.maximumf %max3A_278, %mul3A_290 : vector<16x128xbf16>
      %min3A_292 = arith.minimumf %max3A_278, %mul3A_290 : vector<16x128xbf16>
      %max3A_293 = arith.maximumf %max3A_280, %min3A_292 : vector<16x128xbf16>
      %min3A_294 = arith.minimumf %max3A_280, %min3A_292 : vector<16x128xbf16>
      %max3A_295 = arith.maximumf %max3A_282, %min3A_294 : vector<16x128xbf16>
      %min3A_296 = arith.minimumf %max3A_282, %min3A_294 : vector<16x128xbf16>
      %max3A_297 = arith.maximumf %max3A_284, %min3A_296 : vector<16x128xbf16>
      %min3A_298 = arith.minimumf %max3A_284, %min3A_296 : vector<16x128xbf16>
      %max3A_299 = arith.maximumf %max3A_286, %min3A_298 : vector<16x128xbf16>
      %slice3A_300 = vector.extract_strided_slice %get3A_231 {offsets = [80, 0], sizes = [16, 128], strides = [1, 1]} : vector<128x128xbf16> to vector<16x128xbf16>
      %slice3A_301 = vector.extract_strided_slice %get3A_237 {offsets = [5, 0], sizes = [1, 128], strides = [1, 1]} : vector<8x128xbf16> to vector<1x128xbf16>
      %mul3A_302 = vector.broadcast %slice3A_301 : vector<1x128xbf16> to vector<16x128xbf16>
      %mul3A_303 = arith.mulf %slice3A_300, %mul3A_302 : vector<16x128xbf16>
      %max3A_304 = arith.maximumf %max3A_291, %mul3A_303 : vector<16x128xbf16>
      %min3A_305 = arith.minimumf %max3A_291, %mul3A_303 : vector<16x128xbf16>
      %max3A_306 = arith.maximumf %max3A_293, %min3A_305 : vector<16x128xbf16>
      %min3A_307 = arith.minimumf %max3A_293, %min3A_305 : vector<16x128xbf16>
      %max3A_308 = arith.maximumf %max3A_295, %min3A_307 : vector<16x128xbf16>
      %min3A_309 = arith.minimumf %max3A_295, %min3A_307 : vector<16x128xbf16>
      %max3A_310 = arith.maximumf %max3A_297, %min3A_309 : vector<16x128xbf16>
      %min3A_311 = arith.minimumf %max3A_297, %min3A_309 : vector<16x128xbf16>
      %max3A_312 = arith.maximumf %max3A_299, %min3A_311 : vector<16x128xbf16>
      %slice3A_313 = vector.extract_strided_slice %get3A_231 {offsets = [96, 0], sizes = [16, 128], strides = [1, 1]} : vector<128x128xbf16> to vector<16x128xbf16>
      %slice3A_314 = vector.extract_strided_slice %get3A_237 {offsets = [6, 0], sizes = [1, 128], strides = [1, 1]} : vector<8x128xbf16> to vector<1x128xbf16>
      %mul3A_315 = vector.broadcast %slice3A_314 : vector<1x128xbf16> to vector<16x128xbf16>
      %mul3A_316 = arith.mulf %slice3A_313, %mul3A_315 : vector<16x128xbf16>
      %max3A_317 = arith.maximumf %max3A_304, %mul3A_316 : vector<16x128xbf16>
      %min3A_318 = arith.minimumf %max3A_304, %mul3A_316 : vector<16x128xbf16>
      %max3A_319 = arith.maximumf %max3A_306, %min3A_318 : vector<16x128xbf16>
      %min3A_320 = arith.minimumf %max3A_306, %min3A_318 : vector<16x128xbf16>
      %max3A_321 = arith.maximumf %max3A_308, %min3A_320 : vector<16x128xbf16>
      %min3A_322 = arith.minimumf %max3A_308, %min3A_320 : vector<16x128xbf16>
      %max3A_323 = arith.maximumf %max3A_310, %min3A_322 : vector<16x128xbf16>
      %min3A_324 = arith.minimumf %max3A_310, %min3A_322 : vector<16x128xbf16>
      %max3A_325 = arith.maximumf %max3A_312, %min3A_324 : vector<16x128xbf16>
      %slice3A_326 = vector.extract_strided_slice %get3A_231 {offsets = [112, 0], sizes = [16, 128], strides = [1, 1]} : vector<128x128xbf16> to vector<16x128xbf16>
      %slice3A_327 = vector.extract_strided_slice %get3A_237 {offsets = [7, 0], sizes = [1, 128], strides = [1, 1]} : vector<8x128xbf16> to vector<1x128xbf16>
      %mul3A_328 = vector.broadcast %slice3A_327 : vector<1x128xbf16> to vector<16x128xbf16>
      %mul3A_329 = arith.mulf %slice3A_326, %mul3A_328 : vector<16x128xbf16>
      %max3A_330 = arith.maximumf %max3A_317, %mul3A_329 : vector<16x128xbf16>
      %min3A_331 = arith.minimumf %max3A_317, %mul3A_329 : vector<16x128xbf16>
      %max3A_332 = arith.maximumf %max3A_319, %min3A_331 : vector<16x128xbf16>
      %min3A_333 = arith.minimumf %max3A_319, %min3A_331 : vector<16x128xbf16>
      %max3A_334 = arith.maximumf %max3A_321, %min3A_333 : vector<16x128xbf16>
      %min3A_335 = arith.minimumf %max3A_321, %min3A_333 : vector<16x128xbf16>
      %max3A_336 = arith.maximumf %max3A_323, %min3A_335 : vector<16x128xbf16>
      %min3A_337 = arith.minimumf %max3A_323, %min3A_335 : vector<16x128xbf16>
      %max3A_338 = arith.maximumf %max3A_325, %min3A_337 : vector<16x128xbf16>
      scf.yield %max3A_330, %max3A_332, %max3A_334, %max3A_336, %max3A_338 : vector<16x128xbf16>, vector<16x128xbf16>, vector<16x128xbf16>, vector<16x128xbf16>, vector<16x128xbf16>
    }
    %scan3A_44 = arith.constant 16 : i32
    %add3A_45 = arith.addf %scan3A_43#0, %scan3A_43#1 : vector<16x128xbf16>
    %add3A_46 = arith.addf %scan3A_43#2, %scan3A_43#3 : vector<16x128xbf16>
    %add3A_47 = arith.addf %add3A_45, %add3A_46 : vector<16x128xbf16>
    %add3A_48 = arith.addf %add3A_47, %scan3A_43#4 : vector<16x128xbf16>
    %convert_element_type3A_49 = arith.extf %add3A_48 : vector<16x128xbf16> to vector<16x128xf32>
    %swap3A_50 = arith.constant 0 : index
    %swap3A_51 = arith.constant 384 : index
    %swap3A_52 = vector.load %arg3[%swap3A_50, %swap3A_51] : memref<16x2048xf32, #tpu.memory_space<vmem>>, vector<16x128xf32>
    tpu.vector_store %arg3[%swap3A_50, %swap3A_51], %convert_element_type3A_49 {strides = array<i32>} : memref<16x2048xf32, #tpu.memory_space<vmem>>, vector<16x128xf32>,
    %scan3A_53 = arith.constant 0 : i32
    %scan3A_54 = arith.constant 16 : i32
    %scan3A_55 = arith.addi %scan3A_53, %scan3A_54 : i32
    %scan3A_56 = arith.constant 1 : i32
    %scan3A_57:5 = scf.for %scan3A_221 = %scan3A_53 to %scan3A_55 step %scan3A_56 iter_args(%scan3A_222 = %broadcast_in_dim3A_0, %scan3A_223 = %broadcast_in_dim3A_0, %scan3A_224 = %broadcast_in_dim3A_0, %scan3A_225 = %broadcast_in_dim3A_0, %scan3A_226 = %broadcast_in_dim3A_0) -> (vector<16x128xbf16>, vector<16x128xbf16>, vector<16x128xbf16>, vector<16x128xbf16>, vector<16x128xbf16>)  : i32 {
      %mul3A = arith.constant 16 : i32
      %mul3A_227 = arith.muli %scan3A_221, %mul3A : i32
      %mul3A_228 = arith.constant 8 : i32
      %mul3A_229 = arith.muli %mul3A_227, %mul3A_228 : i32
      %multiple_of3A = tpu.assume_multiple %mul3A_229, 128 : i32
      %get3A = arith.index_cast %multiple_of3A : i32 to index
      %get3A_230 = arith.constant 0 : index
      %get3A_231 = vector.load %arg1[%get3A, %get3A_230] : memref<2048x128xbf16, #tpu.memory_space<vmem>>, vector<128x128xbf16>
      %mul3A_232 = arith.constant 8 : i32
      %mul3A_233 = arith.muli %scan3A_221, %mul3A_232 : i32
      %multiple_of3A_234 = tpu.assume_multiple %mul3A_233, 8 : i32
      %get3A_235 = arith.index_cast %multiple_of3A_234 : i32 to index
      %get3A_236 = arith.constant 512 : index
      %get3A_237 = vector.load %arg2[%get3A_235, %get3A_236] : memref<128x2048xbf16, #tpu.memory_space<vmem>>, vector<8x128xbf16>
      %slice3A = vector.extract_strided_slice %get3A_231 {offsets = [0, 0], sizes = [16, 128], strides = [1, 1]} : vector<128x128xbf16> to vector<16x128xbf16>
      %slice3A_238 = vector.extract_strided_slice %get3A_237 {offsets = [0, 0], sizes = [1, 128], strides = [1, 1]} : vector<8x128xbf16> to vector<1x128xbf16>
      %mul3A_239 = vector.broadcast %slice3A_238 : vector<1x128xbf16> to vector<16x128xbf16>
      %mul3A_240 = arith.mulf %slice3A, %mul3A_239 : vector<16x128xbf16>
      %max3A = arith.maximumf %scan3A_222, %mul3A_240 : vector<16x128xbf16>
      %min3A = arith.minimumf %scan3A_222, %mul3A_240 : vector<16x128xbf16>
      %max3A_241 = arith.maximumf %scan3A_223, %min3A : vector<16x128xbf16>
      %min3A_242 = arith.minimumf %scan3A_223, %min3A : vector<16x128xbf16>
      %max3A_243 = arith.maximumf %scan3A_224, %min3A_242 : vector<16x128xbf16>
      %min3A_244 = arith.minimumf %scan3A_224, %min3A_242 : vector<16x128xbf16>
      %max3A_245 = arith.maximumf %scan3A_225, %min3A_244 : vector<16x128xbf16>
      %min3A_246 = arith.minimumf %scan3A_225, %min3A_244 : vector<16x128xbf16>
      %max3A_247 = arith.maximumf %scan3A_226, %min3A_246 : vector<16x128xbf16>
      %slice3A_248 = vector.extract_strided_slice %get3A_231 {offsets = [16, 0], sizes = [16, 128], strides = [1, 1]} : vector<128x128xbf16> to vector<16x128xbf16>
      %slice3A_249 = vector.extract_strided_slice %get3A_237 {offsets = [1, 0], sizes = [1, 128], strides = [1, 1]} : vector<8x128xbf16> to vector<1x128xbf16>
      %mul3A_250 = vector.broadcast %slice3A_249 : vector<1x128xbf16> to vector<16x128xbf16>
      %mul3A_251 = arith.mulf %slice3A_248, %mul3A_250 : vector<16x128xbf16>
      %max3A_252 = arith.maximumf %max3A, %mul3A_251 : vector<16x128xbf16>
      %min3A_253 = arith.minimumf %max3A, %mul3A_251 : vector<16x128xbf16>
      %max3A_254 = arith.maximumf %max3A_241, %min3A_253 : vector<16x128xbf16>
      %min3A_255 = arith.minimumf %max3A_241, %min3A_253 : vector<16x128xbf16>
      %max3A_256 = arith.maximumf %max3A_243, %min3A_255 : vector<16x128xbf16>
      %min3A_257 = arith.minimumf %max3A_243, %min3A_255 : vector<16x128xbf16>
      %max3A_258 = arith.maximumf %max3A_245, %min3A_257 : vector<16x128xbf16>
      %min3A_259 = arith.minimumf %max3A_245, %min3A_257 : vector<16x128xbf16>
      %max3A_260 = arith.maximumf %max3A_247, %min3A_259 : vector<16x128xbf16>
      %slice3A_261 = vector.extract_strided_slice %get3A_231 {offsets = [32, 0], sizes = [16, 128], strides = [1, 1]} : vector<128x128xbf16> to vector<16x128xbf16>
      %slice3A_262 = vector.extract_strided_slice %get3A_237 {offsets = [2, 0], sizes = [1, 128], strides = [1, 1]} : vector<8x128xbf16> to vector<1x128xbf16>
      %mul3A_263 = vector.broadcast %slice3A_262 : vector<1x128xbf16> to vector<16x128xbf16>
      %mul3A_264 = arith.mulf %slice3A_261, %mul3A_263 : vector<16x128xbf16>
      %max3A_265 = arith.maximumf %max3A_252, %mul3A_264 : vector<16x128xbf16>
      %min3A_266 = arith.minimumf %max3A_252, %mul3A_264 : vector<16x128xbf16>
      %max3A_267 = arith.maximumf %max3A_254, %min3A_266 : vector<16x128xbf16>
      %min3A_268 = arith.minimumf %max3A_254, %min3A_266 : vector<16x128xbf16>
      %max3A_269 = arith.maximumf %max3A_256, %min3A_268 : vector<16x128xbf16>
      %min3A_270 = arith.minimumf %max3A_256, %min3A_268 : vector<16x128xbf16>
      %max3A_271 = arith.maximumf %max3A_258, %min3A_270 : vector<16x128xbf16>
      %min3A_272 = arith.minimumf %max3A_258, %min3A_270 : vector<16x128xbf16>
      %max3A_273 = arith.maximumf %max3A_260, %min3A_272 : vector<16x128xbf16>
      %slice3A_274 = vector.extract_strided_slice %get3A_231 {offsets = [48, 0], sizes = [16, 128], strides = [1, 1]} : vector<128x128xbf16> to vector<16x128xbf16>
      %slice3A_275 = vector.extract_strided_slice %get3A_237 {offsets = [3, 0], sizes = [1, 128], strides = [1, 1]} : vector<8x128xbf16> to vector<1x128xbf16>
      %mul3A_276 = vector.broadcast %slice3A_275 : vector<1x128xbf16> to vector<16x128xbf16>
      %mul3A_277 = arith.mulf %slice3A_274, %mul3A_276 : vector<16x128xbf16>
      %max3A_278 = arith.maximumf %max3A_265, %mul3A_277 : vector<16x128xbf16>
      %min3A_279 = arith.minimumf %max3A_265, %mul3A_277 : vector<16x128xbf16>
      %max3A_280 = arith.maximumf %max3A_267, %min3A_279 : vector<16x128xbf16>
      %min3A_281 = arith.minimumf %max3A_267, %min3A_279 : vector<16x128xbf16>
      %max3A_282 = arith.maximumf %max3A_269, %min3A_281 : vector<16x128xbf16>
      %min3A_283 = arith.minimumf %max3A_269, %min3A_281 : vector<16x128xbf16>
      %max3A_284 = arith.maximumf %max3A_271, %min3A_283 : vector<16x128xbf16>
      %min3A_285 = arith.minimumf %max3A_271, %min3A_283 : vector<16x128xbf16>
      %max3A_286 = arith.maximumf %max3A_273, %min3A_285 : vector<16x128xbf16>
      %slice3A_287 = vector.extract_strided_slice %get3A_231 {offsets = [64, 0], sizes = [16, 128], strides = [1, 1]} : vector<128x128xbf16> to vector<16x128xbf16>
      %slice3A_288 = vector.extract_strided_slice %get3A_237 {offsets = [4, 0], sizes = [1, 128], strides = [1, 1]} : vector<8x128xbf16> to vector<1x128xbf16>
      %mul3A_289 = vector.broadcast %slice3A_288 : vector<1x128xbf16> to vector<16x128xbf16>
      %mul3A_290 = arith.mulf %slice3A_287, %mul3A_289 : vector<16x128xbf16>
      %max3A_291 = arith.maximumf %max3A_278, %mul3A_290 : vector<16x128xbf16>
      %min3A_292 = arith.minimumf %max3A_278, %mul3A_290 : vector<16x128xbf16>
      %max3A_293 = arith.maximumf %max3A_280, %min3A_292 : vector<16x128xbf16>
      %min3A_294 = arith.minimumf %max3A_280, %min3A_292 : vector<16x128xbf16>
      %max3A_295 = arith.maximumf %max3A_282, %min3A_294 : vector<16x128xbf16>
      %min3A_296 = arith.minimumf %max3A_282, %min3A_294 : vector<16x128xbf16>
      %max3A_297 = arith.maximumf %max3A_284, %min3A_296 : vector<16x128xbf16>
      %min3A_298 = arith.minimumf %max3A_284, %min3A_296 : vector<16x128xbf16>
      %max3A_299 = arith.maximumf %max3A_286, %min3A_298 : vector<16x128xbf16>
      %slice3A_300 = vector.extract_strided_slice %get3A_231 {offsets = [80, 0], sizes = [16, 128], strides = [1, 1]} : vector<128x128xbf16> to vector<16x128xbf16>
      %slice3A_301 = vector.extract_strided_slice %get3A_237 {offsets = [5, 0], sizes = [1, 128], strides = [1, 1]} : vector<8x128xbf16> to vector<1x128xbf16>
      %mul3A_302 = vector.broadcast %slice3A_301 : vector<1x128xbf16> to vector<16x128xbf16>
      %mul3A_303 = arith.mulf %slice3A_300, %mul3A_302 : vector<16x128xbf16>
      %max3A_304 = arith.maximumf %max3A_291, %mul3A_303 : vector<16x128xbf16>
      %min3A_305 = arith.minimumf %max3A_291, %mul3A_303 : vector<16x128xbf16>
      %max3A_306 = arith.maximumf %max3A_293, %min3A_305 : vector<16x128xbf16>
      %min3A_307 = arith.minimumf %max3A_293, %min3A_305 : vector<16x128xbf16>
      %max3A_308 = arith.maximumf %max3A_295, %min3A_307 : vector<16x128xbf16>
      %min3A_309 = arith.minimumf %max3A_295, %min3A_307 : vector<16x128xbf16>
      %max3A_310 = arith.maximumf %max3A_297, %min3A_309 : vector<16x128xbf16>
      %min3A_311 = arith.minimumf %max3A_297, %min3A_309 : vector<16x128xbf16>
      %max3A_312 = arith.maximumf %max3A_299, %min3A_311 : vector<16x128xbf16>
      %slice3A_313 = vector.extract_strided_slice %get3A_231 {offsets = [96, 0], sizes = [16, 128], strides = [1, 1]} : vector<128x128xbf16> to vector<16x128xbf16>
      %slice3A_314 = vector.extract_strided_slice %get3A_237 {offsets = [6, 0], sizes = [1, 128], strides = [1, 1]} : vector<8x128xbf16> to vector<1x128xbf16>
      %mul3A_315 = vector.broadcast %slice3A_314 : vector<1x128xbf16> to vector<16x128xbf16>
      %mul3A_316 = arith.mulf %slice3A_313, %mul3A_315 : vector<16x128xbf16>
      %max3A_317 = arith.maximumf %max3A_304, %mul3A_316 : vector<16x128xbf16>
      %min3A_318 = arith.minimumf %max3A_304, %mul3A_316 : vector<16x128xbf16>
      %max3A_319 = arith.maximumf %max3A_306, %min3A_318 : vector<16x128xbf16>
      %min3A_320 = arith.minimumf %max3A_306, %min3A_318 : vector<16x128xbf16>
      %max3A_321 = arith.maximumf %max3A_308, %min3A_320 : vector<16x128xbf16>
      %min3A_322 = arith.minimumf %max3A_308, %min3A_320 : vector<16x128xbf16>
      %max3A_323 = arith.maximumf %max3A_310, %min3A_322 : vector<16x128xbf16>
      %min3A_324 = arith.minimumf %max3A_310, %min3A_322 : vector<16x128xbf16>
      %max3A_325 = arith.maximumf %max3A_312, %min3A_324 : vector<16x128xbf16>
      %slice3A_326 = vector.extract_strided_slice %get3A_231 {offsets = [112, 0], sizes = [16, 128], strides = [1, 1]} : vector<128x128xbf16> to vector<16x128xbf16>
      %slice3A_327 = vector.extract_strided_slice %get3A_237 {offsets = [7, 0], sizes = [1, 128], strides = [1, 1]} : vector<8x128xbf16> to vector<1x128xbf16>
      %mul3A_328 = vector.broadcast %slice3A_327 : vector<1x128xbf16> to vector<16x128xbf16>
      %mul3A_329 = arith.mulf %slice3A_326, %mul3A_328 : vector<16x128xbf16>
      %max3A_330 = arith.maximumf %max3A_317, %mul3A_329 : vector<16x128xbf16>
      %min3A_331 = arith.minimumf %max3A_317, %mul3A_329 : vector<16x128xbf16>
      %max3A_332 = arith.maximumf %max3A_319, %min3A_331 : vector<16x128xbf16>
      %min3A_333 = arith.minimumf %max3A_319, %min3A_331 : vector<16x128xbf16>
      %max3A_334 = arith.maximumf %max3A_321, %min3A_333 : vector<16x128xbf16>
      %min3A_335 = arith.minimumf %max3A_321, %min3A_333 : vector<16x128xbf16>
      %max3A_336 = arith.maximumf %max3A_323, %min3A_335 : vector<16x128xbf16>
      %min3A_337 = arith.minimumf %max3A_323, %min3A_335 : vector<16x128xbf16>
      %max3A_338 = arith.maximumf %max3A_325, %min3A_337 : vector<16x128xbf16>
      scf.yield %max3A_330, %max3A_332, %max3A_334, %max3A_336, %max3A_338 : vector<16x128xbf16>, vector<16x128xbf16>, vector<16x128xbf16>, vector<16x128xbf16>, vector<16x128xbf16>
    }
    %scan3A_58 = arith.constant 16 : i32
    %add3A_59 = arith.addf %scan3A_57#0, %scan3A_57#1 : vector<16x128xbf16>
    %add3A_60 = arith.addf %scan3A_57#2, %scan3A_57#3 : vector<16x128xbf16>
    %add3A_61 = arith.addf %add3A_59, %add3A_60 : vector<16x128xbf16>
    %add3A_62 = arith.addf %add3A_61, %scan3A_57#4 : vector<16x128xbf16>
    %convert_element_type3A_63 = arith.extf %add3A_62 : vector<16x128xbf16> to vector<16x128xf32>
    %swap3A_64 = arith.constant 0 : index
    %swap3A_65 = arith.constant 512 : index
    %swap3A_66 = vector.load %arg3[%swap3A_64, %swap3A_65] : memref<16x2048xf32, #tpu.memory_space<vmem>>, vector<16x128xf32>
    tpu.vector_store %arg3[%swap3A_64, %swap3A_65], %convert_element_type3A_63 {strides = array<i32>} : memref<16x2048xf32, #tpu.memory_space<vmem>>, vector<16x128xf32>,
    %scan3A_67 = arith.constant 0 : i32
    %scan3A_68 = arith.constant 16 : i32
    %scan3A_69 = arith.addi %scan3A_67, %scan3A_68 : i32
    %scan3A_70 = arith.constant 1 : i32
    %scan3A_71:5 = scf.for %scan3A_221 = %scan3A_67 to %scan3A_69 step %scan3A_70 iter_args(%scan3A_222 = %broadcast_in_dim3A_0, %scan3A_223 = %broadcast_in_dim3A_0, %scan3A_224 = %broadcast_in_dim3A_0, %scan3A_225 = %broadcast_in_dim3A_0, %scan3A_226 = %broadcast_in_dim3A_0) -> (vector<16x128xbf16>, vector<16x128xbf16>, vector<16x128xbf16>, vector<16x128xbf16>, vector<16x128xbf16>)  : i32 {
      %mul3A = arith.constant 16 : i32
      %mul3A_227 = arith.muli %scan3A_221, %mul3A : i32
      %mul3A_228 = arith.constant 8 : i32
      %mul3A_229 = arith.muli %mul3A_227, %mul3A_228 : i32
      %multiple_of3A = tpu.assume_multiple %mul3A_229, 128 : i32
      %get3A = arith.index_cast %multiple_of3A : i32 to index
      %get3A_230 = arith.constant 0 : index
      %get3A_231 = vector.load %arg1[%get3A, %get3A_230] : memref<2048x128xbf16, #tpu.memory_space<vmem>>, vector<128x128xbf16>
      %mul3A_232 = arith.constant 8 : i32
      %mul3A_233 = arith.muli %scan3A_221, %mul3A_232 : i32
      %multiple_of3A_234 = tpu.assume_multiple %mul3A_233, 8 : i32
      %get3A_235 = arith.index_cast %multiple_of3A_234 : i32 to index
      %get3A_236 = arith.constant 640 : index
      %get3A_237 = vector.load %arg2[%get3A_235, %get3A_236] : memref<128x2048xbf16, #tpu.memory_space<vmem>>, vector<8x128xbf16>
      %slice3A = vector.extract_strided_slice %get3A_231 {offsets = [0, 0], sizes = [16, 128], strides = [1, 1]} : vector<128x128xbf16> to vector<16x128xbf16>
      %slice3A_238 = vector.extract_strided_slice %get3A_237 {offsets = [0, 0], sizes = [1, 128], strides = [1, 1]} : vector<8x128xbf16> to vector<1x128xbf16>
      %mul3A_239 = vector.broadcast %slice3A_238 : vector<1x128xbf16> to vector<16x128xbf16>
      %mul3A_240 = arith.mulf %slice3A, %mul3A_239 : vector<16x128xbf16>
      %max3A = arith.maximumf %scan3A_222, %mul3A_240 : vector<16x128xbf16>
      %min3A = arith.minimumf %scan3A_222, %mul3A_240 : vector<16x128xbf16>
      %max3A_241 = arith.maximumf %scan3A_223, %min3A : vector<16x128xbf16>
      %min3A_242 = arith.minimumf %scan3A_223, %min3A : vector<16x128xbf16>
      %max3A_243 = arith.maximumf %scan3A_224, %min3A_242 : vector<16x128xbf16>
      %min3A_244 = arith.minimumf %scan3A_224, %min3A_242 : vector<16x128xbf16>
      %max3A_245 = arith.maximumf %scan3A_225, %min3A_244 : vector<16x128xbf16>
      %min3A_246 = arith.minimumf %scan3A_225, %min3A_244 : vector<16x128xbf16>
      %max3A_247 = arith.maximumf %scan3A_226, %min3A_246 : vector<16x128xbf16>
      %slice3A_248 = vector.extract_strided_slice %get3A_231 {offsets = [16, 0], sizes = [16, 128], strides = [1, 1]} : vector<128x128xbf16> to vector<16x128xbf16>
      %slice3A_249 = vector.extract_strided_slice %get3A_237 {offsets = [1, 0], sizes = [1, 128], strides = [1, 1]} : vector<8x128xbf16> to vector<1x128xbf16>
      %mul3A_250 = vector.broadcast %slice3A_249 : vector<1x128xbf16> to vector<16x128xbf16>
      %mul3A_251 = arith.mulf %slice3A_248, %mul3A_250 : vector<16x128xbf16>
      %max3A_252 = arith.maximumf %max3A, %mul3A_251 : vector<16x128xbf16>
      %min3A_253 = arith.minimumf %max3A, %mul3A_251 : vector<16x128xbf16>
      %max3A_254 = arith.maximumf %max3A_241, %min3A_253 : vector<16x128xbf16>
      %min3A_255 = arith.minimumf %max3A_241, %min3A_253 : vector<16x128xbf16>
      %max3A_256 = arith.maximumf %max3A_243, %min3A_255 : vector<16x128xbf16>
      %min3A_257 = arith.minimumf %max3A_243, %min3A_255 : vector<16x128xbf16>
      %max3A_258 = arith.maximumf %max3A_245, %min3A_257 : vector<16x128xbf16>
      %min3A_259 = arith.minimumf %max3A_245, %min3A_257 : vector<16x128xbf16>
      %max3A_260 = arith.maximumf %max3A_247, %min3A_259 : vector<16x128xbf16>
      %slice3A_261 = vector.extract_strided_slice %get3A_231 {offsets = [32, 0], sizes = [16, 128], strides = [1, 1]} : vector<128x128xbf16> to vector<16x128xbf16>
      %slice3A_262 = vector.extract_strided_slice %get3A_237 {offsets = [2, 0], sizes = [1, 128], strides = [1, 1]} : vector<8x128xbf16> to vector<1x128xbf16>
      %mul3A_263 = vector.broadcast %slice3A_262 : vector<1x128xbf16> to vector<16x128xbf16>
      %mul3A_264 = arith.mulf %slice3A_261, %mul3A_263 : vector<16x128xbf16>
      %max3A_265 = arith.maximumf %max3A_252, %mul3A_264 : vector<16x128xbf16>
      %min3A_266 = arith.minimumf %max3A_252, %mul3A_264 : vector<16x128xbf16>
      %max3A_267 = arith.maximumf %max3A_254, %min3A_266 : vector<16x128xbf16>
      %min3A_268 = arith.minimumf %max3A_254, %min3A_266 : vector<16x128xbf16>
      %max3A_269 = arith.maximumf %max3A_256, %min3A_268 : vector<16x128xbf16>
      %min3A_270 = arith.minimumf %max3A_256, %min3A_268 : vector<16x128xbf16>
      %max3A_271 = arith.maximumf %max3A_258, %min3A_270 : vector<16x128xbf16>
      %min3A_272 = arith.minimumf %max3A_258, %min3A_270 : vector<16x128xbf16>
      %max3A_273 = arith.maximumf %max3A_260, %min3A_272 : vector<16x128xbf16>
      %slice3A_274 = vector.extract_strided_slice %get3A_231 {offsets = [48, 0], sizes = [16, 128], strides = [1, 1]} : vector<128x128xbf16> to vector<16x128xbf16>
      %slice3A_275 = vector.extract_strided_slice %get3A_237 {offsets = [3, 0], sizes = [1, 128], strides = [1, 1]} : vector<8x128xbf16> to vector<1x128xbf16>
      %mul3A_276 = vector.broadcast %slice3A_275 : vector<1x128xbf16> to vector<16x128xbf16>
      %mul3A_277 = arith.mulf %slice3A_274, %mul3A_276 : vector<16x128xbf16>
      %max3A_278 = arith.maximumf %max3A_265, %mul3A_277 : vector<16x128xbf16>
      %min3A_279 = arith.minimumf %max3A_265, %mul3A_277 : vector<16x128xbf16>
      %max3A_280 = arith.maximumf %max3A_267, %min3A_279 : vector<16x128xbf16>
      %min3A_281 = arith.minimumf %max3A_267, %min3A_279 : vector<16x128xbf16>
      %max3A_282 = arith.maximumf %max3A_269, %min3A_281 : vector<16x128xbf16>
      %min3A_283 = arith.minimumf %max3A_269, %min3A_281 : vector<16x128xbf16>
      %max3A_284 = arith.maximumf %max3A_271, %min3A_283 : vector<16x128xbf16>
      %min3A_285 = arith.minimumf %max3A_271, %min3A_283 : vector<16x128xbf16>
      %max3A_286 = arith.maximumf %max3A_273, %min3A_285 : vector<16x128xbf16>
      %slice3A_287 = vector.extract_strided_slice %get3A_231 {offsets = [64, 0], sizes = [16, 128], strides = [1, 1]} : vector<128x128xbf16> to vector<16x128xbf16>
      %slice3A_288 = vector.extract_strided_slice %get3A_237 {offsets = [4, 0], sizes = [1, 128], strides = [1, 1]} : vector<8x128xbf16> to vector<1x128xbf16>
      %mul3A_289 = vector.broadcast %slice3A_288 : vector<1x128xbf16> to vector<16x128xbf16>
      %mul3A_290 = arith.mulf %slice3A_287, %mul3A_289 : vector<16x128xbf16>
      %max3A_291 = arith.maximumf %max3A_278, %mul3A_290 : vector<16x128xbf16>
      %min3A_292 = arith.minimumf %max3A_278, %mul3A_290 : vector<16x128xbf16>
      %max3A_293 = arith.maximumf %max3A_280, %min3A_292 : vector<16x128xbf16>
      %min3A_294 = arith.minimumf %max3A_280, %min3A_292 : vector<16x128xbf16>
      %max3A_295 = arith.maximumf %max3A_282, %min3A_294 : vector<16x128xbf16>
      %min3A_296 = arith.minimumf %max3A_282, %min3A_294 : vector<16x128xbf16>
      %max3A_297 = arith.maximumf %max3A_284, %min3A_296 : vector<16x128xbf16>
      %min3A_298 = arith.minimumf %max3A_284, %min3A_296 : vector<16x128xbf16>
      %max3A_299 = arith.maximumf %max3A_286, %min3A_298 : vector<16x128xbf16>
      %slice3A_300 = vector.extract_strided_slice %get3A_231 {offsets = [80, 0], sizes = [16, 128], strides = [1, 1]} : vector<128x128xbf16> to vector<16x128xbf16>
      %slice3A_301 = vector.extract_strided_slice %get3A_237 {offsets = [5, 0], sizes = [1, 128], strides = [1, 1]} : vector<8x128xbf16> to vector<1x128xbf16>
      %mul3A_302 = vector.broadcast %slice3A_301 : vector<1x128xbf16> to vector<16x128xbf16>
      %mul3A_303 = arith.mulf %slice3A_300, %mul3A_302 : vector<16x128xbf16>
      %max3A_304 = arith.maximumf %max3A_291, %mul3A_303 : vector<16x128xbf16>
      %min3A_305 = arith.minimumf %max3A_291, %mul3A_303 : vector<16x128xbf16>
      %max3A_306 = arith.maximumf %max3A_293, %min3A_305 : vector<16x128xbf16>
      %min3A_307 = arith.minimumf %max3A_293, %min3A_305 : vector<16x128xbf16>
      %max3A_308 = arith.maximumf %max3A_295, %min3A_307 : vector<16x128xbf16>
      %min3A_309 = arith.minimumf %max3A_295, %min3A_307 : vector<16x128xbf16>
      %max3A_310 = arith.maximumf %max3A_297, %min3A_309 : vector<16x128xbf16>
      %min3A_311 = arith.minimumf %max3A_297, %min3A_309 : vector<16x128xbf16>
      %max3A_312 = arith.maximumf %max3A_299, %min3A_311 : vector<16x128xbf16>
      %slice3A_313 = vector.extract_strided_slice %get3A_231 {offsets = [96, 0], sizes = [16, 128], strides = [1, 1]} : vector<128x128xbf16> to vector<16x128xbf16>
      %slice3A_314 = vector.extract_strided_slice %get3A_237 {offsets = [6, 0], sizes = [1, 128], strides = [1, 1]} : vector<8x128xbf16> to vector<1x128xbf16>
      %mul3A_315 = vector.broadcast %slice3A_314 : vector<1x128xbf16> to vector<16x128xbf16>
      %mul3A_316 = arith.mulf %slice3A_313, %mul3A_315 : vector<16x128xbf16>
      %max3A_317 = arith.maximumf %max3A_304, %mul3A_316 : vector<16x128xbf16>
      %min3A_318 = arith.minimumf %max3A_304, %mul3A_316 : vector<16x128xbf16>
      %max3A_319 = arith.maximumf %max3A_306, %min3A_318 : vector<16x128xbf16>
      %min3A_320 = arith.minimumf %max3A_306, %min3A_318 : vector<16x128xbf16>
      %max3A_321 = arith.maximumf %max3A_308, %min3A_320 : vector<16x128xbf16>
      %min3A_322 = arith.minimumf %max3A_308, %min3A_320 : vector<16x128xbf16>
      %max3A_323 = arith.maximumf %max3A_310, %min3A_322 : vector<16x128xbf16>
      %min3A_324 = arith.minimumf %max3A_310, %min3A_322 : vector<16x128xbf16>
      %max3A_325 = arith.maximumf %max3A_312, %min3A_324 : vector<16x128xbf16>
      %slice3A_326 = vector.extract_strided_slice %get3A_231 {offsets = [112, 0], sizes = [16, 128], strides = [1, 1]} : vector<128x128xbf16> to vector<16x128xbf16>
      %slice3A_327 = vector.extract_strided_slice %get3A_237 {offsets = [7, 0], sizes = [1, 128], strides = [1, 1]} : vector<8x128xbf16> to vector<1x128xbf16>
      %mul3A_328 = vector.broadcast %slice3A_327 : vector<1x128xbf16> to vector<16x128xbf16>
      %mul3A_329 = arith.mulf %slice3A_326, %mul3A_328 : vector<16x128xbf16>
      %max3A_330 = arith.maximumf %max3A_317, %mul3A_329 : vector<16x128xbf16>
      %min3A_331 = arith.minimumf %max3A_317, %mul3A_329 : vector<16x128xbf16>
      %max3A_332 = arith.maximumf %max3A_319, %min3A_331 : vector<16x128xbf16>
      %min3A_333 = arith.minimumf %max3A_319, %min3A_331 : vector<16x128xbf16>
      %max3A_334 = arith.maximumf %max3A_321, %min3A_333 : vector<16x128xbf16>
      %min3A_335 = arith.minimumf %max3A_321, %min3A_333 : vector<16x128xbf16>
      %max3A_336 = arith.maximumf %max3A_323, %min3A_335 : vector<16x128xbf16>
      %min3A_337 = arith.minimumf %max3A_323, %min3A_335 : vector<16x128xbf16>
      %max3A_338 = arith.maximumf %max3A_325, %min3A_337 : vector<16x128xbf16>
      scf.yield %max3A_330, %max3A_332, %max3A_334, %max3A_336, %max3A_338 : vector<16x128xbf16>, vector<16x128xbf16>, vector<16x128xbf16>, vector<16x128xbf16>, vector<16x128xbf16>
    }
    %scan3A_72 = arith.constant 16 : i32
    %add3A_73 = arith.addf %scan3A_71#0, %scan3A_71#1 : vector<16x128xbf16>
    %add3A_74 = arith.addf %scan3A_71#2, %scan3A_71#3 : vector<16x128xbf16>
    %add3A_75 = arith.addf %add3A_73, %add3A_74 : vector<16x128xbf16>
    %add3A_76 = arith.addf %add3A_75, %scan3A_71#4 : vector<16x128xbf16>
    %convert_element_type3A_77 = arith.extf %add3A_76 : vector<16x128xbf16> to vector<16x128xf32>
    %swap3A_78 = arith.constant 0 : index
    %swap3A_79 = arith.constant 640 : index
    %swap3A_80 = vector.load %arg3[%swap3A_78, %swap3A_79] : memref<16x2048xf32, #tpu.memory_space<vmem>>, vector<16x128xf32>
    tpu.vector_store %arg3[%swap3A_78, %swap3A_79], %convert_element_type3A_77 {strides = array<i32>} : memref<16x2048xf32, #tpu.memory_space<vmem>>, vector<16x128xf32>,
    %scan3A_81 = arith.constant 0 : i32
    %scan3A_82 = arith.constant 16 : i32
    %scan3A_83 = arith.addi %scan3A_81, %scan3A_82 : i32
    %scan3A_84 = arith.constant 1 : i32
    %scan3A_85:5 = scf.for %scan3A_221 = %scan3A_81 to %scan3A_83 step %scan3A_84 iter_args(%scan3A_222 = %broadcast_in_dim3A_0, %scan3A_223 = %broadcast_in_dim3A_0, %scan3A_224 = %broadcast_in_dim3A_0, %scan3A_225 = %broadcast_in_dim3A_0, %scan3A_226 = %broadcast_in_dim3A_0) -> (vector<16x128xbf16>, vector<16x128xbf16>, vector<16x128xbf16>, vector<16x128xbf16>, vector<16x128xbf16>)  : i32 {
      %mul3A = arith.constant 16 : i32
      %mul3A_227 = arith.muli %scan3A_221, %mul3A : i32
      %mul3A_228 = arith.constant 8 : i32
      %mul3A_229 = arith.muli %mul3A_227, %mul3A_228 : i32
      %multiple_of3A = tpu.assume_multiple %mul3A_229, 128 : i32
      %get3A = arith.index_cast %multiple_of3A : i32 to index
      %get3A_230 = arith.constant 0 : index
      %get3A_231 = vector.load %arg1[%get3A, %get3A_230] : memref<2048x128xbf16, #tpu.memory_space<vmem>>, vector<128x128xbf16>
      %mul3A_232 = arith.constant 8 : i32
      %mul3A_233 = arith.muli %scan3A_221, %mul3A_232 : i32
      %multiple_of3A_234 = tpu.assume_multiple %mul3A_233, 8 : i32
      %get3A_235 = arith.index_cast %multiple_of3A_234 : i32 to index
      %get3A_236 = arith.constant 768 : index
      %get3A_237 = vector.load %arg2[%get3A_235, %get3A_236] : memref<128x2048xbf16, #tpu.memory_space<vmem>>, vector<8x128xbf16>
      %slice3A = vector.extract_strided_slice %get3A_231 {offsets = [0, 0], sizes = [16, 128], strides = [1, 1]} : vector<128x128xbf16> to vector<16x128xbf16>
      %slice3A_238 = vector.extract_strided_slice %get3A_237 {offsets = [0, 0], sizes = [1, 128], strides = [1, 1]} : vector<8x128xbf16> to vector<1x128xbf16>
      %mul3A_239 = vector.broadcast %slice3A_238 : vector<1x128xbf16> to vector<16x128xbf16>
      %mul3A_240 = arith.mulf %slice3A, %mul3A_239 : vector<16x128xbf16>
      %max3A = arith.maximumf %scan3A_222, %mul3A_240 : vector<16x128xbf16>
      %min3A = arith.minimumf %scan3A_222, %mul3A_240 : vector<16x128xbf16>
      %max3A_241 = arith.maximumf %scan3A_223, %min3A : vector<16x128xbf16>
      %min3A_242 = arith.minimumf %scan3A_223, %min3A : vector<16x128xbf16>
      %max3A_243 = arith.maximumf %scan3A_224, %min3A_242 : vector<16x128xbf16>
      %min3A_244 = arith.minimumf %scan3A_224, %min3A_242 : vector<16x128xbf16>
      %max3A_245 = arith.maximumf %scan3A_225, %min3A_244 : vector<16x128xbf16>
      %min3A_246 = arith.minimumf %scan3A_225, %min3A_244 : vector<16x128xbf16>
      %max3A_247 = arith.maximumf %scan3A_226, %min3A_246 : vector<16x128xbf16>
      %slice3A_248 = vector.extract_strided_slice %get3A_231 {offsets = [16, 0], sizes = [16, 128], strides = [1, 1]} : vector<128x128xbf16> to vector<16x128xbf16>
      %slice3A_249 = vector.extract_strided_slice %get3A_237 {offsets = [1, 0], sizes = [1, 128], strides = [1, 1]} : vector<8x128xbf16> to vector<1x128xbf16>
      %mul3A_250 = vector.broadcast %slice3A_249 : vector<1x128xbf16> to vector<16x128xbf16>
      %mul3A_251 = arith.mulf %slice3A_248, %mul3A_250 : vector<16x128xbf16>
      %max3A_252 = arith.maximumf %max3A, %mul3A_251 : vector<16x128xbf16>
      %min3A_253 = arith.minimumf %max3A, %mul3A_251 : vector<16x128xbf16>
      %max3A_254 = arith.maximumf %max3A_241, %min3A_253 : vector<16x128xbf16>
      %min3A_255 = arith.minimumf %max3A_241, %min3A_253 : vector<16x128xbf16>
      %max3A_256 = arith.maximumf %max3A_243, %min3A_255 : vector<16x128xbf16>
      %min3A_257 = arith.minimumf %max3A_243, %min3A_255 : vector<16x128xbf16>
      %max3A_258 = arith.maximumf %max3A_245, %min3A_257 : vector<16x128xbf16>
      %min3A_259 = arith.minimumf %max3A_245, %min3A_257 : vector<16x128xbf16>
      %max3A_260 = arith.maximumf %max3A_247, %min3A_259 : vector<16x128xbf16>
      %slice3A_261 = vector.extract_strided_slice %get3A_231 {offsets = [32, 0], sizes = [16, 128], strides = [1, 1]} : vector<128x128xbf16> to vector<16x128xbf16>
      %slice3A_262 = vector.extract_strided_slice %get3A_237 {offsets = [2, 0], sizes = [1, 128], strides = [1, 1]} : vector<8x128xbf16> to vector<1x128xbf16>
      %mul3A_263 = vector.broadcast %slice3A_262 : vector<1x128xbf16> to vector<16x128xbf16>
      %mul3A_264 = arith.mulf %slice3A_261, %mul3A_263 : vector<16x128xbf16>
      %max3A_265 = arith.maximumf %max3A_252, %mul3A_264 : vector<16x128xbf16>
      %min3A_266 = arith.minimumf %max3A_252, %mul3A_264 : vector<16x128xbf16>
      %max3A_267 = arith.maximumf %max3A_254, %min3A_266 : vector<16x128xbf16>
      %min3A_268 = arith.minimumf %max3A_254, %min3A_266 : vector<16x128xbf16>
      %max3A_269 = arith.maximumf %max3A_256, %min3A_268 : vector<16x128xbf16>
      %min3A_270 = arith.minimumf %max3A_256, %min3A_268 : vector<16x128xbf16>
      %max3A_271 = arith.maximumf %max3A_258, %min3A_270 : vector<16x128xbf16>
      %min3A_272 = arith.minimumf %max3A_258, %min3A_270 : vector<16x128xbf16>
      %max3A_273 = arith.maximumf %max3A_260, %min3A_272 : vector<16x128xbf16>
      %slice3A_274 = vector.extract_strided_slice %get3A_231 {offsets = [48, 0], sizes = [16, 128], strides = [1, 1]} : vector<128x128xbf16> to vector<16x128xbf16>
      %slice3A_275 = vector.extract_strided_slice %get3A_237 {offsets = [3, 0], sizes = [1, 128], strides = [1, 1]} : vector<8x128xbf16> to vector<1x128xbf16>
      %mul3A_276 = vector.broadcast %slice3A_275 : vector<1x128xbf16> to vector<16x128xbf16>
      %mul3A_277 = arith.mulf %slice3A_274, %mul3A_276 : vector<16x128xbf16>
      %max3A_278 = arith.maximumf %max3A_265, %mul3A_277 : vector<16x128xbf16>
      %min3A_279 = arith.minimumf %max3A_265, %mul3A_277 : vector<16x128xbf16>
      %max3A_280 = arith.maximumf %max3A_267, %min3A_279 : vector<16x128xbf16>
      %min3A_281 = arith.minimumf %max3A_267, %min3A_279 : vector<16x128xbf16>
      %max3A_282 = arith.maximumf %max3A_269, %min3A_281 : vector<16x128xbf16>
      %min3A_283 = arith.minimumf %max3A_269, %min3A_281 : vector<16x128xbf16>
      %max3A_284 = arith.maximumf %max3A_271, %min3A_283 : vector<16x128xbf16>
      %min3A_285 = arith.minimumf %max3A_271, %min3A_283 : vector<16x128xbf16>
      %max3A_286 = arith.maximumf %max3A_273, %min3A_285 : vector<16x128xbf16>
      %slice3A_287 = vector.extract_strided_slice %get3A_231 {offsets = [64, 0], sizes = [16, 128], strides = [1, 1]} : vector<128x128xbf16> to vector<16x128xbf16>
      %slice3A_288 = vector.extract_strided_slice %get3A_237 {offsets = [4, 0], sizes = [1, 128], strides = [1, 1]} : vector<8x128xbf16> to vector<1x128xbf16>
      %mul3A_289 = vector.broadcast %slice3A_288 : vector<1x128xbf16> to vector<16x128xbf16>
      %mul3A_290 = arith.mulf %slice3A_287, %mul3A_289 : vector<16x128xbf16>
      %max3A_291 = arith.maximumf %max3A_278, %mul3A_290 : vector<16x128xbf16>
      %min3A_292 = arith.minimumf %max3A_278, %mul3A_290 : vector<16x128xbf16>
      %max3A_293 = arith.maximumf %max3A_280, %min3A_292 : vector<16x128xbf16>
      %min3A_294 = arith.minimumf %max3A_280, %min3A_292 : vector<16x128xbf16>
      %max3A_295 = arith.maximumf %max3A_282, %min3A_294 : vector<16x128xbf16>
      %min3A_296 = arith.minimumf %max3A_282, %min3A_294 : vector<16x128xbf16>
      %max3A_297 = arith.maximumf %max3A_284, %min3A_296 : vector<16x128xbf16>
      %min3A_298 = arith.minimumf %max3A_284, %min3A_296 : vector<16x128xbf16>
      %max3A_299 = arith.maximumf %max3A_286, %min3A_298 : vector<16x128xbf16>
      %slice3A_300 = vector.extract_strided_slice %get3A_231 {offsets = [80, 0], sizes = [16, 128], strides = [1, 1]} : vector<128x128xbf16> to vector<16x128xbf16>
      %slice3A_301 = vector.extract_strided_slice %get3A_237 {offsets = [5, 0], sizes = [1, 128], strides = [1, 1]} : vector<8x128xbf16> to vector<1x128xbf16>
      %mul3A_302 = vector.broadcast %slice3A_301 : vector<1x128xbf16> to vector<16x128xbf16>
      %mul3A_303 = arith.mulf %slice3A_300, %mul3A_302 : vector<16x128xbf16>
      %max3A_304 = arith.maximumf %max3A_291, %mul3A_303 : vector<16x128xbf16>
      %min3A_305 = arith.minimumf %max3A_291, %mul3A_303 : vector<16x128xbf16>
      %max3A_306 = arith.maximumf %max3A_293, %min3A_305 : vector<16x128xbf16>
      %min3A_307 = arith.minimumf %max3A_293, %min3A_305 : vector<16x128xbf16>
      %max3A_308 = arith.maximumf %max3A_295, %min3A_307 : vector<16x128xbf16>
      %min3A_309 = arith.minimumf %max3A_295, %min3A_307 : vector<16x128xbf16>
      %max3A_310 = arith.maximumf %max3A_297, %min3A_309 : vector<16x128xbf16>
      %min3A_311 = arith.minimumf %max3A_297, %min3A_309 : vector<16x128xbf16>
      %max3A_312 = arith.maximumf %max3A_299, %min3A_311 : vector<16x128xbf16>
      %slice3A_313 = vector.extract_strided_slice %get3A_231 {offsets = [96, 0], sizes = [16, 128], strides = [1, 1]} : vector<128x128xbf16> to vector<16x128xbf16>
      %slice3A_314 = vector.extract_strided_slice %get3A_237 {offsets = [6, 0], sizes = [1, 128], strides = [1, 1]} : vector<8x128xbf16> to vector<1x128xbf16>
      %mul3A_315 = vector.broadcast %slice3A_314 : vector<1x128xbf16> to vector<16x128xbf16>
      %mul3A_316 = arith.mulf %slice3A_313, %mul3A_315 : vector<16x128xbf16>
      %max3A_317 = arith.maximumf %max3A_304, %mul3A_316 : vector<16x128xbf16>
      %min3A_318 = arith.minimumf %max3A_304, %mul3A_316 : vector<16x128xbf16>
      %max3A_319 = arith.maximumf %max3A_306, %min3A_318 : vector<16x128xbf16>
      %min3A_320 = arith.minimumf %max3A_306, %min3A_318 : vector<16x128xbf16>
      %max3A_321 = arith.maximumf %max3A_308, %min3A_320 : vector<16x128xbf16>
      %min3A_322 = arith.minimumf %max3A_308, %min3A_320 : vector<16x128xbf16>
      %max3A_323 = arith.maximumf %max3A_310, %min3A_322 : vector<16x128xbf16>
      %min3A_324 = arith.minimumf %max3A_310, %min3A_322 : vector<16x128xbf16>
      %max3A_325 = arith.maximumf %max3A_312, %min3A_324 : vector<16x128xbf16>
      %slice3A_326 = vector.extract_strided_slice %get3A_231 {offsets = [112, 0], sizes = [16, 128], strides = [1, 1]} : vector<128x128xbf16> to vector<16x128xbf16>
      %slice3A_327 = vector.extract_strided_slice %get3A_237 {offsets = [7, 0], sizes = [1, 128], strides = [1, 1]} : vector<8x128xbf16> to vector<1x128xbf16>
      %mul3A_328 = vector.broadcast %slice3A_327 : vector<1x128xbf16> to vector<16x128xbf16>
      %mul3A_329 = arith.mulf %slice3A_326, %mul3A_328 : vector<16x128xbf16>
      %max3A_330 = arith.maximumf %max3A_317, %mul3A_329 : vector<16x128xbf16>
      %min3A_331 = arith.minimumf %max3A_317, %mul3A_329 : vector<16x128xbf16>
      %max3A_332 = arith.maximumf %max3A_319, %min3A_331 : vector<16x128xbf16>
      %min3A_333 = arith.minimumf %max3A_319, %min3A_331 : vector<16x128xbf16>
      %max3A_334 = arith.maximumf %max3A_321, %min3A_333 : vector<16x128xbf16>
      %min3A_335 = arith.minimumf %max3A_321, %min3A_333 : vector<16x128xbf16>
      %max3A_336 = arith.maximumf %max3A_323, %min3A_335 : vector<16x128xbf16>
      %min3A_337 = arith.minimumf %max3A_323, %min3A_335 : vector<16x128xbf16>
      %max3A_338 = arith.maximumf %max3A_325, %min3A_337 : vector<16x128xbf16>
      scf.yield %max3A_330, %max3A_332, %max3A_334, %max3A_336, %max3A_338 : vector<16x128xbf16>, vector<16x128xbf16>, vector<16x128xbf16>, vector<16x128xbf16>, vector<16x128xbf16>
    }
    %scan3A_86 = arith.constant 16 : i32
    %add3A_87 = arith.addf %scan3A_85#0, %scan3A_85#1 : vector<16x128xbf16>
    %add3A_88 = arith.addf %scan3A_85#2, %scan3A_85#3 : vector<16x128xbf16>
    %add3A_89 = arith.addf %add3A_87, %add3A_88 : vector<16x128xbf16>
    %add3A_90 = arith.addf %add3A_89, %scan3A_85#4 : vector<16x128xbf16>
    %convert_element_type3A_91 = arith.extf %add3A_90 : vector<16x128xbf16> to vector<16x128xf32>
    %swap3A_92 = arith.constant 0 : index
    %swap3A_93 = arith.constant 768 : index
    %swap3A_94 = vector.load %arg3[%swap3A_92, %swap3A_93] : memref<16x2048xf32, #tpu.memory_space<vmem>>, vector<16x128xf32>
    tpu.vector_store %arg3[%swap3A_92, %swap3A_93], %convert_element_type3A_91 {strides = array<i32>} : memref<16x2048xf32, #tpu.memory_space<vmem>>, vector<16x128xf32>,
    %scan3A_95 = arith.constant 0 : i32
    %scan3A_96 = arith.constant 16 : i32
    %scan3A_97 = arith.addi %scan3A_95, %scan3A_96 : i32
    %scan3A_98 = arith.constant 1 : i32
    %scan3A_99:5 = scf.for %scan3A_221 = %scan3A_95 to %scan3A_97 step %scan3A_98 iter_args(%scan3A_222 = %broadcast_in_dim3A_0, %scan3A_223 = %broadcast_in_dim3A_0, %scan3A_224 = %broadcast_in_dim3A_0, %scan3A_225 = %broadcast_in_dim3A_0, %scan3A_226 = %broadcast_in_dim3A_0) -> (vector<16x128xbf16>, vector<16x128xbf16>, vector<16x128xbf16>, vector<16x128xbf16>, vector<16x128xbf16>)  : i32 {
      %mul3A = arith.constant 16 : i32
      %mul3A_227 = arith.muli %scan3A_221, %mul3A : i32
      %mul3A_228 = arith.constant 8 : i32
      %mul3A_229 = arith.muli %mul3A_227, %mul3A_228 : i32
      %multiple_of3A = tpu.assume_multiple %mul3A_229, 128 : i32
      %get3A = arith.index_cast %multiple_of3A : i32 to index
      %get3A_230 = arith.constant 0 : index
      %get3A_231 = vector.load %arg1[%get3A, %get3A_230] : memref<2048x128xbf16, #tpu.memory_space<vmem>>, vector<128x128xbf16>
      %mul3A_232 = arith.constant 8 : i32
      %mul3A_233 = arith.muli %scan3A_221, %mul3A_232 : i32
      %multiple_of3A_234 = tpu.assume_multiple %mul3A_233, 8 : i32
      %get3A_235 = arith.index_cast %multiple_of3A_234 : i32 to index
      %get3A_236 = arith.constant 896 : index
      %get3A_237 = vector.load %arg2[%get3A_235, %get3A_236] : memref<128x2048xbf16, #tpu.memory_space<vmem>>, vector<8x128xbf16>
      %slice3A = vector.extract_strided_slice %get3A_231 {offsets = [0, 0], sizes = [16, 128], strides = [1, 1]} : vector<128x128xbf16> to vector<16x128xbf16>
      %slice3A_238 = vector.extract_strided_slice %get3A_237 {offsets = [0, 0], sizes = [1, 128], strides = [1, 1]} : vector<8x128xbf16> to vector<1x128xbf16>
      %mul3A_239 = vector.broadcast %slice3A_238 : vector<1x128xbf16> to vector<16x128xbf16>
      %mul3A_240 = arith.mulf %slice3A, %mul3A_239 : vector<16x128xbf16>
      %max3A = arith.maximumf %scan3A_222, %mul3A_240 : vector<16x128xbf16>
      %min3A = arith.minimumf %scan3A_222, %mul3A_240 : vector<16x128xbf16>
      %max3A_241 = arith.maximumf %scan3A_223, %min3A : vector<16x128xbf16>
      %min3A_242 = arith.minimumf %scan3A_223, %min3A : vector<16x128xbf16>
      %max3A_243 = arith.maximumf %scan3A_224, %min3A_242 : vector<16x128xbf16>
      %min3A_244 = arith.minimumf %scan3A_224, %min3A_242 : vector<16x128xbf16>
      %max3A_245 = arith.maximumf %scan3A_225, %min3A_244 : vector<16x128xbf16>
      %min3A_246 = arith.minimumf %scan3A_225, %min3A_244 : vector<16x128xbf16>
      %max3A_247 = arith.maximumf %scan3A_226, %min3A_246 : vector<16x128xbf16>
      %slice3A_248 = vector.extract_strided_slice %get3A_231 {offsets = [16, 0], sizes = [16, 128], strides = [1, 1]} : vector<128x128xbf16> to vector<16x128xbf16>
      %slice3A_249 = vector.extract_strided_slice %get3A_237 {offsets = [1, 0], sizes = [1, 128], strides = [1, 1]} : vector<8x128xbf16> to vector<1x128xbf16>
      %mul3A_250 = vector.broadcast %slice3A_249 : vector<1x128xbf16> to vector<16x128xbf16>
      %mul3A_251 = arith.mulf %slice3A_248, %mul3A_250 : vector<16x128xbf16>
      %max3A_252 = arith.maximumf %max3A, %mul3A_251 : vector<16x128xbf16>
      %min3A_253 = arith.minimumf %max3A, %mul3A_251 : vector<16x128xbf16>
      %max3A_254 = arith.maximumf %max3A_241, %min3A_253 : vector<16x128xbf16>
      %min3A_255 = arith.minimumf %max3A_241, %min3A_253 : vector<16x128xbf16>
      %max3A_256 = arith.maximumf %max3A_243, %min3A_255 : vector<16x128xbf16>
      %min3A_257 = arith.minimumf %max3A_243, %min3A_255 : vector<16x128xbf16>
      %max3A_258 = arith.maximumf %max3A_245, %min3A_257 : vector<16x128xbf16>
      %min3A_259 = arith.minimumf %max3A_245, %min3A_257 : vector<16x128xbf16>
      %max3A_260 = arith.maximumf %max3A_247, %min3A_259 : vector<16x128xbf16>
      %slice3A_261 = vector.extract_strided_slice %get3A_231 {offsets = [32, 0], sizes = [16, 128], strides = [1, 1]} : vector<128x128xbf16> to vector<16x128xbf16>
      %slice3A_262 = vector.extract_strided_slice %get3A_237 {offsets = [2, 0], sizes = [1, 128], strides = [1, 1]} : vector<8x128xbf16> to vector<1x128xbf16>
      %mul3A_263 = vector.broadcast %slice3A_262 : vector<1x128xbf16> to vector<16x128xbf16>
      %mul3A_264 = arith.mulf %slice3A_261, %mul3A_263 : vector<16x128xbf16>
      %max3A_265 = arith.maximumf %max3A_252, %mul3A_264 : vector<16x128xbf16>
      %min3A_266 = arith.minimumf %max3A_252, %mul3A_264 : vector<16x128xbf16>
      %max3A_267 = arith.maximumf %max3A_254, %min3A_266 : vector<16x128xbf16>
      %min3A_268 = arith.minimumf %max3A_254, %min3A_266 : vector<16x128xbf16>
      %max3A_269 = arith.maximumf %max3A_256, %min3A_268 : vector<16x128xbf16>
      %min3A_270 = arith.minimumf %max3A_256, %min3A_268 : vector<16x128xbf16>
      %max3A_271 = arith.maximumf %max3A_258, %min3A_270 : vector<16x128xbf16>
      %min3A_272 = arith.minimumf %max3A_258, %min3A_270 : vector<16x128xbf16>
      %max3A_273 = arith.maximumf %max3A_260, %min3A_272 : vector<16x128xbf16>
      %slice3A_274 = vector.extract_strided_slice %get3A_231 {offsets = [48, 0], sizes = [16, 128], strides = [1, 1]} : vector<128x128xbf16> to vector<16x128xbf16>
      %slice3A_275 = vector.extract_strided_slice %get3A_237 {offsets = [3, 0], sizes = [1, 128], strides = [1, 1]} : vector<8x128xbf16> to vector<1x128xbf16>
      %mul3A_276 = vector.broadcast %slice3A_275 : vector<1x128xbf16> to vector<16x128xbf16>
      %mul3A_277 = arith.mulf %slice3A_274, %mul3A_276 : vector<16x128xbf16>
      %max3A_278 = arith.maximumf %max3A_265, %mul3A_277 : vector<16x128xbf16>
      %min3A_279 = arith.minimumf %max3A_265, %mul3A_277 : vector<16x128xbf16>
      %max3A_280 = arith.maximumf %max3A_267, %min3A_279 : vector<16x128xbf16>
      %min3A_281 = arith.minimumf %max3A_267, %min3A_279 : vector<16x128xbf16>
      %max3A_282 = arith.maximumf %max3A_269, %min3A_281 : vector<16x128xbf16>
      %min3A_283 = arith.minimumf %max3A_269, %min3A_281 : vector<16x128xbf16>
      %max3A_284 = arith.maximumf %max3A_271, %min3A_283 : vector<16x128xbf16>
      %min3A_285 = arith.minimumf %max3A_271, %min3A_283 : vector<16x128xbf16>
      %max3A_286 = arith.maximumf %max3A_273, %min3A_285 : vector<16x128xbf16>
      %slice3A_287 = vector.extract_strided_slice %get3A_231 {offsets = [64, 0], sizes = [16, 128], strides = [1, 1]} : vector<128x128xbf16> to vector<16x128xbf16>
      %slice3A_288 = vector.extract_strided_slice %get3A_237 {offsets = [4, 0], sizes = [1, 128], strides = [1, 1]} : vector<8x128xbf16> to vector<1x128xbf16>
      %mul3A_289 = vector.broadcast %slice3A_288 : vector<1x128xbf16> to vector<16x128xbf16>
      %mul3A_290 = arith.mulf %slice3A_287, %mul3A_289 : vector<16x128xbf16>
      %max3A_291 = arith.maximumf %max3A_278, %mul3A_290 : vector<16x128xbf16>
      %min3A_292 = arith.minimumf %max3A_278, %mul3A_290 : vector<16x128xbf16>
      %max3A_293 = arith.maximumf %max3A_280, %min3A_292 : vector<16x128xbf16>
      %min3A_294 = arith.minimumf %max3A_280, %min3A_292 : vector<16x128xbf16>
      %max3A_295 = arith.maximumf %max3A_282, %min3A_294 : vector<16x128xbf16>
      %min3A_296 = arith.minimumf %max3A_282, %min3A_294 : vector<16x128xbf16>
      %max3A_297 = arith.maximumf %max3A_284, %min3A_296 : vector<16x128xbf16>
      %min3A_298 = arith.minimumf %max3A_284, %min3A_296 : vector<16x128xbf16>
      %max3A_299 = arith.maximumf %max3A_286, %min3A_298 : vector<16x128xbf16>
      %slice3A_300 = vector.extract_strided_slice %get3A_231 {offsets = [80, 0], sizes = [16, 128], strides = [1, 1]} : vector<128x128xbf16> to vector<16x128xbf16>
      %slice3A_301 = vector.extract_strided_slice %get3A_237 {offsets = [5, 0], sizes = [1, 128], strides = [1, 1]} : vector<8x128xbf16> to vector<1x128xbf16>
      %mul3A_302 = vector.broadcast %slice3A_301 : vector<1x128xbf16> to vector<16x128xbf16>
      %mul3A_303 = arith.mulf %slice3A_300, %mul3A_302 : vector<16x128xbf16>
      %max3A_304 = arith.maximumf %max3A_291, %mul3A_303 : vector<16x128xbf16>
      %min3A_305 = arith.minimumf %max3A_291, %mul3A_303 : vector<16x128xbf16>
      %max3A_306 = arith.maximumf %max3A_293, %min3A_305 : vector<16x128xbf16>
      %min3A_307 = arith.minimumf %max3A_293, %min3A_305 : vector<16x128xbf16>
      %max3A_308 = arith.maximumf %max3A_295, %min3A_307 : vector<16x128xbf16>
      %min3A_309 = arith.minimumf %max3A_295, %min3A_307 : vector<16x128xbf16>
      %max3A_310 = arith.maximumf %max3A_297, %min3A_309 : vector<16x128xbf16>
      %min3A_311 = arith.minimumf %max3A_297, %min3A_309 : vector<16x128xbf16>
      %max3A_312 = arith.maximumf %max3A_299, %min3A_311 : vector<16x128xbf16>
      %slice3A_313 = vector.extract_strided_slice %get3A_231 {offsets = [96, 0], sizes = [16, 128], strides = [1, 1]} : vector<128x128xbf16> to vector<16x128xbf16>
      %slice3A_314 = vector.extract_strided_slice %get3A_237 {offsets = [6, 0], sizes = [1, 128], strides = [1, 1]} : vector<8x128xbf16> to vector<1x128xbf16>
      %mul3A_315 = vector.broadcast %slice3A_314 : vector<1x128xbf16> to vector<16x128xbf16>
      %mul3A_316 = arith.mulf %slice3A_313, %mul3A_315 : vector<16x128xbf16>
      %max3A_317 = arith.maximumf %max3A_304, %mul3A_316 : vector<16x128xbf16>
      %min3A_318 = arith.minimumf %max3A_304, %mul3A_316 : vector<16x128xbf16>
      %max3A_319 = arith.maximumf %max3A_306, %min3A_318 : vector<16x128xbf16>
      %min3A_320 = arith.minimumf %max3A_306, %min3A_318 : vector<16x128xbf16>
      %max3A_321 = arith.maximumf %max3A_308, %min3A_320 : vector<16x128xbf16>
      %min3A_322 = arith.minimumf %max3A_308, %min3A_320 : vector<16x128xbf16>
      %max3A_323 = arith.maximumf %max3A_310, %min3A_322 : vector<16x128xbf16>
      %min3A_324 = arith.minimumf %max3A_310, %min3A_322 : vector<16x128xbf16>
      %max3A_325 = arith.maximumf %max3A_312, %min3A_324 : vector<16x128xbf16>
      %slice3A_326 = vector.extract_strided_slice %get3A_231 {offsets = [112, 0], sizes = [16, 128], strides = [1, 1]} : vector<128x128xbf16> to vector<16x128xbf16>
      %slice3A_327 = vector.extract_strided_slice %get3A_237 {offsets = [7, 0], sizes = [1, 128], strides = [1, 1]} : vector<8x128xbf16> to vector<1x128xbf16>
      %mul3A_328 = vector.broadcast %slice3A_327 : vector<1x128xbf16> to vector<16x128xbf16>
      %mul3A_329 = arith.mulf %slice3A_326, %mul3A_328 : vector<16x128xbf16>
      %max3A_330 = arith.maximumf %max3A_317, %mul3A_329 : vector<16x128xbf16>
      %min3A_331 = arith.minimumf %max3A_317, %mul3A_329 : vector<16x128xbf16>
      %max3A_332 = arith.maximumf %max3A_319, %min3A_331 : vector<16x128xbf16>
      %min3A_333 = arith.minimumf %max3A_319, %min3A_331 : vector<16x128xbf16>
      %max3A_334 = arith.maximumf %max3A_321, %min3A_333 : vector<16x128xbf16>
      %min3A_335 = arith.minimumf %max3A_321, %min3A_333 : vector<16x128xbf16>
      %max3A_336 = arith.maximumf %max3A_323, %min3A_335 : vector<16x128xbf16>
      %min3A_337 = arith.minimumf %max3A_323, %min3A_335 : vector<16x128xbf16>
      %max3A_338 = arith.maximumf %max3A_325, %min3A_337 : vector<16x128xbf16>
      scf.yield %max3A_330, %max3A_332, %max3A_334, %max3A_336, %max3A_338 : vector<16x128xbf16>, vector<16x128xbf16>, vector<16x128xbf16>, vector<16x128xbf16>, vector<16x128xbf16>
    }
    %scan3A_100 = arith.constant 16 : i32
    %add3A_101 = arith.addf %scan3A_99#0, %scan3A_99#1 : vector<16x128xbf16>
    %add3A_102 = arith.addf %scan3A_99#2, %scan3A_99#3 : vector<16x128xbf16>
    %add3A_103 = arith.addf %add3A_101, %add3A_102 : vector<16x128xbf16>
    %add3A_104 = arith.addf %add3A_103, %scan3A_99#4 : vector<16x128xbf16>
    %convert_element_type3A_105 = arith.extf %add3A_104 : vector<16x128xbf16> to vector<16x128xf32>
    %swap3A_106 = arith.constant 0 : index
    %swap3A_107 = arith.constant 896 : index
    %swap3A_108 = vector.load %arg3[%swap3A_106, %swap3A_107] : memref<16x2048xf32, #tpu.memory_space<vmem>>, vector<16x128xf32>
    tpu.vector_store %arg3[%swap3A_106, %swap3A_107], %convert_element_type3A_105 {strides = array<i32>} : memref<16x2048xf32, #tpu.memory_space<vmem>>, vector<16x128xf32>,
    %scan3A_109 = arith.constant 0 : i32
    %scan3A_110 = arith.constant 16 : i32
    %scan3A_111 = arith.addi %scan3A_109, %scan3A_110 : i32
    %scan3A_112 = arith.constant 1 : i32
    %scan3A_113:5 = scf.for %scan3A_221 = %scan3A_109 to %scan3A_111 step %scan3A_112 iter_args(%scan3A_222 = %broadcast_in_dim3A_0, %scan3A_223 = %broadcast_in_dim3A_0, %scan3A_224 = %broadcast_in_dim3A_0, %scan3A_225 = %broadcast_in_dim3A_0, %scan3A_226 = %broadcast_in_dim3A_0) -> (vector<16x128xbf16>, vector<16x128xbf16>, vector<16x128xbf16>, vector<16x128xbf16>, vector<16x128xbf16>)  : i32 {
      %mul3A = arith.constant 16 : i32
      %mul3A_227 = arith.muli %scan3A_221, %mul3A : i32
      %mul3A_228 = arith.constant 8 : i32
      %mul3A_229 = arith.muli %mul3A_227, %mul3A_228 : i32
      %multiple_of3A = tpu.assume_multiple %mul3A_229, 128 : i32
      %get3A = arith.index_cast %multiple_of3A : i32 to index
      %get3A_230 = arith.constant 0 : index
      %get3A_231 = vector.load %arg1[%get3A, %get3A_230] : memref<2048x128xbf16, #tpu.memory_space<vmem>>, vector<128x128xbf16>
      %mul3A_232 = arith.constant 8 : i32
      %mul3A_233 = arith.muli %scan3A_221, %mul3A_232 : i32
      %multiple_of3A_234 = tpu.assume_multiple %mul3A_233, 8 : i32
      %get3A_235 = arith.index_cast %multiple_of3A_234 : i32 to index
      %get3A_236 = arith.constant 1024 : index
      %get3A_237 = vector.load %arg2[%get3A_235, %get3A_236] : memref<128x2048xbf16, #tpu.memory_space<vmem>>, vector<8x128xbf16>
      %slice3A = vector.extract_strided_slice %get3A_231 {offsets = [0, 0], sizes = [16, 128], strides = [1, 1]} : vector<128x128xbf16> to vector<16x128xbf16>
      %slice3A_238 = vector.extract_strided_slice %get3A_237 {offsets = [0, 0], sizes = [1, 128], strides = [1, 1]} : vector<8x128xbf16> to vector<1x128xbf16>
      %mul3A_239 = vector.broadcast %slice3A_238 : vector<1x128xbf16> to vector<16x128xbf16>
      %mul3A_240 = arith.mulf %slice3A, %mul3A_239 : vector<16x128xbf16>
      %max3A = arith.maximumf %scan3A_222, %mul3A_240 : vector<16x128xbf16>
      %min3A = arith.minimumf %scan3A_222, %mul3A_240 : vector<16x128xbf16>
      %max3A_241 = arith.maximumf %scan3A_223, %min3A : vector<16x128xbf16>
      %min3A_242 = arith.minimumf %scan3A_223, %min3A : vector<16x128xbf16>
      %max3A_243 = arith.maximumf %scan3A_224, %min3A_242 : vector<16x128xbf16>
      %min3A_244 = arith.minimumf %scan3A_224, %min3A_242 : vector<16x128xbf16>
      %max3A_245 = arith.maximumf %scan3A_225, %min3A_244 : vector<16x128xbf16>
      %min3A_246 = arith.minimumf %scan3A_225, %min3A_244 : vector<16x128xbf16>
      %max3A_247 = arith.maximumf %scan3A_226, %min3A_246 : vector<16x128xbf16>
      %slice3A_248 = vector.extract_strided_slice %get3A_231 {offsets = [16, 0], sizes = [16, 128], strides = [1, 1]} : vector<128x128xbf16> to vector<16x128xbf16>
      %slice3A_249 = vector.extract_strided_slice %get3A_237 {offsets = [1, 0], sizes = [1, 128], strides = [1, 1]} : vector<8x128xbf16> to vector<1x128xbf16>
      %mul3A_250 = vector.broadcast %slice3A_249 : vector<1x128xbf16> to vector<16x128xbf16>
      %mul3A_251 = arith.mulf %slice3A_248, %mul3A_250 : vector<16x128xbf16>
      %max3A_252 = arith.maximumf %max3A, %mul3A_251 : vector<16x128xbf16>
      %min3A_253 = arith.minimumf %max3A, %mul3A_251 : vector<16x128xbf16>
      %max3A_254 = arith.maximumf %max3A_241, %min3A_253 : vector<16x128xbf16>
      %min3A_255 = arith.minimumf %max3A_241, %min3A_253 : vector<16x128xbf16>
      %max3A_256 = arith.maximumf %max3A_243, %min3A_255 : vector<16x128xbf16>
      %min3A_257 = arith.minimumf %max3A_243, %min3A_255 : vector<16x128xbf16>
      %max3A_258 = arith.maximumf %max3A_245, %min3A_257 : vector<16x128xbf16>
      %min3A_259 = arith.minimumf %max3A_245, %min3A_257 : vector<16x128xbf16>
      %max3A_260 = arith.maximumf %max3A_247, %min3A_259 : vector<16x128xbf16>
      %slice3A_261 = vector.extract_strided_slice %get3A_231 {offsets = [32, 0], sizes = [16, 128], strides = [1, 1]} : vector<128x128xbf16> to vector<16x128xbf16>
      %slice3A_262 = vector.extract_strided_slice %get3A_237 {offsets = [2, 0], sizes = [1, 128], strides = [1, 1]} : vector<8x128xbf16> to vector<1x128xbf16>
      %mul3A_263 = vector.broadcast %slice3A_262 : vector<1x128xbf16> to vector<16x128xbf16>
      %mul3A_264 = arith.mulf %slice3A_261, %mul3A_263 : vector<16x128xbf16>
      %max3A_265 = arith.maximumf %max3A_252, %mul3A_264 : vector<16x128xbf16>
      %min3A_266 = arith.minimumf %max3A_252, %mul3A_264 : vector<16x128xbf16>
      %max3A_267 = arith.maximumf %max3A_254, %min3A_266 : vector<16x128xbf16>
      %min3A_268 = arith.minimumf %max3A_254, %min3A_266 : vector<16x128xbf16>
      %max3A_269 = arith.maximumf %max3A_256, %min3A_268 : vector<16x128xbf16>
      %min3A_270 = arith.minimumf %max3A_256, %min3A_268 : vector<16x128xbf16>
      %max3A_271 = arith.maximumf %max3A_258, %min3A_270 : vector<16x128xbf16>
      %min3A_272 = arith.minimumf %max3A_258, %min3A_270 : vector<16x128xbf16>
      %max3A_273 = arith.maximumf %max3A_260, %min3A_272 : vector<16x128xbf16>
      %slice3A_274 = vector.extract_strided_slice %get3A_231 {offsets = [48, 0], sizes = [16, 128], strides = [1, 1]} : vector<128x128xbf16> to vector<16x128xbf16>
      %slice3A_275 = vector.extract_strided_slice %get3A_237 {offsets = [3, 0], sizes = [1, 128], strides = [1, 1]} : vector<8x128xbf16> to vector<1x128xbf16>
      %mul3A_276 = vector.broadcast %slice3A_275 : vector<1x128xbf16> to vector<16x128xbf16>
      %mul3A_277 = arith.mulf %slice3A_274, %mul3A_276 : vector<16x128xbf16>
      %max3A_278 = arith.maximumf %max3A_265, %mul3A_277 : vector<16x128xbf16>
      %min3A_279 = arith.minimumf %max3A_265, %mul3A_277 : vector<16x128xbf16>
      %max3A_280 = arith.maximumf %max3A_267, %min3A_279 : vector<16x128xbf16>
      %min3A_281 = arith.minimumf %max3A_267, %min3A_279 : vector<16x128xbf16>
      %max3A_282 = arith.maximumf %max3A_269, %min3A_281 : vector<16x128xbf16>
      %min3A_283 = arith.minimumf %max3A_269, %min3A_281 : vector<16x128xbf16>
      %max3A_284 = arith.maximumf %max3A_271, %min3A_283 : vector<16x128xbf16>
      %min3A_285 = arith.minimumf %max3A_271, %min3A_283 : vector<16x128xbf16>
      %max3A_286 = arith.maximumf %max3A_273, %min3A_285 : vector<16x128xbf16>
      %slice3A_287 = vector.extract_strided_slice %get3A_231 {offsets = [64, 0], sizes = [16, 128], strides = [1, 1]} : vector<128x128xbf16> to vector<16x128xbf16>
      %slice3A_288 = vector.extract_strided_slice %get3A_237 {offsets = [4, 0], sizes = [1, 128], strides = [1, 1]} : vector<8x128xbf16> to vector<1x128xbf16>
      %mul3A_289 = vector.broadcast %slice3A_288 : vector<1x128xbf16> to vector<16x128xbf16>
      %mul3A_290 = arith.mulf %slice3A_287, %mul3A_289 : vector<16x128xbf16>
      %max3A_291 = arith.maximumf %max3A_278, %mul3A_290 : vector<16x128xbf16>
      %min3A_292 = arith.minimumf %max3A_278, %mul3A_290 : vector<16x128xbf16>
      %max3A_293 = arith.maximumf %max3A_280, %min3A_292 : vector<16x128xbf16>
      %min3A_294 = arith.minimumf %max3A_280, %min3A_292 : vector<16x128xbf16>
      %max3A_295 = arith.maximumf %max3A_282, %min3A_294 : vector<16x128xbf16>
      %min3A_296 = arith.minimumf %max3A_282, %min3A_294 : vector<16x128xbf16>
      %max3A_297 = arith.maximumf %max3A_284, %min3A_296 : vector<16x128xbf16>
      %min3A_298 = arith.minimumf %max3A_284, %min3A_296 : vector<16x128xbf16>
      %max3A_299 = arith.maximumf %max3A_286, %min3A_298 : vector<16x128xbf16>
      %slice3A_300 = vector.extract_strided_slice %get3A_231 {offsets = [80, 0], sizes = [16, 128], strides = [1, 1]} : vector<128x128xbf16> to vector<16x128xbf16>
      %slice3A_301 = vector.extract_strided_slice %get3A_237 {offsets = [5, 0], sizes = [1, 128], strides = [1, 1]} : vector<8x128xbf16> to vector<1x128xbf16>
      %mul3A_302 = vector.broadcast %slice3A_301 : vector<1x128xbf16> to vector<16x128xbf16>
      %mul3A_303 = arith.mulf %slice3A_300, %mul3A_302 : vector<16x128xbf16>
      %max3A_304 = arith.maximumf %max3A_291, %mul3A_303 : vector<16x128xbf16>
      %min3A_305 = arith.minimumf %max3A_291, %mul3A_303 : vector<16x128xbf16>
      %max3A_306 = arith.maximumf %max3A_293, %min3A_305 : vector<16x128xbf16>
      %min3A_307 = arith.minimumf %max3A_293, %min3A_305 : vector<16x128xbf16>
      %max3A_308 = arith.maximumf %max3A_295, %min3A_307 : vector<16x128xbf16>
      %min3A_309 = arith.minimumf %max3A_295, %min3A_307 : vector<16x128xbf16>
      %max3A_310 = arith.maximumf %max3A_297, %min3A_309 : vector<16x128xbf16>
      %min3A_311 = arith.minimumf %max3A_297, %min3A_309 : vector<16x128xbf16>
      %max3A_312 = arith.maximumf %max3A_299, %min3A_311 : vector<16x128xbf16>
      %slice3A_313 = vector.extract_strided_slice %get3A_231 {offsets = [96, 0], sizes = [16, 128], strides = [1, 1]} : vector<128x128xbf16> to vector<16x128xbf16>
      %slice3A_314 = vector.extract_strided_slice %get3A_237 {offsets = [6, 0], sizes = [1, 128], strides = [1, 1]} : vector<8x128xbf16> to vector<1x128xbf16>
      %mul3A_315 = vector.broadcast %slice3A_314 : vector<1x128xbf16> to vector<16x128xbf16>
      %mul3A_316 = arith.mulf %slice3A_313, %mul3A_315 : vector<16x128xbf16>
      %max3A_317 = arith.maximumf %max3A_304, %mul3A_316 : vector<16x128xbf16>
      %min3A_318 = arith.minimumf %max3A_304, %mul3A_316 : vector<16x128xbf16>
      %max3A_319 = arith.maximumf %max3A_306, %min3A_318 : vector<16x128xbf16>
      %min3A_320 = arith.minimumf %max3A_306, %min3A_318 : vector<16x128xbf16>
      %max3A_321 = arith.maximumf %max3A_308, %min3A_320 : vector<16x128xbf16>
      %min3A_322 = arith.minimumf %max3A_308, %min3A_320 : vector<16x128xbf16>
      %max3A_323 = arith.maximumf %max3A_310, %min3A_322 : vector<16x128xbf16>
      %min3A_324 = arith.minimumf %max3A_310, %min3A_322 : vector<16x128xbf16>
      %max3A_325 = arith.maximumf %max3A_312, %min3A_324 : vector<16x128xbf16>
      %slice3A_326 = vector.extract_strided_slice %get3A_231 {offsets = [112, 0], sizes = [16, 128], strides = [1, 1]} : vector<128x128xbf16> to vector<16x128xbf16>
      %slice3A_327 = vector.extract_strided_slice %get3A_237 {offsets = [7, 0], sizes = [1, 128], strides = [1, 1]} : vector<8x128xbf16> to vector<1x128xbf16>
      %mul3A_328 = vector.broadcast %slice3A_327 : vector<1x128xbf16> to vector<16x128xbf16>
      %mul3A_329 = arith.mulf %slice3A_326, %mul3A_328 : vector<16x128xbf16>
      %max3A_330 = arith.maximumf %max3A_317, %mul3A_329 : vector<16x128xbf16>
      %min3A_331 = arith.minimumf %max3A_317, %mul3A_329 : vector<16x128xbf16>
      %max3A_332 = arith.maximumf %max3A_319, %min3A_331 : vector<16x128xbf16>
      %min3A_333 = arith.minimumf %max3A_319, %min3A_331 : vector<16x128xbf16>
      %max3A_334 = arith.maximumf %max3A_321, %min3A_333 : vector<16x128xbf16>
      %min3A_335 = arith.minimumf %max3A_321, %min3A_333 : vector<16x128xbf16>
      %max3A_336 = arith.maximumf %max3A_323, %min3A_335 : vector<16x128xbf16>
      %min3A_337 = arith.minimumf %max3A_323, %min3A_335 : vector<16x128xbf16>
      %max3A_338 = arith.maximumf %max3A_325, %min3A_337 : vector<16x128xbf16>
      scf.yield %max3A_330, %max3A_332, %max3A_334, %max3A_336, %max3A_338 : vector<16x128xbf16>, vector<16x128xbf16>, vector<16x128xbf16>, vector<16x128xbf16>, vector<16x128xbf16>
    }
    %scan3A_114 = arith.constant 16 : i32
    %add3A_115 = arith.addf %scan3A_113#0, %scan3A_113#1 : vector<16x128xbf16>
    %add3A_116 = arith.addf %scan3A_113#2, %scan3A_113#3 : vector<16x128xbf16>
    %add3A_117 = arith.addf %add3A_115, %add3A_116 : vector<16x128xbf16>
    %add3A_118 = arith.addf %add3A_117, %scan3A_113#4 : vector<16x128xbf16>
    %convert_element_type3A_119 = arith.extf %add3A_118 : vector<16x128xbf16> to vector<16x128xf32>
    %swap3A_120 = arith.constant 0 : index
    %swap3A_121 = arith.constant 1024 : index
    %swap3A_122 = vector.load %arg3[%swap3A_120, %swap3A_121] : memref<16x2048xf32, #tpu.memory_space<vmem>>, vector<16x128xf32>
    tpu.vector_store %arg3[%swap3A_120, %swap3A_121], %convert_element_type3A_119 {strides = array<i32>} : memref<16x2048xf32, #tpu.memory_space<vmem>>, vector<16x128xf32>,
    %scan3A_123 = arith.constant 0 : i32
    %scan3A_124 = arith.constant 16 : i32
    %scan3A_125 = arith.addi %scan3A_123, %scan3A_124 : i32
    %scan3A_126 = arith.constant 1 : i32
    %scan3A_127:5 = scf.for %scan3A_221 = %scan3A_123 to %scan3A_125 step %scan3A_126 iter_args(%scan3A_222 = %broadcast_in_dim3A_0, %scan3A_223 = %broadcast_in_dim3A_0, %scan3A_224 = %broadcast_in_dim3A_0, %scan3A_225 = %broadcast_in_dim3A_0, %scan3A_226 = %broadcast_in_dim3A_0) -> (vector<16x128xbf16>, vector<16x128xbf16>, vector<16x128xbf16>, vector<16x128xbf16>, vector<16x128xbf16>)  : i32 {
      %mul3A = arith.constant 16 : i32
      %mul3A_227 = arith.muli %scan3A_221, %mul3A : i32
      %mul3A_228 = arith.constant 8 : i32
      %mul3A_229 = arith.muli %mul3A_227, %mul3A_228 : i32
      %multiple_of3A = tpu.assume_multiple %mul3A_229, 128 : i32
      %get3A = arith.index_cast %multiple_of3A : i32 to index
      %get3A_230 = arith.constant 0 : index
      %get3A_231 = vector.load %arg1[%get3A, %get3A_230] : memref<2048x128xbf16, #tpu.memory_space<vmem>>, vector<128x128xbf16>
      %mul3A_232 = arith.constant 8 : i32
      %mul3A_233 = arith.muli %scan3A_221, %mul3A_232 : i32
      %multiple_of3A_234 = tpu.assume_multiple %mul3A_233, 8 : i32
      %get3A_235 = arith.index_cast %multiple_of3A_234 : i32 to index
      %get3A_236 = arith.constant 1152 : index
      %get3A_237 = vector.load %arg2[%get3A_235, %get3A_236] : memref<128x2048xbf16, #tpu.memory_space<vmem>>, vector<8x128xbf16>
      %slice3A = vector.extract_strided_slice %get3A_231 {offsets = [0, 0], sizes = [16, 128], strides = [1, 1]} : vector<128x128xbf16> to vector<16x128xbf16>
      %slice3A_238 = vector.extract_strided_slice %get3A_237 {offsets = [0, 0], sizes = [1, 128], strides = [1, 1]} : vector<8x128xbf16> to vector<1x128xbf16>
      %mul3A_239 = vector.broadcast %slice3A_238 : vector<1x128xbf16> to vector<16x128xbf16>
      %mul3A_240 = arith.mulf %slice3A, %mul3A_239 : vector<16x128xbf16>
      %max3A = arith.maximumf %scan3A_222, %mul3A_240 : vector<16x128xbf16>
      %min3A = arith.minimumf %scan3A_222, %mul3A_240 : vector<16x128xbf16>
      %max3A_241 = arith.maximumf %scan3A_223, %min3A : vector<16x128xbf16>
      %min3A_242 = arith.minimumf %scan3A_223, %min3A : vector<16x128xbf16>
      %max3A_243 = arith.maximumf %scan3A_224, %min3A_242 : vector<16x128xbf16>
      %min3A_244 = arith.minimumf %scan3A_224, %min3A_242 : vector<16x128xbf16>
      %max3A_245 = arith.maximumf %scan3A_225, %min3A_244 : vector<16x128xbf16>
      %min3A_246 = arith.minimumf %scan3A_225, %min3A_244 : vector<16x128xbf16>
      %max3A_247 = arith.maximumf %scan3A_226, %min3A_246 : vector<16x128xbf16>
      %slice3A_248 = vector.extract_strided_slice %get3A_231 {offsets = [16, 0], sizes = [16, 128], strides = [1, 1]} : vector<128x128xbf16> to vector<16x128xbf16>
      %slice3A_249 = vector.extract_strided_slice %get3A_237 {offsets = [1, 0], sizes = [1, 128], strides = [1, 1]} : vector<8x128xbf16> to vector<1x128xbf16>
      %mul3A_250 = vector.broadcast %slice3A_249 : vector<1x128xbf16> to vector<16x128xbf16>
      %mul3A_251 = arith.mulf %slice3A_248, %mul3A_250 : vector<16x128xbf16>
      %max3A_252 = arith.maximumf %max3A, %mul3A_251 : vector<16x128xbf16>
      %min3A_253 = arith.minimumf %max3A, %mul3A_251 : vector<16x128xbf16>
      %max3A_254 = arith.maximumf %max3A_241, %min3A_253 : vector<16x128xbf16>
      %min3A_255 = arith.minimumf %max3A_241, %min3A_253 : vector<16x128xbf16>
      %max3A_256 = arith.maximumf %max3A_243, %min3A_255 : vector<16x128xbf16>
      %min3A_257 = arith.minimumf %max3A_243, %min3A_255 : vector<16x128xbf16>
      %max3A_258 = arith.maximumf %max3A_245, %min3A_257 : vector<16x128xbf16>
      %min3A_259 = arith.minimumf %max3A_245, %min3A_257 : vector<16x128xbf16>
      %max3A_260 = arith.maximumf %max3A_247, %min3A_259 : vector<16x128xbf16>
      %slice3A_261 = vector.extract_strided_slice %get3A_231 {offsets = [32, 0], sizes = [16, 128], strides = [1, 1]} : vector<128x128xbf16> to vector<16x128xbf16>
      %slice3A_262 = vector.extract_strided_slice %get3A_237 {offsets = [2, 0], sizes = [1, 128], strides = [1, 1]} : vector<8x128xbf16> to vector<1x128xbf16>
      %mul3A_263 = vector.broadcast %slice3A_262 : vector<1x128xbf16> to vector<16x128xbf16>
      %mul3A_264 = arith.mulf %slice3A_261, %mul3A_263 : vector<16x128xbf16>
      %max3A_265 = arith.maximumf %max3A_252, %mul3A_264 : vector<16x128xbf16>
      %min3A_266 = arith.minimumf %max3A_252, %mul3A_264 : vector<16x128xbf16>
      %max3A_267 = arith.maximumf %max3A_254, %min3A_266 : vector<16x128xbf16>
      %min3A_268 = arith.minimumf %max3A_254, %min3A_266 : vector<16x128xbf16>
      %max3A_269 = arith.maximumf %max3A_256, %min3A_268 : vector<16x128xbf16>
      %min3A_270 = arith.minimumf %max3A_256, %min3A_268 : vector<16x128xbf16>
      %max3A_271 = arith.maximumf %max3A_258, %min3A_270 : vector<16x128xbf16>
      %min3A_272 = arith.minimumf %max3A_258, %min3A_270 : vector<16x128xbf16>
      %max3A_273 = arith.maximumf %max3A_260, %min3A_272 : vector<16x128xbf16>
      %slice3A_274 = vector.extract_strided_slice %get3A_231 {offsets = [48, 0], sizes = [16, 128], strides = [1, 1]} : vector<128x128xbf16> to vector<16x128xbf16>
      %slice3A_275 = vector.extract_strided_slice %get3A_237 {offsets = [3, 0], sizes = [1, 128], strides = [1, 1]} : vector<8x128xbf16> to vector<1x128xbf16>
      %mul3A_276 = vector.broadcast %slice3A_275 : vector<1x128xbf16> to vector<16x128xbf16>
      %mul3A_277 = arith.mulf %slice3A_274, %mul3A_276 : vector<16x128xbf16>
      %max3A_278 = arith.maximumf %max3A_265, %mul3A_277 : vector<16x128xbf16>
      %min3A_279 = arith.minimumf %max3A_265, %mul3A_277 : vector<16x128xbf16>
      %max3A_280 = arith.maximumf %max3A_267, %min3A_279 : vector<16x128xbf16>
      %min3A_281 = arith.minimumf %max3A_267, %min3A_279 : vector<16x128xbf16>
      %max3A_282 = arith.maximumf %max3A_269, %min3A_281 : vector<16x128xbf16>
      %min3A_283 = arith.minimumf %max3A_269, %min3A_281 : vector<16x128xbf16>
      %max3A_284 = arith.maximumf %max3A_271, %min3A_283 : vector<16x128xbf16>
      %min3A_285 = arith.minimumf %max3A_271, %min3A_283 : vector<16x128xbf16>
      %max3A_286 = arith.maximumf %max3A_273, %min3A_285 : vector<16x128xbf16>
      %slice3A_287 = vector.extract_strided_slice %get3A_231 {offsets = [64, 0], sizes = [16, 128], strides = [1, 1]} : vector<128x128xbf16> to vector<16x128xbf16>
      %slice3A_288 = vector.extract_strided_slice %get3A_237 {offsets = [4, 0], sizes = [1, 128], strides = [1, 1]} : vector<8x128xbf16> to vector<1x128xbf16>
      %mul3A_289 = vector.broadcast %slice3A_288 : vector<1x128xbf16> to vector<16x128xbf16>
      %mul3A_290 = arith.mulf %slice3A_287, %mul3A_289 : vector<16x128xbf16>
      %max3A_291 = arith.maximumf %max3A_278, %mul3A_290 : vector<16x128xbf16>
      %min3A_292 = arith.minimumf %max3A_278, %mul3A_290 : vector<16x128xbf16>
      %max3A_293 = arith.maximumf %max3A_280, %min3A_292 : vector<16x128xbf16>
      %min3A_294 = arith.minimumf %max3A_280, %min3A_292 : vector<16x128xbf16>
      %max3A_295 = arith.maximumf %max3A_282, %min3A_294 : vector<16x128xbf16>
      %min3A_296 = arith.minimumf %max3A_282, %min3A_294 : vector<16x128xbf16>
      %max3A_297 = arith.maximumf %max3A_284, %min3A_296 : vector<16x128xbf16>
      %min3A_298 = arith.minimumf %max3A_284, %min3A_296 : vector<16x128xbf16>
      %max3A_299 = arith.maximumf %max3A_286, %min3A_298 : vector<16x128xbf16>
      %slice3A_300 = vector.extract_strided_slice %get3A_231 {offsets = [80, 0], sizes = [16, 128], strides = [1, 1]} : vector<128x128xbf16> to vector<16x128xbf16>
      %slice3A_301 = vector.extract_strided_slice %get3A_237 {offsets = [5, 0], sizes = [1, 128], strides = [1, 1]} : vector<8x128xbf16> to vector<1x128xbf16>
      %mul3A_302 = vector.broadcast %slice3A_301 : vector<1x128xbf16> to vector<16x128xbf16>
      %mul3A_303 = arith.mulf %slice3A_300, %mul3A_302 : vector<16x128xbf16>
      %max3A_304 = arith.maximumf %max3A_291, %mul3A_303 : vector<16x128xbf16>
      %min3A_305 = arith.minimumf %max3A_291, %mul3A_303 : vector<16x128xbf16>
      %max3A_306 = arith.maximumf %max3A_293, %min3A_305 : vector<16x128xbf16>
      %min3A_307 = arith.minimumf %max3A_293, %min3A_305 : vector<16x128xbf16>
      %max3A_308 = arith.maximumf %max3A_295, %min3A_307 : vector<16x128xbf16>
      %min3A_309 = arith.minimumf %max3A_295, %min3A_307 : vector<16x128xbf16>
      %max3A_310 = arith.maximumf %max3A_297, %min3A_309 : vector<16x128xbf16>
      %min3A_311 = arith.minimumf %max3A_297, %min3A_309 : vector<16x128xbf16>
      %max3A_312 = arith.maximumf %max3A_299, %min3A_311 : vector<16x128xbf16>
      %slice3A_313 = vector.extract_strided_slice %get3A_231 {offsets = [96, 0], sizes = [16, 128], strides = [1, 1]} : vector<128x128xbf16> to vector<16x128xbf16>
      %slice3A_314 = vector.extract_strided_slice %get3A_237 {offsets = [6, 0], sizes = [1, 128], strides = [1, 1]} : vector<8x128xbf16> to vector<1x128xbf16>
      %mul3A_315 = vector.broadcast %slice3A_314 : vector<1x128xbf16> to vector<16x128xbf16>
      %mul3A_316 = arith.mulf %slice3A_313, %mul3A_315 : vector<16x128xbf16>
      %max3A_317 = arith.maximumf %max3A_304, %mul3A_316 : vector<16x128xbf16>
      %min3A_318 = arith.minimumf %max3A_304, %mul3A_316 : vector<16x128xbf16>
      %max3A_319 = arith.maximumf %max3A_306, %min3A_318 : vector<16x128xbf16>
      %min3A_320 = arith.minimumf %max3A_306, %min3A_318 : vector<16x128xbf16>
      %max3A_321 = arith.maximumf %max3A_308, %min3A_320 : vector<16x128xbf16>
      %min3A_322 = arith.minimumf %max3A_308, %min3A_320 : vector<16x128xbf16>
      %max3A_323 = arith.maximumf %max3A_310, %min3A_322 : vector<16x128xbf16>
      %min3A_324 = arith.minimumf %max3A_310, %min3A_322 : vector<16x128xbf16>
      %max3A_325 = arith.maximumf %max3A_312, %min3A_324 : vector<16x128xbf16>
      %slice3A_326 = vector.extract_strided_slice %get3A_231 {offsets = [112, 0], sizes = [16, 128], strides = [1, 1]} : vector<128x128xbf16> to vector<16x128xbf16>
      %slice3A_327 = vector.extract_strided_slice %get3A_237 {offsets = [7, 0], sizes = [1, 128], strides = [1, 1]} : vector<8x128xbf16> to vector<1x128xbf16>
      %mul3A_328 = vector.broadcast %slice3A_327 : vector<1x128xbf16> to vector<16x128xbf16>
      %mul3A_329 = arith.mulf %slice3A_326, %mul3A_328 : vector<16x128xbf16>
      %max3A_330 = arith.maximumf %max3A_317, %mul3A_329 : vector<16x128xbf16>
      %min3A_331 = arith.minimumf %max3A_317, %mul3A_329 : vector<16x128xbf16>
      %max3A_332 = arith.maximumf %max3A_319, %min3A_331 : vector<16x128xbf16>
      %min3A_333 = arith.minimumf %max3A_319, %min3A_331 : vector<16x128xbf16>
      %max3A_334 = arith.maximumf %max3A_321, %min3A_333 : vector<16x128xbf16>
      %min3A_335 = arith.minimumf %max3A_321, %min3A_333 : vector<16x128xbf16>
      %max3A_336 = arith.maximumf %max3A_323, %min3A_335 : vector<16x128xbf16>
      %min3A_337 = arith.minimumf %max3A_323, %min3A_335 : vector<16x128xbf16>
      %max3A_338 = arith.maximumf %max3A_325, %min3A_337 : vector<16x128xbf16>
      scf.yield %max3A_330, %max3A_332, %max3A_334, %max3A_336, %max3A_338 : vector<16x128xbf16>, vector<16x128xbf16>, vector<16x128xbf16>, vector<16x128xbf16>, vector<16x128xbf16>
    }
    %scan3A_128 = arith.constant 16 : i32
    %add3A_129 = arith.addf %scan3A_127#0, %scan3A_127#1 : vector<16x128xbf16>
    %add3A_130 = arith.addf %scan3A_127#2, %scan3A_127#3 : vector<16x128xbf16>
    %add3A_131 = arith.addf %add3A_129, %add3A_130 : vector<16x128xbf16>
    %add3A_132 = arith.addf %add3A_131, %scan3A_127#4 : vector<16x128xbf16>
    %convert_element_type3A_133 = arith.extf %add3A_132 : vector<16x128xbf16> to vector<16x128xf32>
    %swap3A_134 = arith.constant 0 : index
    %swap3A_135 = arith.constant 1152 : index
    %swap3A_136 = vector.load %arg3[%swap3A_134, %swap3A_135] : memref<16x2048xf32, #tpu.memory_space<vmem>>, vector<16x128xf32>
    tpu.vector_store %arg3[%swap3A_134, %swap3A_135], %convert_element_type3A_133 {strides = array<i32>} : memref<16x2048xf32, #tpu.memory_space<vmem>>, vector<16x128xf32>,
    %scan3A_137 = arith.constant 0 : i32
    %scan3A_138 = arith.constant 16 : i32
    %scan3A_139 = arith.addi %scan3A_137, %scan3A_138 : i32
    %scan3A_140 = arith.constant 1 : i32
    %scan3A_141:5 = scf.for %scan3A_221 = %scan3A_137 to %scan3A_139 step %scan3A_140 iter_args(%scan3A_222 = %broadcast_in_dim3A_0, %scan3A_223 = %broadcast_in_dim3A_0, %scan3A_224 = %broadcast_in_dim3A_0, %scan3A_225 = %broadcast_in_dim3A_0, %scan3A_226 = %broadcast_in_dim3A_0) -> (vector<16x128xbf16>, vector<16x128xbf16>, vector<16x128xbf16>, vector<16x128xbf16>, vector<16x128xbf16>)  : i32 {
      %mul3A = arith.constant 16 : i32
      %mul3A_227 = arith.muli %scan3A_221, %mul3A : i32
      %mul3A_228 = arith.constant 8 : i32
      %mul3A_229 = arith.muli %mul3A_227, %mul3A_228 : i32
      %multiple_of3A = tpu.assume_multiple %mul3A_229, 128 : i32
      %get3A = arith.index_cast %multiple_of3A : i32 to index
      %get3A_230 = arith.constant 0 : index
      %get3A_231 = vector.load %arg1[%get3A, %get3A_230] : memref<2048x128xbf16, #tpu.memory_space<vmem>>, vector<128x128xbf16>
      %mul3A_232 = arith.constant 8 : i32
      %mul3A_233 = arith.muli %scan3A_221, %mul3A_232 : i32
      %multiple_of3A_234 = tpu.assume_multiple %mul3A_233, 8 : i32
      %get3A_235 = arith.index_cast %multiple_of3A_234 : i32 to index
      %get3A_236 = arith.constant 1280 : index
      %get3A_237 = vector.load %arg2[%get3A_235, %get3A_236] : memref<128x2048xbf16, #tpu.memory_space<vmem>>, vector<8x128xbf16>
      %slice3A = vector.extract_strided_slice %get3A_231 {offsets = [0, 0], sizes = [16, 128], strides = [1, 1]} : vector<128x128xbf16> to vector<16x128xbf16>
      %slice3A_238 = vector.extract_strided_slice %get3A_237 {offsets = [0, 0], sizes = [1, 128], strides = [1, 1]} : vector<8x128xbf16> to vector<1x128xbf16>
      %mul3A_239 = vector.broadcast %slice3A_238 : vector<1x128xbf16> to vector<16x128xbf16>
      %mul3A_240 = arith.mulf %slice3A, %mul3A_239 : vector<16x128xbf16>
      %max3A = arith.maximumf %scan3A_222, %mul3A_240 : vector<16x128xbf16>
      %min3A = arith.minimumf %scan3A_222, %mul3A_240 : vector<16x128xbf16>
      %max3A_241 = arith.maximumf %scan3A_223, %min3A : vector<16x128xbf16>
      %min3A_242 = arith.minimumf %scan3A_223, %min3A : vector<16x128xbf16>
      %max3A_243 = arith.maximumf %scan3A_224, %min3A_242 : vector<16x128xbf16>
      %min3A_244 = arith.minimumf %scan3A_224, %min3A_242 : vector<16x128xbf16>
      %max3A_245 = arith.maximumf %scan3A_225, %min3A_244 : vector<16x128xbf16>
      %min3A_246 = arith.minimumf %scan3A_225, %min3A_244 : vector<16x128xbf16>
      %max3A_247 = arith.maximumf %scan3A_226, %min3A_246 : vector<16x128xbf16>
      %slice3A_248 = vector.extract_strided_slice %get3A_231 {offsets = [16, 0], sizes = [16, 128], strides = [1, 1]} : vector<128x128xbf16> to vector<16x128xbf16>
      %slice3A_249 = vector.extract_strided_slice %get3A_237 {offsets = [1, 0], sizes = [1, 128], strides = [1, 1]} : vector<8x128xbf16> to vector<1x128xbf16>
      %mul3A_250 = vector.broadcast %slice3A_249 : vector<1x128xbf16> to vector<16x128xbf16>
      %mul3A_251 = arith.mulf %slice3A_248, %mul3A_250 : vector<16x128xbf16>
      %max3A_252 = arith.maximumf %max3A, %mul3A_251 : vector<16x128xbf16>
      %min3A_253 = arith.minimumf %max3A, %mul3A_251 : vector<16x128xbf16>
      %max3A_254 = arith.maximumf %max3A_241, %min3A_253 : vector<16x128xbf16>
      %min3A_255 = arith.minimumf %max3A_241, %min3A_253 : vector<16x128xbf16>
      %max3A_256 = arith.maximumf %max3A_243, %min3A_255 : vector<16x128xbf16>
      %min3A_257 = arith.minimumf %max3A_243, %min3A_255 : vector<16x128xbf16>
      %max3A_258 = arith.maximumf %max3A_245, %min3A_257 : vector<16x128xbf16>
      %min3A_259 = arith.minimumf %max3A_245, %min3A_257 : vector<16x128xbf16>
      %max3A_260 = arith.maximumf %max3A_247, %min3A_259 : vector<16x128xbf16>
      %slice3A_261 = vector.extract_strided_slice %get3A_231 {offsets = [32, 0], sizes = [16, 128], strides = [1, 1]} : vector<128x128xbf16> to vector<16x128xbf16>
      %slice3A_262 = vector.extract_strided_slice %get3A_237 {offsets = [2, 0], sizes = [1, 128], strides = [1, 1]} : vector<8x128xbf16> to vector<1x128xbf16>
      %mul3A_263 = vector.broadcast %slice3A_262 : vector<1x128xbf16> to vector<16x128xbf16>
      %mul3A_264 = arith.mulf %slice3A_261, %mul3A_263 : vector<16x128xbf16>
      %max3A_265 = arith.maximumf %max3A_252, %mul3A_264 : vector<16x128xbf16>
      %min3A_266 = arith.minimumf %max3A_252, %mul3A_264 : vector<16x128xbf16>
      %max3A_267 = arith.maximumf %max3A_254, %min3A_266 : vector<16x128xbf16>
      %min3A_268 = arith.minimumf %max3A_254, %min3A_266 : vector<16x128xbf16>
      %max3A_269 = arith.maximumf %max3A_256, %min3A_268 : vector<16x128xbf16>
      %min3A_270 = arith.minimumf %max3A_256, %min3A_268 : vector<16x128xbf16>
      %max3A_271 = arith.maximumf %max3A_258, %min3A_270 : vector<16x128xbf16>
      %min3A_272 = arith.minimumf %max3A_258, %min3A_270 : vector<16x128xbf16>
      %max3A_273 = arith.maximumf %max3A_260, %min3A_272 : vector<16x128xbf16>
      %slice3A_274 = vector.extract_strided_slice %get3A_231 {offsets = [48, 0], sizes = [16, 128], strides = [1, 1]} : vector<128x128xbf16> to vector<16x128xbf16>
      %slice3A_275 = vector.extract_strided_slice %get3A_237 {offsets = [3, 0], sizes = [1, 128], strides = [1, 1]} : vector<8x128xbf16> to vector<1x128xbf16>
      %mul3A_276 = vector.broadcast %slice3A_275 : vector<1x128xbf16> to vector<16x128xbf16>
      %mul3A_277 = arith.mulf %slice3A_274, %mul3A_276 : vector<16x128xbf16>
      %max3A_278 = arith.maximumf %max3A_265, %mul3A_277 : vector<16x128xbf16>
      %min3A_279 = arith.minimumf %max3A_265, %mul3A_277 : vector<16x128xbf16>
      %max3A_280 = arith.maximumf %max3A_267, %min3A_279 : vector<16x128xbf16>
      %min3A_281 = arith.minimumf %max3A_267, %min3A_279 : vector<16x128xbf16>
      %max3A_282 = arith.maximumf %max3A_269, %min3A_281 : vector<16x128xbf16>
      %min3A_283 = arith.minimumf %max3A_269, %min3A_281 : vector<16x128xbf16>
      %max3A_284 = arith.maximumf %max3A_271, %min3A_283 : vector<16x128xbf16>
      %min3A_285 = arith.minimumf %max3A_271, %min3A_283 : vector<16x128xbf16>
      %max3A_286 = arith.maximumf %max3A_273, %min3A_285 : vector<16x128xbf16>
      %slice3A_287 = vector.extract_strided_slice %get3A_231 {offsets = [64, 0], sizes = [16, 128], strides = [1, 1]} : vector<128x128xbf16> to vector<16x128xbf16>
      %slice3A_288 = vector.extract_strided_slice %get3A_237 {offsets = [4, 0], sizes = [1, 128], strides = [1, 1]} : vector<8x128xbf16> to vector<1x128xbf16>
      %mul3A_289 = vector.broadcast %slice3A_288 : vector<1x128xbf16> to vector<16x128xbf16>
      %mul3A_290 = arith.mulf %slice3A_287, %mul3A_289 : vector<16x128xbf16>
      %max3A_291 = arith.maximumf %max3A_278, %mul3A_290 : vector<16x128xbf16>
      %min3A_292 = arith.minimumf %max3A_278, %mul3A_290 : vector<16x128xbf16>
      %max3A_293 = arith.maximumf %max3A_280, %min3A_292 : vector<16x128xbf16>
      %min3A_294 = arith.minimumf %max3A_280, %min3A_292 : vector<16x128xbf16>
      %max3A_295 = arith.maximumf %max3A_282, %min3A_294 : vector<16x128xbf16>
      %min3A_296 = arith.minimumf %max3A_282, %min3A_294 : vector<16x128xbf16>
      %max3A_297 = arith.maximumf %max3A_284, %min3A_296 : vector<16x128xbf16>
      %min3A_298 = arith.minimumf %max3A_284, %min3A_296 : vector<16x128xbf16>
      %max3A_299 = arith.maximumf %max3A_286, %min3A_298 : vector<16x128xbf16>
      %slice3A_300 = vector.extract_strided_slice %get3A_231 {offsets = [80, 0], sizes = [16, 128], strides = [1, 1]} : vector<128x128xbf16> to vector<16x128xbf16>
      %slice3A_301 = vector.extract_strided_slice %get3A_237 {offsets = [5, 0], sizes = [1, 128], strides = [1, 1]} : vector<8x128xbf16> to vector<1x128xbf16>
      %mul3A_302 = vector.broadcast %slice3A_301 : vector<1x128xbf16> to vector<16x128xbf16>
      %mul3A_303 = arith.mulf %slice3A_300, %mul3A_302 : vector<16x128xbf16>
      %max3A_304 = arith.maximumf %max3A_291, %mul3A_303 : vector<16x128xbf16>
      %min3A_305 = arith.minimumf %max3A_291, %mul3A_303 : vector<16x128xbf16>
      %max3A_306 = arith.maximumf %max3A_293, %min3A_305 : vector<16x128xbf16>
      %min3A_307 = arith.minimumf %max3A_293, %min3A_305 : vector<16x128xbf16>
      %max3A_308 = arith.maximumf %max3A_295, %min3A_307 : vector<16x128xbf16>
      %min3A_309 = arith.minimumf %max3A_295, %min3A_307 : vector<16x128xbf16>
      %max3A_310 = arith.maximumf %max3A_297, %min3A_309 : vector<16x128xbf16>
      %min3A_311 = arith.minimumf %max3A_297, %min3A_309 : vector<16x128xbf16>
      %max3A_312 = arith.maximumf %max3A_299, %min3A_311 : vector<16x128xbf16>
      %slice3A_313 = vector.extract_strided_slice %get3A_231 {offsets = [96, 0], sizes = [16, 128], strides = [1, 1]} : vector<128x128xbf16> to vector<16x128xbf16>
      %slice3A_314 = vector.extract_strided_slice %get3A_237 {offsets = [6, 0], sizes = [1, 128], strides = [1, 1]} : vector<8x128xbf16> to vector<1x128xbf16>
      %mul3A_315 = vector.broadcast %slice3A_314 : vector<1x128xbf16> to vector<16x128xbf16>
      %mul3A_316 = arith.mulf %slice3A_313, %mul3A_315 : vector<16x128xbf16>
      %max3A_317 = arith.maximumf %max3A_304, %mul3A_316 : vector<16x128xbf16>
      %min3A_318 = arith.minimumf %max3A_304, %mul3A_316 : vector<16x128xbf16>
      %max3A_319 = arith.maximumf %max3A_306, %min3A_318 : vector<16x128xbf16>
      %min3A_320 = arith.minimumf %max3A_306, %min3A_318 : vector<16x128xbf16>
      %max3A_321 = arith.maximumf %max3A_308, %min3A_320 : vector<16x128xbf16>
      %min3A_322 = arith.minimumf %max3A_308, %min3A_320 : vector<16x128xbf16>
      %max3A_323 = arith.maximumf %max3A_310, %min3A_322 : vector<16x128xbf16>
      %min3A_324 = arith.minimumf %max3A_310, %min3A_322 : vector<16x128xbf16>
      %max3A_325 = arith.maximumf %max3A_312, %min3A_324 : vector<16x128xbf16>
      %slice3A_326 = vector.extract_strided_slice %get3A_231 {offsets = [112, 0], sizes = [16, 128], strides = [1, 1]} : vector<128x128xbf16> to vector<16x128xbf16>
      %slice3A_327 = vector.extract_strided_slice %get3A_237 {offsets = [7, 0], sizes = [1, 128], strides = [1, 1]} : vector<8x128xbf16> to vector<1x128xbf16>
      %mul3A_328 = vector.broadcast %slice3A_327 : vector<1x128xbf16> to vector<16x128xbf16>
      %mul3A_329 = arith.mulf %slice3A_326, %mul3A_328 : vector<16x128xbf16>
      %max3A_330 = arith.maximumf %max3A_317, %mul3A_329 : vector<16x128xbf16>
      %min3A_331 = arith.minimumf %max3A_317, %mul3A_329 : vector<16x128xbf16>
      %max3A_332 = arith.maximumf %max3A_319, %min3A_331 : vector<16x128xbf16>
      %min3A_333 = arith.minimumf %max3A_319, %min3A_331 : vector<16x128xbf16>
      %max3A_334 = arith.maximumf %max3A_321, %min3A_333 : vector<16x128xbf16>
      %min3A_335 = arith.minimumf %max3A_321, %min3A_333 : vector<16x128xbf16>
      %max3A_336 = arith.maximumf %max3A_323, %min3A_335 : vector<16x128xbf16>
      %min3A_337 = arith.minimumf %max3A_323, %min3A_335 : vector<16x128xbf16>
      %max3A_338 = arith.maximumf %max3A_325, %min3A_337 : vector<16x128xbf16>
      scf.yield %max3A_330, %max3A_332, %max3A_334, %max3A_336, %max3A_338 : vector<16x128xbf16>, vector<16x128xbf16>, vector<16x128xbf16>, vector<16x128xbf16>, vector<16x128xbf16>
    }
    %scan3A_142 = arith.constant 16 : i32
    %add3A_143 = arith.addf %scan3A_141#0, %scan3A_141#1 : vector<16x128xbf16>
    %add3A_144 = arith.addf %scan3A_141#2, %scan3A_141#3 : vector<16x128xbf16>
    %add3A_145 = arith.addf %add3A_143, %add3A_144 : vector<16x128xbf16>
    %add3A_146 = arith.addf %add3A_145, %scan3A_141#4 : vector<16x128xbf16>
    %convert_element_type3A_147 = arith.extf %add3A_146 : vector<16x128xbf16> to vector<16x128xf32>
    %swap3A_148 = arith.constant 0 : index
    %swap3A_149 = arith.constant 1280 : index
    %swap3A_150 = vector.load %arg3[%swap3A_148, %swap3A_149] : memref<16x2048xf32, #tpu.memory_space<vmem>>, vector<16x128xf32>
    tpu.vector_store %arg3[%swap3A_148, %swap3A_149], %convert_element_type3A_147 {strides = array<i32>} : memref<16x2048xf32, #tpu.memory_space<vmem>>, vector<16x128xf32>,
    %scan3A_151 = arith.constant 0 : i32
    %scan3A_152 = arith.constant 16 : i32
    %scan3A_153 = arith.addi %scan3A_151, %scan3A_152 : i32
    %scan3A_154 = arith.constant 1 : i32
    %scan3A_155:5 = scf.for %scan3A_221 = %scan3A_151 to %scan3A_153 step %scan3A_154 iter_args(%scan3A_222 = %broadcast_in_dim3A_0, %scan3A_223 = %broadcast_in_dim3A_0, %scan3A_224 = %broadcast_in_dim3A_0, %scan3A_225 = %broadcast_in_dim3A_0, %scan3A_226 = %broadcast_in_dim3A_0) -> (vector<16x128xbf16>, vector<16x128xbf16>, vector<16x128xbf16>, vector<16x128xbf16>, vector<16x128xbf16>)  : i32 {
      %mul3A = arith.constant 16 : i32
      %mul3A_227 = arith.muli %scan3A_221, %mul3A : i32
      %mul3A_228 = arith.constant 8 : i32
      %mul3A_229 = arith.muli %mul3A_227, %mul3A_228 : i32
      %multiple_of3A = tpu.assume_multiple %mul3A_229, 128 : i32
      %get3A = arith.index_cast %multiple_of3A : i32 to index
      %get3A_230 = arith.constant 0 : index
      %get3A_231 = vector.load %arg1[%get3A, %get3A_230] : memref<2048x128xbf16, #tpu.memory_space<vmem>>, vector<128x128xbf16>
      %mul3A_232 = arith.constant 8 : i32
      %mul3A_233 = arith.muli %scan3A_221, %mul3A_232 : i32
      %multiple_of3A_234 = tpu.assume_multiple %mul3A_233, 8 : i32
      %get3A_235 = arith.index_cast %multiple_of3A_234 : i32 to index
      %get3A_236 = arith.constant 1408 : index
      %get3A_237 = vector.load %arg2[%get3A_235, %get3A_236] : memref<128x2048xbf16, #tpu.memory_space<vmem>>, vector<8x128xbf16>
      %slice3A = vector.extract_strided_slice %get3A_231 {offsets = [0, 0], sizes = [16, 128], strides = [1, 1]} : vector<128x128xbf16> to vector<16x128xbf16>
      %slice3A_238 = vector.extract_strided_slice %get3A_237 {offsets = [0, 0], sizes = [1, 128], strides = [1, 1]} : vector<8x128xbf16> to vector<1x128xbf16>
      %mul3A_239 = vector.broadcast %slice3A_238 : vector<1x128xbf16> to vector<16x128xbf16>
      %mul3A_240 = arith.mulf %slice3A, %mul3A_239 : vector<16x128xbf16>
      %max3A = arith.maximumf %scan3A_222, %mul3A_240 : vector<16x128xbf16>
      %min3A = arith.minimumf %scan3A_222, %mul3A_240 : vector<16x128xbf16>
      %max3A_241 = arith.maximumf %scan3A_223, %min3A : vector<16x128xbf16>
      %min3A_242 = arith.minimumf %scan3A_223, %min3A : vector<16x128xbf16>
      %max3A_243 = arith.maximumf %scan3A_224, %min3A_242 : vector<16x128xbf16>
      %min3A_244 = arith.minimumf %scan3A_224, %min3A_242 : vector<16x128xbf16>
      %max3A_245 = arith.maximumf %scan3A_225, %min3A_244 : vector<16x128xbf16>
      %min3A_246 = arith.minimumf %scan3A_225, %min3A_244 : vector<16x128xbf16>
      %max3A_247 = arith.maximumf %scan3A_226, %min3A_246 : vector<16x128xbf16>
      %slice3A_248 = vector.extract_strided_slice %get3A_231 {offsets = [16, 0], sizes = [16, 128], strides = [1, 1]} : vector<128x128xbf16> to vector<16x128xbf16>
      %slice3A_249 = vector.extract_strided_slice %get3A_237 {offsets = [1, 0], sizes = [1, 128], strides = [1, 1]} : vector<8x128xbf16> to vector<1x128xbf16>
      %mul3A_250 = vector.broadcast %slice3A_249 : vector<1x128xbf16> to vector<16x128xbf16>
      %mul3A_251 = arith.mulf %slice3A_248, %mul3A_250 : vector<16x128xbf16>
      %max3A_252 = arith.maximumf %max3A, %mul3A_251 : vector<16x128xbf16>
      %min3A_253 = arith.minimumf %max3A, %mul3A_251 : vector<16x128xbf16>
      %max3A_254 = arith.maximumf %max3A_241, %min3A_253 : vector<16x128xbf16>
      %min3A_255 = arith.minimumf %max3A_241, %min3A_253 : vector<16x128xbf16>
      %max3A_256 = arith.maximumf %max3A_243, %min3A_255 : vector<16x128xbf16>
      %min3A_257 = arith.minimumf %max3A_243, %min3A_255 : vector<16x128xbf16>
      %max3A_258 = arith.maximumf %max3A_245, %min3A_257 : vector<16x128xbf16>
      %min3A_259 = arith.minimumf %max3A_245, %min3A_257 : vector<16x128xbf16>
      %max3A_260 = arith.maximumf %max3A_247, %min3A_259 : vector<16x128xbf16>
      %slice3A_261 = vector.extract_strided_slice %get3A_231 {offsets = [32, 0], sizes = [16, 128], strides = [1, 1]} : vector<128x128xbf16> to vector<16x128xbf16>
      %slice3A_262 = vector.extract_strided_slice %get3A_237 {offsets = [2, 0], sizes = [1, 128], strides = [1, 1]} : vector<8x128xbf16> to vector<1x128xbf16>
      %mul3A_263 = vector.broadcast %slice3A_262 : vector<1x128xbf16> to vector<16x128xbf16>
      %mul3A_264 = arith.mulf %slice3A_261, %mul3A_263 : vector<16x128xbf16>
      %max3A_265 = arith.maximumf %max3A_252, %mul3A_264 : vector<16x128xbf16>
      %min3A_266 = arith.minimumf %max3A_252, %mul3A_264 : vector<16x128xbf16>
      %max3A_267 = arith.maximumf %max3A_254, %min3A_266 : vector<16x128xbf16>
      %min3A_268 = arith.minimumf %max3A_254, %min3A_266 : vector<16x128xbf16>
      %max3A_269 = arith.maximumf %max3A_256, %min3A_268 : vector<16x128xbf16>
      %min3A_270 = arith.minimumf %max3A_256, %min3A_268 : vector<16x128xbf16>
      %max3A_271 = arith.maximumf %max3A_258, %min3A_270 : vector<16x128xbf16>
      %min3A_272 = arith.minimumf %max3A_258, %min3A_270 : vector<16x128xbf16>
      %max3A_273 = arith.maximumf %max3A_260, %min3A_272 : vector<16x128xbf16>
      %slice3A_274 = vector.extract_strided_slice %get3A_231 {offsets = [48, 0], sizes = [16, 128], strides = [1, 1]} : vector<128x128xbf16> to vector<16x128xbf16>
      %slice3A_275 = vector.extract_strided_slice %get3A_237 {offsets = [3, 0], sizes = [1, 128], strides = [1, 1]} : vector<8x128xbf16> to vector<1x128xbf16>
      %mul3A_276 = vector.broadcast %slice3A_275 : vector<1x128xbf16> to vector<16x128xbf16>
      %mul3A_277 = arith.mulf %slice3A_274, %mul3A_276 : vector<16x128xbf16>
      %max3A_278 = arith.maximumf %max3A_265, %mul3A_277 : vector<16x128xbf16>
      %min3A_279 = arith.minimumf %max3A_265, %mul3A_277 : vector<16x128xbf16>
      %max3A_280 = arith.maximumf %max3A_267, %min3A_279 : vector<16x128xbf16>
      %min3A_281 = arith.minimumf %max3A_267, %min3A_279 : vector<16x128xbf16>
      %max3A_282 = arith.maximumf %max3A_269, %min3A_281 : vector<16x128xbf16>
      %min3A_283 = arith.minimumf %max3A_269, %min3A_281 : vector<16x128xbf16>
      %max3A_284 = arith.maximumf %max3A_271, %min3A_283 : vector<16x128xbf16>
      %min3A_285 = arith.minimumf %max3A_271, %min3A_283 : vector<16x128xbf16>
      %max3A_286 = arith.maximumf %max3A_273, %min3A_285 : vector<16x128xbf16>
      %slice3A_287 = vector.extract_strided_slice %get3A_231 {offsets = [64, 0], sizes = [16, 128], strides = [1, 1]} : vector<128x128xbf16> to vector<16x128xbf16>
      %slice3A_288 = vector.extract_strided_slice %get3A_237 {offsets = [4, 0], sizes = [1, 128], strides = [1, 1]} : vector<8x128xbf16> to vector<1x128xbf16>
      %mul3A_289 = vector.broadcast %slice3A_288 : vector<1x128xbf16> to vector<16x128xbf16>
      %mul3A_290 = arith.mulf %slice3A_287, %mul3A_289 : vector<16x128xbf16>
      %max3A_291 = arith.maximumf %max3A_278, %mul3A_290 : vector<16x128xbf16>
      %min3A_292 = arith.minimumf %max3A_278, %mul3A_290 : vector<16x128xbf16>
      %max3A_293 = arith.maximumf %max3A_280, %min3A_292 : vector<16x128xbf16>
      %min3A_294 = arith.minimumf %max3A_280, %min3A_292 : vector<16x128xbf16>
      %max3A_295 = arith.maximumf %max3A_282, %min3A_294 : vector<16x128xbf16>
      %min3A_296 = arith.minimumf %max3A_282, %min3A_294 : vector<16x128xbf16>
      %max3A_297 = arith.maximumf %max3A_284, %min3A_296 : vector<16x128xbf16>
      %min3A_298 = arith.minimumf %max3A_284, %min3A_296 : vector<16x128xbf16>
      %max3A_299 = arith.maximumf %max3A_286, %min3A_298 : vector<16x128xbf16>
      %slice3A_300 = vector.extract_strided_slice %get3A_231 {offsets = [80, 0], sizes = [16, 128], strides = [1, 1]} : vector<128x128xbf16> to vector<16x128xbf16>
      %slice3A_301 = vector.extract_strided_slice %get3A_237 {offsets = [5, 0], sizes = [1, 128], strides = [1, 1]} : vector<8x128xbf16> to vector<1x128xbf16>
      %mul3A_302 = vector.broadcast %slice3A_301 : vector<1x128xbf16> to vector<16x128xbf16>
      %mul3A_303 = arith.mulf %slice3A_300, %mul3A_302 : vector<16x128xbf16>
      %max3A_304 = arith.maximumf %max3A_291, %mul3A_303 : vector<16x128xbf16>
      %min3A_305 = arith.minimumf %max3A_291, %mul3A_303 : vector<16x128xbf16>
      %max3A_306 = arith.maximumf %max3A_293, %min3A_305 : vector<16x128xbf16>
      %min3A_307 = arith.minimumf %max3A_293, %min3A_305 : vector<16x128xbf16>
      %max3A_308 = arith.maximumf %max3A_295, %min3A_307 : vector<16x128xbf16>
      %min3A_309 = arith.minimumf %max3A_295, %min3A_307 : vector<16x128xbf16>
      %max3A_310 = arith.maximumf %max3A_297, %min3A_309 : vector<16x128xbf16>
      %min3A_311 = arith.minimumf %max3A_297, %min3A_309 : vector<16x128xbf16>
      %max3A_312 = arith.maximumf %max3A_299, %min3A_311 : vector<16x128xbf16>
      %slice3A_313 = vector.extract_strided_slice %get3A_231 {offsets = [96, 0], sizes = [16, 128], strides = [1, 1]} : vector<128x128xbf16> to vector<16x128xbf16>
      %slice3A_314 = vector.extract_strided_slice %get3A_237 {offsets = [6, 0], sizes = [1, 128], strides = [1, 1]} : vector<8x128xbf16> to vector<1x128xbf16>
      %mul3A_315 = vector.broadcast %slice3A_314 : vector<1x128xbf16> to vector<16x128xbf16>
      %mul3A_316 = arith.mulf %slice3A_313, %mul3A_315 : vector<16x128xbf16>
      %max3A_317 = arith.maximumf %max3A_304, %mul3A_316 : vector<16x128xbf16>
      %min3A_318 = arith.minimumf %max3A_304, %mul3A_316 : vector<16x128xbf16>
      %max3A_319 = arith.maximumf %max3A_306, %min3A_318 : vector<16x128xbf16>
      %min3A_320 = arith.minimumf %max3A_306, %min3A_318 : vector<16x128xbf16>
      %max3A_321 = arith.maximumf %max3A_308, %min3A_320 : vector<16x128xbf16>
      %min3A_322 = arith.minimumf %max3A_308, %min3A_320 : vector<16x128xbf16>
      %max3A_323 = arith.maximumf %max3A_310, %min3A_322 : vector<16x128xbf16>
      %min3A_324 = arith.minimumf %max3A_310, %min3A_322 : vector<16x128xbf16>
      %max3A_325 = arith.maximumf %max3A_312, %min3A_324 : vector<16x128xbf16>
      %slice3A_326 = vector.extract_strided_slice %get3A_231 {offsets = [112, 0], sizes = [16, 128], strides = [1, 1]} : vector<128x128xbf16> to vector<16x128xbf16>
      %slice3A_327 = vector.extract_strided_slice %get3A_237 {offsets = [7, 0], sizes = [1, 128], strides = [1, 1]} : vector<8x128xbf16> to vector<1x128xbf16>
      %mul3A_328 = vector.broadcast %slice3A_327 : vector<1x128xbf16> to vector<16x128xbf16>
      %mul3A_329 = arith.mulf %slice3A_326, %mul3A_328 : vector<16x128xbf16>
      %max3A_330 = arith.maximumf %max3A_317, %mul3A_329 : vector<16x128xbf16>
      %min3A_331 = arith.minimumf %max3A_317, %mul3A_329 : vector<16x128xbf16>
      %max3A_332 = arith.maximumf %max3A_319, %min3A_331 : vector<16x128xbf16>
      %min3A_333 = arith.minimumf %max3A_319, %min3A_331 : vector<16x128xbf16>
      %max3A_334 = arith.maximumf %max3A_321, %min3A_333 : vector<16x128xbf16>
      %min3A_335 = arith.minimumf %max3A_321, %min3A_333 : vector<16x128xbf16>
      %max3A_336 = arith.maximumf %max3A_323, %min3A_335 : vector<16x128xbf16>
      %min3A_337 = arith.minimumf %max3A_323, %min3A_335 : vector<16x128xbf16>
      %max3A_338 = arith.maximumf %max3A_325, %min3A_337 : vector<16x128xbf16>
      scf.yield %max3A_330, %max3A_332, %max3A_334, %max3A_336, %max3A_338 : vector<16x128xbf16>, vector<16x128xbf16>, vector<16x128xbf16>, vector<16x128xbf16>, vector<16x128xbf16>
    }
    %scan3A_156 = arith.constant 16 : i32
    %add3A_157 = arith.addf %scan3A_155#0, %scan3A_155#1 : vector<16x128xbf16>
    %add3A_158 = arith.addf %scan3A_155#2, %scan3A_155#3 : vector<16x128xbf16>
    %add3A_159 = arith.addf %add3A_157, %add3A_158 : vector<16x128xbf16>
    %add3A_160 = arith.addf %add3A_159, %scan3A_155#4 : vector<16x128xbf16>
    %convert_element_type3A_161 = arith.extf %add3A_160 : vector<16x128xbf16> to vector<16x128xf32>
    %swap3A_162 = arith.constant 0 : index
    %swap3A_163 = arith.constant 1408 : index
    %swap3A_164 = vector.load %arg3[%swap3A_162, %swap3A_163] : memref<16x2048xf32, #tpu.memory_space<vmem>>, vector<16x128xf32>
    tpu.vector_store %arg3[%swap3A_162, %swap3A_163], %convert_element_type3A_161 {strides = array<i32>} : memref<16x2048xf32, #tpu.memory_space<vmem>>, vector<16x128xf32>,
    %scan3A_165 = arith.constant 0 : i32
    %scan3A_166 = arith.constant 16 : i32
    %scan3A_167 = arith.addi %scan3A_165, %scan3A_166 : i32
    %scan3A_168 = arith.constant 1 : i32
    %scan3A_169:5 = scf.for %scan3A_221 = %scan3A_165 to %scan3A_167 step %scan3A_168 iter_args(%scan3A_222 = %broadcast_in_dim3A_0, %scan3A_223 = %broadcast_in_dim3A_0, %scan3A_224 = %broadcast_in_dim3A_0, %scan3A_225 = %broadcast_in_dim3A_0, %scan3A_226 = %broadcast_in_dim3A_0) -> (vector<16x128xbf16>, vector<16x128xbf16>, vector<16x128xbf16>, vector<16x128xbf16>, vector<16x128xbf16>)  : i32 {
      %mul3A = arith.constant 16 : i32
      %mul3A_227 = arith.muli %scan3A_221, %mul3A : i32
      %mul3A_228 = arith.constant 8 : i32
      %mul3A_229 = arith.muli %mul3A_227, %mul3A_228 : i32
      %multiple_of3A = tpu.assume_multiple %mul3A_229, 128 : i32
      %get3A = arith.index_cast %multiple_of3A : i32 to index
      %get3A_230 = arith.constant 0 : index
      %get3A_231 = vector.load %arg1[%get3A, %get3A_230] : memref<2048x128xbf16, #tpu.memory_space<vmem>>, vector<128x128xbf16>
      %mul3A_232 = arith.constant 8 : i32
      %mul3A_233 = arith.muli %scan3A_221, %mul3A_232 : i32
      %multiple_of3A_234 = tpu.assume_multiple %mul3A_233, 8 : i32
      %get3A_235 = arith.index_cast %multiple_of3A_234 : i32 to index
      %get3A_236 = arith.constant 1536 : index
      %get3A_237 = vector.load %arg2[%get3A_235, %get3A_236] : memref<128x2048xbf16, #tpu.memory_space<vmem>>, vector<8x128xbf16>
      %slice3A = vector.extract_strided_slice %get3A_231 {offsets = [0, 0], sizes = [16, 128], strides = [1, 1]} : vector<128x128xbf16> to vector<16x128xbf16>
      %slice3A_238 = vector.extract_strided_slice %get3A_237 {offsets = [0, 0], sizes = [1, 128], strides = [1, 1]} : vector<8x128xbf16> to vector<1x128xbf16>
      %mul3A_239 = vector.broadcast %slice3A_238 : vector<1x128xbf16> to vector<16x128xbf16>
      %mul3A_240 = arith.mulf %slice3A, %mul3A_239 : vector<16x128xbf16>
      %max3A = arith.maximumf %scan3A_222, %mul3A_240 : vector<16x128xbf16>
      %min3A = arith.minimumf %scan3A_222, %mul3A_240 : vector<16x128xbf16>
      %max3A_241 = arith.maximumf %scan3A_223, %min3A : vector<16x128xbf16>
      %min3A_242 = arith.minimumf %scan3A_223, %min3A : vector<16x128xbf16>
      %max3A_243 = arith.maximumf %scan3A_224, %min3A_242 : vector<16x128xbf16>
      %min3A_244 = arith.minimumf %scan3A_224, %min3A_242 : vector<16x128xbf16>
      %max3A_245 = arith.maximumf %scan3A_225, %min3A_244 : vector<16x128xbf16>
      %min3A_246 = arith.minimumf %scan3A_225, %min3A_244 : vector<16x128xbf16>
      %max3A_247 = arith.maximumf %scan3A_226, %min3A_246 : vector<16x128xbf16>
      %slice3A_248 = vector.extract_strided_slice %get3A_231 {offsets = [16, 0], sizes = [16, 128], strides = [1, 1]} : vector<128x128xbf16> to vector<16x128xbf16>
      %slice3A_249 = vector.extract_strided_slice %get3A_237 {offsets = [1, 0], sizes = [1, 128], strides = [1, 1]} : vector<8x128xbf16> to vector<1x128xbf16>
      %mul3A_250 = vector.broadcast %slice3A_249 : vector<1x128xbf16> to vector<16x128xbf16>
      %mul3A_251 = arith.mulf %slice3A_248, %mul3A_250 : vector<16x128xbf16>
      %max3A_252 = arith.maximumf %max3A, %mul3A_251 : vector<16x128xbf16>
      %min3A_253 = arith.minimumf %max3A, %mul3A_251 : vector<16x128xbf16>
      %max3A_254 = arith.maximumf %max3A_241, %min3A_253 : vector<16x128xbf16>
      %min3A_255 = arith.minimumf %max3A_241, %min3A_253 : vector<16x128xbf16>
      %max3A_256 = arith.maximumf %max3A_243, %min3A_255 : vector<16x128xbf16>
      %min3A_257 = arith.minimumf %max3A_243, %min3A_255 : vector<16x128xbf16>
      %max3A_258 = arith.maximumf %max3A_245, %min3A_257 : vector<16x128xbf16>
      %min3A_259 = arith.minimumf %max3A_245, %min3A_257 : vector<16x128xbf16>
      %max3A_260 = arith.maximumf %max3A_247, %min3A_259 : vector<16x128xbf16>
      %slice3A_261 = vector.extract_strided_slice %get3A_231 {offsets = [32, 0], sizes = [16, 128], strides = [1, 1]} : vector<128x128xbf16> to vector<16x128xbf16>
      %slice3A_262 = vector.extract_strided_slice %get3A_237 {offsets = [2, 0], sizes = [1, 128], strides = [1, 1]} : vector<8x128xbf16> to vector<1x128xbf16>
      %mul3A_263 = vector.broadcast %slice3A_262 : vector<1x128xbf16> to vector<16x128xbf16>
      %mul3A_264 = arith.mulf %slice3A_261, %mul3A_263 : vector<16x128xbf16>
      %max3A_265 = arith.maximumf %max3A_252, %mul3A_264 : vector<16x128xbf16>
      %min3A_266 = arith.minimumf %max3A_252, %mul3A_264 : vector<16x128xbf16>
      %max3A_267 = arith.maximumf %max3A_254, %min3A_266 : vector<16x128xbf16>
      %min3A_268 = arith.minimumf %max3A_254, %min3A_266 : vector<16x128xbf16>
      %max3A_269 = arith.maximumf %max3A_256, %min3A_268 : vector<16x128xbf16>
      %min3A_270 = arith.minimumf %max3A_256, %min3A_268 : vector<16x128xbf16>
      %max3A_271 = arith.maximumf %max3A_258, %min3A_270 : vector<16x128xbf16>
      %min3A_272 = arith.minimumf %max3A_258, %min3A_270 : vector<16x128xbf16>
      %max3A_273 = arith.maximumf %max3A_260, %min3A_272 : vector<16x128xbf16>
      %slice3A_274 = vector.extract_strided_slice %get3A_231 {offsets = [48, 0], sizes = [16, 128], strides = [1, 1]} : vector<128x128xbf16> to vector<16x128xbf16>
      %slice3A_275 = vector.extract_strided_slice %get3A_237 {offsets = [3, 0], sizes = [1, 128], strides = [1, 1]} : vector<8x128xbf16> to vector<1x128xbf16>
      %mul3A_276 = vector.broadcast %slice3A_275 : vector<1x128xbf16> to vector<16x128xbf16>
      %mul3A_277 = arith.mulf %slice3A_274, %mul3A_276 : vector<16x128xbf16>
      %max3A_278 = arith.maximumf %max3A_265, %mul3A_277 : vector<16x128xbf16>
      %min3A_279 = arith.minimumf %max3A_265, %mul3A_277 : vector<16x128xbf16>
      %max3A_280 = arith.maximumf %max3A_267, %min3A_279 : vector<16x128xbf16>
      %min3A_281 = arith.minimumf %max3A_267, %min3A_279 : vector<16x128xbf16>
      %max3A_282 = arith.maximumf %max3A_269, %min3A_281 : vector<16x128xbf16>
      %min3A_283 = arith.minimumf %max3A_269, %min3A_281 : vector<16x128xbf16>
      %max3A_284 = arith.maximumf %max3A_271, %min3A_283 : vector<16x128xbf16>
      %min3A_285 = arith.minimumf %max3A_271, %min3A_283 : vector<16x128xbf16>
      %max3A_286 = arith.maximumf %max3A_273, %min3A_285 : vector<16x128xbf16>
      %slice3A_287 = vector.extract_strided_slice %get3A_231 {offsets = [64, 0], sizes = [16, 128], strides = [1, 1]} : vector<128x128xbf16> to vector<16x128xbf16>
      %slice3A_288 = vector.extract_strided_slice %get3A_237 {offsets = [4, 0], sizes = [1, 128], strides = [1, 1]} : vector<8x128xbf16> to vector<1x128xbf16>
      %mul3A_289 = vector.broadcast %slice3A_288 : vector<1x128xbf16> to vector<16x128xbf16>
      %mul3A_290 = arith.mulf %slice3A_287, %mul3A_289 : vector<16x128xbf16>
      %max3A_291 = arith.maximumf %max3A_278, %mul3A_290 : vector<16x128xbf16>
      %min3A_292 = arith.minimumf %max3A_278, %mul3A_290 : vector<16x128xbf16>
      %max3A_293 = arith.maximumf %max3A_280, %min3A_292 : vector<16x128xbf16>
      %min3A_294 = arith.minimumf %max3A_280, %min3A_292 : vector<16x128xbf16>
      %max3A_295 = arith.maximumf %max3A_282, %min3A_294 : vector<16x128xbf16>
      %min3A_296 = arith.minimumf %max3A_282, %min3A_294 : vector<16x128xbf16>
      %max3A_297 = arith.maximumf %max3A_284, %min3A_296 : vector<16x128xbf16>
      %min3A_298 = arith.minimumf %max3A_284, %min3A_296 : vector<16x128xbf16>
      %max3A_299 = arith.maximumf %max3A_286, %min3A_298 : vector<16x128xbf16>
      %slice3A_300 = vector.extract_strided_slice %get3A_231 {offsets = [80, 0], sizes = [16, 128], strides = [1, 1]} : vector<128x128xbf16> to vector<16x128xbf16>
      %slice3A_301 = vector.extract_strided_slice %get3A_237 {offsets = [5, 0], sizes = [1, 128], strides = [1, 1]} : vector<8x128xbf16> to vector<1x128xbf16>
      %mul3A_302 = vector.broadcast %slice3A_301 : vector<1x128xbf16> to vector<16x128xbf16>
      %mul3A_303 = arith.mulf %slice3A_300, %mul3A_302 : vector<16x128xbf16>
      %max3A_304 = arith.maximumf %max3A_291, %mul3A_303 : vector<16x128xbf16>
      %min3A_305 = arith.minimumf %max3A_291, %mul3A_303 : vector<16x128xbf16>
      %max3A_306 = arith.maximumf %max3A_293, %min3A_305 : vector<16x128xbf16>
      %min3A_307 = arith.minimumf %max3A_293, %min3A_305 : vector<16x128xbf16>
      %max3A_308 = arith.maximumf %max3A_295, %min3A_307 : vector<16x128xbf16>
      %min3A_309 = arith.minimumf %max3A_295, %min3A_307 : vector<16x128xbf16>
      %max3A_310 = arith.maximumf %max3A_297, %min3A_309 : vector<16x128xbf16>
      %min3A_311 = arith.minimumf %max3A_297, %min3A_309 : vector<16x128xbf16>
      %max3A_312 = arith.maximumf %max3A_299, %min3A_311 : vector<16x128xbf16>
      %slice3A_313 = vector.extract_strided_slice %get3A_231 {offsets = [96, 0], sizes = [16, 128], strides = [1, 1]} : vector<128x128xbf16> to vector<16x128xbf16>
      %slice3A_314 = vector.extract_strided_slice %get3A_237 {offsets = [6, 0], sizes = [1, 128], strides = [1, 1]} : vector<8x128xbf16> to vector<1x128xbf16>
      %mul3A_315 = vector.broadcast %slice3A_314 : vector<1x128xbf16> to vector<16x128xbf16>
      %mul3A_316 = arith.mulf %slice3A_313, %mul3A_315 : vector<16x128xbf16>
      %max3A_317 = arith.maximumf %max3A_304, %mul3A_316 : vector<16x128xbf16>
      %min3A_318 = arith.minimumf %max3A_304, %mul3A_316 : vector<16x128xbf16>
      %max3A_319 = arith.maximumf %max3A_306, %min3A_318 : vector<16x128xbf16>
      %min3A_320 = arith.minimumf %max3A_306, %min3A_318 : vector<16x128xbf16>
      %max3A_321 = arith.maximumf %max3A_308, %min3A_320 : vector<16x128xbf16>
      %min3A_322 = arith.minimumf %max3A_308, %min3A_320 : vector<16x128xbf16>
      %max3A_323 = arith.maximumf %max3A_310, %min3A_322 : vector<16x128xbf16>
      %min3A_324 = arith.minimumf %max3A_310, %min3A_322 : vector<16x128xbf16>
      %max3A_325 = arith.maximumf %max3A_312, %min3A_324 : vector<16x128xbf16>
      %slice3A_326 = vector.extract_strided_slice %get3A_231 {offsets = [112, 0], sizes = [16, 128], strides = [1, 1]} : vector<128x128xbf16> to vector<16x128xbf16>
      %slice3A_327 = vector.extract_strided_slice %get3A_237 {offsets = [7, 0], sizes = [1, 128], strides = [1, 1]} : vector<8x128xbf16> to vector<1x128xbf16>
      %mul3A_328 = vector.broadcast %slice3A_327 : vector<1x128xbf16> to vector<16x128xbf16>
      %mul3A_329 = arith.mulf %slice3A_326, %mul3A_328 : vector<16x128xbf16>
      %max3A_330 = arith.maximumf %max3A_317, %mul3A_329 : vector<16x128xbf16>
      %min3A_331 = arith.minimumf %max3A_317, %mul3A_329 : vector<16x128xbf16>
      %max3A_332 = arith.maximumf %max3A_319, %min3A_331 : vector<16x128xbf16>
      %min3A_333 = arith.minimumf %max3A_319, %min3A_331 : vector<16x128xbf16>
      %max3A_334 = arith.maximumf %max3A_321, %min3A_333 : vector<16x128xbf16>
      %min3A_335 = arith.minimumf %max3A_321, %min3A_333 : vector<16x128xbf16>
      %max3A_336 = arith.maximumf %max3A_323, %min3A_335 : vector<16x128xbf16>
      %min3A_337 = arith.minimumf %max3A_323, %min3A_335 : vector<16x128xbf16>
      %max3A_338 = arith.maximumf %max3A_325, %min3A_337 : vector<16x128xbf16>
      scf.yield %max3A_330, %max3A_332, %max3A_334, %max3A_336, %max3A_338 : vector<16x128xbf16>, vector<16x128xbf16>, vector<16x128xbf16>, vector<16x128xbf16>, vector<16x128xbf16>
    }
    %scan3A_170 = arith.constant 16 : i32
    %add3A_171 = arith.addf %scan3A_169#0, %scan3A_169#1 : vector<16x128xbf16>
    %add3A_172 = arith.addf %scan3A_169#2, %scan3A_169#3 : vector<16x128xbf16>
    %add3A_173 = arith.addf %add3A_171, %add3A_172 : vector<16x128xbf16>
    %add3A_174 = arith.addf %add3A_173, %scan3A_169#4 : vector<16x128xbf16>
    %convert_element_type3A_175 = arith.extf %add3A_174 : vector<16x128xbf16> to vector<16x128xf32>
    %swap3A_176 = arith.constant 0 : index
    %swap3A_177 = arith.constant 1536 : index
    %swap3A_178 = vector.load %arg3[%swap3A_176, %swap3A_177] : memref<16x2048xf32, #tpu.memory_space<vmem>>, vector<16x128xf32>
    tpu.vector_store %arg3[%swap3A_176, %swap3A_177], %convert_element_type3A_175 {strides = array<i32>} : memref<16x2048xf32, #tpu.memory_space<vmem>>, vector<16x128xf32>,
    %scan3A_179 = arith.constant 0 : i32
    %scan3A_180 = arith.constant 16 : i32
    %scan3A_181 = arith.addi %scan3A_179, %scan3A_180 : i32
    %scan3A_182 = arith.constant 1 : i32
    %scan3A_183:5 = scf.for %scan3A_221 = %scan3A_179 to %scan3A_181 step %scan3A_182 iter_args(%scan3A_222 = %broadcast_in_dim3A_0, %scan3A_223 = %broadcast_in_dim3A_0, %scan3A_224 = %broadcast_in_dim3A_0, %scan3A_225 = %broadcast_in_dim3A_0, %scan3A_226 = %broadcast_in_dim3A_0) -> (vector<16x128xbf16>, vector<16x128xbf16>, vector<16x128xbf16>, vector<16x128xbf16>, vector<16x128xbf16>)  : i32 {
      %mul3A = arith.constant 16 : i32
      %mul3A_227 = arith.muli %scan3A_221, %mul3A : i32
      %mul3A_228 = arith.constant 8 : i32
      %mul3A_229 = arith.muli %mul3A_227, %mul3A_228 : i32
      %multiple_of3A = tpu.assume_multiple %mul3A_229, 128 : i32
      %get3A = arith.index_cast %multiple_of3A : i32 to index
      %get3A_230 = arith.constant 0 : index
      %get3A_231 = vector.load %arg1[%get3A, %get3A_230] : memref<2048x128xbf16, #tpu.memory_space<vmem>>, vector<128x128xbf16>
      %mul3A_232 = arith.constant 8 : i32
      %mul3A_233 = arith.muli %scan3A_221, %mul3A_232 : i32
      %multiple_of3A_234 = tpu.assume_multiple %mul3A_233, 8 : i32
      %get3A_235 = arith.index_cast %multiple_of3A_234 : i32 to index
      %get3A_236 = arith.constant 1664 : index
      %get3A_237 = vector.load %arg2[%get3A_235, %get3A_236] : memref<128x2048xbf16, #tpu.memory_space<vmem>>, vector<8x128xbf16>
      %slice3A = vector.extract_strided_slice %get3A_231 {offsets = [0, 0], sizes = [16, 128], strides = [1, 1]} : vector<128x128xbf16> to vector<16x128xbf16>
      %slice3A_238 = vector.extract_strided_slice %get3A_237 {offsets = [0, 0], sizes = [1, 128], strides = [1, 1]} : vector<8x128xbf16> to vector<1x128xbf16>
      %mul3A_239 = vector.broadcast %slice3A_238 : vector<1x128xbf16> to vector<16x128xbf16>
      %mul3A_240 = arith.mulf %slice3A, %mul3A_239 : vector<16x128xbf16>
      %max3A = arith.maximumf %scan3A_222, %mul3A_240 : vector<16x128xbf16>
      %min3A = arith.minimumf %scan3A_222, %mul3A_240 : vector<16x128xbf16>
      %max3A_241 = arith.maximumf %scan3A_223, %min3A : vector<16x128xbf16>
      %min3A_242 = arith.minimumf %scan3A_223, %min3A : vector<16x128xbf16>
      %max3A_243 = arith.maximumf %scan3A_224, %min3A_242 : vector<16x128xbf16>
      %min3A_244 = arith.minimumf %scan3A_224, %min3A_242 : vector<16x128xbf16>
      %max3A_245 = arith.maximumf %scan3A_225, %min3A_244 : vector<16x128xbf16>
      %min3A_246 = arith.minimumf %scan3A_225, %min3A_244 : vector<16x128xbf16>
      %max3A_247 = arith.maximumf %scan3A_226, %min3A_246 : vector<16x128xbf16>
      %slice3A_248 = vector.extract_strided_slice %get3A_231 {offsets = [16, 0], sizes = [16, 128], strides = [1, 1]} : vector<128x128xbf16> to vector<16x128xbf16>
      %slice3A_249 = vector.extract_strided_slice %get3A_237 {offsets = [1, 0], sizes = [1, 128], strides = [1, 1]} : vector<8x128xbf16> to vector<1x128xbf16>
      %mul3A_250 = vector.broadcast %slice3A_249 : vector<1x128xbf16> to vector<16x128xbf16>
      %mul3A_251 = arith.mulf %slice3A_248, %mul3A_250 : vector<16x128xbf16>
      %max3A_252 = arith.maximumf %max3A, %mul3A_251 : vector<16x128xbf16>
      %min3A_253 = arith.minimumf %max3A, %mul3A_251 : vector<16x128xbf16>
      %max3A_254 = arith.maximumf %max3A_241, %min3A_253 : vector<16x128xbf16>
      %min3A_255 = arith.minimumf %max3A_241, %min3A_253 : vector<16x128xbf16>
      %max3A_256 = arith.maximumf %max3A_243, %min3A_255 : vector<16x128xbf16>
      %min3A_257 = arith.minimumf %max3A_243, %min3A_255 : vector<16x128xbf16>
      %max3A_258 = arith.maximumf %max3A_245, %min3A_257 : vector<16x128xbf16>
      %min3A_259 = arith.minimumf %max3A_245, %min3A_257 : vector<16x128xbf16>
      %max3A_260 = arith.maximumf %max3A_247, %min3A_259 : vector<16x128xbf16>
      %slice3A_261 = vector.extract_strided_slice %get3A_231 {offsets = [32, 0], sizes = [16, 128], strides = [1, 1]} : vector<128x128xbf16> to vector<16x128xbf16>
      %slice3A_262 = vector.extract_strided_slice %get3A_237 {offsets = [2, 0], sizes = [1, 128], strides = [1, 1]} : vector<8x128xbf16> to vector<1x128xbf16>
      %mul3A_263 = vector.broadcast %slice3A_262 : vector<1x128xbf16> to vector<16x128xbf16>
      %mul3A_264 = arith.mulf %slice3A_261, %mul3A_263 : vector<16x128xbf16>
      %max3A_265 = arith.maximumf %max3A_252, %mul3A_264 : vector<16x128xbf16>
      %min3A_266 = arith.minimumf %max3A_252, %mul3A_264 : vector<16x128xbf16>
      %max3A_267 = arith.maximumf %max3A_254, %min3A_266 : vector<16x128xbf16>
      %min3A_268 = arith.minimumf %max3A_254, %min3A_266 : vector<16x128xbf16>
      %max3A_269 = arith.maximumf %max3A_256, %min3A_268 : vector<16x128xbf16>
      %min3A_270 = arith.minimumf %max3A_256, %min3A_268 : vector<16x128xbf16>
      %max3A_271 = arith.maximumf %max3A_258, %min3A_270 : vector<16x128xbf16>
      %min3A_272 = arith.minimumf %max3A_258, %min3A_270 : vector<16x128xbf16>
      %max3A_273 = arith.maximumf %max3A_260, %min3A_272 : vector<16x128xbf16>
      %slice3A_274 = vector.extract_strided_slice %get3A_231 {offsets = [48, 0], sizes = [16, 128], strides = [1, 1]} : vector<128x128xbf16> to vector<16x128xbf16>
      %slice3A_275 = vector.extract_strided_slice %get3A_237 {offsets = [3, 0], sizes = [1, 128], strides = [1, 1]} : vector<8x128xbf16> to vector<1x128xbf16>
      %mul3A_276 = vector.broadcast %slice3A_275 : vector<1x128xbf16> to vector<16x128xbf16>
      %mul3A_277 = arith.mulf %slice3A_274, %mul3A_276 : vector<16x128xbf16>
      %max3A_278 = arith.maximumf %max3A_265, %mul3A_277 : vector<16x128xbf16>
      %min3A_279 = arith.minimumf %max3A_265, %mul3A_277 : vector<16x128xbf16>
      %max3A_280 = arith.maximumf %max3A_267, %min3A_279 : vector<16x128xbf16>
      %min3A_281 = arith.minimumf %max3A_267, %min3A_279 : vector<16x128xbf16>
      %max3A_282 = arith.maximumf %max3A_269, %min3A_281 : vector<16x128xbf16>
      %min3A_283 = arith.minimumf %max3A_269, %min3A_281 : vector<16x128xbf16>
      %max3A_284 = arith.maximumf %max3A_271, %min3A_283 : vector<16x128xbf16>
      %min3A_285 = arith.minimumf %max3A_271, %min3A_283 : vector<16x128xbf16>
      %max3A_286 = arith.maximumf %max3A_273, %min3A_285 : vector<16x128xbf16>
      %slice3A_287 = vector.extract_strided_slice %get3A_231 {offsets = [64, 0], sizes = [16, 128], strides = [1, 1]} : vector<128x128xbf16> to vector<16x128xbf16>
      %slice3A_288 = vector.extract_strided_slice %get3A_237 {offsets = [4, 0], sizes = [1, 128], strides = [1, 1]} : vector<8x128xbf16> to vector<1x128xbf16>
      %mul3A_289 = vector.broadcast %slice3A_288 : vector<1x128xbf16> to vector<16x128xbf16>
      %mul3A_290 = arith.mulf %slice3A_287, %mul3A_289 : vector<16x128xbf16>
      %max3A_291 = arith.maximumf %max3A_278, %mul3A_290 : vector<16x128xbf16>
      %min3A_292 = arith.minimumf %max3A_278, %mul3A_290 : vector<16x128xbf16>
      %max3A_293 = arith.maximumf %max3A_280, %min3A_292 : vector<16x128xbf16>
      %min3A_294 = arith.minimumf %max3A_280, %min3A_292 : vector<16x128xbf16>
      %max3A_295 = arith.maximumf %max3A_282, %min3A_294 : vector<16x128xbf16>
      %min3A_296 = arith.minimumf %max3A_282, %min3A_294 : vector<16x128xbf16>
      %max3A_297 = arith.maximumf %max3A_284, %min3A_296 : vector<16x128xbf16>
      %min3A_298 = arith.minimumf %max3A_284, %min3A_296 : vector<16x128xbf16>
      %max3A_299 = arith.maximumf %max3A_286, %min3A_298 : vector<16x128xbf16>
      %slice3A_300 = vector.extract_strided_slice %get3A_231 {offsets = [80, 0], sizes = [16, 128], strides = [1, 1]} : vector<128x128xbf16> to vector<16x128xbf16>
      %slice3A_301 = vector.extract_strided_slice %get3A_237 {offsets = [5, 0], sizes = [1, 128], strides = [1, 1]} : vector<8x128xbf16> to vector<1x128xbf16>
      %mul3A_302 = vector.broadcast %slice3A_301 : vector<1x128xbf16> to vector<16x128xbf16>
      %mul3A_303 = arith.mulf %slice3A_300, %mul3A_302 : vector<16x128xbf16>
      %max3A_304 = arith.maximumf %max3A_291, %mul3A_303 : vector<16x128xbf16>
      %min3A_305 = arith.minimumf %max3A_291, %mul3A_303 : vector<16x128xbf16>
      %max3A_306 = arith.maximumf %max3A_293, %min3A_305 : vector<16x128xbf16>
      %min3A_307 = arith.minimumf %max3A_293, %min3A_305 : vector<16x128xbf16>
      %max3A_308 = arith.maximumf %max3A_295, %min3A_307 : vector<16x128xbf16>
      %min3A_309 = arith.minimumf %max3A_295, %min3A_307 : vector<16x128xbf16>
      %max3A_310 = arith.maximumf %max3A_297, %min3A_309 : vector<16x128xbf16>
      %min3A_311 = arith.minimumf %max3A_297, %min3A_309 : vector<16x128xbf16>
      %max3A_312 = arith.maximumf %max3A_299, %min3A_311 : vector<16x128xbf16>
      %slice3A_313 = vector.extract_strided_slice %get3A_231 {offsets = [96, 0], sizes = [16, 128], strides = [1, 1]} : vector<128x128xbf16> to vector<16x128xbf16>
      %slice3A_314 = vector.extract_strided_slice %get3A_237 {offsets = [6, 0], sizes = [1, 128], strides = [1, 1]} : vector<8x128xbf16> to vector<1x128xbf16>
      %mul3A_315 = vector.broadcast %slice3A_314 : vector<1x128xbf16> to vector<16x128xbf16>
      %mul3A_316 = arith.mulf %slice3A_313, %mul3A_315 : vector<16x128xbf16>
      %max3A_317 = arith.maximumf %max3A_304, %mul3A_316 : vector<16x128xbf16>
      %min3A_318 = arith.minimumf %max3A_304, %mul3A_316 : vector<16x128xbf16>
      %max3A_319 = arith.maximumf %max3A_306, %min3A_318 : vector<16x128xbf16>
      %min3A_320 = arith.minimumf %max3A_306, %min3A_318 : vector<16x128xbf16>
      %max3A_321 = arith.maximumf %max3A_308, %min3A_320 : vector<16x128xbf16>
      %min3A_322 = arith.minimumf %max3A_308, %min3A_320 : vector<16x128xbf16>
      %max3A_323 = arith.maximumf %max3A_310, %min3A_322 : vector<16x128xbf16>
      %min3A_324 = arith.minimumf %max3A_310, %min3A_322 : vector<16x128xbf16>
      %max3A_325 = arith.maximumf %max3A_312, %min3A_324 : vector<16x128xbf16>
      %slice3A_326 = vector.extract_strided_slice %get3A_231 {offsets = [112, 0], sizes = [16, 128], strides = [1, 1]} : vector<128x128xbf16> to vector<16x128xbf16>
      %slice3A_327 = vector.extract_strided_slice %get3A_237 {offsets = [7, 0], sizes = [1, 128], strides = [1, 1]} : vector<8x128xbf16> to vector<1x128xbf16>
      %mul3A_328 = vector.broadcast %slice3A_327 : vector<1x128xbf16> to vector<16x128xbf16>
      %mul3A_329 = arith.mulf %slice3A_326, %mul3A_328 : vector<16x128xbf16>
      %max3A_330 = arith.maximumf %max3A_317, %mul3A_329 : vector<16x128xbf16>
      %min3A_331 = arith.minimumf %max3A_317, %mul3A_329 : vector<16x128xbf16>
      %max3A_332 = arith.maximumf %max3A_319, %min3A_331 : vector<16x128xbf16>
      %min3A_333 = arith.minimumf %max3A_319, %min3A_331 : vector<16x128xbf16>
      %max3A_334 = arith.maximumf %max3A_321, %min3A_333 : vector<16x128xbf16>
      %min3A_335 = arith.minimumf %max3A_321, %min3A_333 : vector<16x128xbf16>
      %max3A_336 = arith.maximumf %max3A_323, %min3A_335 : vector<16x128xbf16>
      %min3A_337 = arith.minimumf %max3A_323, %min3A_335 : vector<16x128xbf16>
      %max3A_338 = arith.maximumf %max3A_325, %min3A_337 : vector<16x128xbf16>
      scf.yield %max3A_330, %max3A_332, %max3A_334, %max3A_336, %max3A_338 : vector<16x128xbf16>, vector<16x128xbf16>, vector<16x128xbf16>, vector<16x128xbf16>, vector<16x128xbf16>
    }
    %scan3A_184 = arith.constant 16 : i32
    %add3A_185 = arith.addf %scan3A_183#0, %scan3A_183#1 : vector<16x128xbf16>
    %add3A_186 = arith.addf %scan3A_183#2, %scan3A_183#3 : vector<16x128xbf16>
    %add3A_187 = arith.addf %add3A_185, %add3A_186 : vector<16x128xbf16>
    %add3A_188 = arith.addf %add3A_187, %scan3A_183#4 : vector<16x128xbf16>
    %convert_element_type3A_189 = arith.extf %add3A_188 : vector<16x128xbf16> to vector<16x128xf32>
    %swap3A_190 = arith.constant 0 : index
    %swap3A_191 = arith.constant 1664 : index
    %swap3A_192 = vector.load %arg3[%swap3A_190, %swap3A_191] : memref<16x2048xf32, #tpu.memory_space<vmem>>, vector<16x128xf32>
    tpu.vector_store %arg3[%swap3A_190, %swap3A_191], %convert_element_type3A_189 {strides = array<i32>} : memref<16x2048xf32, #tpu.memory_space<vmem>>, vector<16x128xf32>,
    %scan3A_193 = arith.constant 0 : i32
    %scan3A_194 = arith.constant 16 : i32
    %scan3A_195 = arith.addi %scan3A_193, %scan3A_194 : i32
    %scan3A_196 = arith.constant 1 : i32
    %scan3A_197:5 = scf.for %scan3A_221 = %scan3A_193 to %scan3A_195 step %scan3A_196 iter_args(%scan3A_222 = %broadcast_in_dim3A_0, %scan3A_223 = %broadcast_in_dim3A_0, %scan3A_224 = %broadcast_in_dim3A_0, %scan3A_225 = %broadcast_in_dim3A_0, %scan3A_226 = %broadcast_in_dim3A_0) -> (vector<16x128xbf16>, vector<16x128xbf16>, vector<16x128xbf16>, vector<16x128xbf16>, vector<16x128xbf16>)  : i32 {
      %mul3A = arith.constant 16 : i32
      %mul3A_227 = arith.muli %scan3A_221, %mul3A : i32
      %mul3A_228 = arith.constant 8 : i32
      %mul3A_229 = arith.muli %mul3A_227, %mul3A_228 : i32
      %multiple_of3A = tpu.assume_multiple %mul3A_229, 128 : i32
      %get3A = arith.index_cast %multiple_of3A : i32 to index
      %get3A_230 = arith.constant 0 : index
      %get3A_231 = vector.load %arg1[%get3A, %get3A_230] : memref<2048x128xbf16, #tpu.memory_space<vmem>>, vector<128x128xbf16>
      %mul3A_232 = arith.constant 8 : i32
      %mul3A_233 = arith.muli %scan3A_221, %mul3A_232 : i32
      %multiple_of3A_234 = tpu.assume_multiple %mul3A_233, 8 : i32
      %get3A_235 = arith.index_cast %multiple_of3A_234 : i32 to index
      %get3A_236 = arith.constant 1792 : index
      %get3A_237 = vector.load %arg2[%get3A_235, %get3A_236] : memref<128x2048xbf16, #tpu.memory_space<vmem>>, vector<8x128xbf16>
      %slice3A = vector.extract_strided_slice %get3A_231 {offsets = [0, 0], sizes = [16, 128], strides = [1, 1]} : vector<128x128xbf16> to vector<16x128xbf16>
      %slice3A_238 = vector.extract_strided_slice %get3A_237 {offsets = [0, 0], sizes = [1, 128], strides = [1, 1]} : vector<8x128xbf16> to vector<1x128xbf16>
      %mul3A_239 = vector.broadcast %slice3A_238 : vector<1x128xbf16> to vector<16x128xbf16>
      %mul3A_240 = arith.mulf %slice3A, %mul3A_239 : vector<16x128xbf16>
      %max3A = arith.maximumf %scan3A_222, %mul3A_240 : vector<16x128xbf16>
      %min3A = arith.minimumf %scan3A_222, %mul3A_240 : vector<16x128xbf16>
      %max3A_241 = arith.maximumf %scan3A_223, %min3A : vector<16x128xbf16>
      %min3A_242 = arith.minimumf %scan3A_223, %min3A : vector<16x128xbf16>
      %max3A_243 = arith.maximumf %scan3A_224, %min3A_242 : vector<16x128xbf16>
      %min3A_244 = arith.minimumf %scan3A_224, %min3A_242 : vector<16x128xbf16>
      %max3A_245 = arith.maximumf %scan3A_225, %min3A_244 : vector<16x128xbf16>
      %min3A_246 = arith.minimumf %scan3A_225, %min3A_244 : vector<16x128xbf16>
      %max3A_247 = arith.maximumf %scan3A_226, %min3A_246 : vector<16x128xbf16>
      %slice3A_248 = vector.extract_strided_slice %get3A_231 {offsets = [16, 0], sizes = [16, 128], strides = [1, 1]} : vector<128x128xbf16> to vector<16x128xbf16>
      %slice3A_249 = vector.extract_strided_slice %get3A_237 {offsets = [1, 0], sizes = [1, 128], strides = [1, 1]} : vector<8x128xbf16> to vector<1x128xbf16>
      %mul3A_250 = vector.broadcast %slice3A_249 : vector<1x128xbf16> to vector<16x128xbf16>
      %mul3A_251 = arith.mulf %slice3A_248, %mul3A_250 : vector<16x128xbf16>
      %max3A_252 = arith.maximumf %max3A, %mul3A_251 : vector<16x128xbf16>
      %min3A_253 = arith.minimumf %max3A, %mul3A_251 : vector<16x128xbf16>
      %max3A_254 = arith.maximumf %max3A_241, %min3A_253 : vector<16x128xbf16>
      %min3A_255 = arith.minimumf %max3A_241, %min3A_253 : vector<16x128xbf16>
      %max3A_256 = arith.maximumf %max3A_243, %min3A_255 : vector<16x128xbf16>
      %min3A_257 = arith.minimumf %max3A_243, %min3A_255 : vector<16x128xbf16>
      %max3A_258 = arith.maximumf %max3A_245, %min3A_257 : vector<16x128xbf16>
      %min3A_259 = arith.minimumf %max3A_245, %min3A_257 : vector<16x128xbf16>
      %max3A_260 = arith.maximumf %max3A_247, %min3A_259 : vector<16x128xbf16>
      %slice3A_261 = vector.extract_strided_slice %get3A_231 {offsets = [32, 0], sizes = [16, 128], strides = [1, 1]} : vector<128x128xbf16> to vector<16x128xbf16>
      %slice3A_262 = vector.extract_strided_slice %get3A_237 {offsets = [2, 0], sizes = [1, 128], strides = [1, 1]} : vector<8x128xbf16> to vector<1x128xbf16>
      %mul3A_263 = vector.broadcast %slice3A_262 : vector<1x128xbf16> to vector<16x128xbf16>
      %mul3A_264 = arith.mulf %slice3A_261, %mul3A_263 : vector<16x128xbf16>
      %max3A_265 = arith.maximumf %max3A_252, %mul3A_264 : vector<16x128xbf16>
      %min3A_266 = arith.minimumf %max3A_252, %mul3A_264 : vector<16x128xbf16>
      %max3A_267 = arith.maximumf %max3A_254, %min3A_266 : vector<16x128xbf16>
      %min3A_268 = arith.minimumf %max3A_254, %min3A_266 : vector<16x128xbf16>
      %max3A_269 = arith.maximumf %max3A_256, %min3A_268 : vector<16x128xbf16>
      %min3A_270 = arith.minimumf %max3A_256, %min3A_268 : vector<16x128xbf16>
      %max3A_271 = arith.maximumf %max3A_258, %min3A_270 : vector<16x128xbf16>
      %min3A_272 = arith.minimumf %max3A_258, %min3A_270 : vector<16x128xbf16>
      %max3A_273 = arith.maximumf %max3A_260, %min3A_272 : vector<16x128xbf16>
      %slice3A_274 = vector.extract_strided_slice %get3A_231 {offsets = [48, 0], sizes = [16, 128], strides = [1, 1]} : vector<128x128xbf16> to vector<16x128xbf16>
      %slice3A_275 = vector.extract_strided_slice %get3A_237 {offsets = [3, 0], sizes = [1, 128], strides = [1, 1]} : vector<8x128xbf16> to vector<1x128xbf16>
      %mul3A_276 = vector.broadcast %slice3A_275 : vector<1x128xbf16> to vector<16x128xbf16>
      %mul3A_277 = arith.mulf %slice3A_274, %mul3A_276 : vector<16x128xbf16>
      %max3A_278 = arith.maximumf %max3A_265, %mul3A_277 : vector<16x128xbf16>
      %min3A_279 = arith.minimumf %max3A_265, %mul3A_277 : vector<16x128xbf16>
      %max3A_280 = arith.maximumf %max3A_267, %min3A_279 : vector<16x128xbf16>
      %min3A_281 = arith.minimumf %max3A_267, %min3A_279 : vector<16x128xbf16>
      %max3A_282 = arith.maximumf %max3A_269, %min3A_281 : vector<16x128xbf16>
      %min3A_283 = arith.minimumf %max3A_269, %min3A_281 : vector<16x128xbf16>
      %max3A_284 = arith.maximumf %max3A_271, %min3A_283 : vector<16x128xbf16>
      %min3A_285 = arith.minimumf %max3A_271, %min3A_283 : vector<16x128xbf16>
      %max3A_286 = arith.maximumf %max3A_273, %min3A_285 : vector<16x128xbf16>
      %slice3A_287 = vector.extract_strided_slice %get3A_231 {offsets = [64, 0], sizes = [16, 128], strides = [1, 1]} : vector<128x128xbf16> to vector<16x128xbf16>
      %slice3A_288 = vector.extract_strided_slice %get3A_237 {offsets = [4, 0], sizes = [1, 128], strides = [1, 1]} : vector<8x128xbf16> to vector<1x128xbf16>
      %mul3A_289 = vector.broadcast %slice3A_288 : vector<1x128xbf16> to vector<16x128xbf16>
      %mul3A_290 = arith.mulf %slice3A_287, %mul3A_289 : vector<16x128xbf16>
      %max3A_291 = arith.maximumf %max3A_278, %mul3A_290 : vector<16x128xbf16>
      %min3A_292 = arith.minimumf %max3A_278, %mul3A_290 : vector<16x128xbf16>
      %max3A_293 = arith.maximumf %max3A_280, %min3A_292 : vector<16x128xbf16>
      %min3A_294 = arith.minimumf %max3A_280, %min3A_292 : vector<16x128xbf16>
      %max3A_295 = arith.maximumf %max3A_282, %min3A_294 : vector<16x128xbf16>
      %min3A_296 = arith.minimumf %max3A_282, %min3A_294 : vector<16x128xbf16>
      %max3A_297 = arith.maximumf %max3A_284, %min3A_296 : vector<16x128xbf16>
      %min3A_298 = arith.minimumf %max3A_284, %min3A_296 : vector<16x128xbf16>
      %max3A_299 = arith.maximumf %max3A_286, %min3A_298 : vector<16x128xbf16>
      %slice3A_300 = vector.extract_strided_slice %get3A_231 {offsets = [80, 0], sizes = [16, 128], strides = [1, 1]} : vector<128x128xbf16> to vector<16x128xbf16>
      %slice3A_301 = vector.extract_strided_slice %get3A_237 {offsets = [5, 0], sizes = [1, 128], strides = [1, 1]} : vector<8x128xbf16> to vector<1x128xbf16>
      %mul3A_302 = vector.broadcast %slice3A_301 : vector<1x128xbf16> to vector<16x128xbf16>
      %mul3A_303 = arith.mulf %slice3A_300, %mul3A_302 : vector<16x128xbf16>
      %max3A_304 = arith.maximumf %max3A_291, %mul3A_303 : vector<16x128xbf16>
      %min3A_305 = arith.minimumf %max3A_291, %mul3A_303 : vector<16x128xbf16>
      %max3A_306 = arith.maximumf %max3A_293, %min3A_305 : vector<16x128xbf16>
      %min3A_307 = arith.minimumf %max3A_293, %min3A_305 : vector<16x128xbf16>
      %max3A_308 = arith.maximumf %max3A_295, %min3A_307 : vector<16x128xbf16>
      %min3A_309 = arith.minimumf %max3A_295, %min3A_307 : vector<16x128xbf16>
      %max3A_310 = arith.maximumf %max3A_297, %min3A_309 : vector<16x128xbf16>
      %min3A_311 = arith.minimumf %max3A_297, %min3A_309 : vector<16x128xbf16>
      %max3A_312 = arith.maximumf %max3A_299, %min3A_311 : vector<16x128xbf16>
      %slice3A_313 = vector.extract_strided_slice %get3A_231 {offsets = [96, 0], sizes = [16, 128], strides = [1, 1]} : vector<128x128xbf16> to vector<16x128xbf16>
      %slice3A_314 = vector.extract_strided_slice %get3A_237 {offsets = [6, 0], sizes = [1, 128], strides = [1, 1]} : vector<8x128xbf16> to vector<1x128xbf16>
      %mul3A_315 = vector.broadcast %slice3A_314 : vector<1x128xbf16> to vector<16x128xbf16>
      %mul3A_316 = arith.mulf %slice3A_313, %mul3A_315 : vector<16x128xbf16>
      %max3A_317 = arith.maximumf %max3A_304, %mul3A_316 : vector<16x128xbf16>
      %min3A_318 = arith.minimumf %max3A_304, %mul3A_316 : vector<16x128xbf16>
      %max3A_319 = arith.maximumf %max3A_306, %min3A_318 : vector<16x128xbf16>
      %min3A_320 = arith.minimumf %max3A_306, %min3A_318 : vector<16x128xbf16>
      %max3A_321 = arith.maximumf %max3A_308, %min3A_320 : vector<16x128xbf16>
      %min3A_322 = arith.minimumf %max3A_308, %min3A_320 : vector<16x128xbf16>
      %max3A_323 = arith.maximumf %max3A_310, %min3A_322 : vector<16x128xbf16>
      %min3A_324 = arith.minimumf %max3A_310, %min3A_322 : vector<16x128xbf16>
      %max3A_325 = arith.maximumf %max3A_312, %min3A_324 : vector<16x128xbf16>
      %slice3A_326 = vector.extract_strided_slice %get3A_231 {offsets = [112, 0], sizes = [16, 128], strides = [1, 1]} : vector<128x128xbf16> to vector<16x128xbf16>
      %slice3A_327 = vector.extract_strided_slice %get3A_237 {offsets = [7, 0], sizes = [1, 128], strides = [1, 1]} : vector<8x128xbf16> to vector<1x128xbf16>
      %mul3A_328 = vector.broadcast %slice3A_327 : vector<1x128xbf16> to vector<16x128xbf16>
      %mul3A_329 = arith.mulf %slice3A_326, %mul3A_328 : vector<16x128xbf16>
      %max3A_330 = arith.maximumf %max3A_317, %mul3A_329 : vector<16x128xbf16>
      %min3A_331 = arith.minimumf %max3A_317, %mul3A_329 : vector<16x128xbf16>
      %max3A_332 = arith.maximumf %max3A_319, %min3A_331 : vector<16x128xbf16>
      %min3A_333 = arith.minimumf %max3A_319, %min3A_331 : vector<16x128xbf16>
      %max3A_334 = arith.maximumf %max3A_321, %min3A_333 : vector<16x128xbf16>
      %min3A_335 = arith.minimumf %max3A_321, %min3A_333 : vector<16x128xbf16>
      %max3A_336 = arith.maximumf %max3A_323, %min3A_335 : vector<16x128xbf16>
      %min3A_337 = arith.minimumf %max3A_323, %min3A_335 : vector<16x128xbf16>
      %max3A_338 = arith.maximumf %max3A_325, %min3A_337 : vector<16x128xbf16>
      scf.yield %max3A_330, %max3A_332, %max3A_334, %max3A_336, %max3A_338 : vector<16x128xbf16>, vector<16x128xbf16>, vector<16x128xbf16>, vector<16x128xbf16>, vector<16x128xbf16>
    }
    %scan3A_198 = arith.constant 16 : i32
    %add3A_199 = arith.addf %scan3A_197#0, %scan3A_197#1 : vector<16x128xbf16>
    %add3A_200 = arith.addf %scan3A_197#2, %scan3A_197#3 : vector<16x128xbf16>
    %add3A_201 = arith.addf %add3A_199, %add3A_200 : vector<16x128xbf16>
    %add3A_202 = arith.addf %add3A_201, %scan3A_197#4 : vector<16x128xbf16>
    %convert_element_type3A_203 = arith.extf %add3A_202 : vector<16x128xbf16> to vector<16x128xf32>
    %swap3A_204 = arith.constant 0 : index
    %swap3A_205 = arith.constant 1792 : index
    %swap3A_206 = vector.load %arg3[%swap3A_204, %swap3A_205] : memref<16x2048xf32, #tpu.memory_space<vmem>>, vector<16x128xf32>
    tpu.vector_store %arg3[%swap3A_204, %swap3A_205], %convert_element_type3A_203 {strides = array<i32>} : memref<16x2048xf32, #tpu.memory_space<vmem>>, vector<16x128xf32>,
    %scan3A_207 = arith.constant 0 : i32
    %scan3A_208 = arith.constant 16 : i32
    %scan3A_209 = arith.addi %scan3A_207, %scan3A_208 : i32
    %scan3A_210 = arith.constant 1 : i32
    %scan3A_211:5 = scf.for %scan3A_221 = %scan3A_207 to %scan3A_209 step %scan3A_210 iter_args(%scan3A_222 = %broadcast_in_dim3A_0, %scan3A_223 = %broadcast_in_dim3A_0, %scan3A_224 = %broadcast_in_dim3A_0, %scan3A_225 = %broadcast_in_dim3A_0, %scan3A_226 = %broadcast_in_dim3A_0) -> (vector<16x128xbf16>, vector<16x128xbf16>, vector<16x128xbf16>, vector<16x128xbf16>, vector<16x128xbf16>)  : i32 {
      %mul3A = arith.constant 16 : i32
      %mul3A_227 = arith.muli %scan3A_221, %mul3A : i32
      %mul3A_228 = arith.constant 8 : i32
      %mul3A_229 = arith.muli %mul3A_227, %mul3A_228 : i32
      %multiple_of3A = tpu.assume_multiple %mul3A_229, 128 : i32
      %get3A = arith.index_cast %multiple_of3A : i32 to index
      %get3A_230 = arith.constant 0 : index
      %get3A_231 = vector.load %arg1[%get3A, %get3A_230] : memref<2048x128xbf16, #tpu.memory_space<vmem>>, vector<128x128xbf16>
      %mul3A_232 = arith.constant 8 : i32
      %mul3A_233 = arith.muli %scan3A_221, %mul3A_232 : i32
      %multiple_of3A_234 = tpu.assume_multiple %mul3A_233, 8 : i32
      %get3A_235 = arith.index_cast %multiple_of3A_234 : i32 to index
      %get3A_236 = arith.constant 1920 : index
      %get3A_237 = vector.load %arg2[%get3A_235, %get3A_236] : memref<128x2048xbf16, #tpu.memory_space<vmem>>, vector<8x128xbf16>
      %slice3A = vector.extract_strided_slice %get3A_231 {offsets = [0, 0], sizes = [16, 128], strides = [1, 1]} : vector<128x128xbf16> to vector<16x128xbf16>
      %slice3A_238 = vector.extract_strided_slice %get3A_237 {offsets = [0, 0], sizes = [1, 128], strides = [1, 1]} : vector<8x128xbf16> to vector<1x128xbf16>
      %mul3A_239 = vector.broadcast %slice3A_238 : vector<1x128xbf16> to vector<16x128xbf16>
      %mul3A_240 = arith.mulf %slice3A, %mul3A_239 : vector<16x128xbf16>
      %max3A = arith.maximumf %scan3A_222, %mul3A_240 : vector<16x128xbf16>
      %min3A = arith.minimumf %scan3A_222, %mul3A_240 : vector<16x128xbf16>
      %max3A_241 = arith.maximumf %scan3A_223, %min3A : vector<16x128xbf16>
      %min3A_242 = arith.minimumf %scan3A_223, %min3A : vector<16x128xbf16>
      %max3A_243 = arith.maximumf %scan3A_224, %min3A_242 : vector<16x128xbf16>
      %min3A_244 = arith.minimumf %scan3A_224, %min3A_242 : vector<16x128xbf16>
      %max3A_245 = arith.maximumf %scan3A_225, %min3A_244 : vector<16x128xbf16>
      %min3A_246 = arith.minimumf %scan3A_225, %min3A_244 : vector<16x128xbf16>
      %max3A_247 = arith.maximumf %scan3A_226, %min3A_246 : vector<16x128xbf16>
      %slice3A_248 = vector.extract_strided_slice %get3A_231 {offsets = [16, 0], sizes = [16, 128], strides = [1, 1]} : vector<128x128xbf16> to vector<16x128xbf16>
      %slice3A_249 = vector.extract_strided_slice %get3A_237 {offsets = [1, 0], sizes = [1, 128], strides = [1, 1]} : vector<8x128xbf16> to vector<1x128xbf16>
      %mul3A_250 = vector.broadcast %slice3A_249 : vector<1x128xbf16> to vector<16x128xbf16>
      %mul3A_251 = arith.mulf %slice3A_248, %mul3A_250 : vector<16x128xbf16>
      %max3A_252 = arith.maximumf %max3A, %mul3A_251 : vector<16x128xbf16>
      %min3A_253 = arith.minimumf %max3A, %mul3A_251 : vector<16x128xbf16>
      %max3A_254 = arith.maximumf %max3A_241, %min3A_253 : vector<16x128xbf16>
      %min3A_255 = arith.minimumf %max3A_241, %min3A_253 : vector<16x128xbf16>
      %max3A_256 = arith.maximumf %max3A_243, %min3A_255 : vector<16x128xbf16>
      %min3A_257 = arith.minimumf %max3A_243, %min3A_255 : vector<16x128xbf16>
      %max3A_258 = arith.maximumf %max3A_245, %min3A_257 : vector<16x128xbf16>
      %min3A_259 = arith.minimumf %max3A_245, %min3A_257 : vector<16x128xbf16>
      %max3A_260 = arith.maximumf %max3A_247, %min3A_259 : vector<16x128xbf16>
      %slice3A_261 = vector.extract_strided_slice %get3A_231 {offsets = [32, 0], sizes = [16, 128], strides = [1, 1]} : vector<128x128xbf16> to vector<16x128xbf16>
      %slice3A_262 = vector.extract_strided_slice %get3A_237 {offsets = [2, 0], sizes = [1, 128], strides = [1, 1]} : vector<8x128xbf16> to vector<1x128xbf16>
      %mul3A_263 = vector.broadcast %slice3A_262 : vector<1x128xbf16> to vector<16x128xbf16>
      %mul3A_264 = arith.mulf %slice3A_261, %mul3A_263 : vector<16x128xbf16>
      %max3A_265 = arith.maximumf %max3A_252, %mul3A_264 : vector<16x128xbf16>
      %min3A_266 = arith.minimumf %max3A_252, %mul3A_264 : vector<16x128xbf16>
      %max3A_267 = arith.maximumf %max3A_254, %min3A_266 : vector<16x128xbf16>
      %min3A_268 = arith.minimumf %max3A_254, %min3A_266 : vector<16x128xbf16>
      %max3A_269 = arith.maximumf %max3A_256, %min3A_268 : vector<16x128xbf16>
      %min3A_270 = arith.minimumf %max3A_256, %min3A_268 : vector<16x128xbf16>
      %max3A_271 = arith.maximumf %max3A_258, %min3A_270 : vector<16x128xbf16>
      %min3A_272 = arith.minimumf %max3A_258, %min3A_270 : vector<16x128xbf16>
      %max3A_273 = arith.maximumf %max3A_260, %min3A_272 : vector<16x128xbf16>
      %slice3A_274 = vector.extract_strided_slice %get3A_231 {offsets = [48, 0], sizes = [16, 128], strides = [1, 1]} : vector<128x128xbf16> to vector<16x128xbf16>
      %slice3A_275 = vector.extract_strided_slice %get3A_237 {offsets = [3, 0], sizes = [1, 128], strides = [1, 1]} : vector<8x128xbf16> to vector<1x128xbf16>
      %mul3A_276 = vector.broadcast %slice3A_275 : vector<1x128xbf16> to vector<16x128xbf16>
      %mul3A_277 = arith.mulf %slice3A_274, %mul3A_276 : vector<16x128xbf16>
      %max3A_278 = arith.maximumf %max3A_265, %mul3A_277 : vector<16x128xbf16>
      %min3A_279 = arith.minimumf %max3A_265, %mul3A_277 : vector<16x128xbf16>
      %max3A_280 = arith.maximumf %max3A_267, %min3A_279 : vector<16x128xbf16>
      %min3A_281 = arith.minimumf %max3A_267, %min3A_279 : vector<16x128xbf16>
      %max3A_282 = arith.maximumf %max3A_269, %min3A_281 : vector<16x128xbf16>
      %min3A_283 = arith.minimumf %max3A_269, %min3A_281 : vector<16x128xbf16>
      %max3A_284 = arith.maximumf %max3A_271, %min3A_283 : vector<16x128xbf16>
      %min3A_285 = arith.minimumf %max3A_271, %min3A_283 : vector<16x128xbf16>
      %max3A_286 = arith.maximumf %max3A_273, %min3A_285 : vector<16x128xbf16>
      %slice3A_287 = vector.extract_strided_slice %get3A_231 {offsets = [64, 0], sizes = [16, 128], strides = [1, 1]} : vector<128x128xbf16> to vector<16x128xbf16>
      %slice3A_288 = vector.extract_strided_slice %get3A_237 {offsets = [4, 0], sizes = [1, 128], strides = [1, 1]} : vector<8x128xbf16> to vector<1x128xbf16>
      %mul3A_289 = vector.broadcast %slice3A_288 : vector<1x128xbf16> to vector<16x128xbf16>
      %mul3A_290 = arith.mulf %slice3A_287, %mul3A_289 : vector<16x128xbf16>
      %max3A_291 = arith.maximumf %max3A_278, %mul3A_290 : vector<16x128xbf16>
      %min3A_292 = arith.minimumf %max3A_278, %mul3A_290 : vector<16x128xbf16>
      %max3A_293 = arith.maximumf %max3A_280, %min3A_292 : vector<16x128xbf16>
      %min3A_294 = arith.minimumf %max3A_280, %min3A_292 : vector<16x128xbf16>
      %max3A_295 = arith.maximumf %max3A_282, %min3A_294 : vector<16x128xbf16>
      %min3A_296 = arith.minimumf %max3A_282, %min3A_294 : vector<16x128xbf16>
      %max3A_297 = arith.maximumf %max3A_284, %min3A_296 : vector<16x128xbf16>
      %min3A_298 = arith.minimumf %max3A_284, %min3A_296 : vector<16x128xbf16>
      %max3A_299 = arith.maximumf %max3A_286, %min3A_298 : vector<16x128xbf16>
      %slice3A_300 = vector.extract_strided_slice %get3A_231 {offsets = [80, 0], sizes = [16, 128], strides = [1, 1]} : vector<128x128xbf16> to vector<16x128xbf16>
      %slice3A_301 = vector.extract_strided_slice %get3A_237 {offsets = [5, 0], sizes = [1, 128], strides = [1, 1]} : vector<8x128xbf16> to vector<1x128xbf16>
      %mul3A_302 = vector.broadcast %slice3A_301 : vector<1x128xbf16> to vector<16x128xbf16>
      %mul3A_303 = arith.mulf %slice3A_300, %mul3A_302 : vector<16x128xbf16>
      %max3A_304 = arith.maximumf %max3A_291, %mul3A_303 : vector<16x128xbf16>
      %min3A_305 = arith.minimumf %max3A_291, %mul3A_303 : vector<16x128xbf16>
      %max3A_306 = arith.maximumf %max3A_293, %min3A_305 : vector<16x128xbf16>
      %min3A_307 = arith.minimumf %max3A_293, %min3A_305 : vector<16x128xbf16>
      %max3A_308 = arith.maximumf %max3A_295, %min3A_307 : vector<16x128xbf16>
      %min3A_309 = arith.minimumf %max3A_295, %min3A_307 : vector<16x128xbf16>
      %max3A_310 = arith.maximumf %max3A_297, %min3A_309 : vector<16x128xbf16>
      %min3A_311 = arith.minimumf %max3A_297, %min3A_309 : vector<16x128xbf16>
      %max3A_312 = arith.maximumf %max3A_299, %min3A_311 : vector<16x128xbf16>
      %slice3A_313 = vector.extract_strided_slice %get3A_231 {offsets = [96, 0], sizes = [16, 128], strides = [1, 1]} : vector<128x128xbf16> to vector<16x128xbf16>
      %slice3A_314 = vector.extract_strided_slice %get3A_237 {offsets = [6, 0], sizes = [1, 128], strides = [1, 1]} : vector<8x128xbf16> to vector<1x128xbf16>
      %mul3A_315 = vector.broadcast %slice3A_314 : vector<1x128xbf16> to vector<16x128xbf16>
      %mul3A_316 = arith.mulf %slice3A_313, %mul3A_315 : vector<16x128xbf16>
      %max3A_317 = arith.maximumf %max3A_304, %mul3A_316 : vector<16x128xbf16>
      %min3A_318 = arith.minimumf %max3A_304, %mul3A_316 : vector<16x128xbf16>
      %max3A_319 = arith.maximumf %max3A_306, %min3A_318 : vector<16x128xbf16>
      %min3A_320 = arith.minimumf %max3A_306, %min3A_318 : vector<16x128xbf16>
      %max3A_321 = arith.maximumf %max3A_308, %min3A_320 : vector<16x128xbf16>
      %min3A_322 = arith.minimumf %max3A_308, %min3A_320 : vector<16x128xbf16>
      %max3A_323 = arith.maximumf %max3A_310, %min3A_322 : vector<16x128xbf16>
      %min3A_324 = arith.minimumf %max3A_310, %min3A_322 : vector<16x128xbf16>
      %max3A_325 = arith.maximumf %max3A_312, %min3A_324 : vector<16x128xbf16>
      %slice3A_326 = vector.extract_strided_slice %get3A_231 {offsets = [112, 0], sizes = [16, 128], strides = [1, 1]} : vector<128x128xbf16> to vector<16x128xbf16>
      %slice3A_327 = vector.extract_strided_slice %get3A_237 {offsets = [7, 0], sizes = [1, 128], strides = [1, 1]} : vector<8x128xbf16> to vector<1x128xbf16>
      %mul3A_328 = vector.broadcast %slice3A_327 : vector<1x128xbf16> to vector<16x128xbf16>
      %mul3A_329 = arith.mulf %slice3A_326, %mul3A_328 : vector<16x128xbf16>
      %max3A_330 = arith.maximumf %max3A_317, %mul3A_329 : vector<16x128xbf16>
      %min3A_331 = arith.minimumf %max3A_317, %mul3A_329 : vector<16x128xbf16>
      %max3A_332 = arith.maximumf %max3A_319, %min3A_331 : vector<16x128xbf16>
      %min3A_333 = arith.minimumf %max3A_319, %min3A_331 : vector<16x128xbf16>
      %max3A_334 = arith.maximumf %max3A_321, %min3A_333 : vector<16x128xbf16>
      %min3A_335 = arith.minimumf %max3A_321, %min3A_333 : vector<16x128xbf16>
      %max3A_336 = arith.maximumf %max3A_323, %min3A_335 : vector<16x128xbf16>
      %min3A_337 = arith.minimumf %max3A_323, %min3A_335 : vector<16x128xbf16>
      %max3A_338 = arith.maximumf %max3A_325, %min3A_337 : vector<16x128xbf16>
      scf.yield %max3A_330, %max3A_332, %max3A_334, %max3A_336, %max3A_338 : vector<16x128xbf16>, vector<16x128xbf16>, vector<16x128xbf16>, vector<16x128xbf16>, vector<16x128xbf16>
    }
    %scan3A_212 = arith.constant 16 : i32
    %add3A_213 = arith.addf %scan3A_211#0, %scan3A_211#1 : vector<16x128xbf16>
    %add3A_214 = arith.addf %scan3A_211#2, %scan3A_211#3 : vector<16x128xbf16>
    %add3A_215 = arith.addf %add3A_213, %add3A_214 : vector<16x128xbf16>
    %add3A_216 = arith.addf %add3A_215, %scan3A_211#4 : vector<16x128xbf16>
    %convert_element_type3A_217 = arith.extf %add3A_216 : vector<16x128xbf16> to vector<16x128xf32>
    %swap3A_218 = arith.constant 0 : index
    %swap3A_219 = arith.constant 1920 : index
    %swap3A_220 = vector.load %arg3[%swap3A_218, %swap3A_219] : memref<16x2048xf32, #tpu.memory_space<vmem>>, vector<16x128xf32>
    tpu.vector_store %arg3[%swap3A_218, %swap3A_219], %convert_element_type3A_217 {strides = array<i32>} : memref<16x2048xf32, #tpu.memory_space<vmem>>, vector<16x128xf32>,
    return
  }
  func.func @transform_0(%arg0: i32) -> (i32, i32) {
    %c0_i32 = arith.constant 0 : i32
    %c0_i32_0 = arith.constant 0 : i32
    return %arg0, %c0_i32 : i32, i32
  }
  func.func @transform_1(%arg0: i32) -> (i32, i32) {
    %c0_i32 = arith.constant 0 : i32
    %c0_i32_0 = arith.constant 0 : i32
    %c0_i32_1 = arith.constant 0 : i32
    return %c0_i32, %c0_i32_0 : i32, i32
  }
  func.func @transform_2(%arg0: i32) -> (i32, i32) {
    %c0_i32 = arith.constant 0 : i32
    %c0_i32_0 = arith.constant 0 : i32
    return %arg0, %c0_i32 : i32, i32
  }
}

module attributes {stable_mosaic.version = 14 : i64} {
  func.func @_fc2_body(%arg0: memref<768x2048xf32, #tpu.memory_space<vmem>>, %arg1: memref<2048x3xf32, #tpu.memory_space<vmem>>, %arg2: memref<1x3xf32, #tpu.memory_space<vmem>>, %arg3: memref<768x3xf32, #tpu.memory_space<vmem>>) attributes {dimension_semantics = [], scalar_prefetch = 0 : i64, scratch_operands = 0 : i64, tpu.core_type = #tpu.core_type<tc>} {
    %get3A = arith.constant 0 : index
    %get3A_0 = arith.constant 0 : index
    %get3A_1 = vector.load %arg0[%get3A, %get3A_0] : memref<768x2048xf32, #tpu.memory_space<vmem>>, vector<768x2048xf32>
    %get3A_2 = arith.constant 0 : index
    %get3A_3 = arith.constant 0 : index
    %get3A_4 = vector.load %arg1[%get3A_2, %get3A_3] : memref<2048x3xf32, #tpu.memory_space<vmem>>, vector<2048x3xf32>
    %dot_general3A = arith.constant dense<0.000000e+00> : vector<768x3xf32>
    %dot_general3A_5 = tpu.matmul %get3A_1, %get3A_4, %dot_general3A {dimension_numbers = #tpu.dot_dimension_numbers<[1], [0], [0], [1], [0, 0, 1, 1], [], []>, transpose_lhs_hint = false} : vector<768x2048xf32>, vector<2048x3xf32>, vector<768x3xf32> -> vector<768x3xf32>
    %get3A_6 = arith.constant 0 : index
    %get3A_7 = arith.constant 0 : index
    %get3A_8 = vector.load %arg2[%get3A_6, %get3A_7] : memref<1x3xf32, #tpu.memory_space<vmem>>, vector<1x3xf32>
    %add3A = vector.broadcast %get3A_8 : vector<1x3xf32> to vector<768x3xf32>
    %add3A_9 = arith.addf %dot_general3A_5, %add3A : vector<768x3xf32>
    %swap3A = arith.constant 0 : index
    %swap3A_10 = arith.constant 0 : index
    %swap3A_11 = vector.load %arg3[%swap3A, %swap3A_10] : memref<768x3xf32, #tpu.memory_space<vmem>>, vector<768x3xf32>
    tpu.vector_store %arg3[%swap3A, %swap3A_10], %add3A_9 {strides = array<i32>} : memref<768x3xf32, #tpu.memory_space<vmem>>, vector<768x3xf32>,
    return
  }
}

module attributes {stable_mosaic.version = 14 : i64} {
  func.func @_fc2_body(%arg0: memref<256x2048xf32, #tpu.memory_space<vmem>>, %arg1: memref<2048x3xf32, #tpu.memory_space<vmem>>, %arg2: memref<1x3xf32, #tpu.memory_space<vmem>>, %arg3: memref<256x3xf32, #tpu.memory_space<vmem>>) attributes {dimension_semantics = [], scalar_prefetch = 0 : i64, scratch_operands = 0 : i64, tpu.core_type = #tpu.core_type<tc>} {
    %get3A = arith.constant 0 : index
    %get3A_0 = arith.constant 0 : index
    %get3A_1 = vector.load %arg0[%get3A, %get3A_0] : memref<256x2048xf32, #tpu.memory_space<vmem>>, vector<256x2048xf32>
    %get3A_2 = arith.constant 0 : index
    %get3A_3 = arith.constant 0 : index
    %get3A_4 = vector.load %arg1[%get3A_2, %get3A_3] : memref<2048x3xf32, #tpu.memory_space<vmem>>, vector<2048x3xf32>
    %dot_general3A = arith.constant dense<0.000000e+00> : vector<256x3xf32>
    %dot_general3A_5 = tpu.matmul %get3A_1, %get3A_4, %dot_general3A {dimension_numbers = #tpu.dot_dimension_numbers<[1], [0], [0], [1], [0, 0, 1, 1], [], []>, transpose_lhs_hint = false} : vector<256x2048xf32>, vector<2048x3xf32>, vector<256x3xf32> -> vector<256x3xf32>
    %get3A_6 = arith.constant 0 : index
    %get3A_7 = arith.constant 0 : index
    %get3A_8 = vector.load %arg2[%get3A_6, %get3A_7] : memref<1x3xf32, #tpu.memory_space<vmem>>, vector<1x3xf32>
    %add3A = vector.broadcast %get3A_8 : vector<1x3xf32> to vector<256x3xf32>
    %add3A_9 = arith.addf %dot_general3A_5, %add3A : vector<256x3xf32>
    %swap3A = arith.constant 0 : index
    %swap3A_10 = arith.constant 0 : index
    %swap3A_11 = vector.load %arg3[%swap3A, %swap3A_10] : memref<256x3xf32, #tpu.memory_space<vmem>>, vector<256x3xf32>
    tpu.vector_store %arg3[%swap3A, %swap3A_10], %add3A_9 {strides = array<i32>} : memref<256x3xf32, #tpu.memory_space<vmem>>, vector<256x3xf32>,
    return
  }
}

</mosaic_0001>

<sc_bundles>
// kernel: kernel.7.cloned.1.call-start
scs
__scs_entry_jumppad:
0x0: {  	(pc) =	sbr.rel $0x88, $3  }
0x1: {  	(tag) =	ssettag $0x0;
	lr =	simm.s32 $0x1  }
0x2: {  	[smem:$0x3F9B] =	sst lr;
	_ =	strace $0xD0000000  }
0x3: {  	_ = 	snop  }
0x4: {  	_ = 	snop  }
0x5: {  	_ = 	snop  }
0x6: {  	_ = 	snop  }
0x7: {  	_ = 	snop  }
__scs_overlays_trampoline_lowered:
0x8: {  	[smem:$0x3FAA] =	sst s0  }
0x9: {  	[smem:$0x3FAB] =	sst s1  }
0xa: {  	[smem:$0x3FAC] =	sst s2  }
0xb: {  	[smem:$0x3FAD] =	sst s3  }
0xc: {  	[smem:$0x3FAE] =	sst s4  }
0xd: {  	[smem:$0x3FAF] =	sst s5  }
0xe: {  	[smem:$0x3FB0] =	sst s6  }
0xf: {  	[smem:$0x3FB1] =	sst s7  }
0x10: {  	[smem:$0x3FB2] =	sst s8  }
0x11: {  	[smem:$0x3FB3] =	sst s9;
	s0 =	simm.s32 @!p0 $0x0  }
0x12: {  	s1 =	sld [smem:$0x3F99];
	s0 =	simm.s32 @p0 $0x1  }
0x13: {  	[smem:$0x3FB4] =	sst s0;
	s0 =	simm.s32 @!p1 $0x0  }
0x14: {  	s2 =	sld [smem:$0x3F98];
	s0 =	simm.s32 @p1 $0x1  }
0x15: {  	[smem:$0x3FB5] =	sst s0;
	s0 =	simm.s32 @!p2 $0x0  }
0x16: {  	s3 =	sld [smem:$0x3FDB];
	s0 =	simm.s32 @p2 $0x1  }
0x17: {  	s4 =	simm.s32 $0x1BF5;
	[smem:$0x3FB7] =	sst s0  }
0x18: {  	s0 =	sld [smem:$0x3F9A];
	_ =	swait.ge [sflag:s4], $0x0  }
0x19: {  	s7 =	sld [smem:$0x3F9B]  }
0x1a: {  	s8 =	sadd.s32 $0xFFFFE003, lr  }
0x1b: {  	s9 =	sadd.s32 $0xFFFFFEF7, lr;
	s5 =	simm.s32 $0xFFFFFFFF;
	p2 =	slt.u32 s8, $0xFFFFF086  }
0x1c: {  	p1 =	slt.u32 s9, $0xF7A;
	s5 =	simm.s32 @!p2 $0x0  }
0x1d: {  	s5 =	simm.s32 @p1 $0x1;
	p0 =	seq.s32 s7, s2  }
0x1e: {  	s7 =	smul.u32 @!p0 $0xF7A, s2;
	p2 =	seq.s32 @!p0 s5, $0x0  }
0x1f: {  	s9 =	smul.u32 $0xF7A, s1;
	s8 =	simm.s32 @!p0 $0x1BF5;
	p2 =	por !p2, p0  }
0x20: {  	[sflag:s8] =	ssyncset.s32 @!p0 $0xFFFFF086;
	s6 =	sadd.s32 @!p0 s3, s7;
	s7 =	simm.s32 @!p0 $0x108  }
0x21: {  	s3 =	sadd.s32 s3, s9;
	s6 =	sadd.s32 @!p0 $0x88, s6;
	s7 =	simm.s32 @p2 $0x1082  }
0x22: {  	[simem:s7], [sflag:s8] =	dma.local @!p0 [hbm:s6], $0xF7A  }
0x23: {  	s9 =	sor.u32 $0xD0000000, s2;
	s6 =	simm.s32 $0x108;
	_ =	swait.ge @!p0 [sflag:s8], $0x0  }
0x24: {  	s3 =	sadd.s32 $0x88, s3;
	s6 =	simm.s32 @!p1 $0x1082;
	[sflag:s4] =	ssyncset.s32 $0xFFFFF086  }
0x25: {  	[simem:s6], [sflag:s4] =	dma.local [hbm:s3], $0xF7A  }
0x26: {  	[smem:$0x3F9B] =	sst s1;
	(tag) =	ssettag s2;
	_ =	strace s9  }
0x27: {  	s1 =	sld [smem:$0x3FAB]  }
0x28: {  	s2 =	sld [smem:$0x3FAC]  }
0x29: {  	s4 =	sld [smem:$0x3FAE]  }
0x2a: {  	p0 =	seq.s32 s5, $0x0;
	s5 =	sld [smem:$0x3FAF]  }
0x2b: {  	s6 =	sld [smem:$0x3FB0]  }
0x2c: {  	s7 =	sld [smem:$0x3FB1]  }
0x2d: {  	s3 =	simm.s32 $0x108;
	s8 =	sld [smem:$0x3FB2]  }
0x2e: {  	s3 =	simm.s32 @!p0 $0x1082;
	s9 =	sld [smem:$0x3FB3]  }
0x2f: {  	lr =	sadd.s32 s0, s3;
	s0 =	sld [smem:$0x3FAA]  }
0x30: {  	s3 =	sld [smem:$0x3FAD]  }
0x31: {  	[smem:$0x3FB6] =	sst s10  }
0x32: {  	s10 =	sld [smem:$0x3FB4];
	_ =	sdelay $0x3  }
0x33: {  	p0 =	seq.s32 s10, $0x1;
	s10 =	sld [smem:$0x3FB6];
	_ =	sdelay $0x3  }
0x34: {  	[smem:$0x3FB6] =	sst s10  }
0x35: {  	s10 =	sld [smem:$0x3FB5];
	_ =	sdelay $0x3  }
0x36: {  	p1 =	seq.s32 s10, $0x1;
	s10 =	sld [smem:$0x3FB6];
	_ =	sdelay $0x3  }
0x37: {  	[smem:$0x3FB6] =	sst s10  }
0x38: {  	s10 =	sld [smem:$0x3FB7]  }
0x39: {  	_ = 	snop;
	(pc) =	sbr.ind lr, $3  }
0x3a: {  	_ = 	snop  }
0x3b: {  	_ = 	snop  }
0x3c: {  	p2 =	seq.s32 s10, $0x1;
	s10 =	sld [smem:$0x3FB6]  }
0x3d: {  	_ =	shalt  }
0x3e: {  	_ =	shalt  }
0x3f: {  	_ =	shalt  }
0x40: {  	_ =	shalt  }
0x41: {  	_ =	shalt  }
0x42: {  	_ =	shalt  }
0x43: {  	_ =	shalt  }
0x44: {  	_ =	shalt  }
0x45: {  	_ =	shalt  }
0x46: {  	_ =	shalt  }
0x47: {  	_ =	shalt  }
0x48: {  	_ =	shalt  }
0x49: {  	_ =	shalt  }
0x4a: {  	_ =	shalt  }
0x4b: {  	_ =	shalt  }
0x4c: {  	_ =	shalt  }
0x4d: {  	_ =	shalt  }
0x4e: {  	_ =	shalt  }
0x4f: {  	_ =	shalt  }
0x50: {  	_ =	shalt  }
0x51: {  	_ =	shalt  }
0x52: {  	_ =	shalt  }
0x53: {  	_ =	shalt  }
0x54: {  	_ =	shalt  }
0x55: {  	_ =	shalt  }
0x56: {  	_ =	shalt  }
0x57: {  	_ =	shalt  }
0x58: {  	_ =	shalt  }
0x59: {  	_ =	shalt  }
0x5a: {  	_ =	shalt  }
0x5b: {  	_ =	shalt  }
0x5c: {  	_ =	shalt  }
0x5d: {  	_ =	shalt  }
0x5e: {  	_ =	shalt  }
0x5f: {  	_ =	shalt  }
0x60: {  	_ =	shalt  }
0x61: {  	_ =	shalt  }
0x62: {  	_ =	shalt  }
0x63: {  	_ =	shalt  }
0x64: {  	_ =	shalt  }
0x65: {  	_ =	shalt  }
0x66: {  	_ =	shalt  }
0x67: {  	_ =	shalt  }
0x68: {  	_ =	shalt  }
0x69: {  	_ =	shalt  }
0x6a: {  	_ =	shalt  }
0x6b: {  	_ =	shalt  }
0x6c: {  	_ =	shalt  }
0x6d: {  	_ =	shalt  }
0x6e: {  	_ =	shalt  }
0x6f: {  	_ =	shalt  }
0x70: {  	_ =	shalt  }
0x71: {  	_ =	shalt  }
0x72: {  	_ =	shalt  }
0x73: {  	_ =	shalt  }
0x74: {  	_ =	shalt  }
0x75: {  	_ =	shalt  }
0x76: {  	_ =	shalt  }
0x77: {  	_ =	shalt  }
0x78: {  	_ =	shalt  }
0x79: {  	_ =	shalt  }
0x7a: {  	_ =	shalt  }
0x7b: {  	_ =	shalt  }
0x7c: {  	_ =	shalt  }
0x7d: {  	_ =	shalt  }
0x7e: {  	_ =	shalt  }
0x7f: {  	_ =	shalt  }
0x80: {  	_ =	shalt  }
0x81: {  	_ =	shalt  }
0x82: {  	_ =	shalt  }
0x83: {  	_ =	shalt  }
0x84: {  	_ =	shalt  }
0x85: {  	_ =	shalt  }
0x86: {  	_ =	shalt  }
0x87: {  	_ =	shalt  }
.Lfunc_end0:
.L_simem_size_0:
called_computation_lowered:
.L_overlay_start_0:
0x88: {  	s2 =	sld [smem:$0x3FD9]  }
0x89: {  	s3 =	sld [smem:$0x3FFE];
	_ =	sdelay $0x1  }
0x8a: {  	s1 =	srdreg.scid  }
0x8b: {  	s0 =	sand.u32 $0x1, s1  }
0x8c: {  	s16 =	sshll.u32 s0, $0xA;
	s2 =	sadd.s32 s3, s2  }
0x8d: {  	s2 =	sadd.s32 s2, s16  }
0x8e: {  	[smem:$0x3FC2] =	sst s2  }
0x8f: {  	_ = 	snop  }
0x90: {  	(tm) =	ssettm $0x1  }
0x91: {  	s17 =	sld [smem:$0x3FFB];
	_ =	sdelay $0x3  }
0x92: {  	_ =	strace s17  }
0x93: {  	s2 =	sld [smem:$0x3FFC];
	_ =	sdelay $0x3  }
0x94: {  	_ =	strace s2  }
0x95: {  	s2 =	sld [smem:$0x3FFD];
	_ =	sdelay $0x3  }
0x96: {  	_ =	strace s2  }
0x97: {  	_ =	strace $0x8FFFFFFF  }
0x98: {  	s18 =	sld [smem:$0x3FDB];
	_ =	sdelay $0x1  }
0x99: {  	s19 =	simm.s32 $_scs_section_size  }
0x9a: {  	s4 =	simm.s32 $_size__tile_overlayer_lowered;
	s5 =	simm.s32 $_tile_overlayer_lowered  }
0x9b: {  	s22 =	simm.s32 $0x1BFF;
	s21 =	sshll.u32 s5, $0x1;
	s2 =	sadd.s32 s19, s18  }
0x9c: {  	s6 =	simm.s32 $0x0;
	s20 =	sshll.u32 s4, $0x1;
	s4 =	sadd.s32 s21, s2  }
0x9d: {  	[timem:s6], [sflag:s22] =	dma.local [hbm:s4], s20  }
0x9e: {  	_ =	swait.ge [sflag:s22], s20  }
0x9f: {  	s3 =	ssub.s32 $0x0, s20;
	[sflag:s22] =	ssyncset.done $0x0  }
0xa0: {  	[sflag:s22] =	ssyncadd.s32 s3;
	_ =	sdelay $0x1  }
0xa1: {  	s23 =	simm.s32 $0x1B8B  }
0xa2: {  	_ =	swait.ge [sflag:s23], $0x1  }
0xa3: {  	[sflag:s23] =	ssyncset.done $0x0  }
0xa4: {  	s25 =	simm.s32 $0x1B8E;
	s24 =	sld [smem:$0x3FFE];
	[sflag:s23] =	ssyncadd.s32 $0xFFFFFFFF  }
0xa5: {  	s26 =	simm.s32 $execute0_lowered;
	[smem:$0x3FD2] =	sst s25  }
0xa6: {  	s4 =	sshll.u32 s26, $0x1;
	_ =	strace $0x80000046;
	[dreg:$0x1] =	wrdreg $0xFFFFFFFF  }
0xa7: {  	s28 =	simm.s32 $_size_execute0_lowered;
	s2 =	sadd.s32 s2, s4;
	[dreg:$0x0] =	wrdreg $0x0  }
0xa8: {  	s4 =	sshll.u32 s28, $0x1;
	[dreg:$0x2] =	wrdreg s2  }
0xa9: {  	[dreg:$0x3] =	wrdreg s4  }
0xaa: {  	[dreg:$0x4] =	wrdreg $0xC0  }
0xab: {  	_ =	task [dreg:s6], $0x5FFFF  }
0xac: {  	[dreg:$0x1] =	wrdreg $0xFFFFFFFF  }
0xad: {  	[dreg:$0x0] =	wrdreg $0x60  }
0xae: {  	[dreg:$0x2] =	wrdreg s24  }
0xaf: {  	[dreg:$0x3] =	wrdreg $0x9  }
0xb0: {  	_ =	task.clear_ibuf [dreg:s6], $0x4FFFF;
	_ =	strace $0x90000046  }
0xb1: {  	s29 =	simm.s32 $0x9;
	_ =	strace $0x80000048  }
0xb2: {  	_ =	swait.ge [sflag:s29], $0x1  }
0xb3: {  	[sflag:s29] =	ssyncadd.s32 $0xFFFFFFFF  }
0xb4: {  	_ =	strace $0x90000048  }
0xb5: {  	_ =	sfence  }
0xb6: {  	s30 =	sld [smem:$0x0];
	_ =	sdelay $0x2  }
0xb7: {  	s31 =	sshll.u32 s1, $0xD;
	s1 =	sshrl.u32 s1, $0x2  }
0xb8: {  	s3 =	sand.u32 $0x4000, s31;
	s1 =	sadd.s32 s1, s30  }
0xb9: {  	s0 =	sor.u32 s3, s0;
	s1 =	sshll.u32 s1, $0x11  }
0xba: {  	s0 =	sor.u32 s1, s0  }
0xbb: {  	s0 =	sadd.s32 $0x8F2B, s0  }
0xbc: {  	[sflag:s0] =	ssyncadd.remote.s32 $0x1  }
0xbd: {  	_ =	sfence.sel $0xFFFF  }
0xbe: {  	[dreg:$0x0] =	wrdreg $0xFFFFFFFF;
	(pc) =	sbr.abs _section_cstart, $3  }
0xbf: {  	[dreg:$0x1] =	wrdreg $0xFFFFFFFF  }
0xc0: {  	_ =	task.clear_ibuf [dreg:s6], $0x2FFFF;
	_ =	strace $0x9FFFFFFF  }
0xc1: {  	(tm) =	ssettm $0x7FFFFFFF  }
tec
execute0_lowered:
.L_overlay_start_1:
0x0: {  	(tag) =	ssettag $0x1  }
0x1: {  	s3 =	rddreg [dreg:$0x0]  }
0x2: {  	s0 =	rddreg [dreg:$0x1];
	s2 =	simm.s32 $0x0;
	s1 =	stileid.u32  }
0x3: {  	s4 =	srdreg.scid;
	s9 =	simm.s32 $0x2000;
	s10 =	simm.s32 $0x1  }
0x4: {  	s11 =	simm.s32 $0xA000;
	s12 =	simm.s32 $0x0;
	[smem:$0x7FF] =	sst s2  }
0x5: {  	s5 =	sshll.u32 s1, $0x1;
	s6 =	sshrl.u32 s1, $0x2;
	s4 =	sand.u32 $0x1, s4  }
0x6: {  	s5 =	sand.u32 $0x6, s5;
	_ =	strace $0x80000047;
	s7 =	sshll.u32 s6, $0xA  }
0x7: {  	s6 =	sshll.u32 s6, $0xE;
	s5 =	sor.u32 s4, s5;
	s4 =	ssub.s32 $0x2, s4  }
0x8: {  	s7 =	sadd.s32 s7, s3;
	s5 =	sshll.u32 s5, $0x8;
	s31 =	sshrl.u32 s4, $0x1  }
0x9: {  	s5 =	sadd.s32 s5, s3;
	s8 =	ssub.s32 s4, s31;
	s4 =	sadd.s32 $0x1000, s7  }
0xa: {  	s7 =	simm.s32 $0x800;
	s3 =	sadd.s32 $0x2000, s5;
	s5 =	sadd.s32 s6, s5  }
0xb: {  	s6 =	smax.u32 s8, $0x1;
	s8 =	simm.s32 $0x4000;
	s5 =	sadd.s32 $0xA000, s5  }
.LBB2_1:
0xc: {  	[tilespmem:s9], [sflag:$0x1] =	stream.strided.gather [hbm4b:s3+s7], $0x8000, s8, s7, $0x38;
	[tilespmem:$0xC000] =	vst v63  }
0xd: {  	_ =	swait.ge [sflag:s10], $0x8000  }
0xe: {  	[sflag:s10] =	ssyncset.done $0x0  }
0xf: {  	[sflag:s10] =	ssyncadd.s32 $0xFFFF8000  }
0x10: {  	[tilespmem:s2], [sflag:$0x1] =	stream.linear.gather [hbm4b:s4+s2], $0x2000, $0x38;
	[tilespmem:$0xC000] =	vst v63  }
0x11: {  	_ =	swait.ge [sflag:s10], $0x2000  }
0x12: {  	[sflag:s10] =	ssyncset.done $0x0  }
0x13: {  	p1 =	por $0x1, $0x1;
	s13 =	simm.s32 $0x0;
	[sflag:s10] =	ssyncadd.s32 $0xFFFFE000  }
.LBB2_2:
0x14: {  	s14 =	sshll.u32 s13, $0xC  }
0x15: {  	p0 =	por p1, p1;
	s15 =	simm.s32 $0x0;
	s14 =	sand.u32 $0x3FFFF000, s14  }
.LBB2_3:
0x16: {  	s16 =	sshll.u32 s15, $0x8;
	s17 =	sshll.u32 s15, $0x7;
	v0 =	vmov s14  }
0x17: {  	p1 =	por $0x0, $0x0;
	s16 =	sand.u32 $0x1800, s16;
	s17 =	sand.u32 $0x380, s17  }
0x18: {  	s18 =	simm.s32 $0x0;
	s16 =	sor.u32 $0xA000, s16;
	v1 =	vmov s17;
	s17 =	simm.s32 $0x0  }
.LBB2_4:
0x19: {  	v3 =	vimm.f32 $-Inf;
	v4 =	vimm.f32 $-Inf  }
0x1a: {  	s19 =	simm.s32 $0x1;
	v6 =	vimm.f32 $-Inf;
	v7 =	vimm.f32 $-Inf;
	v9 =	vimm.f32 $-Inf  }
0x1b: {  	s20 =	sshll.u32 s17, $0x2;
	v5 =	vimm.f32 $-Inf;
	v8 =	vimm.f32 $-Inf;
	v11 =	vimm.f32 $-Inf;
	s19 =	simm.s32 @!p1 $0x0  }
0x1c: {  	v13 =	vimm.f32 $-Inf;
	v14 =	vimm.f32 $-Inf;
	v10 =	vimm.f32 $-Inf;
	s20 =	sand.u32 $0xFFFFF000, s20;
	s19 =	sshll.u32 s19, $0x8  }
0x1d: {  	v12 =	vimm.f32 $-Inf;
	v15 =	vimm.f32 $-Inf;
	v17 =	vimm.f32 $-Inf;
	s30 =	sshll.u32 s18, $0x6;
	s19 =	sor.u32 s19, s20  }
0x1e: {  	s31 =	sshll.u32 s18, $0x9;
	v19 =	vimm.f32 $-Inf;
	v16 =	vimm.f32 $-Inf;
	v18 =	vimm.f32 $-Inf;
	s22 =	simm.s32 $0x0;
	s19 =	sshrl.u32 s19, $0x2  }
0x1f: {  	v20 =	vimm.f32 $-Inf;
	v21 =	vimm.f32 $-Inf;
	v22 =	vimm.f32 $-Inf;
	s20 =	sand.u32 $0x400, s31;
	s21 =	sadd.s32 $0x2800, s19;
	s19 =	sand.u32 $0x40, s30  }
.LBB2_5:
0x20: {  	v23 =	vld [tilespmem:s21+$0xFFFFF800]  }
0x21: {  	s23 =	sshra.s32 s22, $0x2;
	v25 =	vld [tilespmem:s21+$0xFFFFF810]  }
0x22: {  	v2 =	vld.idx.msk [tilespmem:v0+s23+$0x0 ss:$0x1], $0xffff  }
0x23: {  	v27 =	vld [tilespmem:s21+$0xFFFFF820]  }
0x24: {  	v29 =	vld [tilespmem:s21+$0xFFFFF830]  }
0x25: {  	v42 =	vld [tilespmem:s21+$0xFFFFF890]  }
0x26: {  	v53 =	vld [tilespmem:s21+$0xFFFFF980]  }
0x27: {  	v24 =	vbroadcast v2, $0x0;
	v41 =	vbroadcast v2, $0x1  }
0x28: {  	v55 =	vbroadcast v2, $0x3;
	v32 =	vbroadcast v2, $0x4  }
0x29: {  	v23 =	vmul.f32 v23, v24;
	v25 =	vmul.f32 v25, v24  }
0x2a: {  	v38 =	vld [tilespmem:s21+$0xFFFFF880];
	v37 =	vmul.f32 v27, v24;
	v24 =	vmul.f32 v29, v24  }
0x2b: {  	v44 =	vld [tilespmem:s21+$0xFFFFF8A0];
	v46 =	vmul.f32 v42, v41;
	v57 =	vmul.f32 v53, v55;
	v26 =	vmin.f32 v22, v23  }
0x2c: {  	v22 =	vmax.f32 v22, v23;
	v35 =	vmin.f32 v19, v25;
	v28 =	vmin.f32 v21, v26  }
0x2d: {  	v19 =	vmax.f32 v19, v25;
	v40 =	vmin.f32 v9, v24;
	v23 =	vmin.f32 v20, v28  }
0x2e: {  	v34 =	vmin.f32 v18, v23;
	v18 =	vmax.f32 v18, v23;
	v23 =	vmin.f32 v17, v35  }
0x2f: {  	v9 =	vmax.f32 v9, v24;
	v25 =	vmul.f32 v38, v41;
	v36 =	vmin.f32 v15, v23  }
0x30: {  	v24 =	vmul.f32 v44, v41;
	v15 =	vmax.f32 v15, v23;
	v23 =	vmin.f32 v12, v36  }
0x31: {  	v21 =	vmax.f32 v21, v26;
	v10 =	vmax.f32 v10, v23;
	v23 =	vmin.f32 v14, v37  }
0x32: {  	v20 =	vmax.f32 v20, v28;
	v17 =	vmax.f32 v17, v35;
	v39 =	vmin.f32 v13, v23  }
0x33: {  	v13 =	vmax.f32 v13, v23;
	v23 =	vmax.f32 v11, v39;
	v11 =	vmin.f32 v11, v39  }
0x34: {  	v26 =	vmin.f32 v8, v11;
	v8 =	vmax.f32 v8, v11;
	v11 =	vmin.f32 v7, v40  }
0x35: {  	v16 =	vmax.f32 v16, v34;
	v12 =	vmax.f32 v12, v36;
	v43 =	vmin.f32 v6, v11  }
0x36: {  	v14 =	vmax.f32 v14, v37;
	v6 =	vmax.f32 v6, v11;
	v11 =	vmin.f32 v4, v43  }
0x37: {  	v7 =	vmax.f32 v7, v40;
	v3 =	vmax.f32 v3, v11;
	v11 =	vmin.f32 v22, v25  }
0x38: {  	v5 =	vmax.f32 v5, v26;
	v22 =	vmax.f32 v22, v25;
	v45 =	vmin.f32 v21, v11  }
0x39: {  	v11 =	vmax.f32 v21, v11;
	v21 =	vmax.f32 v20, v45;
	v20 =	vmin.f32 v20, v45  }
0x3a: {  	v47 =	vld [tilespmem:s21+$0xFFFFF8B0];
	v25 =	vmax.f32 v18, v20;
	v18 =	vmin.f32 v18, v20;
	v20 =	vmin.f32 v19, v46  }
0x3b: {  	v16 =	vmax.f32 v16, v18;
	v18 =	vmax.f32 v19, v46;
	v19 =	vmin.f32 v17, v20  }
0x3c: {  	v4 =	vmax.f32 v4, v43;
	v17 =	vmax.f32 v17, v20;
	v20 =	vmin.f32 v15, v19  }
0x3d: {  	v15 =	vmax.f32 v15, v19;
	v19 =	vmax.f32 v12, v20;
	v12 =	vmin.f32 v12, v20;
	v20 =	vld [tilespmem:s21+$0xFFFFF900]  }
0x3e: {  	v10 =	vmax.f32 v10, v12;
	v12 =	vmax.f32 v14, v24;
	v14 =	vmin.f32 v14, v24  }
0x3f: {  	v24 =	vmax.f32 v13, v14;
	v13 =	vmin.f32 v13, v14;
	v14 =	vmul.f32 v47, v41  }
0x40: {  	v48 =	vmax.f32 v23, v13;
	v13 =	vmin.f32 v23, v13;
	v23 =	vbroadcast v2, $0x2  }
0x41: {  	v50 =	vld [tilespmem:s21+$0xFFFFF910];
	v49 =	vmax.f32 v8, v13;
	v8 =	vmin.f32 v8, v13;
	v13 =	vmin.f32 v9, v14  }
0x42: {  	v58 =	vld [tilespmem:s21+$0xFFFFF9A0];
	v5 =	vmax.f32 v5, v8;
	v8 =	vmin.f32 v7, v13;
	v20 =	vmul.f32 v20, v23  }
0x43: {  	v9 =	vmax.f32 v9, v14;
	v7 =	vmax.f32 v7, v13;
	v13 =	vmin.f32 v6, v8  }
0x44: {  	v51 =	vld [tilespmem:s21+$0xFFFFF920];
	v6 =	vmax.f32 v6, v8;
	v8 =	vmin.f32 v4, v13;
	v14 =	vmin.f32 v22, v20  }
0x45: {  	v4 =	vmax.f32 v4, v13;
	v3 =	vmax.f32 v3, v8;
	v8 =	vmin.f32 v11, v14  }
0x46: {  	v56 =	vld [tilespmem:s21+$0xFFFFF990];
	v13 =	vmax.f32 v22, v20;
	v22 =	vmul.f32 v50, v23;
	v20 =	vmin.f32 v21, v8  }
0x47: {  	v33 =	vld [tilespmem:s21+$0xFFFFFA10];
	v61 =	vmul.f32 v58, v55;
	v11 =	vmax.f32 v11, v14;
	v14 =	vmin.f32 v25, v20  }
0x48: {  	v8 =	vmax.f32 v21, v8;
	v21 =	vld [tilespmem:s21+$0xFFFFF930];
	v14 =	vmax.f32 v16, v14;
	v16 =	vmin.f32 v18, v22  }
0x49: {  	v60 =	vld [tilespmem:s21+$0xFFFFF9B0];
	v52 =	vmul.f32 v51, v23;
	v18 =	vmax.f32 v18, v22;
	v22 =	vmin.f32 v17, v16  }
0x4a: {  	v16 =	vmax.f32 v17, v16;
	v17 =	vmax.f32 v15, v22;
	v15 =	vmin.f32 v15, v22  }
0x4b: {  	v22 =	vmax.f32 v19, v15;
	v15 =	vmin.f32 v19, v15;
	v19 =	vmin.f32 v12, v52  }
0x4c: {  	v39 =	vmul.f32 v33, v32;
	v10 =	vmax.f32 v10, v15;
	v15 =	vmin.f32 v24, v19  }
0x4d: {  	v26 =	vmul.f32 v56, v55;
	v21 =	vmul.f32 v21, v23;
	v54 =	vmin.f32 v48, v15  }
0x4e: {  	v20 =	vmax.f32 v25, v20;
	v25 =	vmul.f32 v60, v55;
	v23 =	vmin.f32 v49, v54  }
0x4f: {  	v59 =	vmin.f32 v18, v26;
	v5 =	vmax.f32 v5, v23;
	v23 =	vmin.f32 v9, v21  }
0x50: {  	v18 =	vmax.f32 v18, v26;
	v9 =	vmax.f32 v9, v21;
	v21 =	vmin.f32 v7, v23  }
0x51: {  	v7 =	vmax.f32 v7, v23;
	v23 =	vmax.f32 v6, v21;
	v6 =	vmin.f32 v6, v21  }
0x52: {  	v21 =	vmax.f32 v4, v6;
	v4 =	vmin.f32 v4, v6;
	v6 =	vmin.f32 v13, v57  }
0x53: {  	v12 =	vmax.f32 v12, v52;
	v3 =	vmax.f32 v3, v4;
	v4 =	vmin.f32 v11, v6  }
0x54: {  	v38 =	vld [tilespmem:s21+$0xFFFFFA20];
	v19 =	vmax.f32 v24, v19;
	v6 =	vmax.f32 v11, v6;
	v11 =	vmin.f32 v8, v4  }
0x55: {  	v15 =	vmax.f32 v48, v15;
	v4 =	vmax.f32 v8, v4;
	v8 =	vmin.f32 v20, v11  }
0x56: {  	v24 =	vmax.f32 v49, v54;
	v8 =	vmax.f32 v14, v8;
	v14 =	vmin.f32 v16, v59  }
0x57: {  	v63 =	vmin.f32 v9, v25;
	v11 =	vmax.f32 v20, v11;
	v20 =	vmin.f32 v17, v14  }
0x58: {  	v14 =	vmax.f32 v17, v14;
	v17 =	vmin.f32 v22, v20;
	v20 =	vmax.f32 v22, v20;
	v22 =	vld [tilespmem:s21+$0xFFFFFA00]  }
0x59: {  	v9 =	vmax.f32 v9, v25;
	v25 =	vmul.f32 v38, v32;
	v34 =	vmin.f32 v7, v63  }
0x5a: {  	v7 =	vmax.f32 v7, v63;
	v13 =	vmax.f32 v13, v57;
	v35 =	vmin.f32 v23, v34  }
0x5b: {  	v23 =	vmax.f32 v23, v34;
	v36 =	vmin.f32 v21, v35;
	v21 =	vmax.f32 v21, v35  }
0x5c: {  	v3 =	vmax.f32 v3, v36;
	v10 =	vmax.f32 v10, v17;
	v17 =	vmin.f32 v12, v61  }
0x5d: {  	v16 =	vmax.f32 v16, v59;
	v62 =	vmin.f32 v19, v17;
	v22 =	vmul.f32 v22, v32  }
0x5e: {  	v17 =	vmax.f32 v19, v17;
	v19 =	vmax.f32 v15, v62;
	v15 =	vmin.f32 v15, v62  }
0x5f: {  	v12 =	vmax.f32 v12, v61;
	v26 =	vmin.f32 v24, v15;
	v37 =	vmin.f32 v13, v22  }
0x60: {  	v15 =	vmax.f32 v24, v15;
	v13 =	vmax.f32 v13, v22;
	v22 =	vmin.f32 v6, v37  }
0x61: {  	v5 =	vmax.f32 v5, v26;
	v40 =	vmax.f32 v4, v22;
	v4 =	vmin.f32 v4, v22  }
0x62: {  	v41 =	vld [tilespmem:s21+$0xFFFFFA30];
	v22 =	vmax.f32 v11, v4;
	v4 =	vmin.f32 v11, v4;
	v11 =	vmin.f32 v18, v39  }
0x63: {  	v4 =	vmax.f32 v8, v4;
	v8 =	vmax.f32 v18, v39;
	v18 =	vmin.f32 v16, v11  }
0x64: {  	v6 =	vmax.f32 v6, v37;
	v11 =	vmax.f32 v16, v11;
	v16 =	vmin.f32 v14, v18  }
0x65: {  	v14 =	vmax.f32 v14, v18;
	v18 =	vmax.f32 v20, v16;
	v16 =	vmin.f32 v20, v16;
	v20 =	vld [tilespmem:s21+$0xFFFFFA80]  }
0x66: {  	v10 =	vmax.f32 v10, v16;
	v16 =	vmax.f32 v12, v25;
	v12 =	vmin.f32 v12, v25  }
0x67: {  	v25 =	vmax.f32 v17, v12;
	v12 =	vmin.f32 v17, v12;
	v17 =	vmul.f32 v41, v32  }
0x68: {  	v42 =	vmax.f32 v19, v12;
	v12 =	vmin.f32 v19, v12;
	v19 =	vbroadcast v2, $0x5  }
0x69: {  	v44 =	vld [tilespmem:s21+$0xFFFFFA90];
	v43 =	vmax.f32 v15, v12;
	v12 =	vmin.f32 v15, v12;
	v15 =	vmin.f32 v9, v17  }
0x6a: {  	v5 =	vmax.f32 v5, v12;
	v12 =	vmin.f32 v7, v15;
	v20 =	vmul.f32 v20, v19  }
0x6b: {  	v9 =	vmax.f32 v9, v17;
	v7 =	vmax.f32 v7, v15;
	v15 =	vmin.f32 v23, v12  }
0x6c: {  	v45 =	vld [tilespmem:s21+$0xFFFFFAA0];
	v12 =	vmax.f32 v23, v12;
	v17 =	vmin.f32 v21, v15;
	v23 =	vmin.f32 v13, v20  }
0x6d: {  	v15 =	vmax.f32 v21, v15;
	v3 =	vmax.f32 v3, v17;
	v17 =	vmin.f32 v6, v23  }
0x6e: {  	v13 =	vmax.f32 v13, v20;
	v21 =	vmul.f32 v44, v19;
	v20 =	vmin.f32 v40, v17  }
0x6f: {  	v47 =	vld [tilespmem:s21+$0xFFFFFB00];
	v49 =	vbroadcast v2, $0x6;
	v6 =	vmax.f32 v6, v23;
	v23 =	vmin.f32 v22, v20  }
0x70: {  	v20 =	vmax.f32 v22, v20;
	v22 =	vmin.f32 v8, v21;
	v4 =	vmax.f32 v4, v23;
	v23 =	vld [tilespmem:s21+$0xFFFFFAB0]  }
0x71: {  	v52 =	vld [tilespmem:s21+$0xFFFFFB20];
	v46 =	vmul.f32 v45, v19;
	v8 =	vmax.f32 v8, v21;
	v21 =	vmin.f32 v11, v22  }
0x72: {  	v59 =	vld [tilespmem:s21+$0xFFFFFB90];
	v11 =	vmax.f32 v11, v22;
	v22 =	vmax.f32 v14, v21;
	v14 =	vmin.f32 v14, v21  }
0x73: {  	v50 =	vld [tilespmem:s21+$0xFFFFFB10];
	v21 =	vmax.f32 v18, v14;
	v14 =	vmin.f32 v18, v14;
	v18 =	vmin.f32 v16, v46  }
0x74: {  	v10 =	vmax.f32 v10, v14;
	v14 =	vmax.f32 v16, v46;
	v16 =	vmin.f32 v25, v18  }
0x75: {  	v58 =	vbroadcast v2, $0x7;
	v48 =	vmin.f32 v42, v16;
	v19 =	vmul.f32 v23, v19  }
0x76: {  	v51 =	vmul.f32 v47, v49;
	v55 =	vmul.f32 v52, v49;
	v23 =	vmin.f32 v43, v48  }
0x77: {  	v31 =	vmul.f32 v59, v58;
	v5 =	vmax.f32 v5, v23;
	v23 =	vmin.f32 v9, v19  }
0x78: {  	v26 =	vmul.f32 v50, v49;
	v9 =	vmax.f32 v9, v19;
	v19 =	vmin.f32 v7, v23  }
0x79: {  	v7 =	vmax.f32 v7, v23;
	v23 =	vmax.f32 v12, v19;
	v12 =	vmin.f32 v12, v19  }
0x7a: {  	v54 =	vld [tilespmem:s21+$0xFFFFFB30];
	v19 =	vmax.f32 v15, v12;
	v12 =	vmin.f32 v15, v12;
	v15 =	vmin.f32 v13, v51  }
0x7b: {  	v17 =	vmax.f32 v40, v17;
	v3 =	vmax.f32 v3, v12;
	v12 =	vmin.f32 v6, v15  }
0x7c: {  	v41 =	vbroadcast v2, $0x9;
	v6 =	vmax.f32 v6, v15;
	v15 =	vmin.f32 v17, v12  }
0x7d: {  	v53 =	vmin.f32 v8, v26;
	v12 =	vmax.f32 v17, v12;
	v17 =	vmin.f32 v20, v15  }
0x7e: {  	v30 =	vld [tilespmem:s21+$0xFFFFFBA0];
	v18 =	vmax.f32 v25, v18;
	v4 =	vmax.f32 v4, v17;
	v17 =	vmin.f32 v11, v53  }
0x7f: {  	v25 =	vmul.f32 v54, v49;
	v15 =	vmax.f32 v20, v15;
	v20 =	vmin.f32 v22, v17  }
0x80: {  	v8 =	vmax.f32 v8, v26;
	v17 =	vmax.f32 v22, v17;
	v22 =	vmin.f32 v21, v20  }
0x81: {  	v16 =	vmax.f32 v42, v16;
	v57 =	vmin.f32 v9, v25;
	v10 =	vmax.f32 v10, v22;
	v22 =	vld [tilespmem:s21+$0xFFFFFB80]  }
0x82: {  	v24 =	vmax.f32 v43, v48;
	v9 =	vmax.f32 v9, v25;
	v60 =	vmin.f32 v7, v57  }
0x83: {  	v25 =	vmul.f32 v30, v58;
	v7 =	vmax.f32 v7, v57;
	v61 =	vmin.f32 v23, v60  }
0x84: {  	v13 =	vmax.f32 v13, v51;
	v23 =	vmax.f32 v23, v60;
	v62 =	vmin.f32 v19, v61  }
0x85: {  	v19 =	vmax.f32 v19, v61;
	v3 =	vmax.f32 v3, v62;
	v11 =	vmax.f32 v11, v53  }
0x86: {  	v20 =	vmax.f32 v21, v20;
	v21 =	vmin.f32 v14, v55;
	v22 =	vmul.f32 v22, v58  }
0x87: {  	v14 =	vmax.f32 v14, v55;
	v56 =	vmin.f32 v18, v21;
	v18 =	vmax.f32 v18, v21  }
0x88: {  	v21 =	vmax.f32 v16, v56;
	v16 =	vmin.f32 v16, v56;
	v63 =	vmin.f32 v13, v22  }
0x89: {  	v26 =	vmin.f32 v24, v16;
	v13 =	vmax.f32 v13, v22;
	v22 =	vmin.f32 v6, v63  }
0x8a: {  	v16 =	vmax.f32 v24, v16;
	v32 =	vmax.f32 v12, v22;
	v12 =	vmin.f32 v12, v22  }
0x8b: {  	v33 =	vld [tilespmem:s21+$0xFFFFFBB0];
	v22 =	vmax.f32 v15, v12;
	v12 =	vmin.f32 v15, v12;
	v15 =	vmin.f32 v8, v31  }
0x8c: {  	v5 =	vmax.f32 v5, v26;
	v4 =	vmax.f32 v4, v12;
	v12 =	vmin.f32 v11, v15  }
0x8d: {  	v6 =	vmax.f32 v6, v63;
	v11 =	vmax.f32 v11, v15;
	v15 =	vmin.f32 v17, v12  }
0x8e: {  	v12 =	vmax.f32 v17, v12;
	v17 =	vmax.f32 v20, v15;
	v15 =	vmin.f32 v20, v15;
	v20 =	vld [tilespmem:s21+$0x0]  }
0x8f: {  	v10 =	vmax.f32 v10, v15;
	v15 =	vmax.f32 v14, v25;
	v14 =	vmin.f32 v14, v25  }
0x90: {  	v25 =	vmax.f32 v18, v14;
	v14 =	vmin.f32 v18, v14;
	v18 =	vmul.f32 v33, v58  }
0x91: {  	v34 =	vmax.f32 v21, v14;
	v14 =	vmin.f32 v21, v14;
	v21 =	vbroadcast v2, $0x8  }
0x92: {  	v36 =	vld [tilespmem:s21+$0x10];
	v35 =	vmax.f32 v16, v14;
	v14 =	vmin.f32 v16, v14;
	v16 =	vmin.f32 v9, v18  }
0x93: {  	v5 =	vmax.f32 v5, v14;
	v14 =	vmin.f32 v7, v16;
	v20 =	vmul.f32 v20, v21  }
0x94: {  	v9 =	vmax.f32 v9, v18;
	v7 =	vmax.f32 v7, v16;
	v16 =	vmin.f32 v23, v14  }
0x95: {  	v37 =	vld [tilespmem:s21+$0x20];
	v14 =	vmax.f32 v23, v14;
	v18 =	vmin.f32 v19, v16;
	v23 =	vmin.f32 v13, v20  }
0x96: {  	v16 =	vmax.f32 v19, v16;
	v3 =	vmax.f32 v3, v18;
	v18 =	vmin.f32 v6, v23  }
0x97: {  	v13 =	vmax.f32 v13, v20;
	v20 =	vmul.f32 v36, v21;
	v19 =	vmin.f32 v32, v18  }
0x98: {  	v39 =	vld [tilespmem:s21+$0x80];
	v8 =	vmax.f32 v8, v31;
	v6 =	vmax.f32 v6, v23;
	v23 =	vmin.f32 v22, v19  }
0x99: {  	v19 =	vmax.f32 v22, v19;
	v22 =	vmin.f32 v8, v20;
	v4 =	vmax.f32 v4, v23;
	v23 =	vld [tilespmem:s21+$0x30]  }
0x9a: {  	v44 =	vld [tilespmem:s21+$0xA0];
	v38 =	vmul.f32 v37, v21;
	v8 =	vmax.f32 v8, v20;
	v20 =	vmin.f32 v11, v22  }
0x9b: {  	v51 =	vld [tilespmem:s21+$0x110];
	v11 =	vmax.f32 v11, v22;
	v22 =	vmax.f32 v12, v20;
	v12 =	vmin.f32 v12, v20  }
0x9c: {  	v42 =	vld [tilespmem:s21+$0x90];
	v20 =	vmax.f32 v17, v12;
	v12 =	vmin.f32 v17, v12;
	v17 =	vmin.f32 v15, v38  }
0x9d: {  	v10 =	vmax.f32 v10, v12;
	v12 =	vmax.f32 v15, v38;
	v15 =	vmin.f32 v25, v17  }
0x9e: {  	v50 =	vbroadcast v2, $0xA;
	v40 =	vmin.f32 v34, v15;
	v21 =	vmul.f32 v23, v21  }
0x9f: {  	v47 =	vmul.f32 v44, v41;
	v43 =	vmul.f32 v39, v41;
	v23 =	vmin.f32 v35, v40  }
0xa0: {  	v57 =	vmul.f32 v51, v50;
	v5 =	vmax.f32 v5, v23;
	v23 =	vmin.f32 v9, v21  }
0xa1: {  	v26 =	vmul.f32 v42, v41;
	v9 =	vmax.f32 v9, v21;
	v21 =	vmin.f32 v7, v23  }
0xa2: {  	v7 =	vmax.f32 v7, v23;
	v23 =	vmax.f32 v14, v21;
	v14 =	vmin.f32 v14, v21  }
0xa3: {  	v46 =	vld [tilespmem:s21+$0xB0];
	v21 =	vmax.f32 v16, v14;
	v14 =	vmin.f32 v16, v14;
	v16 =	vmin.f32 v13, v43  }
0xa4: {  	v18 =	vmax.f32 v32, v18;
	v3 =	vmax.f32 v3, v14;
	v14 =	vmin.f32 v6, v16  }
0xa5: {  	v45 =	vmin.f32 v8, v26;
	v6 =	vmax.f32 v6, v16;
	v16 =	vmin.f32 v18, v14  }
0xa6: {  	v8 =	vmax.f32 v8, v26;
	v14 =	vmax.f32 v18, v14;
	v18 =	vmin.f32 v19, v16  }
0xa7: {  	v56 =	vld [tilespmem:s21+$0x120];
	v17 =	vmax.f32 v25, v17;
	v4 =	vmax.f32 v4, v18;
	v18 =	vmin.f32 v11, v45  }
0xa8: {  	v25 =	vmul.f32 v46, v41;
	v16 =	vmax.f32 v19, v16;
	v19 =	vmin.f32 v22, v18  }
0xa9: {  	v15 =	vmax.f32 v34, v15;
	v18 =	vmax.f32 v22, v18;
	v22 =	vmin.f32 v20, v19  }
0xaa: {  	v24 =	vmax.f32 v35, v40;
	v49 =	vmin.f32 v9, v25;
	v10 =	vmax.f32 v10, v22;
	v22 =	vld [tilespmem:s21+$0x100]  }
0xab: {  	v35 =	vbroadcast v2, $0xC;
	v9 =	vmax.f32 v9, v25;
	v52 =	vmin.f32 v7, v49  }
0xac: {  	v25 =	vmul.f32 v56, v50;
	v7 =	vmax.f32 v7, v49;
	v53 =	vmin.f32 v23, v52  }
0xad: {  	v13 =	vmax.f32 v13, v43;
	v23 =	vmax.f32 v23, v52;
	v54 =	vmin.f32 v21, v53  }
0xae: {  	v21 =	vmax.f32 v21, v53;
	v3 =	vmax.f32 v3, v54;
	v11 =	vmax.f32 v11, v45  }
0xaf: {  	v19 =	vmax.f32 v20, v19;
	v20 =	vmin.f32 v12, v47;
	v22 =	vmul.f32 v22, v50  }
0xb0: {  	v12 =	vmax.f32 v12, v47;
	v48 =	vmin.f32 v17, v20;
	v17 =	vmax.f32 v17, v20  }
0xb1: {  	v20 =	vmax.f32 v15, v48;
	v15 =	vmin.f32 v15, v48;
	v55 =	vmin.f32 v13, v22  }
0xb2: {  	v26 =	vmin.f32 v24, v15;
	v13 =	vmax.f32 v13, v22;
	v22 =	vmin.f32 v6, v55  }
0xb3: {  	v15 =	vmax.f32 v24, v15;
	v58 =	vmax.f32 v14, v22;
	v14 =	vmin.f32 v14, v22  }
0xb4: {  	v59 =	vld [tilespmem:s21+$0x130];
	v22 =	vmax.f32 v16, v14;
	v14 =	vmin.f32 v16, v14;
	v16 =	vmin.f32 v8, v57  }
0xb5: {  	v5 =	vmax.f32 v5, v26;
	v4 =	vmax.f32 v4, v14;
	v14 =	vmin.f32 v11, v16  }
0xb6: {  	v6 =	vmax.f32 v6, v55;
	v11 =	vmax.f32 v11, v16;
	v16 =	vmin.f32 v18, v14  }
0xb7: {  	v14 =	vmax.f32 v18, v14;
	v18 =	vmax.f32 v19, v16;
	v16 =	vmin.f32 v19, v16;
	v19 =	vld [tilespmem:s21+$0x180]  }
0xb8: {  	v10 =	vmax.f32 v10, v16;
	v16 =	vmax.f32 v12, v25;
	v12 =	vmin.f32 v12, v25  }
0xb9: {  	v25 =	vmax.f32 v17, v12;
	v12 =	vmin.f32 v17, v12;
	v17 =	vmul.f32 v59, v50  }
0xba: {  	v60 =	vmax.f32 v20, v12;
	v12 =	vmin.f32 v20, v12;
	v20 =	vbroadcast v2, $0xB  }
0xbb: {  	v62 =	vld [tilespmem:s21+$0x190];
	v61 =	vmax.f32 v15, v12;
	v12 =	vmin.f32 v15, v12;
	v15 =	vmin.f32 v9, v17  }
0xbc: {  	v5 =	vmax.f32 v5, v12;
	v12 =	vmin.f32 v7, v15;
	v19 =	vmul.f32 v19, v20  }
0xbd: {  	v9 =	vmax.f32 v9, v17;
	v7 =	vmax.f32 v7, v15;
	v15 =	vmin.f32 v23, v12  }
0xbe: {  	v63 =	vld [tilespmem:s21+$0x1A0];
	v12 =	vmax.f32 v23, v12;
	v17 =	vmin.f32 v21, v15;
	v23 =	vmin.f32 v13, v19  }
0xbf: {  	v15 =	vmax.f32 v21, v15;
	v3 =	vmax.f32 v3, v17;
	v17 =	vmin.f32 v6, v23  }
0xc0: {  	v13 =	vmax.f32 v13, v19;
	v21 =	vmul.f32 v62, v20;
	v19 =	vmin.f32 v58, v17  }
0xc1: {  	v8 =	vmax.f32 v8, v57;
	v6 =	vmax.f32 v6, v23;
	v23 =	vmin.f32 v22, v19  }
0xc2: {  	v19 =	vmax.f32 v22, v19;
	v22 =	vmin.f32 v8, v21;
	v4 =	vmax.f32 v4, v23;
	v23 =	vld [tilespmem:s21+$0x1B0]  }
0xc3: {  	v33 =	vld [tilespmem:s21+$0x200];
	v32 =	vmul.f32 v63, v20;
	v8 =	vmax.f32 v8, v21;
	v21 =	vmin.f32 v11, v22  }
0xc4: {  	v38 =	vld [tilespmem:s21+$0x220];
	v11 =	vmax.f32 v11, v22;
	v22 =	vmax.f32 v14, v21;
	v14 =	vmin.f32 v14, v21  }
0xc5: {  	v36 =	vld [tilespmem:s21+$0x210];
	v21 =	vmax.f32 v18, v14;
	v14 =	vmin.f32 v18, v14;
	v18 =	vmin.f32 v16, v32  }
0xc6: {  	v10 =	vmax.f32 v10, v14;
	v14 =	vmax.f32 v16, v32;
	v16 =	vmin.f32 v25, v18  }
0xc7: {  	v34 =	vmin.f32 v60, v16;
	v20 =	vmul.f32 v23, v20  }
0xc8: {  	v44 =	vbroadcast v2, $0xD;
	v37 =	vmul.f32 v33, v35;
	v23 =	vmin.f32 v61, v34  }
0xc9: {  	v41 =	vmul.f32 v38, v35;
	v45 =	vld [tilespmem:s21+$0x290];
	v5 =	vmax.f32 v5, v23;
	v23 =	vmin.f32 v9, v20  }
0xca: {  	v26 =	vmul.f32 v36, v35;
	v9 =	vmax.f32 v9, v20;
	v20 =	vmin.f32 v7, v23  }
0xcb: {  	v7 =	vmax.f32 v7, v23;
	v23 =	vmax.f32 v12, v20;
	v12 =	vmin.f32 v12, v20  }
0xcc: {  	v40 =	vld [tilespmem:s21+$0x230];
	v20 =	vmax.f32 v15, v12;
	v12 =	vmin.f32 v15, v12;
	v15 =	vmin.f32 v13, v37  }
0xcd: {  	v17 =	vmax.f32 v58, v17;
	v3 =	vmax.f32 v3, v12;
	v12 =	vmin.f32 v6, v15  }
0xce: {  	v51 =	vmul.f32 v45, v44;
	v6 =	vmax.f32 v6, v15;
	v15 =	vmin.f32 v17, v12  }
0xcf: {  	v39 =	vmin.f32 v8, v26;
	v12 =	vmax.f32 v17, v12;
	v17 =	vmin.f32 v19, v15  }
0xd0: {  	v50 =	vld [tilespmem:s21+$0x2A0];
	v18 =	vmax.f32 v25, v18;
	v4 =	vmax.f32 v4, v17;
	v17 =	vmin.f32 v11, v39  }
0xd1: {  	v25 =	vmul.f32 v40, v35;
	v15 =	vmax.f32 v19, v15;
	v19 =	vmin.f32 v22, v17  }
0xd2: {  	v8 =	vmax.f32 v8, v26;
	v17 =	vmax.f32 v22, v17;
	v22 =	vmin.f32 v21, v19  }
0xd3: {  	v16 =	vmax.f32 v60, v16;
	v43 =	vmin.f32 v9, v25;
	v10 =	vmax.f32 v10, v22;
	v22 =	vld [tilespmem:s21+$0x280]  }
0xd4: {  	v24 =	vmax.f32 v61, v34;
	v9 =	vmax.f32 v9, v25;
	v46 =	vmin.f32 v7, v43  }
0xd5: {  	v25 =	vmul.f32 v50, v44;
	v7 =	vmax.f32 v7, v43;
	v47 =	vmin.f32 v23, v46  }
0xd6: {  	v13 =	vmax.f32 v13, v37;
	v23 =	vmax.f32 v23, v46;
	v48 =	vmin.f32 v20, v47  }
0xd7: {  	v20 =	vmax.f32 v20, v47;
	v3 =	vmax.f32 v3, v48;
	v11 =	vmax.f32 v11, v39  }
0xd8: {  	v19 =	vmax.f32 v21, v19;
	v21 =	vmin.f32 v14, v41;
	v22 =	vmul.f32 v22, v44  }
0xd9: {  	v14 =	vmax.f32 v14, v41;
	v42 =	vmin.f32 v18, v21;
	v18 =	vmax.f32 v18, v21  }
0xda: {  	v21 =	vmax.f32 v16, v42;
	v16 =	vmin.f32 v16, v42;
	v49 =	vmin.f32 v13, v22  }
0xdb: {  	v26 =	vmin.f32 v24, v16;
	v13 =	vmax.f32 v13, v22;
	v22 =	vmin.f32 v6, v49  }
0xdc: {  	v16 =	vmax.f32 v24, v16;
	v52 =	vmax.f32 v12, v22;
	v12 =	vmin.f32 v12, v22  }
0xdd: {  	v22 =	vmax.f32 v15, v12;
	v12 =	vmin.f32 v15, v12;
	v15 =	vmin.f32 v8, v51  }
0xde: {  	v53 =	vld [tilespmem:s21+$0x2B0];
	v5 =	vmax.f32 v5, v26;
	v4 =	vmax.f32 v4, v12;
	v12 =	vmin.f32 v11, v15  }
0xdf: {  	v6 =	vmax.f32 v6, v49;
	v11 =	vmax.f32 v11, v15;
	v15 =	vmin.f32 v17, v12  }
0xe0: {  	v12 =	vmax.f32 v17, v12;
	v17 =	vmax.f32 v19, v15;
	v15 =	vmin.f32 v19, v15  }
0xe1: {  	v19 =	vld [tilespmem:s21+$0x300];
	v10 =	vmax.f32 v10, v15;
	v15 =	vmax.f32 v14, v25;
	v14 =	vmin.f32 v14, v25  }
0xe2: {  	v57 =	vld [tilespmem:s21+$0x320];
	v8 =	vmax.f32 v8, v51;
	v25 =	vmax.f32 v18, v14;
	v14 =	vmin.f32 v18, v14  }
0xe3: {  	v18 =	vmul.f32 v53, v44;
	v54 =	vmax.f32 v21, v14;
	v14 =	vmin.f32 v21, v14  }
0xe4: {  	v56 =	vld [tilespmem:s21+$0x310];
	v21 =	vbroadcast v2, $0xE;
	v55 =	vmax.f32 v16, v14;
	v14 =	vmin.f32 v16, v14  }
0xe5: {  	v16 =	vmin.f32 v9, v18;
	v9 =	vmax.f32 v9, v18;
	v5 =	vmax.f32 v5, v14  }
0xe6: {  	v14 =	vmin.f32 v7, v16;
	v19 =	vmul.f32 v19, v21;
	v7 =	vmax.f32 v7, v16  }
0xe7: {  	v58 =	vmul.f32 v57, v21;
	v16 =	vmin.f32 v23, v14;
	v14 =	vmax.f32 v23, v14  }
0xe8: {  	v18 =	vmin.f32 v20, v16;
	v23 =	vmin.f32 v13, v19;
	v16 =	vmax.f32 v20, v16  }
0xe9: {  	v20 =	vmul.f32 v56, v21;
	v3 =	vmax.f32 v3, v18;
	v18 =	vmin.f32 v6, v23  }
0xea: {  	v13 =	vmax.f32 v13, v19;
	v6 =	vmax.f32 v6, v23;
	v19 =	vmin.f32 v52, v18  }
0xeb: {  	v23 =	vmin.f32 v22, v19;
	v19 =	vmax.f32 v22, v19;
	v22 =	vmin.f32 v8, v20  }
0xec: {  	v8 =	vmax.f32 v8, v20;
	v4 =	vmax.f32 v4, v23;
	v23 =	vld [tilespmem:s21+$0x330];
	v20 =	vmin.f32 v11, v22  }
0xed: {  	v59 =	vmax.f32 v12, v20;
	v12 =	vmin.f32 v12, v20  }
0xee: {  	v20 =	vld [tilespmem:s21+$0x380];
	v60 =	vmax.f32 v17, v12;
	v12 =	vmin.f32 v17, v12;
	v17 =	vmin.f32 v15, v58  }
0xef: {  	v2 =	vbroadcast v2, $0xF;
	v10 =	vmax.f32 v10, v12;
	v12 =	vmin.f32 v25, v17  }
0xf0: {  	v24 =	vmax.f32 v15, v58;
	v25 =	vmax.f32 v25, v17;
	v15 =	vmin.f32 v54, v12  }
0xf1: {  	v17 =	vmul.f32 v23, v21;
	v23 =	vmax.f32 v54, v12;
	v12 =	vmin.f32 v55, v15  }
0xf2: {  	v18 =	vmax.f32 v52, v18;
	v11 =	vmax.f32 v11, v22;
	v21 =	vld [tilespmem:s21+$0x390];
	v5 =	vmax.f32 v5, v12  }
0xf3: {  	v12 =	vmin.f32 v9, v17;
	v9 =	vmax.f32 v9, v17;
	v17 =	vmul.f32 v20, v2  }
0xf4: {  	v61 =	vmax.f32 v55, v15;
	v15 =	vmin.f32 v7, v12;
	v7 =	vmax.f32 v7, v12  }
0xf5: {  	v62 =	vmax.f32 v14, v15;
	v12 =	vmin.f32 v14, v15;
	v14 =	vmin.f32 v13, v17  }
0xf6: {  	v15 =	vld [tilespmem:s21+$0x3A0];
	v22 =	vmax.f32 v13, v17;
	v30 =	vmax.f32 v16, v12;
	v12 =	vmin.f32 v16, v12  }
0xf7: {  	v13 =	vld [tilespmem:s21+$0x3B0];
	v31 =	vmul.f32 v21, v2;
	v3 =	vmax.f32 v3, v12;
	v12 =	vmin.f32 v6, v14  }
0xf8: {  	v21 =	vmax.f32 v6, v14;
	v6 =	vmin.f32 v18, v12  }
0xf9: {  	v20 =	vmax.f32 v18, v12;
	v14 =	vmin.f32 v8, v31;
	v12 =	vmin.f32 v19, v6  }
0xfa: {  	v18 =	vmax.f32 v19, v6;
	v19 =	vmax.f32 v8, v31;
	v17 =	vmax.f32 v11, v14  }
0xfb: {  	v16 =	vmax.f32 v4, v12;
	v4 =	vmin.f32 v11, v14;
	v8 =	vmul.f32 v15, v2  }
0xfc: {  	v2 =	vmul.f32 v13, v2;
	v6 =	vmin.f32 v59, v4;
	v15 =	vmax.f32 v59, v4  }
0xfd: {  	v12 =	vmax.f32 v60, v6;
	v4 =	vmin.f32 v60, v6;
	v6 =	vmin.f32 v24, v8  }
0xfe: {  	p2 =	sne.s32 s22, $0x1C0;
	v14 =	vmax.f32 v24, v8;
	v10 =	vmax.f32 v10, v4;
	v4 =	vmin.f32 v25, v6  }
.Ltmp0:
0xff: {  	v63 =	vmin.f32 v9, v2;
	v13 =	vmax.f32 v25, v6;
	v6 =	vmin.f32 v23, v4;
	(pc) =	sbr.rel @p2 .LBB2_5-.Ltmp0, $4  }
0x100: {  	v11 =	vmax.f32 v23, v4;
	v23 =	vmin.f32 v7, v63;
	v4 =	vmin.f32 v61, v6  }
0x101: {  	v9 =	vmax.f32 v9, v2;
	v5 =	vmax.f32 v5, v4;
	v4 =	vmin.f32 v62, v23  }
0x102: {  	v7 =	vmax.f32 v7, v63;
	v8 =	vmax.f32 v61, v6;
	v2 =	vmin.f32 v30, v4  }
0x103: {  	s22 =	sadd.s32 $0x40, s22;
	s21 =	sadd.s32 $0x1000, s21;
	v6 =	vmax.f32 v62, v23;
	v4 =	vmax.f32 v30, v4;
	v3 =	vmax.f32 v3, v2  }
0x104: {  	v2 =	vadd.f32 v21, v22  }
0x105: {  	v17 =	vadd.f32 v17, v19  }
0x106: {  	v13 =	vadd.f32 v13, v14;
	v2 =	vadd.f32 v20, v2  }
0x107: {  	v7 =	vadd.f32 v7, v9;
	v59 =	vadd.f32 v15, v17  }
0x108: {  	v60 =	vadd.f32 v11, v13;
	v2 =	vadd.f32 v18, v2  }
0x109: {  	s18 =	sadd.s32 $0x1, s18;
	v6 =	vadd.f32 v6, v7;
	v61 =	vadd.f32 v12, v59  }
0x10a: {  	s20 =	sadd.s32 s20, s16;
	p2 =	sne.s32 s18, $0x4;
	v62 =	vadd.f32 v8, v60;
	v2 =	vadd.f32 v16, v2  }
.Ltmp1:
0x10b: {  	s19 =	sadd.s32 s19, s20;
	v4 =	vadd.f32 v4, v6;
	v63 =	vadd.f32 v10, v61;
	(pc) =	sbr.rel @p2 .LBB2_4-.Ltmp1, $4  }
0x10c: {  	[tilespmem:v1+s19+$0x0 ss:$0x1] =	vst.idx.msk $0xffff, v2;
	v2 =	vadd.f32 v5, v62  }
0x10d: {  	v3 =	vadd.f32 v3, v4;
	[tilespmem:v1+s19+$0x10 ss:$0x1] =	vst.idx.msk $0xffff, v63  }
0x10e: {  	[tilespmem:v1+s19+$0x20 ss:$0x1] =	vst.idx.msk $0xffff, v2  }
0x10f: {  	s17 =	sadd.s32 $0x200, s17;
	p1 =	por !p1, !p1;
	[tilespmem:v1+s19+$0x30 ss:$0x1] =	vst.idx.msk $0xffff, v3  }
0x110: {  	s15 =	sadd.s32 $0x1, s15  }
0x111: {  	p1 =	sne.s32 s15, $0x20  }
.Ltmp2:
0x112: {  	_ = 	snop;
	(pc) =	sbr.rel @p1 .LBB2_3-.Ltmp2, $2  }
0x113: {  	_ =	sdelay $0x2  }
0x114: {  	s14 =	sadd.s32 $0x80, s14  }
0x115: {  	s13 =	sshll.u32 s13, $0xD  }
0x116: {  	s13 =	sadd.s32 s13, s5  }
0x117: {  	[hbm4b:s13+s7] =	stream.strided.scatter [tilespmem:s11], [sflag:$0x1], $0x2000, s8, s7, $0x38;
	[tilespmem:$0xC000] =	vst v63  }
.Ltmp3:
0x118: {  	_ = 	snop;
	(pc) =	sbr.rel @p0 .LBB2_2-.Ltmp3, $4  }
0x119: {  	s13 =	simm.s32 $0x1  }
0x11a: {  	_ =	swait.ge [sflag:s13], $0x2000  }
0x11b: {  	[sflag:s13] =	ssyncset.done $0x0  }
0x11c: {  	p1 =	por $0x0, $0x0;
	[sflag:s13] =	ssyncadd.s32 $0xFFFFE000  }
0x11d: {  	s12 =	sadd.s32 $0x1, s12  }
0x11e: {  	p0 =	sne.s32 s12, s6  }
.Ltmp4:
0x11f: {  	_ = 	snop;
	(pc) =	sbr.rel @p0 .LBB2_1-.Ltmp4, $1  }
0x120: {  	_ =	sdelay $0x3  }
0x121: {  	_ =	sfence.sel $0x180000  }
0x122: {  	[bflag:$0x0] =	sbarrier.arrive $0xFFFF  }
0x123: {  	p0 =	sne.s32 s1, $0x0;
	_ =	strace $0x90000047  }
0x124: {  	s0 =	sadd.s32 @!p0 $0x100000, s0;
	[bflag:$0x2] =	sbarrier.arrive $0xFFFF  }
0x125: {  	[sflag:s0] =	ssyncadd.tile.s32 @!p0 $0x1;
	_ =	shalt  }
.Lfunc_end2:
_tile_overlayer_lowered:
.L_overlay_start_2:
0x126: {  	(tag) =	ssettag $0x2  }
0x127: {  	s0 =	rddreg [dreg:$0x0];
	s2 =	stileid.u32  }
0x128: {  	s1 =	rddreg [dreg:$0x1];
	p0 =	sne.s32 s2, $0x0  }
0x129: {  	s3 =	rddreg [dreg:$0x2];
	[bflag:$0x3] =	sbarrier.arrive $0xFFFF;
	s2 =	simm.s32 @!p0 $0x1C01  }
0x12a: {  	[timem:s3], [sflag:s2] =	dma.local @!p0 [hbm:s0], s1  }
0x12b: {  	s0 =	simm.s32 @!p0 $0x1  }
0x12c: {  	_ =	swait.ge @!p0 [sflag:s0], s1  }
0x12d: {  	s1 =	ssub.s32 @!p0 $0x0, s1;
	[sflag:s0] =	ssyncset.done @!p0 $0x0  }
0x12e: {  	[sflag:s0] =	ssyncadd.s32 @!p0 s1  }
0x12f: {  	[bflag:$0x3] =	sbarrier.arrive $0xFFFF  }
0x130: {  	_ =	shalt  }

</sc_bundles>
